<compile_context>
chip_gen: v7x
topology: tpu7x:2x2x1
jax: 0.10.2.dev20260603
libtpu: 0.0.44.dev20260713+nightly
codegen_flags: <defaults>
</compile_context>

<pallas_src>
import functools

import jax
import jax.numpy as jnp
from jax import lax
from jax.experimental import pallas as pl
from jax.experimental.pallas import tpu as pltpu
from jax.experimental.pallas import tpu_sc as plsc

N = 10000
E = 320000
D = 128
NG = 256
NP = 10240
CH = 128
HALF = 5120
SQ = 3072
QCH = SQ // CH
ACC_R = 5376
ACC_RP = ACC_R // 16
YR_T = HALF // 16
PH_CH = 2 * QCH
NPOOL = 512
PCH = 8
PCW = 40
EPOOL = 32 * PCH * PCW
BR = 400
G = N // BR

_MESH = plsc.VectorSubcoreMesh(core_axis_name="c", subcore_axis_name="s")



def _sc_partition(src, dst):
    pt = E // 32

    @functools.partial(
        pl.kernel,
        out_type=[jax.ShapeDtypeStruct((4, 32 * SQ), jnp.int32),
                  jax.ShapeDtypeStruct((4, 32 * SQ), jnp.int32)],
        mesh=_MESH,
        scratch_types=[pltpu.VMEM((pt,), jnp.int32),
                       pltpu.VMEM((pt,), jnp.int32)] +
                      [pltpu.VMEM((SQ + 16,), jnp.int32) for _ in range(8)],
        compiler_params=pltpu.CompilerParams(needs_layout_passes=False),
    )
    def k(src_hbm, dst_hbm, srcq_hbm, dstq_hbm, sv, dv,
          s0, d0, s1, d1, s2, d2, s3, d3):
        c = lax.axis_index("c")
        s = lax.axis_index("s")
        wid = c * 16 + s
        pltpu.sync_copy(src_hbm.at[pl.ds(wid * pt, pt)], sv)
        pltpu.sync_copy(dst_hbm.at[pl.ds(wid * pt, pt)], dv)
        iota = lax.iota(jnp.int32, 16)
        sbufs = (s0, s1, s2, s3)
        dbufs = (d0, d1, d2, d3)

        def body(j, offs):
            sc = sv[pl.ds(j * 16, 16)]
            dc = dv[pl.ds(j * 16, 16)]
            s_lo = sc < HALF
            d_lo = dc < HALF
            sl = jnp.where(s_lo, sc, sc - HALF)
            dl = jnp.where(d_lo, dc, dc - HALF)
            masks = (s_lo & d_lo, s_lo & (~d_lo),
                     (~s_lo) & d_lo, (~s_lo) & (~d_lo))
            new = []
            for q in range(4):
                o = offs[q]
                plsc.store_compressed(sbufs[q].at[pl.ds(o, 16)], sl,
                                      mask=masks[q])
                plsc.store_compressed(dbufs[q].at[pl.ds(o, 16)], dl,
                                      mask=masks[q])
                new.append(o + jnp.sum(masks[q].astype(jnp.int32)))
            return tuple(new)

        zero = jnp.int32(0)
        offs = lax.fori_loop(0, pt // 16, body, (zero, zero, zero, zero))

        for q in range(4):
            o = offs[q]
            nfill = (SQ - o + 15) // 16

            def fb(kk, carry, q=q, o=o):
                pos = o + kk * 16
                sbufs[q][pl.ds(pos, 16)] = jnp.zeros((16,), jnp.int32)
                dbufs[q][pl.ds(pos, 16)] = HALF + ((pos + iota) % 128)
                return carry

            lax.fori_loop(0, nfill, fb, 0)
            pltpu.sync_copy(sbufs[q].at[pl.ds(0, SQ)],
                            srcq_hbm.at[q].at[pl.ds(wid * SQ, SQ)])
            pltpu.sync_copy(dbufs[q].at[pl.ds(0, SQ)],
                            dstq_hbm.at[q].at[pl.ds(wid * SQ, SQ)])

    return k(src, dst)


def _sc_scatter_edges(yh, srcq, dstq, zeros_sc):
    @functools.partial(
        pl.kernel,
        out_type=jax.ShapeDtypeStruct((2, ACC_R, 128), jnp.float32),
        mesh=_MESH,
        scratch_types=[
            pltpu.VMEM((PH_CH, CH), jnp.int32),
            pltpu.VMEM((PH_CH, CH), jnp.int32),
            pltpu.VMEM((CH, 128), jnp.float32),
            pltpu.VMEM((CH, 128), jnp.float32),
            pltpu.VMEM_SHARED((ACC_R, 128), jnp.float32),
            pltpu.VMEM_SHARED((HALF, 128), jnp.float32),
            pltpu.SemaphoreType.DMA,
            pltpu.SemaphoreType.DMA,
        ],
        compiler_params=pltpu.CompilerParams(needs_layout_passes=False),
    )
    def k(yh_hbm, srcq_hbm, dstq_hbm, zeros_hbm, out_hbm, src_v, dst_v,
          r0, r1, acc_sh, y_sh, sem0, sem1):
        c = lax.axis_index("c")
        s = lax.axis_index("s")
        pltpu.sync_copy(zeros_hbm.at[pl.ds(0, ACC_RP)],
                        acc_sh.at[pl.ds(s * ACC_RP, ACC_RP)])
        for p in range(2):
            pltpu.sync_copy(yh_hbm.at[p].at[pl.ds(s * YR_T, YR_T)],
                            y_sh.at[pl.ds(s * YR_T, YR_T)])
            plsc.subcore_barrier()
            q = 2 * p + c
            pltpu.sync_copy(srcq_hbm.at[q].at[pl.ds(s * PH_CH, PH_CH)], src_v)
            pltpu.sync_copy(dstq_hbm.at[q].at[pl.ds(s * PH_CH, PH_CH)], dst_v)
            pltpu.async_copy(y_sh.at[src_v.at[0]], r0, sem0)

            def body(j, carry):
                e = 2 * j
                pltpu.async_copy(y_sh.at[src_v.at[e + 1]], r1, sem1)
                pltpu.make_async_copy(y_sh.at[src_v.at[e]], r0, sem0).wait()
                pltpu.sync_copy(r0, acc_sh.at[dst_v.at[e]], add=True)

                @pl.when(j < PH_CH // 2 - 1)
                def _():
                    pltpu.async_copy(y_sh.at[src_v.at[e + 2]], r0, sem0)

                pltpu.make_async_copy(y_sh.at[src_v.at[e + 1]], r1, sem1).wait()
                pltpu.sync_copy(r1, acc_sh.at[dst_v.at[e + 1]], add=True)
                return carry

            lax.fori_loop(0, PH_CH // 2, body, 0)
            plsc.subcore_barrier()
        pltpu.sync_copy(acc_sh.at[pl.ds(s * ACC_RP, ACC_RP)],
                        out_hbm.at[c].at[pl.ds(s * ACC_RP, ACC_RP)])

    return k(yh, srcq, dstq, zeros_sc)


def _make_sc_scatter(n_rows, n0, n1, ch):
    rp = n_rows // 16
    assert n0 == n1
    nch = n0

    @functools.partial(
        pl.kernel,
        out_type=jax.ShapeDtypeStruct((2, n_rows, 128), jnp.float32),
        mesh=_MESH,
        scratch_types=[
            pltpu.VMEM((nch, ch), jnp.int32),
            pltpu.VMEM((nch, ch), jnp.int32),
            pltpu.VMEM((ch, 128), jnp.float32),
            pltpu.VMEM_SHARED((n_rows, 128), jnp.float32),
            pltpu.SemaphoreType.DMA,
        ],
        compiler_params=pltpu.CompilerParams(needs_layout_passes=False),
    )
    def k(y_hbm, src_hbm, dst_hbm, zeros_hbm, out_hbm, src_v, dst_v, rows_v,
          acc_sh, sem):
        c = lax.axis_index("c")
        s = lax.axis_index("s")
        wid = c * 16 + s
        pltpu.sync_copy(zeros_hbm.at[pl.ds(0, rp)], acc_sh.at[pl.ds(s * rp, rp)])
        pltpu.sync_copy(src_hbm.at[pl.ds(wid * nch, nch)], src_v)
        pltpu.sync_copy(dst_hbm.at[pl.ds(wid * nch, nch)], dst_v)

        def body(j, carry):
            pltpu.async_copy(y_hbm.at[src_v.at[j]], rows_v, sem).wait()
            pltpu.sync_copy(rows_v, acc_sh.at[dst_v.at[j]], add=True)
            return carry

        lax.fori_loop(0, nch, body, 0)
        plsc.subcore_barrier()
        pltpu.sync_copy(acc_sh.at[pl.ds(s * rp, rp)],
                        out_hbm.at[c].at[pl.ds(s * rp, rp)])

    return k


def _sc_hists(dst, bat_pad):
    pt_d = E // 32
    pt_b = NP // 32

    @functools.partial(
        pl.kernel,
        out_type=[jax.ShapeDtypeStruct((32, NP), jnp.float32),
                  jax.ShapeDtypeStruct((32, NPOOL), jnp.float32)],
        mesh=_MESH,
        scratch_types=[
            pltpu.VMEM((pt_d,), jnp.int32),
            pltpu.VMEM((pt_b,), jnp.int32),
            pltpu.VMEM((NP,), jnp.float32),
            pltpu.VMEM((NPOOL,), jnp.float32),
        ],
        compiler_params=pltpu.CompilerParams(needs_layout_passes=False),
    )
    def k(dst_hbm, bat_hbm, deg_hbm, cnt_hbm, dv, bv, dh, chh):
        c = lax.axis_index("c")
        s = lax.axis_index("s")
        wid = c * 16 + s
        pltpu.sync_copy(dst_hbm.at[pl.ds(wid * pt_d, pt_d)], dv)
        pltpu.sync_copy(bat_hbm.at[pl.ds(wid * pt_b, pt_b)], bv)
        zeros = jnp.zeros((16,), jnp.float32)
        ones = jnp.ones((16,), jnp.float32)

        def zd(j, carry):
            dh[pl.ds(j * 16, 16)] = zeros
            return carry

        lax.fori_loop(0, NP // 16, zd, 0)

        def zc(j, carry):
            chh[pl.ds(j * 16, 16)] = zeros
            return carry

        lax.fori_loop(0, NPOOL // 16, zc, 0)

        def bd(j, carry):
            plsc.addupdate_scatter(dh, [dv[pl.ds(j * 16, 16)]], ones)
            return carry

        lax.fori_loop(0, pt_d // 16, bd, 0)

        def bb(j, carry):
            plsc.addupdate_scatter(chh, [bv[pl.ds(j * 16, 16)]], ones)
            return carry

        lax.fori_loop(0, pt_b // 16, bb, 0)
        pltpu.sync_copy(dh, deg_hbm.at[wid])
        pltpu.sync_copy(chh, cnt_hbm.at[wid])

    return k(dst, bat_pad)


_sc_scatter_pool = _make_sc_scatter(NPOOL, PCH, PCH, PCW)



def _tc_dinv(histT):
    def body(h_ref, d_ref):
        deg = jnp.sum(h_ref[...], axis=1, keepdims=True) + 1.0
        d_ref[...] = lax.rsqrt(deg)

    return pl.pallas_call(
        body,
        grid=(G,),
        in_specs=[pl.BlockSpec((BR, 32), lambda i: (i, 0))],
        out_specs=pl.BlockSpec((BR, 1), lambda i: (i, 0)),
        out_shape=jax.ShapeDtypeStruct((N, 1), jnp.float32),
    )(histT)


def _tc_proj_matmul(x, posp, Wx, Wpp, b, W0, dinv):
    def body(x_ref, p_ref, wx_ref, wp_ref, b_ref, w0_ref, d_ref, y_ref):
        h = jnp.maximum(
            jnp.dot(x_ref[...], wx_ref[...], preferred_element_type=jnp.float32)
            + jnp.dot(p_ref[...], wp_ref[...], preferred_element_type=jnp.float32)
            + b_ref[...], 0.0)
        y_ref[...] = d_ref[...] * jnp.dot(
            h, w0_ref[...], preferred_element_type=jnp.float32)

    return pl.pallas_call(
        body,
        grid=(G,),
        in_specs=[pl.BlockSpec((BR, 128), lambda i: (i, 0)),
                  pl.BlockSpec((BR, 128), lambda i: (i, 0)),
                  pl.BlockSpec((128, 128), lambda i: (0, 0)),
                  pl.BlockSpec((128, 128), lambda i: (0, 0)),
                  pl.BlockSpec((1, 128), lambda i: (0, 0)),
                  pl.BlockSpec((128, 128), lambda i: (0, 0)),
                  pl.BlockSpec((BR, 1), lambda i: (i, 0))],
        out_specs=pl.BlockSpec((BR, 128), lambda i: (i, 0)),
        out_shape=jax.ShapeDtypeStruct((N, 128), jnp.float32),
    )(x, posp, Wx, Wpp, b, W0, dinv)


def _tc_combine_stats(acc, y, dinv):
    def body(a_ref, y_ref, d_ref, o_ref, st_ref):
        i = pl.program_id(0)
        o = d_ref[...] * (a_ref[...] + y_ref[...])
        o_ref[...] = o
        s1 = jnp.sum(o, axis=0, keepdims=True)
        s2 = jnp.sum(o * o, axis=0, keepdims=True)
        part = jnp.concatenate(
            [s1, s2, jnp.zeros((6, 128), jnp.float32)], axis=0)

        @pl.when(i == 0)
        def _():
            st_ref[...] = part

        @pl.when(i > 0)
        def _():
            st_ref[...] += part

    return pl.pallas_call(
        body,
        grid=(G,),
        in_specs=[pl.BlockSpec((BR, 128), lambda i: (i, 0)),
                  pl.BlockSpec((BR, 128), lambda i: (i, 0)),
                  pl.BlockSpec((BR, 1), lambda i: (i, 0))],
        out_specs=[pl.BlockSpec((BR, 128), lambda i: (i, 0)),
                   pl.BlockSpec((8, 128), lambda i: (0, 0))],
        out_shape=[jax.ShapeDtypeStruct((N, 128), jnp.float32),
                   jax.ShapeDtypeStruct((8, 128), jnp.float32)],
    )(acc, y, dinv)


def _bn_block(o, st, g, b):
    mean = st[0:1, :] * (1.0 / N)
    ex2 = st[1:2, :] * (1.0 / N)
    var = ex2 - mean * mean
    rstd = lax.rsqrt(var + 1e-5)
    return jnp.maximum((o - mean) * rstd * g + b, 0.0)


def _tc_apply_matmul(out, st, g, b, Wn, dinv):
    def body(o_ref, st_ref, g_ref, b_ref, w_ref, d_ref, y_ref):
        h = _bn_block(o_ref[...], st_ref[...], g_ref[...], b_ref[...])
        y_ref[...] = d_ref[...] * jnp.dot(
            h, w_ref[...], preferred_element_type=jnp.float32)

    return pl.pallas_call(
        body,
        grid=(G,),
        in_specs=[pl.BlockSpec((BR, 128), lambda i: (i, 0)),
                  pl.BlockSpec((8, 128), lambda i: (0, 0)),
                  pl.BlockSpec((1, 128), lambda i: (0, 0)),
                  pl.BlockSpec((1, 128), lambda i: (0, 0)),
                  pl.BlockSpec((128, 128), lambda i: (0, 0)),
                  pl.BlockSpec((BR, 1), lambda i: (i, 0))],
        out_specs=pl.BlockSpec((BR, 128), lambda i: (i, 0)),
        out_shape=jax.ShapeDtypeStruct((N, 128), jnp.float32),
    )(out, st, g, b, Wn, dinv)


def _tc_apply_bn(out, st, g, b):
    def body(o_ref, st_ref, g_ref, b_ref, h_ref):
        h_ref[...] = _bn_block(o_ref[...], st_ref[...], g_ref[...], b_ref[...])

    return pl.pallas_call(
        body,
        grid=(G,),
        in_specs=[pl.BlockSpec((BR, 128), lambda i: (i, 0)),
                  pl.BlockSpec((8, 128), lambda i: (0, 0)),
                  pl.BlockSpec((1, 128), lambda i: (0, 0)),
                  pl.BlockSpec((1, 128), lambda i: (0, 0))],
        out_specs=pl.BlockSpec((BR, 128), lambda i: (i, 0)),
        out_shape=jax.ShapeDtypeStruct((N, 128), jnp.float32),
    )(out, st, g, b)


def _tc_predictor(pool_acc, cntT, W1, b1, W2, b2):
    def body(a_ref, c_ref, w1_ref, b1_ref, w2_ref, b2_ref, p_ref):
        cnt = jnp.sum(c_ref[...], axis=1, keepdims=True)
        cnt = jnp.maximum(cnt, 1.0)
        emb = (a_ref[0, :NG, :] + a_ref[1, :NG, :]) / cnt
        hid = jnp.maximum(
            jnp.dot(emb, w1_ref[...],
                    preferred_element_type=jnp.float32) + b1_ref[...], 0.0)
        p_ref[...] = jnp.dot(
            hid, w2_ref[...], preferred_element_type=jnp.float32) + b2_ref[...]

    return pl.pallas_call(
        body,
        grid=(1,),
        in_specs=[pl.BlockSpec((2, NPOOL, 128), lambda i: (0, 0, 0)),
                  pl.BlockSpec((NG, 32), lambda i: (0, 0)),
                  pl.BlockSpec((128, 128), lambda i: (0, 0)),
                  pl.BlockSpec((1, 128), lambda i: (0, 0)),
                  pl.BlockSpec((128, 19), lambda i: (0, 0)),
                  pl.BlockSpec((1, 19), lambda i: (0, 0))],
        out_specs=pl.BlockSpec((NG, 19), lambda i: (0, 0)),
        out_shape=jax.ShapeDtypeStruct((NG, 19), jnp.float32),
    )(pool_acc, cntT, W1, b1, W2, b2)



def kernel(x, pos, edge_index, batch, lin_W, lin_b, conv_W, conv_b, bn_g,
           bn_b, pred_W1, pred_b1, pred_W2, pred_b2):
    del conv_b
    src = edge_index[0].astype(jnp.int32)
    dst = edge_index[1].astype(jnp.int32)
    bat = batch.astype(jnp.int32)
    bat_pad = jnp.concatenate([bat, jnp.full((NP - N,), NG, jnp.int32)])
    psrc = jnp.concatenate(
        [jnp.arange(N, dtype=jnp.int32),
         jnp.zeros((EPOOL - N,), jnp.int32)]).reshape(-1, PCW)
    pdst = jnp.concatenate(
        [bat, jnp.full((EPOOL - N,), NG, jnp.int32)]).reshape(-1, PCW)
    posp = jnp.pad(pos, ((0, 0), (0, 125)))
    Wx = lin_W[:D]
    Wpp = jnp.pad(lin_W[D:D + 3], ((0, 125), (0, 0)))
    zeros_sc = jnp.zeros((NP // 16, 128), jnp.float32)

    deg_hist, cnt_hist = _sc_hists(dst, bat_pad)
    srcq, dstq = _sc_partition(src, dst)
    srcq3 = srcq.reshape(4, 32 * QCH, CH)
    dstq3 = dstq.reshape(4, 32 * QCH, CH)
    dinv = _tc_dinv(deg_hist.T[:N])
    y = _tc_proj_matmul(x, posp, Wx, Wpp, lin_b.reshape(1, 128),
                        conv_W[0], dinv)
    for i in range(4):
        yh = jnp.pad(y, ((0, 2 * HALF - N), (0, 0))).reshape(2, HALF, 128)
        acc2 = _sc_scatter_edges(yh, srcq3, dstq3, zeros_sc)
        acc = jnp.concatenate([acc2[0, :HALF], acc2[1, :N - HALF]], axis=0)
        out, st = _tc_combine_stats(acc, y, dinv)
        g = bn_g[i].reshape(1, 128)
        b = bn_b[i].reshape(1, 128)
        if i < 3:
            y = _tc_apply_matmul(out, st, g, b, conv_W[i + 1], dinv)
        else:
            h = _tc_apply_bn(out, st, g, b)
    pool = _sc_scatter_pool(h, psrc, pdst, zeros_sc)
    return _tc_predictor(pool, cnt_hist.T, pred_W1, pred_b1.reshape(1, 128),
                         pred_W2, pred_b2.reshape(1, 19))

# --- scband reference (transcript-rebuilt; emitter-appended) ---
"""Pipeline reference for scband-mol-gcn-18519898980966 (READ-ONLY COPY).

The authoritative reference and input builder live on the scoring server;
editing this copy changes nothing except your own understanding.
"""

import jax, jax.numpy as jnp
import numpy as np

N_NODES = 10000
N_EDGES = 320000
D_FEAT = 128
HIDDEN = 128
N_LAYERS = 4
N_TARGETS = 19
N_GRAPHS = 256

def setup_inputs(seed: int = 0) -> dict:
    key = jax.random.key(seed)
    ks = jax.random.split(key, 16)
    x = jax.random.normal(ks[0], (N_NODES, D_FEAT), dtype=jnp.float32)
    pos = jax.random.normal(ks[1], (N_NODES, 3), dtype=jnp.float32)
    edge_index = jax.random.randint(ks[2], (2, N_EDGES), 0, N_NODES, dtype=jnp.int64)
    batch = jnp.sort(jax.random.randint(ks[3], (N_NODES,), 0, N_GRAPHS, dtype=jnp.int64))
    s = 1.0 / np.sqrt(HIDDEN)
    lin_W = jax.random.normal(ks[4], (D_FEAT + 3, HIDDEN), dtype=jnp.float32) * s
    lin_b = jnp.zeros((HIDDEN,), dtype=jnp.float32)
    conv_W = jax.random.normal(ks[5], (N_LAYERS, HIDDEN, HIDDEN), dtype=jnp.float32) * s
    conv_b = jnp.zeros((N_LAYERS, HIDDEN), dtype=jnp.float32)
    bn_g = jnp.ones((N_LAYERS, HIDDEN), dtype=jnp.float32)
    bn_b = jnp.zeros((N_LAYERS, HIDDEN), dtype=jnp.float32)
    pred_W1 = jax.random.normal(ks[6], (HIDDEN, HIDDEN), dtype=jnp.float32) * s
    pred_b1 = jnp.zeros((HIDDEN,), dtype=jnp.float32)
    pred_W2 = jax.random.normal(ks[7], (HIDDEN, N_TARGETS), dtype=jnp.float32) * s
    pred_b2 = jnp.zeros((N_TARGETS,), dtype=jnp.float32)
    return {"x": x, "pos": pos, "edge_index": edge_index, "batch": batch,
            "lin_W": lin_W, "lin_b": lin_b, "conv_W": conv_W, "conv_b": conv_b,
            "bn_g": bn_g, "bn_b": bn_b,
            "pred_W1": pred_W1, "pred_b1": pred_b1, "pred_W2": pred_W2, "pred_b2": pred_b2}

def reference(x, pos, edge_index, batch, lin_W, lin_b, conv_W, conv_b, bn_g, bn_b, pred_W1, pred_b1, pred_W2, pred_b2):
    N = x.shape[0]
    h = jnp.concatenate([x, pos], axis=-1)
    h = jax.nn.relu(h @ lin_W + lin_b)
    # GCN normalization with self-loops (PyG GCNConv semantics)
    loop = jnp.arange(N, dtype=edge_index.dtype)
    src = jnp.concatenate([edge_index[0], loop])
    dst = jnp.concatenate([edge_index[1], loop])
    deg = jnp.zeros((N,), dtype=jnp.float32).at[dst].add(1.0)
    dinv = jnp.where(deg > 0, 1.0 / jnp.sqrt(deg), 0.0)
    norm = dinv[src] * dinv[dst]
    for i in range(N_LAYERS):
        xw = h @ conv_W[i]
        msg = xw[src] * norm[:, None]
        out = jnp.zeros_like(xw).at[dst].add(msg) + conv_b[i]
        # BatchNorm1d (training-mode batch statistics, biased var, eps=1e-5)
        mean = out.mean(axis=0)
        var = out.var(axis=0)
        out = (out - mean) / jnp.sqrt(var + 1e-5) * bn_g[i] + bn_b[i]
        h = jax.nn.relu(out)
    # global mean pool over graphs
    sums = jax.ops.segment_sum(h, batch, num_segments=N_GRAPHS)
    counts = jax.ops.segment_sum(jnp.ones((N, 1), dtype=jnp.float32), batch, num_segments=N_GRAPHS)
    graph_emb = sums / jnp.maximum(counts, 1.0)
    # predictor (dropout is identity in eval mode)
    hid = jax.nn.relu(graph_emb @ pred_W1 + pred_b1)
    pred = hid @ pred_W2 + pred_b2
    return pred

if __name__ == "__main__":
    import jax
    _d = setup_inputs()
    print(jax.jit(kernel)(*tuple(_d.values())))

</pallas_src>

<mosaic_0001>
#map = affine_map<(d0, d1) -> (0)>
#map1 = affine_map<(d0, d1) -> (0, 0)>
module attributes {stable_mosaic.version = 14 : i64} {
  func.func @k(%arg0: i32, %arg1: i32, %arg2: memref<320000xi32, #tpu.memory_space<hbm>>, %arg3: memref<320000xi32, #tpu.memory_space<hbm>>, %arg4: memref<4x98304xi32, #tpu.memory_space<hbm>>, %arg5: memref<4x98304xi32, #tpu.memory_space<hbm>>, %arg6: memref<10000xi32, #tpu.memory_space<vmem>>, %arg7: memref<10000xi32, #tpu.memory_space<vmem>>, %arg8: memref<3088xi32, #tpu.memory_space<vmem>>, %arg9: memref<3088xi32, #tpu.memory_space<vmem>>, %arg10: memref<3088xi32, #tpu.memory_space<vmem>>, %arg11: memref<3088xi32, #tpu.memory_space<vmem>>, %arg12: memref<3088xi32, #tpu.memory_space<vmem>>, %arg13: memref<3088xi32, #tpu.memory_space<vmem>>, %arg14: memref<3088xi32, #tpu.memory_space<vmem>>, %arg15: memref<3088xi32, #tpu.memory_space<vmem>>) attributes {dimension_semantics = [#tpu.dimension_semantics<core_parallel>, #tpu.dimension_semantics<subcore_parallel>], iteration_bounds = array<i64: 2, 16>, scalar_prefetch = 0 : i64, scratch_operands = 10 : i64, tpu.core_type = #tpu.core_type<sc_vector_subcore>, window_params = [{transform_indices = #map}, {transform_indices = #map}, {transform_indices = #map1}, {transform_indices = #map1}]} {
    %mul3A = arith.constant 16 : i32
    %mul3A_0 = arith.muli %arg0, %mul3A : i32
    %add3A = arith.addi %mul3A_0, %arg1 : i32
    %mul3A_1 = arith.constant 10000 : i32
    %mul3A_2 = arith.muli %add3A, %mul3A_1 : i32
    "tpu.region"() ({
      %run_scoped3A_180 = tpu.sem_alloc : memref<!tpu.dma_semaphore, #tpu.memory_space<semaphore_mem>>
      %dma_start3A = tpu.memref_slice %arg2[%mul3A_2] : memref<320000xi32, #tpu.memory_space<hbm>> -> memref<10000xi32, #tpu.memory_space<hbm>>
      %dma_start3A_181 = tpu.memref_slice %arg2[%mul3A_2] : memref<320000xi32, #tpu.memory_space<hbm>> -> memref<10000xi32, #tpu.memory_space<hbm>>
      tpu.enqueue_dma source(%dma_start3A_181 : memref<10000xi32, #tpu.memory_space<hbm>>) target(%arg6 : memref<10000xi32, #tpu.memory_space<vmem>>) target_semaphore(%run_scoped3A_180 : memref<!tpu.dma_semaphore, #tpu.memory_space<semaphore_mem>>)
      %dma_wait3A = tpu.memref_slice %arg2[%mul3A_2] : memref<320000xi32, #tpu.memory_space<hbm>> -> memref<10000xi32, #tpu.memory_space<hbm>>
      %dma_wait3A_182 = tpu.memref_slice %arg2[%mul3A_2] : memref<320000xi32, #tpu.memory_space<hbm>> -> memref<10000xi32, #tpu.memory_space<hbm>>
      tpu.wait_dma2 semaphore(%run_scoped3A_180 : memref<!tpu.dma_semaphore, #tpu.memory_space<semaphore_mem>>) src(%dma_wait3A_182 : memref<10000xi32, #tpu.memory_space<hbm>>) dst(%arg6 : memref<10000xi32, #tpu.memory_space<vmem>>)
      tpu.yield
    }) : () -> ()
    %mul3A_3 = arith.constant 10000 : i32
    %mul3A_4 = arith.muli %add3A, %mul3A_3 : i32
    "tpu.region"() ({
      %run_scoped3A_180 = tpu.sem_alloc : memref<!tpu.dma_semaphore, #tpu.memory_space<semaphore_mem>>
      %dma_start3A = tpu.memref_slice %arg3[%mul3A_4] : memref<320000xi32, #tpu.memory_space<hbm>> -> memref<10000xi32, #tpu.memory_space<hbm>>
      %dma_start3A_181 = tpu.memref_slice %arg3[%mul3A_4] : memref<320000xi32, #tpu.memory_space<hbm>> -> memref<10000xi32, #tpu.memory_space<hbm>>
      tpu.enqueue_dma source(%dma_start3A_181 : memref<10000xi32, #tpu.memory_space<hbm>>) target(%arg7 : memref<10000xi32, #tpu.memory_space<vmem>>) target_semaphore(%run_scoped3A_180 : memref<!tpu.dma_semaphore, #tpu.memory_space<semaphore_mem>>)
      %dma_wait3A = tpu.memref_slice %arg3[%mul3A_4] : memref<320000xi32, #tpu.memory_space<hbm>> -> memref<10000xi32, #tpu.memory_space<hbm>>
      %dma_wait3A_182 = tpu.memref_slice %arg3[%mul3A_4] : memref<320000xi32, #tpu.memory_space<hbm>> -> memref<10000xi32, #tpu.memory_space<hbm>>
      tpu.wait_dma2 semaphore(%run_scoped3A_180 : memref<!tpu.dma_semaphore, #tpu.memory_space<semaphore_mem>>) src(%dma_wait3A_182 : memref<10000xi32, #tpu.memory_space<hbm>>) dst(%arg7 : memref<10000xi32, #tpu.memory_space<vmem>>)
      tpu.yield
    }) : () -> ()
    %iota3A = tpu.iota {dimensions = array<i32: 0>} : vector<16xi32>
    %scan3A = arith.constant 0 : i32
    %scan3A_5 = arith.constant 0 : i32
    %scan3A_6 = arith.constant 0 : i32
    %scan3A_7 = arith.constant 0 : i32
    %scan3A_8 = arith.constant 0 : i32
    %scan3A_9 = arith.constant 625 : i32
    %scan3A_10 = arith.addi %scan3A_8, %scan3A_9 : i32
    %scan3A_11 = arith.constant 1 : i32
    %scan3A_12:4 = scf.for %scan3A_180 = %scan3A_8 to %scan3A_10 step %scan3A_11 iter_args(%scan3A_181 = %scan3A, %scan3A_182 = %scan3A_5, %scan3A_183 = %scan3A_6, %scan3A_184 = %scan3A_7) -> (i32, i32, i32, i32)  : i32 {
      %mul3A_185 = arith.constant 16 : i32
      %mul3A_186 = arith.muli %scan3A_180, %mul3A_185 : i32
      %get3A = arith.index_cast %mul3A_186 : i32 to index
      %get3A_187 = tpu.vector_load %arg6[%get3A] {strides = array<i32>} : memref<10000xi32, #tpu.memory_space<vmem>>, vector<16xi32>,
      %mul3A_188 = arith.constant 16 : i32
      %mul3A_189 = arith.muli %scan3A_180, %mul3A_188 : i32
      %get3A_190 = arith.index_cast %mul3A_189 : i32 to index
      %get3A_191 = tpu.vector_load %arg7[%get3A_190] {strides = array<i32>} : memref<10000xi32, #tpu.memory_space<vmem>>, vector<16xi32>,
      %lt3A = arith.constant 5120 : i32
      %lt3A_192 = vector.broadcast %lt3A : i32 to vector<16xi32>
      %lt3A_193 = arith.cmpi slt, %get3A_187, %lt3A_192 : vector<16xi32>
      %lt3A_194 = arith.constant 5120 : i32
      %lt3A_195 = vector.broadcast %lt3A_194 : i32 to vector<16xi32>
      %lt3A_196 = arith.cmpi slt, %get3A_191, %lt3A_195 : vector<16xi32>
      %sub3A_197 = arith.constant 5120 : i32
      %sub3A_198 = vector.broadcast %sub3A_197 : i32 to vector<16xi32>
      %sub3A_199 = arith.subi %get3A_187, %sub3A_198 : vector<16xi32>
      %select_n3A_200 = arith.select %lt3A_193, %get3A_187, %sub3A_199 : vector<16xi1>, vector<16xi32>
      %sub3A_201 = arith.constant 5120 : i32
      %sub3A_202 = vector.broadcast %sub3A_201 : i32 to vector<16xi32>
      %sub3A_203 = arith.subi %get3A_191, %sub3A_202 : vector<16xi32>
      %select_n3A_204 = arith.select %lt3A_196, %get3A_191, %sub3A_203 : vector<16xi1>, vector<16xi32>
      %and3A_205 = arith.andi %lt3A_193, %lt3A_196 : vector<16xi1>
      %not3A = arith.constant dense<true> : vector<16xi1>
      %not3A_206 = arith.xori %lt3A_196, %not3A : vector<16xi1>
      %and3A_207 = arith.andi %lt3A_193, %not3A_206 : vector<16xi1>
      %not3A_208 = arith.constant dense<true> : vector<16xi1>
      %not3A_209 = arith.xori %lt3A_193, %not3A_208 : vector<16xi1>
      %and3A_210 = arith.andi %not3A_209, %lt3A_196 : vector<16xi1>
      %not3A_211 = arith.constant dense<true> : vector<16xi1>
      %not3A_212 = arith.xori %lt3A_193, %not3A_211 : vector<16xi1>
      %not3A_213 = arith.constant dense<true> : vector<16xi1>
      %not3A_214 = arith.xori %lt3A_196, %not3A_213 : vector<16xi1>
      %and3A_215 = arith.andi %not3A_212, %not3A_214 : vector<16xi1>
      %swap3A = arith.index_cast %scan3A_181 : i32 to index
      %swap3A_216 = tpu.vector_load %arg8[%swap3A] masked %and3A_205 {strides = array<i32>} : memref<3088xi32, #tpu.memory_space<vmem>>, vector<16xi32>, vector<16xi1>
      tpu.vector_store %arg8[%swap3A], %select_n3A_200 masked %and3A_205 {strides = array<i32>} : memref<3088xi32, #tpu.memory_space<vmem>>, vector<16xi32>, vector<16xi1>
      %swap3A_217 = arith.index_cast %scan3A_181 : i32 to index
      %swap3A_218 = tpu.vector_load %arg9[%swap3A_217] masked %and3A_205 {strides = array<i32>} : memref<3088xi32, #tpu.memory_space<vmem>>, vector<16xi32>, vector<16xi1>
      tpu.vector_store %arg9[%swap3A_217], %select_n3A_204 masked %and3A_205 {strides = array<i32>} : memref<3088xi32, #tpu.memory_space<vmem>>, vector<16xi32>, vector<16xi1>
      %convert_element_type3A = arith.extui %and3A_205 : vector<16xi1> to vector<16xi32>
      %reduce_sum3A = arith.constant true
      %reduce_sum3A_219 = vector.broadcast %reduce_sum3A : i1 to vector<16xi1>
      %reduce_sum3A_220 = tpu.scan <sum>, %convert_element_type3A masked %reduce_sum3A_219 : vector<16xi32>, vector<16xi1> -> vector<16xi32>
      %reduce_sum3A_221 = vector.extract %reduce_sum3A_220[15] : i32 from vector<16xi32>
      %add3A_222 = arith.addi %scan3A_181, %reduce_sum3A_221 : i32
      %swap3A_223 = arith.index_cast %scan3A_182 : i32 to index
      %swap3A_224 = tpu.vector_load %arg10[%swap3A_223] masked %and3A_207 {strides = array<i32>} : memref<3088xi32, #tpu.memory_space<vmem>>, vector<16xi32>, vector<16xi1>
      tpu.vector_store %arg10[%swap3A_223], %select_n3A_200 masked %and3A_207 {strides = array<i32>} : memref<3088xi32, #tpu.memory_space<vmem>>, vector<16xi32>, vector<16xi1>
      %swap3A_225 = arith.index_cast %scan3A_182 : i32 to index
      %swap3A_226 = tpu.vector_load %arg11[%swap3A_225] masked %and3A_207 {strides = array<i32>} : memref<3088xi32, #tpu.memory_space<vmem>>, vector<16xi32>, vector<16xi1>
      tpu.vector_store %arg11[%swap3A_225], %select_n3A_204 masked %and3A_207 {strides = array<i32>} : memref<3088xi32, #tpu.memory_space<vmem>>, vector<16xi32>, vector<16xi1>
      %convert_element_type3A_227 = arith.extui %and3A_207 : vector<16xi1> to vector<16xi32>
      %reduce_sum3A_228 = arith.constant true
      %reduce_sum3A_229 = vector.broadcast %reduce_sum3A_228 : i1 to vector<16xi1>
      %reduce_sum3A_230 = tpu.scan <sum>, %convert_element_type3A_227 masked %reduce_sum3A_229 : vector<16xi32>, vector<16xi1> -> vector<16xi32>
      %reduce_sum3A_231 = vector.extract %reduce_sum3A_230[15] : i32 from vector<16xi32>
      %add3A_232 = arith.addi %scan3A_182, %reduce_sum3A_231 : i32
      %swap3A_233 = arith.index_cast %scan3A_183 : i32 to index
      %swap3A_234 = tpu.vector_load %arg12[%swap3A_233] masked %and3A_210 {strides = array<i32>} : memref<3088xi32, #tpu.memory_space<vmem>>, vector<16xi32>, vector<16xi1>
      tpu.vector_store %arg12[%swap3A_233], %select_n3A_200 masked %and3A_210 {strides = array<i32>} : memref<3088xi32, #tpu.memory_space<vmem>>, vector<16xi32>, vector<16xi1>
      %swap3A_235 = arith.index_cast %scan3A_183 : i32 to index
      %swap3A_236 = tpu.vector_load %arg13[%swap3A_235] masked %and3A_210 {strides = array<i32>} : memref<3088xi32, #tpu.memory_space<vmem>>, vector<16xi32>, vector<16xi1>
      tpu.vector_store %arg13[%swap3A_235], %select_n3A_204 masked %and3A_210 {strides = array<i32>} : memref<3088xi32, #tpu.memory_space<vmem>>, vector<16xi32>, vector<16xi1>
      %convert_element_type3A_237 = arith.extui %and3A_210 : vector<16xi1> to vector<16xi32>
      %reduce_sum3A_238 = arith.constant true
      %reduce_sum3A_239 = vector.broadcast %reduce_sum3A_238 : i1 to vector<16xi1>
      %reduce_sum3A_240 = tpu.scan <sum>, %convert_element_type3A_237 masked %reduce_sum3A_239 : vector<16xi32>, vector<16xi1> -> vector<16xi32>
      %reduce_sum3A_241 = vector.extract %reduce_sum3A_240[15] : i32 from vector<16xi32>
      %add3A_242 = arith.addi %scan3A_183, %reduce_sum3A_241 : i32
      %swap3A_243 = arith.index_cast %scan3A_184 : i32 to index
      %swap3A_244 = tpu.vector_load %arg14[%swap3A_243] masked %and3A_215 {strides = array<i32>} : memref<3088xi32, #tpu.memory_space<vmem>>, vector<16xi32>, vector<16xi1>
      tpu.vector_store %arg14[%swap3A_243], %select_n3A_200 masked %and3A_215 {strides = array<i32>} : memref<3088xi32, #tpu.memory_space<vmem>>, vector<16xi32>, vector<16xi1>
      %swap3A_245 = arith.index_cast %scan3A_184 : i32 to index
      %swap3A_246 = tpu.vector_load %arg15[%swap3A_245] masked %and3A_215 {strides = array<i32>} : memref<3088xi32, #tpu.memory_space<vmem>>, vector<16xi32>, vector<16xi1>
      tpu.vector_store %arg15[%swap3A_245], %select_n3A_204 masked %and3A_215 {strides = array<i32>} : memref<3088xi32, #tpu.memory_space<vmem>>, vector<16xi32>, vector<16xi1>
      %convert_element_type3A_247 = arith.extui %and3A_215 : vector<16xi1> to vector<16xi32>
      %reduce_sum3A_248 = arith.constant true
      %reduce_sum3A_249 = vector.broadcast %reduce_sum3A_248 : i1 to vector<16xi1>
      %reduce_sum3A_250 = tpu.scan <sum>, %convert_element_type3A_247 masked %reduce_sum3A_249 : vector<16xi32>, vector<16xi1> -> vector<16xi32>
      %reduce_sum3A_251 = vector.extract %reduce_sum3A_250[15] : i32 from vector<16xi32>
      %add3A_252 = arith.addi %scan3A_184, %reduce_sum3A_251 : i32
      scf.yield %add3A_222, %add3A_232, %add3A_242, %add3A_252 : i32, i32, i32, i32
    }
    %scan3A_13 = arith.constant 625 : i32
    %sub3A = arith.constant 3072 : i32
    %sub3A_14 = arith.subi %sub3A, %scan3A_12#0 : i32
    %add3A_15 = arith.constant 15 : i32
    %add3A_16 = arith.addi %sub3A_14, %add3A_15 : i32
    %jit3A = arith.constant 16 : i32
    %div3A = arith.divsi %add3A_16, %jit3A : i32
    %sign3A = arith.constant 0 : i32
    %sign3A_17 = arith.cmpi sgt, %add3A_16, %sign3A : i32
    %sign3A_18 = arith.extui %sign3A_17 : i1 to i32
    %sign3A_19 = arith.constant 0 : i32
    %sign3A_20 = arith.cmpi slt, %add3A_16, %sign3A_19 : i32
    %sign3A_21 = arith.extui %sign3A_20 : i1 to i32
    %sign3A_22 = arith.subi %sign3A_18, %sign3A_21 : i32
    %sign3A_23 = arith.constant 0 : i32
    %sign3A_24 = arith.cmpi sgt, %jit3A, %sign3A_23 : i32
    %sign3A_25 = arith.extui %sign3A_24 : i1 to i32
    %sign3A_26 = arith.constant 0 : i32
    %sign3A_27 = arith.cmpi slt, %jit3A, %sign3A_26 : i32
    %sign3A_28 = arith.extui %sign3A_27 : i1 to i32
    %sign3A_29 = arith.subi %sign3A_25, %sign3A_28 : i32
    %ne3A = arith.cmpi ne, %sign3A_22, %sign3A_29 : i32
    %rem3A = arith.remsi %add3A_16, %jit3A : i32
    %ne3A_30 = arith.constant 0 : i32
    %ne3A_31 = arith.cmpi ne, %rem3A, %ne3A_30 : i32
    %and3A = arith.andi %ne3A, %ne3A_31 : i1
    %sub3A_32 = arith.constant 1 : i32
    %sub3A_33 = arith.subi %div3A, %sub3A_32 : i32
    %select_n3A = arith.select %and3A, %sub3A_33, %div3A : i32
    %while3A = arith.constant 0 : i32
    %while3A_34 = arith.constant 0 : i32
    %while3A_35 = arith.subi %select_n3A, %while3A_34 : i32
    %while3A_36 = arith.addi %while3A_34, %while3A_35 : i32
    %while3A_37 = arith.constant 1 : i32
    %while3A_38 = arith.divsi %while3A_35, %while3A_37 : i32
    %while3A_39 = arith.muli %while3A_38, %while3A_37 : i32
    %while3A_40 = arith.addi %while3A_34, %while3A_39 : i32
    %while3A_41 = arith.constant 1 : i32
    scf.for %while3A_180 = %while3A_34 to %while3A_40 step %while3A_41  : i32 {
      %mul3A_181 = arith.constant 16 : i32
      %mul3A_182 = arith.muli %while3A_180, %mul3A_181 : i32
      %add3A_183 = arith.addi %scan3A_12#0, %mul3A_182 : i32
      %broadcast_in_dim3A = arith.constant 0 : i32
      %broadcast_in_dim3A_184 = vector.broadcast %broadcast_in_dim3A : i32 to vector<16xi32>
      %swap3A = arith.index_cast %add3A_183 : i32 to index
      %swap3A_185 = tpu.vector_load %arg8[%swap3A] {strides = array<i32>} : memref<3088xi32, #tpu.memory_space<vmem>>, vector<16xi32>,
      tpu.vector_store %arg8[%swap3A], %broadcast_in_dim3A_184 {strides = array<i32>} : memref<3088xi32, #tpu.memory_space<vmem>>, vector<16xi32>,
      %add3A_186 = vector.broadcast %add3A_183 : i32 to vector<16xi32>
      %add3A_187 = arith.addi %add3A_186, %iota3A : vector<16xi32>
      %jit3A_188 = arith.constant 128 : i32
      %eq3A = arith.constant 0 : i32
      %eq3A_189 = arith.cmpi eq, %jit3A_188, %eq3A : i32
      %jit3A_190 = arith.constant 1 : i32
      %select_n3A_191 = arith.select %eq3A_189, %jit3A_190, %jit3A_188 : i32
      %rem3A_192 = vector.broadcast %select_n3A_191 : i32 to vector<16xi32>
      %rem3A_193 = arith.remsi %add3A_187, %rem3A_192 : vector<16xi32>
      %ne3A_194 = arith.constant 0 : i32
      %ne3A_195 = vector.broadcast %ne3A_194 : i32 to vector<16xi32>
      %ne3A_196 = arith.cmpi ne, %rem3A_193, %ne3A_195 : vector<16xi32>
      %lt3A = arith.constant 0 : i32
      %lt3A_197 = vector.broadcast %lt3A : i32 to vector<16xi32>
      %lt3A_198 = arith.cmpi slt, %rem3A_193, %lt3A_197 : vector<16xi32>
      %lt3A_199 = arith.constant 0 : i32
      %lt3A_200 = arith.cmpi slt, %select_n3A_191, %lt3A_199 : i32
      %ne3A_201 = vector.broadcast %lt3A_200 : i1 to vector<16xi1>
      %ne3A_202 = vector.broadcast %ne3A_201 : vector<16xi1> to vector<16xi1>
      %ne3A_203 = arith.xori %lt3A_198, %ne3A_202 : vector<16xi1>
      %and3A_204 = arith.andi %ne3A_203, %ne3A_196 : vector<16xi1>
      %add3A_205 = vector.broadcast %select_n3A_191 : i32 to vector<16xi32>
      %add3A_206 = arith.addi %rem3A_193, %add3A_205 : vector<16xi32>
      %select_n3A_207 = arith.select %and3A_204, %add3A_206, %rem3A_193 : vector<16xi1>, vector<16xi32>
      %add3A_208 = arith.constant 5120 : i32
      %add3A_209 = vector.broadcast %add3A_208 : i32 to vector<16xi32>
      %add3A_210 = arith.addi %add3A_209, %select_n3A_207 : vector<16xi32>
      %swap3A_211 = arith.index_cast %add3A_183 : i32 to index
      %swap3A_212 = tpu.vector_load %arg9[%swap3A_211] {strides = array<i32>} : memref<3088xi32, #tpu.memory_space<vmem>>, vector<16xi32>,
      tpu.vector_store %arg9[%swap3A_211], %add3A_210 {strides = array<i32>} : memref<3088xi32, #tpu.memory_space<vmem>>, vector<16xi32>,
    }
    %while3A_42 = arith.constant 1 : i32
    scf.for %while3A_180 = %while3A_40 to %while3A_36 step %while3A_42  : i32 {
      %mul3A_181 = arith.constant 16 : i32
      %mul3A_182 = arith.muli %while3A_180, %mul3A_181 : i32
      %add3A_183 = arith.addi %scan3A_12#0, %mul3A_182 : i32
      %broadcast_in_dim3A = arith.constant 0 : i32
      %broadcast_in_dim3A_184 = vector.broadcast %broadcast_in_dim3A : i32 to vector<16xi32>
      %swap3A = arith.index_cast %add3A_183 : i32 to index
      %swap3A_185 = tpu.vector_load %arg8[%swap3A] {strides = array<i32>} : memref<3088xi32, #tpu.memory_space<vmem>>, vector<16xi32>,
      tpu.vector_store %arg8[%swap3A], %broadcast_in_dim3A_184 {strides = array<i32>} : memref<3088xi32, #tpu.memory_space<vmem>>, vector<16xi32>,
      %add3A_186 = vector.broadcast %add3A_183 : i32 to vector<16xi32>
      %add3A_187 = arith.addi %add3A_186, %iota3A : vector<16xi32>
      %jit3A_188 = arith.constant 128 : i32
      %eq3A = arith.constant 0 : i32
      %eq3A_189 = arith.cmpi eq, %jit3A_188, %eq3A : i32
      %jit3A_190 = arith.constant 1 : i32
      %select_n3A_191 = arith.select %eq3A_189, %jit3A_190, %jit3A_188 : i32
      %rem3A_192 = vector.broadcast %select_n3A_191 : i32 to vector<16xi32>
      %rem3A_193 = arith.remsi %add3A_187, %rem3A_192 : vector<16xi32>
      %ne3A_194 = arith.constant 0 : i32
      %ne3A_195 = vector.broadcast %ne3A_194 : i32 to vector<16xi32>
      %ne3A_196 = arith.cmpi ne, %rem3A_193, %ne3A_195 : vector<16xi32>
      %lt3A = arith.constant 0 : i32
      %lt3A_197 = vector.broadcast %lt3A : i32 to vector<16xi32>
      %lt3A_198 = arith.cmpi slt, %rem3A_193, %lt3A_197 : vector<16xi32>
      %lt3A_199 = arith.constant 0 : i32
      %lt3A_200 = arith.cmpi slt, %select_n3A_191, %lt3A_199 : i32
      %ne3A_201 = vector.broadcast %lt3A_200 : i1 to vector<16xi1>
      %ne3A_202 = vector.broadcast %ne3A_201 : vector<16xi1> to vector<16xi1>
      %ne3A_203 = arith.xori %lt3A_198, %ne3A_202 : vector<16xi1>
      %and3A_204 = arith.andi %ne3A_203, %ne3A_196 : vector<16xi1>
      %add3A_205 = vector.broadcast %select_n3A_191 : i32 to vector<16xi32>
      %add3A_206 = arith.addi %rem3A_193, %add3A_205 : vector<16xi32>
      %select_n3A_207 = arith.select %and3A_204, %add3A_206, %rem3A_193 : vector<16xi1>, vector<16xi32>
      %add3A_208 = arith.constant 5120 : i32
      %add3A_209 = vector.broadcast %add3A_208 : i32 to vector<16xi32>
      %add3A_210 = arith.addi %add3A_209, %select_n3A_207 : vector<16xi32>
      %swap3A_211 = arith.index_cast %add3A_183 : i32 to index
      %swap3A_212 = tpu.vector_load %arg9[%swap3A_211] {strides = array<i32>} : memref<3088xi32, #tpu.memory_space<vmem>>, vector<16xi32>,
      tpu.vector_store %arg9[%swap3A_211], %add3A_210 {strides = array<i32>} : memref<3088xi32, #tpu.memory_space<vmem>>, vector<16xi32>,
    }
    %mul3A_43 = arith.constant 3072 : i32
    %mul3A_44 = arith.muli %add3A, %mul3A_43 : i32
    %run_scoped3A = arith.constant 0 : i32
    "tpu.region"() ({
      %run_scoped3A_180 = tpu.sem_alloc : memref<!tpu.dma_semaphore, #tpu.memory_space<semaphore_mem>>
      %dma_start3A = arith.constant 0 : i32
      %dma_start3A_181 = tpu.memref_slice %arg8[%dma_start3A] : memref<3088xi32, #tpu.memory_space<vmem>> -> memref<3072xi32, #tpu.memory_space<vmem>>
      %dma_start3A_182 = arith.constant 0 : i32
      %dma_start3A_183 = tpu.memref_slice %arg4[%run_scoped3A, %dma_start3A_182] : memref<4x98304xi32, #tpu.memory_space<hbm>> -> memref<1x98304xi32, #tpu.memory_space<hbm>>
      %dma_start3A_184 = tpu.memref_squeeze %dma_start3A_183 : memref<1x98304xi32, #tpu.memory_space<hbm>> -> memref<98304xi32, #tpu.memory_space<hbm>>
      %dma_start3A_185 = tpu.memref_slice %dma_start3A_184[%mul3A_44] : memref<98304xi32, #tpu.memory_space<hbm>> -> memref<3072xi32, #tpu.memory_space<hbm>>
      %dma_start3A_186 = arith.constant 0 : i32
      %dma_start3A_187 = tpu.memref_slice %arg4[%run_scoped3A, %dma_start3A_186] : memref<4x98304xi32, #tpu.memory_space<hbm>> -> memref<1x98304xi32, #tpu.memory_space<hbm>>
      %dma_start3A_188 = tpu.memref_squeeze %dma_start3A_187 : memref<1x98304xi32, #tpu.memory_space<hbm>> -> memref<98304xi32, #tpu.memory_space<hbm>>
      %dma_start3A_189 = tpu.memref_slice %dma_start3A_188[%mul3A_44] : memref<98304xi32, #tpu.memory_space<hbm>> -> memref<3072xi32, #tpu.memory_space<hbm>>
      %dma_start3A_190 = arith.constant 0 : i32
      %dma_start3A_191 = tpu.memref_slice %arg8[%dma_start3A_190] : memref<3088xi32, #tpu.memory_space<vmem>> -> memref<3072xi32, #tpu.memory_space<vmem>>
      tpu.enqueue_dma source(%dma_start3A_191 : memref<3072xi32, #tpu.memory_space<vmem>>) target(%dma_start3A_189 : memref<3072xi32, #tpu.memory_space<hbm>>) target_semaphore(%run_scoped3A_180 : memref<!tpu.dma_semaphore, #tpu.memory_space<semaphore_mem>>)
      %dma_wait3A = arith.constant 0 : i32
      %dma_wait3A_192 = tpu.memref_slice %arg8[%dma_wait3A] : memref<3088xi32, #tpu.memory_space<vmem>> -> memref<3072xi32, #tpu.memory_space<vmem>>
      %dma_wait3A_193 = arith.constant 0 : i32
      %dma_wait3A_194 = tpu.memref_slice %arg4[%run_scoped3A, %dma_wait3A_193] : memref<4x98304xi32, #tpu.memory_space<hbm>> -> memref<1x98304xi32, #tpu.memory_space<hbm>>
      %dma_wait3A_195 = tpu.memref_squeeze %dma_wait3A_194 : memref<1x98304xi32, #tpu.memory_space<hbm>> -> memref<98304xi32, #tpu.memory_space<hbm>>
      %dma_wait3A_196 = tpu.memref_slice %dma_wait3A_195[%mul3A_44] : memref<98304xi32, #tpu.memory_space<hbm>> -> memref<3072xi32, #tpu.memory_space<hbm>>
      %dma_wait3A_197 = arith.constant 0 : i32
      %dma_wait3A_198 = tpu.memref_slice %arg4[%run_scoped3A, %dma_wait3A_197] : memref<4x98304xi32, #tpu.memory_space<hbm>> -> memref<1x98304xi32, #tpu.memory_space<hbm>>
      %dma_wait3A_199 = tpu.memref_squeeze %dma_wait3A_198 : memref<1x98304xi32, #tpu.memory_space<hbm>> -> memref<98304xi32, #tpu.memory_space<hbm>>
      %dma_wait3A_200 = tpu.memref_slice %dma_wait3A_199[%mul3A_44] : memref<98304xi32, #tpu.memory_space<hbm>> -> memref<3072xi32, #tpu.memory_space<hbm>>
      %dma_wait3A_201 = arith.constant 0 : i32
      %dma_wait3A_202 = tpu.memref_slice %arg8[%dma_wait3A_201] : memref<3088xi32, #tpu.memory_space<vmem>> -> memref<3072xi32, #tpu.memory_space<vmem>>
      tpu.wait_dma2 semaphore(%run_scoped3A_180 : memref<!tpu.dma_semaphore, #tpu.memory_space<semaphore_mem>>) src(%dma_wait3A_202 : memref<3072xi32, #tpu.memory_space<vmem>>) dst(%dma_wait3A_200 : memref<3072xi32, #tpu.memory_space<hbm>>)
      tpu.yield
    }) : () -> ()
    %mul3A_45 = arith.constant 3072 : i32
    %mul3A_46 = arith.muli %add3A, %mul3A_45 : i32
    %run_scoped3A_47 = arith.constant 0 : i32
    "tpu.region"() ({
      %run_scoped3A_180 = tpu.sem_alloc : memref<!tpu.dma_semaphore, #tpu.memory_space<semaphore_mem>>
      %dma_start3A = arith.constant 0 : i32
      %dma_start3A_181 = tpu.memref_slice %arg9[%dma_start3A] : memref<3088xi32, #tpu.memory_space<vmem>> -> memref<3072xi32, #tpu.memory_space<vmem>>
      %dma_start3A_182 = arith.constant 0 : i32
      %dma_start3A_183 = tpu.memref_slice %arg5[%run_scoped3A_47, %dma_start3A_182] : memref<4x98304xi32, #tpu.memory_space<hbm>> -> memref<1x98304xi32, #tpu.memory_space<hbm>>
      %dma_start3A_184 = tpu.memref_squeeze %dma_start3A_183 : memref<1x98304xi32, #tpu.memory_space<hbm>> -> memref<98304xi32, #tpu.memory_space<hbm>>
      %dma_start3A_185 = tpu.memref_slice %dma_start3A_184[%mul3A_46] : memref<98304xi32, #tpu.memory_space<hbm>> -> memref<3072xi32, #tpu.memory_space<hbm>>
      %dma_start3A_186 = arith.constant 0 : i32
      %dma_start3A_187 = tpu.memref_slice %arg5[%run_scoped3A_47, %dma_start3A_186] : memref<4x98304xi32, #tpu.memory_space<hbm>> -> memref<1x98304xi32, #tpu.memory_space<hbm>>
      %dma_start3A_188 = tpu.memref_squeeze %dma_start3A_187 : memref<1x98304xi32, #tpu.memory_space<hbm>> -> memref<98304xi32, #tpu.memory_space<hbm>>
      %dma_start3A_189 = tpu.memref_slice %dma_start3A_188[%mul3A_46] : memref<98304xi32, #tpu.memory_space<hbm>> -> memref<3072xi32, #tpu.memory_space<hbm>>
      %dma_start3A_190 = arith.constant 0 : i32
      %dma_start3A_191 = tpu.memref_slice %arg9[%dma_start3A_190] : memref<3088xi32, #tpu.memory_space<vmem>> -> memref<3072xi32, #tpu.memory_space<vmem>>
      tpu.enqueue_dma source(%dma_start3A_191 : memref<3072xi32, #tpu.memory_space<vmem>>) target(%dma_start3A_189 : memref<3072xi32, #tpu.memory_space<hbm>>) target_semaphore(%run_scoped3A_180 : memref<!tpu.dma_semaphore, #tpu.memory_space<semaphore_mem>>)
      %dma_wait3A = arith.constant 0 : i32
      %dma_wait3A_192 = tpu.memref_slice %arg9[%dma_wait3A] : memref<3088xi32, #tpu.memory_space<vmem>> -> memref<3072xi32, #tpu.memory_space<vmem>>
      %dma_wait3A_193 = arith.constant 0 : i32
      %dma_wait3A_194 = tpu.memref_slice %arg5[%run_scoped3A_47, %dma_wait3A_193] : memref<4x98304xi32, #tpu.memory_space<hbm>> -> memref<1x98304xi32, #tpu.memory_space<hbm>>
      %dma_wait3A_195 = tpu.memref_squeeze %dma_wait3A_194 : memref<1x98304xi32, #tpu.memory_space<hbm>> -> memref<98304xi32, #tpu.memory_space<hbm>>
      %dma_wait3A_196 = tpu.memref_slice %dma_wait3A_195[%mul3A_46] : memref<98304xi32, #tpu.memory_space<hbm>> -> memref<3072xi32, #tpu.memory_space<hbm>>
      %dma_wait3A_197 = arith.constant 0 : i32
      %dma_wait3A_198 = tpu.memref_slice %arg5[%run_scoped3A_47, %dma_wait3A_197] : memref<4x98304xi32, #tpu.memory_space<hbm>> -> memref<1x98304xi32, #tpu.memory_space<hbm>>
      %dma_wait3A_199 = tpu.memref_squeeze %dma_wait3A_198 : memref<1x98304xi32, #tpu.memory_space<hbm>> -> memref<98304xi32, #tpu.memory_space<hbm>>
      %dma_wait3A_200 = tpu.memref_slice %dma_wait3A_199[%mul3A_46] : memref<98304xi32, #tpu.memory_space<hbm>> -> memref<3072xi32, #tpu.memory_space<hbm>>
      %dma_wait3A_201 = arith.constant 0 : i32
      %dma_wait3A_202 = tpu.memref_slice %arg9[%dma_wait3A_201] : memref<3088xi32, #tpu.memory_space<vmem>> -> memref<3072xi32, #tpu.memory_space<vmem>>
      tpu.wait_dma2 semaphore(%run_scoped3A_180 : memref<!tpu.dma_semaphore, #tpu.memory_space<semaphore_mem>>) src(%dma_wait3A_202 : memref<3072xi32, #tpu.memory_space<vmem>>) dst(%dma_wait3A_200 : memref<3072xi32, #tpu.memory_space<hbm>>)
      tpu.yield
    }) : () -> ()
    %sub3A_48 = arith.constant 3072 : i32
    %sub3A_49 = arith.subi %sub3A_48, %scan3A_12#1 : i32
    %add3A_50 = arith.constant 15 : i32
    %add3A_51 = arith.addi %sub3A_49, %add3A_50 : i32
    %jit3A_52 = arith.constant 16 : i32
    %div3A_53 = arith.divsi %add3A_51, %jit3A_52 : i32
    %sign3A_54 = arith.constant 0 : i32
    %sign3A_55 = arith.cmpi sgt, %add3A_51, %sign3A_54 : i32
    %sign3A_56 = arith.extui %sign3A_55 : i1 to i32
    %sign3A_57 = arith.constant 0 : i32
    %sign3A_58 = arith.cmpi slt, %add3A_51, %sign3A_57 : i32
    %sign3A_59 = arith.extui %sign3A_58 : i1 to i32
    %sign3A_60 = arith.subi %sign3A_56, %sign3A_59 : i32
    %sign3A_61 = arith.constant 0 : i32
    %sign3A_62 = arith.cmpi sgt, %jit3A_52, %sign3A_61 : i32
    %sign3A_63 = arith.extui %sign3A_62 : i1 to i32
    %sign3A_64 = arith.constant 0 : i32
    %sign3A_65 = arith.cmpi slt, %jit3A_52, %sign3A_64 : i32
    %sign3A_66 = arith.extui %sign3A_65 : i1 to i32
    %sign3A_67 = arith.subi %sign3A_63, %sign3A_66 : i32
    %ne3A_68 = arith.cmpi ne, %sign3A_60, %sign3A_67 : i32
    %rem3A_69 = arith.remsi %add3A_51, %jit3A_52 : i32
    %ne3A_70 = arith.constant 0 : i32
    %ne3A_71 = arith.cmpi ne, %rem3A_69, %ne3A_70 : i32
    %and3A_72 = arith.andi %ne3A_68, %ne3A_71 : i1
    %sub3A_73 = arith.constant 1 : i32
    %sub3A_74 = arith.subi %div3A_53, %sub3A_73 : i32
    %select_n3A_75 = arith.select %and3A_72, %sub3A_74, %div3A_53 : i32
    %while3A_76 = arith.constant 0 : i32
    %while3A_77 = arith.constant 0 : i32
    %while3A_78 = arith.subi %select_n3A_75, %while3A_77 : i32
    %while3A_79 = arith.addi %while3A_77, %while3A_78 : i32
    %while3A_80 = arith.constant 1 : i32
    %while3A_81 = arith.divsi %while3A_78, %while3A_80 : i32
    %while3A_82 = arith.muli %while3A_81, %while3A_80 : i32
    %while3A_83 = arith.addi %while3A_77, %while3A_82 : i32
    %while3A_84 = arith.constant 1 : i32
    scf.for %while3A_180 = %while3A_77 to %while3A_83 step %while3A_84  : i32 {
      %mul3A_181 = arith.constant 16 : i32
      %mul3A_182 = arith.muli %while3A_180, %mul3A_181 : i32
      %add3A_183 = arith.addi %scan3A_12#1, %mul3A_182 : i32
      %broadcast_in_dim3A = arith.constant 0 : i32
      %broadcast_in_dim3A_184 = vector.broadcast %broadcast_in_dim3A : i32 to vector<16xi32>
      %swap3A = arith.index_cast %add3A_183 : i32 to index
      %swap3A_185 = tpu.vector_load %arg10[%swap3A] {strides = array<i32>} : memref<3088xi32, #tpu.memory_space<vmem>>, vector<16xi32>,
      tpu.vector_store %arg10[%swap3A], %broadcast_in_dim3A_184 {strides = array<i32>} : memref<3088xi32, #tpu.memory_space<vmem>>, vector<16xi32>,
      %add3A_186 = vector.broadcast %add3A_183 : i32 to vector<16xi32>
      %add3A_187 = arith.addi %add3A_186, %iota3A : vector<16xi32>
      %jit3A_188 = arith.constant 128 : i32
      %eq3A = arith.constant 0 : i32
      %eq3A_189 = arith.cmpi eq, %jit3A_188, %eq3A : i32
      %jit3A_190 = arith.constant 1 : i32
      %select_n3A_191 = arith.select %eq3A_189, %jit3A_190, %jit3A_188 : i32
      %rem3A_192 = vector.broadcast %select_n3A_191 : i32 to vector<16xi32>
      %rem3A_193 = arith.remsi %add3A_187, %rem3A_192 : vector<16xi32>
      %ne3A_194 = arith.constant 0 : i32
      %ne3A_195 = vector.broadcast %ne3A_194 : i32 to vector<16xi32>
      %ne3A_196 = arith.cmpi ne, %rem3A_193, %ne3A_195 : vector<16xi32>
      %lt3A = arith.constant 0 : i32
      %lt3A_197 = vector.broadcast %lt3A : i32 to vector<16xi32>
      %lt3A_198 = arith.cmpi slt, %rem3A_193, %lt3A_197 : vector<16xi32>
      %lt3A_199 = arith.constant 0 : i32
      %lt3A_200 = arith.cmpi slt, %select_n3A_191, %lt3A_199 : i32
      %ne3A_201 = vector.broadcast %lt3A_200 : i1 to vector<16xi1>
      %ne3A_202 = vector.broadcast %ne3A_201 : vector<16xi1> to vector<16xi1>
      %ne3A_203 = arith.xori %lt3A_198, %ne3A_202 : vector<16xi1>
      %and3A_204 = arith.andi %ne3A_203, %ne3A_196 : vector<16xi1>
      %add3A_205 = vector.broadcast %select_n3A_191 : i32 to vector<16xi32>
      %add3A_206 = arith.addi %rem3A_193, %add3A_205 : vector<16xi32>
      %select_n3A_207 = arith.select %and3A_204, %add3A_206, %rem3A_193 : vector<16xi1>, vector<16xi32>
      %add3A_208 = arith.constant 5120 : i32
      %add3A_209 = vector.broadcast %add3A_208 : i32 to vector<16xi32>
      %add3A_210 = arith.addi %add3A_209, %select_n3A_207 : vector<16xi32>
      %swap3A_211 = arith.index_cast %add3A_183 : i32 to index
      %swap3A_212 = tpu.vector_load %arg11[%swap3A_211] {strides = array<i32>} : memref<3088xi32, #tpu.memory_space<vmem>>, vector<16xi32>,
      tpu.vector_store %arg11[%swap3A_211], %add3A_210 {strides = array<i32>} : memref<3088xi32, #tpu.memory_space<vmem>>, vector<16xi32>,
    }
    %while3A_85 = arith.constant 1 : i32
    scf.for %while3A_180 = %while3A_83 to %while3A_79 step %while3A_85  : i32 {
      %mul3A_181 = arith.constant 16 : i32
      %mul3A_182 = arith.muli %while3A_180, %mul3A_181 : i32
      %add3A_183 = arith.addi %scan3A_12#1, %mul3A_182 : i32
      %broadcast_in_dim3A = arith.constant 0 : i32
      %broadcast_in_dim3A_184 = vector.broadcast %broadcast_in_dim3A : i32 to vector<16xi32>
      %swap3A = arith.index_cast %add3A_183 : i32 to index
      %swap3A_185 = tpu.vector_load %arg10[%swap3A] {strides = array<i32>} : memref<3088xi32, #tpu.memory_space<vmem>>, vector<16xi32>,
      tpu.vector_store %arg10[%swap3A], %broadcast_in_dim3A_184 {strides = array<i32>} : memref<3088xi32, #tpu.memory_space<vmem>>, vector<16xi32>,
      %add3A_186 = vector.broadcast %add3A_183 : i32 to vector<16xi32>
      %add3A_187 = arith.addi %add3A_186, %iota3A : vector<16xi32>
      %jit3A_188 = arith.constant 128 : i32
      %eq3A = arith.constant 0 : i32
      %eq3A_189 = arith.cmpi eq, %jit3A_188, %eq3A : i32
      %jit3A_190 = arith.constant 1 : i32
      %select_n3A_191 = arith.select %eq3A_189, %jit3A_190, %jit3A_188 : i32
      %rem3A_192 = vector.broadcast %select_n3A_191 : i32 to vector<16xi32>
      %rem3A_193 = arith.remsi %add3A_187, %rem3A_192 : vector<16xi32>
      %ne3A_194 = arith.constant 0 : i32
      %ne3A_195 = vector.broadcast %ne3A_194 : i32 to vector<16xi32>
      %ne3A_196 = arith.cmpi ne, %rem3A_193, %ne3A_195 : vector<16xi32>
      %lt3A = arith.constant 0 : i32
      %lt3A_197 = vector.broadcast %lt3A : i32 to vector<16xi32>
      %lt3A_198 = arith.cmpi slt, %rem3A_193, %lt3A_197 : vector<16xi32>
      %lt3A_199 = arith.constant 0 : i32
      %lt3A_200 = arith.cmpi slt, %select_n3A_191, %lt3A_199 : i32
      %ne3A_201 = vector.broadcast %lt3A_200 : i1 to vector<16xi1>
      %ne3A_202 = vector.broadcast %ne3A_201 : vector<16xi1> to vector<16xi1>
      %ne3A_203 = arith.xori %lt3A_198, %ne3A_202 : vector<16xi1>
      %and3A_204 = arith.andi %ne3A_203, %ne3A_196 : vector<16xi1>
      %add3A_205 = vector.broadcast %select_n3A_191 : i32 to vector<16xi32>
      %add3A_206 = arith.addi %rem3A_193, %add3A_205 : vector<16xi32>
      %select_n3A_207 = arith.select %and3A_204, %add3A_206, %rem3A_193 : vector<16xi1>, vector<16xi32>
      %add3A_208 = arith.constant 5120 : i32
      %add3A_209 = vector.broadcast %add3A_208 : i32 to vector<16xi32>
      %add3A_210 = arith.addi %add3A_209, %select_n3A_207 : vector<16xi32>
      %swap3A_211 = arith.index_cast %add3A_183 : i32 to index
      %swap3A_212 = tpu.vector_load %arg11[%swap3A_211] {strides = array<i32>} : memref<3088xi32, #tpu.memory_space<vmem>>, vector<16xi32>,
      tpu.vector_store %arg11[%swap3A_211], %add3A_210 {strides = array<i32>} : memref<3088xi32, #tpu.memory_space<vmem>>, vector<16xi32>,
    }
    %mul3A_86 = arith.constant 3072 : i32
    %mul3A_87 = arith.muli %add3A, %mul3A_86 : i32
    %run_scoped3A_88 = arith.constant 1 : i32
    "tpu.region"() ({
      %run_scoped3A_180 = tpu.sem_alloc : memref<!tpu.dma_semaphore, #tpu.memory_space<semaphore_mem>>
      %dma_start3A = arith.constant 0 : i32
      %dma_start3A_181 = tpu.memref_slice %arg10[%dma_start3A] : memref<3088xi32, #tpu.memory_space<vmem>> -> memref<3072xi32, #tpu.memory_space<vmem>>
      %dma_start3A_182 = arith.constant 0 : i32
      %dma_start3A_183 = tpu.memref_slice %arg4[%run_scoped3A_88, %dma_start3A_182] : memref<4x98304xi32, #tpu.memory_space<hbm>> -> memref<1x98304xi32, #tpu.memory_space<hbm>>
      %dma_start3A_184 = tpu.memref_squeeze %dma_start3A_183 : memref<1x98304xi32, #tpu.memory_space<hbm>> -> memref<98304xi32, #tpu.memory_space<hbm>>
      %dma_start3A_185 = tpu.memref_slice %dma_start3A_184[%mul3A_87] : memref<98304xi32, #tpu.memory_space<hbm>> -> memref<3072xi32, #tpu.memory_space<hbm>>
      %dma_start3A_186 = arith.constant 0 : i32
      %dma_start3A_187 = tpu.memref_slice %arg4[%run_scoped3A_88, %dma_start3A_186] : memref<4x98304xi32, #tpu.memory_space<hbm>> -> memref<1x98304xi32, #tpu.memory_space<hbm>>
      %dma_start3A_188 = tpu.memref_squeeze %dma_start3A_187 : memref<1x98304xi32, #tpu.memory_space<hbm>> -> memref<98304xi32, #tpu.memory_space<hbm>>
      %dma_start3A_189 = tpu.memref_slice %dma_start3A_188[%mul3A_87] : memref<98304xi32, #tpu.memory_space<hbm>> -> memref<3072xi32, #tpu.memory_space<hbm>>
      %dma_start3A_190 = arith.constant 0 : i32
      %dma_start3A_191 = tpu.memref_slice %arg10[%dma_start3A_190] : memref<3088xi32, #tpu.memory_space<vmem>> -> memref<3072xi32, #tpu.memory_space<vmem>>
      tpu.enqueue_dma source(%dma_start3A_191 : memref<3072xi32, #tpu.memory_space<vmem>>) target(%dma_start3A_189 : memref<3072xi32, #tpu.memory_space<hbm>>) target_semaphore(%run_scoped3A_180 : memref<!tpu.dma_semaphore, #tpu.memory_space<semaphore_mem>>)
      %dma_wait3A = arith.constant 0 : i32
      %dma_wait3A_192 = tpu.memref_slice %arg10[%dma_wait3A] : memref<3088xi32, #tpu.memory_space<vmem>> -> memref<3072xi32, #tpu.memory_space<vmem>>
      %dma_wait3A_193 = arith.constant 0 : i32
      %dma_wait3A_194 = tpu.memref_slice %arg4[%run_scoped3A_88, %dma_wait3A_193] : memref<4x98304xi32, #tpu.memory_space<hbm>> -> memref<1x98304xi32, #tpu.memory_space<hbm>>
      %dma_wait3A_195 = tpu.memref_squeeze %dma_wait3A_194 : memref<1x98304xi32, #tpu.memory_space<hbm>> -> memref<98304xi32, #tpu.memory_space<hbm>>
      %dma_wait3A_196 = tpu.memref_slice %dma_wait3A_195[%mul3A_87] : memref<98304xi32, #tpu.memory_space<hbm>> -> memref<3072xi32, #tpu.memory_space<hbm>>
      %dma_wait3A_197 = arith.constant 0 : i32
      %dma_wait3A_198 = tpu.memref_slice %arg4[%run_scoped3A_88, %dma_wait3A_197] : memref<4x98304xi32, #tpu.memory_space<hbm>> -> memref<1x98304xi32, #tpu.memory_space<hbm>>
      %dma_wait3A_199 = tpu.memref_squeeze %dma_wait3A_198 : memref<1x98304xi32, #tpu.memory_space<hbm>> -> memref<98304xi32, #tpu.memory_space<hbm>>
      %dma_wait3A_200 = tpu.memref_slice %dma_wait3A_199[%mul3A_87] : memref<98304xi32, #tpu.memory_space<hbm>> -> memref<3072xi32, #tpu.memory_space<hbm>>
      %dma_wait3A_201 = arith.constant 0 : i32
      %dma_wait3A_202 = tpu.memref_slice %arg10[%dma_wait3A_201] : memref<3088xi32, #tpu.memory_space<vmem>> -> memref<3072xi32, #tpu.memory_space<vmem>>
      tpu.wait_dma2 semaphore(%run_scoped3A_180 : memref<!tpu.dma_semaphore, #tpu.memory_space<semaphore_mem>>) src(%dma_wait3A_202 : memref<3072xi32, #tpu.memory_space<vmem>>) dst(%dma_wait3A_200 : memref<3072xi32, #tpu.memory_space<hbm>>)
      tpu.yield
    }) : () -> ()
    %mul3A_89 = arith.constant 3072 : i32
    %mul3A_90 = arith.muli %add3A, %mul3A_89 : i32
    %run_scoped3A_91 = arith.constant 1 : i32
    "tpu.region"() ({
      %run_scoped3A_180 = tpu.sem_alloc : memref<!tpu.dma_semaphore, #tpu.memory_space<semaphore_mem>>
      %dma_start3A = arith.constant 0 : i32
      %dma_start3A_181 = tpu.memref_slice %arg11[%dma_start3A] : memref<3088xi32, #tpu.memory_space<vmem>> -> memref<3072xi32, #tpu.memory_space<vmem>>
      %dma_start3A_182 = arith.constant 0 : i32
      %dma_start3A_183 = tpu.memref_slice %arg5[%run_scoped3A_91, %dma_start3A_182] : memref<4x98304xi32, #tpu.memory_space<hbm>> -> memref<1x98304xi32, #tpu.memory_space<hbm>>
      %dma_start3A_184 = tpu.memref_squeeze %dma_start3A_183 : memref<1x98304xi32, #tpu.memory_space<hbm>> -> memref<98304xi32, #tpu.memory_space<hbm>>
      %dma_start3A_185 = tpu.memref_slice %dma_start3A_184[%mul3A_90] : memref<98304xi32, #tpu.memory_space<hbm>> -> memref<3072xi32, #tpu.memory_space<hbm>>
      %dma_start3A_186 = arith.constant 0 : i32
      %dma_start3A_187 = tpu.memref_slice %arg5[%run_scoped3A_91, %dma_start3A_186] : memref<4x98304xi32, #tpu.memory_space<hbm>> -> memref<1x98304xi32, #tpu.memory_space<hbm>>
      %dma_start3A_188 = tpu.memref_squeeze %dma_start3A_187 : memref<1x98304xi32, #tpu.memory_space<hbm>> -> memref<98304xi32, #tpu.memory_space<hbm>>
      %dma_start3A_189 = tpu.memref_slice %dma_start3A_188[%mul3A_90] : memref<98304xi32, #tpu.memory_space<hbm>> -> memref<3072xi32, #tpu.memory_space<hbm>>
      %dma_start3A_190 = arith.constant 0 : i32
      %dma_start3A_191 = tpu.memref_slice %arg11[%dma_start3A_190] : memref<3088xi32, #tpu.memory_space<vmem>> -> memref<3072xi32, #tpu.memory_space<vmem>>
      tpu.enqueue_dma source(%dma_start3A_191 : memref<3072xi32, #tpu.memory_space<vmem>>) target(%dma_start3A_189 : memref<3072xi32, #tpu.memory_space<hbm>>) target_semaphore(%run_scoped3A_180 : memref<!tpu.dma_semaphore, #tpu.memory_space<semaphore_mem>>)
      %dma_wait3A = arith.constant 0 : i32
      %dma_wait3A_192 = tpu.memref_slice %arg11[%dma_wait3A] : memref<3088xi32, #tpu.memory_space<vmem>> -> memref<3072xi32, #tpu.memory_space<vmem>>
      %dma_wait3A_193 = arith.constant 0 : i32
      %dma_wait3A_194 = tpu.memref_slice %arg5[%run_scoped3A_91, %dma_wait3A_193] : memref<4x98304xi32, #tpu.memory_space<hbm>> -> memref<1x98304xi32, #tpu.memory_space<hbm>>
      %dma_wait3A_195 = tpu.memref_squeeze %dma_wait3A_194 : memref<1x98304xi32, #tpu.memory_space<hbm>> -> memref<98304xi32, #tpu.memory_space<hbm>>
      %dma_wait3A_196 = tpu.memref_slice %dma_wait3A_195[%mul3A_90] : memref<98304xi32, #tpu.memory_space<hbm>> -> memref<3072xi32, #tpu.memory_space<hbm>>
      %dma_wait3A_197 = arith.constant 0 : i32
      %dma_wait3A_198 = tpu.memref_slice %arg5[%run_scoped3A_91, %dma_wait3A_197] : memref<4x98304xi32, #tpu.memory_space<hbm>> -> memref<1x98304xi32, #tpu.memory_space<hbm>>
      %dma_wait3A_199 = tpu.memref_squeeze %dma_wait3A_198 : memref<1x98304xi32, #tpu.memory_space<hbm>> -> memref<98304xi32, #tpu.memory_space<hbm>>
      %dma_wait3A_200 = tpu.memref_slice %dma_wait3A_199[%mul3A_90] : memref<98304xi32, #tpu.memory_space<hbm>> -> memref<3072xi32, #tpu.memory_space<hbm>>
      %dma_wait3A_201 = arith.constant 0 : i32
      %dma_wait3A_202 = tpu.memref_slice %arg11[%dma_wait3A_201] : memref<3088xi32, #tpu.memory_space<vmem>> -> memref<3072xi32, #tpu.memory_space<vmem>>
      tpu.wait_dma2 semaphore(%run_scoped3A_180 : memref<!tpu.dma_semaphore, #tpu.memory_space<semaphore_mem>>) src(%dma_wait3A_202 : memref<3072xi32, #tpu.memory_space<vmem>>) dst(%dma_wait3A_200 : memref<3072xi32, #tpu.memory_space<hbm>>)
      tpu.yield
    }) : () -> ()
    %sub3A_92 = arith.constant 3072 : i32
    %sub3A_93 = arith.subi %sub3A_92, %scan3A_12#2 : i32
    %add3A_94 = arith.constant 15 : i32
    %add3A_95 = arith.addi %sub3A_93, %add3A_94 : i32
    %jit3A_96 = arith.constant 16 : i32
    %div3A_97 = arith.divsi %add3A_95, %jit3A_96 : i32
    %sign3A_98 = arith.constant 0 : i32
    %sign3A_99 = arith.cmpi sgt, %add3A_95, %sign3A_98 : i32
    %sign3A_100 = arith.extui %sign3A_99 : i1 to i32
    %sign3A_101 = arith.constant 0 : i32
    %sign3A_102 = arith.cmpi slt, %add3A_95, %sign3A_101 : i32
    %sign3A_103 = arith.extui %sign3A_102 : i1 to i32
    %sign3A_104 = arith.subi %sign3A_100, %sign3A_103 : i32
    %sign3A_105 = arith.constant 0 : i32
    %sign3A_106 = arith.cmpi sgt, %jit3A_96, %sign3A_105 : i32
    %sign3A_107 = arith.extui %sign3A_106 : i1 to i32
    %sign3A_108 = arith.constant 0 : i32
    %sign3A_109 = arith.cmpi slt, %jit3A_96, %sign3A_108 : i32
    %sign3A_110 = arith.extui %sign3A_109 : i1 to i32
    %sign3A_111 = arith.subi %sign3A_107, %sign3A_110 : i32
    %ne3A_112 = arith.cmpi ne, %sign3A_104, %sign3A_111 : i32
    %rem3A_113 = arith.remsi %add3A_95, %jit3A_96 : i32
    %ne3A_114 = arith.constant 0 : i32
    %ne3A_115 = arith.cmpi ne, %rem3A_113, %ne3A_114 : i32
    %and3A_116 = arith.andi %ne3A_112, %ne3A_115 : i1
    %sub3A_117 = arith.constant 1 : i32
    %sub3A_118 = arith.subi %div3A_97, %sub3A_117 : i32
    %select_n3A_119 = arith.select %and3A_116, %sub3A_118, %div3A_97 : i32
    %while3A_120 = arith.constant 0 : i32
    %while3A_121 = arith.constant 0 : i32
    %while3A_122 = arith.subi %select_n3A_119, %while3A_121 : i32
    %while3A_123 = arith.addi %while3A_121, %while3A_122 : i32
    %while3A_124 = arith.constant 1 : i32
    %while3A_125 = arith.divsi %while3A_122, %while3A_124 : i32
    %while3A_126 = arith.muli %while3A_125, %while3A_124 : i32
    %while3A_127 = arith.addi %while3A_121, %while3A_126 : i32
    %while3A_128 = arith.constant 1 : i32
    scf.for %while3A_180 = %while3A_121 to %while3A_127 step %while3A_128  : i32 {
      %mul3A_181 = arith.constant 16 : i32
      %mul3A_182 = arith.muli %while3A_180, %mul3A_181 : i32
      %add3A_183 = arith.addi %scan3A_12#2, %mul3A_182 : i32
      %broadcast_in_dim3A = arith.constant 0 : i32
      %broadcast_in_dim3A_184 = vector.broadcast %broadcast_in_dim3A : i32 to vector<16xi32>
      %swap3A = arith.index_cast %add3A_183 : i32 to index
      %swap3A_185 = tpu.vector_load %arg12[%swap3A] {strides = array<i32>} : memref<3088xi32, #tpu.memory_space<vmem>>, vector<16xi32>,
      tpu.vector_store %arg12[%swap3A], %broadcast_in_dim3A_184 {strides = array<i32>} : memref<3088xi32, #tpu.memory_space<vmem>>, vector<16xi32>,
      %add3A_186 = vector.broadcast %add3A_183 : i32 to vector<16xi32>
      %add3A_187 = arith.addi %add3A_186, %iota3A : vector<16xi32>
      %jit3A_188 = arith.constant 128 : i32
      %eq3A = arith.constant 0 : i32
      %eq3A_189 = arith.cmpi eq, %jit3A_188, %eq3A : i32
      %jit3A_190 = arith.constant 1 : i32
      %select_n3A_191 = arith.select %eq3A_189, %jit3A_190, %jit3A_188 : i32
      %rem3A_192 = vector.broadcast %select_n3A_191 : i32 to vector<16xi32>
      %rem3A_193 = arith.remsi %add3A_187, %rem3A_192 : vector<16xi32>
      %ne3A_194 = arith.constant 0 : i32
      %ne3A_195 = vector.broadcast %ne3A_194 : i32 to vector<16xi32>
      %ne3A_196 = arith.cmpi ne, %rem3A_193, %ne3A_195 : vector<16xi32>
      %lt3A = arith.constant 0 : i32
      %lt3A_197 = vector.broadcast %lt3A : i32 to vector<16xi32>
      %lt3A_198 = arith.cmpi slt, %rem3A_193, %lt3A_197 : vector<16xi32>
      %lt3A_199 = arith.constant 0 : i32
      %lt3A_200 = arith.cmpi slt, %select_n3A_191, %lt3A_199 : i32
      %ne3A_201 = vector.broadcast %lt3A_200 : i1 to vector<16xi1>
      %ne3A_202 = vector.broadcast %ne3A_201 : vector<16xi1> to vector<16xi1>
      %ne3A_203 = arith.xori %lt3A_198, %ne3A_202 : vector<16xi1>
      %and3A_204 = arith.andi %ne3A_203, %ne3A_196 : vector<16xi1>
      %add3A_205 = vector.broadcast %select_n3A_191 : i32 to vector<16xi32>
      %add3A_206 = arith.addi %rem3A_193, %add3A_205 : vector<16xi32>
      %select_n3A_207 = arith.select %and3A_204, %add3A_206, %rem3A_193 : vector<16xi1>, vector<16xi32>
      %add3A_208 = arith.constant 5120 : i32
      %add3A_209 = vector.broadcast %add3A_208 : i32 to vector<16xi32>
      %add3A_210 = arith.addi %add3A_209, %select_n3A_207 : vector<16xi32>
      %swap3A_211 = arith.index_cast %add3A_183 : i32 to index
      %swap3A_212 = tpu.vector_load %arg13[%swap3A_211] {strides = array<i32>} : memref<3088xi32, #tpu.memory_space<vmem>>, vector<16xi32>,
      tpu.vector_store %arg13[%swap3A_211], %add3A_210 {strides = array<i32>} : memref<3088xi32, #tpu.memory_space<vmem>>, vector<16xi32>,
    }
    %while3A_129 = arith.constant 1 : i32
    scf.for %while3A_180 = %while3A_127 to %while3A_123 step %while3A_129  : i32 {
      %mul3A_181 = arith.constant 16 : i32
      %mul3A_182 = arith.muli %while3A_180, %mul3A_181 : i32
      %add3A_183 = arith.addi %scan3A_12#2, %mul3A_182 : i32
      %broadcast_in_dim3A = arith.constant 0 : i32
      %broadcast_in_dim3A_184 = vector.broadcast %broadcast_in_dim3A : i32 to vector<16xi32>
      %swap3A = arith.index_cast %add3A_183 : i32 to index
      %swap3A_185 = tpu.vector_load %arg12[%swap3A] {strides = array<i32>} : memref<3088xi32, #tpu.memory_space<vmem>>, vector<16xi32>,
      tpu.vector_store %arg12[%swap3A], %broadcast_in_dim3A_184 {strides = array<i32>} : memref<3088xi32, #tpu.memory_space<vmem>>, vector<16xi32>,
      %add3A_186 = vector.broadcast %add3A_183 : i32 to vector<16xi32>
      %add3A_187 = arith.addi %add3A_186, %iota3A : vector<16xi32>
      %jit3A_188 = arith.constant 128 : i32
      %eq3A = arith.constant 0 : i32
      %eq3A_189 = arith.cmpi eq, %jit3A_188, %eq3A : i32
      %jit3A_190 = arith.constant 1 : i32
      %select_n3A_191 = arith.select %eq3A_189, %jit3A_190, %jit3A_188 : i32
      %rem3A_192 = vector.broadcast %select_n3A_191 : i32 to vector<16xi32>
      %rem3A_193 = arith.remsi %add3A_187, %rem3A_192 : vector<16xi32>
      %ne3A_194 = arith.constant 0 : i32
      %ne3A_195 = vector.broadcast %ne3A_194 : i32 to vector<16xi32>
      %ne3A_196 = arith.cmpi ne, %rem3A_193, %ne3A_195 : vector<16xi32>
      %lt3A = arith.constant 0 : i32
      %lt3A_197 = vector.broadcast %lt3A : i32 to vector<16xi32>
      %lt3A_198 = arith.cmpi slt, %rem3A_193, %lt3A_197 : vector<16xi32>
      %lt3A_199 = arith.constant 0 : i32
      %lt3A_200 = arith.cmpi slt, %select_n3A_191, %lt3A_199 : i32
      %ne3A_201 = vector.broadcast %lt3A_200 : i1 to vector<16xi1>
      %ne3A_202 = vector.broadcast %ne3A_201 : vector<16xi1> to vector<16xi1>
      %ne3A_203 = arith.xori %lt3A_198, %ne3A_202 : vector<16xi1>
      %and3A_204 = arith.andi %ne3A_203, %ne3A_196 : vector<16xi1>
      %add3A_205 = vector.broadcast %select_n3A_191 : i32 to vector<16xi32>
      %add3A_206 = arith.addi %rem3A_193, %add3A_205 : vector<16xi32>
      %select_n3A_207 = arith.select %and3A_204, %add3A_206, %rem3A_193 : vector<16xi1>, vector<16xi32>
      %add3A_208 = arith.constant 5120 : i32
      %add3A_209 = vector.broadcast %add3A_208 : i32 to vector<16xi32>
      %add3A_210 = arith.addi %add3A_209, %select_n3A_207 : vector<16xi32>
      %swap3A_211 = arith.index_cast %add3A_183 : i32 to index
      %swap3A_212 = tpu.vector_load %arg13[%swap3A_211] {strides = array<i32>} : memref<3088xi32, #tpu.memory_space<vmem>>, vector<16xi32>,
      tpu.vector_store %arg13[%swap3A_211], %add3A_210 {strides = array<i32>} : memref<3088xi32, #tpu.memory_space<vmem>>, vector<16xi32>,
    }
    %mul3A_130 = arith.constant 3072 : i32
    %mul3A_131 = arith.muli %add3A, %mul3A_130 : i32
    %run_scoped3A_132 = arith.constant 2 : i32
    "tpu.region"() ({
      %run_scoped3A_180 = tpu.sem_alloc : memref<!tpu.dma_semaphore, #tpu.memory_space<semaphore_mem>>
      %dma_start3A = arith.constant 0 : i32
      %dma_start3A_181 = tpu.memref_slice %arg12[%dma_start3A] : memref<3088xi32, #tpu.memory_space<vmem>> -> memref<3072xi32, #tpu.memory_space<vmem>>
      %dma_start3A_182 = arith.constant 0 : i32
      %dma_start3A_183 = tpu.memref_slice %arg4[%run_scoped3A_132, %dma_start3A_182] : memref<4x98304xi32, #tpu.memory_space<hbm>> -> memref<1x98304xi32, #tpu.memory_space<hbm>>
      %dma_start3A_184 = tpu.memref_squeeze %dma_start3A_183 : memref<1x98304xi32, #tpu.memory_space<hbm>> -> memref<98304xi32, #tpu.memory_space<hbm>>
      %dma_start3A_185 = tpu.memref_slice %dma_start3A_184[%mul3A_131] : memref<98304xi32, #tpu.memory_space<hbm>> -> memref<3072xi32, #tpu.memory_space<hbm>>
      %dma_start3A_186 = arith.constant 0 : i32
      %dma_start3A_187 = tpu.memref_slice %arg4[%run_scoped3A_132, %dma_start3A_186] : memref<4x98304xi32, #tpu.memory_space<hbm>> -> memref<1x98304xi32, #tpu.memory_space<hbm>>
      %dma_start3A_188 = tpu.memref_squeeze %dma_start3A_187 : memref<1x98304xi32, #tpu.memory_space<hbm>> -> memref<98304xi32, #tpu.memory_space<hbm>>
      %dma_start3A_189 = tpu.memref_slice %dma_start3A_188[%mul3A_131] : memref<98304xi32, #tpu.memory_space<hbm>> -> memref<3072xi32, #tpu.memory_space<hbm>>
      %dma_start3A_190 = arith.constant 0 : i32
      %dma_start3A_191 = tpu.memref_slice %arg12[%dma_start3A_190] : memref<3088xi32, #tpu.memory_space<vmem>> -> memref<3072xi32, #tpu.memory_space<vmem>>
      tpu.enqueue_dma source(%dma_start3A_191 : memref<3072xi32, #tpu.memory_space<vmem>>) target(%dma_start3A_189 : memref<3072xi32, #tpu.memory_space<hbm>>) target_semaphore(%run_scoped3A_180 : memref<!tpu.dma_semaphore, #tpu.memory_space<semaphore_mem>>)
      %dma_wait3A = arith.constant 0 : i32
      %dma_wait3A_192 = tpu.memref_slice %arg12[%dma_wait3A] : memref<3088xi32, #tpu.memory_space<vmem>> -> memref<3072xi32, #tpu.memory_space<vmem>>
      %dma_wait3A_193 = arith.constant 0 : i32
      %dma_wait3A_194 = tpu.memref_slice %arg4[%run_scoped3A_132, %dma_wait3A_193] : memref<4x98304xi32, #tpu.memory_space<hbm>> -> memref<1x98304xi32, #tpu.memory_space<hbm>>
      %dma_wait3A_195 = tpu.memref_squeeze %dma_wait3A_194 : memref<1x98304xi32, #tpu.memory_space<hbm>> -> memref<98304xi32, #tpu.memory_space<hbm>>
      %dma_wait3A_196 = tpu.memref_slice %dma_wait3A_195[%mul3A_131] : memref<98304xi32, #tpu.memory_space<hbm>> -> memref<3072xi32, #tpu.memory_space<hbm>>
      %dma_wait3A_197 = arith.constant 0 : i32
      %dma_wait3A_198 = tpu.memref_slice %arg4[%run_scoped3A_132, %dma_wait3A_197] : memref<4x98304xi32, #tpu.memory_space<hbm>> -> memref<1x98304xi32, #tpu.memory_space<hbm>>
      %dma_wait3A_199 = tpu.memref_squeeze %dma_wait3A_198 : memref<1x98304xi32, #tpu.memory_space<hbm>> -> memref<98304xi32, #tpu.memory_space<hbm>>
      %dma_wait3A_200 = tpu.memref_slice %dma_wait3A_199[%mul3A_131] : memref<98304xi32, #tpu.memory_space<hbm>> -> memref<3072xi32, #tpu.memory_space<hbm>>
      %dma_wait3A_201 = arith.constant 0 : i32
      %dma_wait3A_202 = tpu.memref_slice %arg12[%dma_wait3A_201] : memref<3088xi32, #tpu.memory_space<vmem>> -> memref<3072xi32, #tpu.memory_space<vmem>>
      tpu.wait_dma2 semaphore(%run_scoped3A_180 : memref<!tpu.dma_semaphore, #tpu.memory_space<semaphore_mem>>) src(%dma_wait3A_202 : memref<3072xi32, #tpu.memory_space<vmem>>) dst(%dma_wait3A_200 : memref<3072xi32, #tpu.memory_space<hbm>>)
      tpu.yield
    }) : () -> ()
    %mul3A_133 = arith.constant 3072 : i32
    %mul3A_134 = arith.muli %add3A, %mul3A_133 : i32
    %run_scoped3A_135 = arith.constant 2 : i32
    "tpu.region"() ({
      %run_scoped3A_180 = tpu.sem_alloc : memref<!tpu.dma_semaphore, #tpu.memory_space<semaphore_mem>>
      %dma_start3A = arith.constant 0 : i32
      %dma_start3A_181 = tpu.memref_slice %arg13[%dma_start3A] : memref<3088xi32, #tpu.memory_space<vmem>> -> memref<3072xi32, #tpu.memory_space<vmem>>
      %dma_start3A_182 = arith.constant 0 : i32
      %dma_start3A_183 = tpu.memref_slice %arg5[%run_scoped3A_135, %dma_start3A_182] : memref<4x98304xi32, #tpu.memory_space<hbm>> -> memref<1x98304xi32, #tpu.memory_space<hbm>>
      %dma_start3A_184 = tpu.memref_squeeze %dma_start3A_183 : memref<1x98304xi32, #tpu.memory_space<hbm>> -> memref<98304xi32, #tpu.memory_space<hbm>>
      %dma_start3A_185 = tpu.memref_slice %dma_start3A_184[%mul3A_134] : memref<98304xi32, #tpu.memory_space<hbm>> -> memref<3072xi32, #tpu.memory_space<hbm>>
      %dma_start3A_186 = arith.constant 0 : i32
      %dma_start3A_187 = tpu.memref_slice %arg5[%run_scoped3A_135, %dma_start3A_186] : memref<4x98304xi32, #tpu.memory_space<hbm>> -> memref<1x98304xi32, #tpu.memory_space<hbm>>
      %dma_start3A_188 = tpu.memref_squeeze %dma_start3A_187 : memref<1x98304xi32, #tpu.memory_space<hbm>> -> memref<98304xi32, #tpu.memory_space<hbm>>
      %dma_start3A_189 = tpu.memref_slice %dma_start3A_188[%mul3A_134] : memref<98304xi32, #tpu.memory_space<hbm>> -> memref<3072xi32, #tpu.memory_space<hbm>>
      %dma_start3A_190 = arith.constant 0 : i32
      %dma_start3A_191 = tpu.memref_slice %arg13[%dma_start3A_190] : memref<3088xi32, #tpu.memory_space<vmem>> -> memref<3072xi32, #tpu.memory_space<vmem>>
      tpu.enqueue_dma source(%dma_start3A_191 : memref<3072xi32, #tpu.memory_space<vmem>>) target(%dma_start3A_189 : memref<3072xi32, #tpu.memory_space<hbm>>) target_semaphore(%run_scoped3A_180 : memref<!tpu.dma_semaphore, #tpu.memory_space<semaphore_mem>>)
      %dma_wait3A = arith.constant 0 : i32
      %dma_wait3A_192 = tpu.memref_slice %arg13[%dma_wait3A] : memref<3088xi32, #tpu.memory_space<vmem>> -> memref<3072xi32, #tpu.memory_space<vmem>>
      %dma_wait3A_193 = arith.constant 0 : i32
      %dma_wait3A_194 = tpu.memref_slice %arg5[%run_scoped3A_135, %dma_wait3A_193] : memref<4x98304xi32, #tpu.memory_space<hbm>> -> memref<1x98304xi32, #tpu.memory_space<hbm>>
      %dma_wait3A_195 = tpu.memref_squeeze %dma_wait3A_194 : memref<1x98304xi32, #tpu.memory_space<hbm>> -> memref<98304xi32, #tpu.memory_space<hbm>>
      %dma_wait3A_196 = tpu.memref_slice %dma_wait3A_195[%mul3A_134] : memref<98304xi32, #tpu.memory_space<hbm>> -> memref<3072xi32, #tpu.memory_space<hbm>>
      %dma_wait3A_197 = arith.constant 0 : i32
      %dma_wait3A_198 = tpu.memref_slice %arg5[%run_scoped3A_135, %dma_wait3A_197] : memref<4x98304xi32, #tpu.memory_space<hbm>> -> memref<1x98304xi32, #tpu.memory_space<hbm>>
      %dma_wait3A_199 = tpu.memref_squeeze %dma_wait3A_198 : memref<1x98304xi32, #tpu.memory_space<hbm>> -> memref<98304xi32, #tpu.memory_space<hbm>>
      %dma_wait3A_200 = tpu.memref_slice %dma_wait3A_199[%mul3A_134] : memref<98304xi32, #tpu.memory_space<hbm>> -> memref<3072xi32, #tpu.memory_space<hbm>>
      %dma_wait3A_201 = arith.constant 0 : i32
      %dma_wait3A_202 = tpu.memref_slice %arg13[%dma_wait3A_201] : memref<3088xi32, #tpu.memory_space<vmem>> -> memref<3072xi32, #tpu.memory_space<vmem>>
      tpu.wait_dma2 semaphore(%run_scoped3A_180 : memref<!tpu.dma_semaphore, #tpu.memory_space<semaphore_mem>>) src(%dma_wait3A_202 : memref<3072xi32, #tpu.memory_space<vmem>>) dst(%dma_wait3A_200 : memref<3072xi32, #tpu.memory_space<hbm>>)
      tpu.yield
    }) : () -> ()
    %sub3A_136 = arith.constant 3072 : i32
    %sub3A_137 = arith.subi %sub3A_136, %scan3A_12#3 : i32
    %add3A_138 = arith.constant 15 : i32
    %add3A_139 = arith.addi %sub3A_137, %add3A_138 : i32
    %jit3A_140 = arith.constant 16 : i32
    %div3A_141 = arith.divsi %add3A_139, %jit3A_140 : i32
    %sign3A_142 = arith.constant 0 : i32
    %sign3A_143 = arith.cmpi sgt, %add3A_139, %sign3A_142 : i32
    %sign3A_144 = arith.extui %sign3A_143 : i1 to i32
    %sign3A_145 = arith.constant 0 : i32
    %sign3A_146 = arith.cmpi slt, %add3A_139, %sign3A_145 : i32
    %sign3A_147 = arith.extui %sign3A_146 : i1 to i32
    %sign3A_148 = arith.subi %sign3A_144, %sign3A_147 : i32
    %sign3A_149 = arith.constant 0 : i32
    %sign3A_150 = arith.cmpi sgt, %jit3A_140, %sign3A_149 : i32
    %sign3A_151 = arith.extui %sign3A_150 : i1 to i32
    %sign3A_152 = arith.constant 0 : i32
    %sign3A_153 = arith.cmpi slt, %jit3A_140, %sign3A_152 : i32
    %sign3A_154 = arith.extui %sign3A_153 : i1 to i32
    %sign3A_155 = arith.subi %sign3A_151, %sign3A_154 : i32
    %ne3A_156 = arith.cmpi ne, %sign3A_148, %sign3A_155 : i32
    %rem3A_157 = arith.remsi %add3A_139, %jit3A_140 : i32
    %ne3A_158 = arith.constant 0 : i32
    %ne3A_159 = arith.cmpi ne, %rem3A_157, %ne3A_158 : i32
    %and3A_160 = arith.andi %ne3A_156, %ne3A_159 : i1
    %sub3A_161 = arith.constant 1 : i32
    %sub3A_162 = arith.subi %div3A_141, %sub3A_161 : i32
    %select_n3A_163 = arith.select %and3A_160, %sub3A_162, %div3A_141 : i32
    %while3A_164 = arith.constant 0 : i32
    %while3A_165 = arith.constant 0 : i32
    %while3A_166 = arith.subi %select_n3A_163, %while3A_165 : i32
    %while3A_167 = arith.addi %while3A_165, %while3A_166 : i32
    %while3A_168 = arith.constant 1 : i32
    %while3A_169 = arith.divsi %while3A_166, %while3A_168 : i32
    %while3A_170 = arith.muli %while3A_169, %while3A_168 : i32
    %while3A_171 = arith.addi %while3A_165, %while3A_170 : i32
    %while3A_172 = arith.constant 1 : i32
    scf.for %while3A_180 = %while3A_165 to %while3A_171 step %while3A_172  : i32 {
      %mul3A_181 = arith.constant 16 : i32
      %mul3A_182 = arith.muli %while3A_180, %mul3A_181 : i32
      %add3A_183 = arith.addi %scan3A_12#3, %mul3A_182 : i32
      %broadcast_in_dim3A = arith.constant 0 : i32
      %broadcast_in_dim3A_184 = vector.broadcast %broadcast_in_dim3A : i32 to vector<16xi32>
      %swap3A = arith.index_cast %add3A_183 : i32 to index
      %swap3A_185 = tpu.vector_load %arg14[%swap3A] {strides = array<i32>} : memref<3088xi32, #tpu.memory_space<vmem>>, vector<16xi32>,
      tpu.vector_store %arg14[%swap3A], %broadcast_in_dim3A_184 {strides = array<i32>} : memref<3088xi32, #tpu.memory_space<vmem>>, vector<16xi32>,
      %add3A_186 = vector.broadcast %add3A_183 : i32 to vector<16xi32>
      %add3A_187 = arith.addi %add3A_186, %iota3A : vector<16xi32>
      %jit3A_188 = arith.constant 128 : i32
      %eq3A = arith.constant 0 : i32
      %eq3A_189 = arith.cmpi eq, %jit3A_188, %eq3A : i32
      %jit3A_190 = arith.constant 1 : i32
      %select_n3A_191 = arith.select %eq3A_189, %jit3A_190, %jit3A_188 : i32
      %rem3A_192 = vector.broadcast %select_n3A_191 : i32 to vector<16xi32>
      %rem3A_193 = arith.remsi %add3A_187, %rem3A_192 : vector<16xi32>
      %ne3A_194 = arith.constant 0 : i32
      %ne3A_195 = vector.broadcast %ne3A_194 : i32 to vector<16xi32>
      %ne3A_196 = arith.cmpi ne, %rem3A_193, %ne3A_195 : vector<16xi32>
      %lt3A = arith.constant 0 : i32
      %lt3A_197 = vector.broadcast %lt3A : i32 to vector<16xi32>
      %lt3A_198 = arith.cmpi slt, %rem3A_193, %lt3A_197 : vector<16xi32>
      %lt3A_199 = arith.constant 0 : i32
      %lt3A_200 = arith.cmpi slt, %select_n3A_191, %lt3A_199 : i32
      %ne3A_201 = vector.broadcast %lt3A_200 : i1 to vector<16xi1>
      %ne3A_202 = vector.broadcast %ne3A_201 : vector<16xi1> to vector<16xi1>
      %ne3A_203 = arith.xori %lt3A_198, %ne3A_202 : vector<16xi1>
      %and3A_204 = arith.andi %ne3A_203, %ne3A_196 : vector<16xi1>
      %add3A_205 = vector.broadcast %select_n3A_191 : i32 to vector<16xi32>
      %add3A_206 = arith.addi %rem3A_193, %add3A_205 : vector<16xi32>
      %select_n3A_207 = arith.select %and3A_204, %add3A_206, %rem3A_193 : vector<16xi1>, vector<16xi32>
      %add3A_208 = arith.constant 5120 : i32
      %add3A_209 = vector.broadcast %add3A_208 : i32 to vector<16xi32>
      %add3A_210 = arith.addi %add3A_209, %select_n3A_207 : vector<16xi32>
      %swap3A_211 = arith.index_cast %add3A_183 : i32 to index
      %swap3A_212 = tpu.vector_load %arg15[%swap3A_211] {strides = array<i32>} : memref<3088xi32, #tpu.memory_space<vmem>>, vector<16xi32>,
      tpu.vector_store %arg15[%swap3A_211], %add3A_210 {strides = array<i32>} : memref<3088xi32, #tpu.memory_space<vmem>>, vector<16xi32>,
    }
    %while3A_173 = arith.constant 1 : i32
    scf.for %while3A_180 = %while3A_171 to %while3A_167 step %while3A_173  : i32 {
      %mul3A_181 = arith.constant 16 : i32
      %mul3A_182 = arith.muli %while3A_180, %mul3A_181 : i32
      %add3A_183 = arith.addi %scan3A_12#3, %mul3A_182 : i32
      %broadcast_in_dim3A = arith.constant 0 : i32
      %broadcast_in_dim3A_184 = vector.broadcast %broadcast_in_dim3A : i32 to vector<16xi32>
      %swap3A = arith.index_cast %add3A_183 : i32 to index
      %swap3A_185 = tpu.vector_load %arg14[%swap3A] {strides = array<i32>} : memref<3088xi32, #tpu.memory_space<vmem>>, vector<16xi32>,
      tpu.vector_store %arg14[%swap3A], %broadcast_in_dim3A_184 {strides = array<i32>} : memref<3088xi32, #tpu.memory_space<vmem>>, vector<16xi32>,
      %add3A_186 = vector.broadcast %add3A_183 : i32 to vector<16xi32>
      %add3A_187 = arith.addi %add3A_186, %iota3A : vector<16xi32>
      %jit3A_188 = arith.constant 128 : i32
      %eq3A = arith.constant 0 : i32
      %eq3A_189 = arith.cmpi eq, %jit3A_188, %eq3A : i32
      %jit3A_190 = arith.constant 1 : i32
      %select_n3A_191 = arith.select %eq3A_189, %jit3A_190, %jit3A_188 : i32
      %rem3A_192 = vector.broadcast %select_n3A_191 : i32 to vector<16xi32>
      %rem3A_193 = arith.remsi %add3A_187, %rem3A_192 : vector<16xi32>
      %ne3A_194 = arith.constant 0 : i32
      %ne3A_195 = vector.broadcast %ne3A_194 : i32 to vector<16xi32>
      %ne3A_196 = arith.cmpi ne, %rem3A_193, %ne3A_195 : vector<16xi32>
      %lt3A = arith.constant 0 : i32
      %lt3A_197 = vector.broadcast %lt3A : i32 to vector<16xi32>
      %lt3A_198 = arith.cmpi slt, %rem3A_193, %lt3A_197 : vector<16xi32>
      %lt3A_199 = arith.constant 0 : i32
      %lt3A_200 = arith.cmpi slt, %select_n3A_191, %lt3A_199 : i32
      %ne3A_201 = vector.broadcast %lt3A_200 : i1 to vector<16xi1>
      %ne3A_202 = vector.broadcast %ne3A_201 : vector<16xi1> to vector<16xi1>
      %ne3A_203 = arith.xori %lt3A_198, %ne3A_202 : vector<16xi1>
      %and3A_204 = arith.andi %ne3A_203, %ne3A_196 : vector<16xi1>
      %add3A_205 = vector.broadcast %select_n3A_191 : i32 to vector<16xi32>
      %add3A_206 = arith.addi %rem3A_193, %add3A_205 : vector<16xi32>
      %select_n3A_207 = arith.select %and3A_204, %add3A_206, %rem3A_193 : vector<16xi1>, vector<16xi32>
      %add3A_208 = arith.constant 5120 : i32
      %add3A_209 = vector.broadcast %add3A_208 : i32 to vector<16xi32>
      %add3A_210 = arith.addi %add3A_209, %select_n3A_207 : vector<16xi32>
      %swap3A_211 = arith.index_cast %add3A_183 : i32 to index
      %swap3A_212 = tpu.vector_load %arg15[%swap3A_211] {strides = array<i32>} : memref<3088xi32, #tpu.memory_space<vmem>>, vector<16xi32>,
      tpu.vector_store %arg15[%swap3A_211], %add3A_210 {strides = array<i32>} : memref<3088xi32, #tpu.memory_space<vmem>>, vector<16xi32>,
    }
    %mul3A_174 = arith.constant 3072 : i32
    %mul3A_175 = arith.muli %add3A, %mul3A_174 : i32
    %run_scoped3A_176 = arith.constant 3 : i32
    "tpu.region"() ({
      %run_scoped3A_180 = tpu.sem_alloc : memref<!tpu.dma_semaphore, #tpu.memory_space<semaphore_mem>>
      %dma_start3A = arith.constant 0 : i32
      %dma_start3A_181 = tpu.memref_slice %arg14[%dma_start3A] : memref<3088xi32, #tpu.memory_space<vmem>> -> memref<3072xi32, #tpu.memory_space<vmem>>
      %dma_start3A_182 = arith.constant 0 : i32
      %dma_start3A_183 = tpu.memref_slice %arg4[%run_scoped3A_176, %dma_start3A_182] : memref<4x98304xi32, #tpu.memory_space<hbm>> -> memref<1x98304xi32, #tpu.memory_space<hbm>>
      %dma_start3A_184 = tpu.memref_squeeze %dma_start3A_183 : memref<1x98304xi32, #tpu.memory_space<hbm>> -> memref<98304xi32, #tpu.memory_space<hbm>>
      %dma_start3A_185 = tpu.memref_slice %dma_start3A_184[%mul3A_175] : memref<98304xi32, #tpu.memory_space<hbm>> -> memref<3072xi32, #tpu.memory_space<hbm>>
      %dma_start3A_186 = arith.constant 0 : i32
      %dma_start3A_187 = tpu.memref_slice %arg4[%run_scoped3A_176, %dma_start3A_186] : memref<4x98304xi32, #tpu.memory_space<hbm>> -> memref<1x98304xi32, #tpu.memory_space<hbm>>
      %dma_start3A_188 = tpu.memref_squeeze %dma_start3A_187 : memref<1x98304xi32, #tpu.memory_space<hbm>> -> memref<98304xi32, #tpu.memory_space<hbm>>
      %dma_start3A_189 = tpu.memref_slice %dma_start3A_188[%mul3A_175] : memref<98304xi32, #tpu.memory_space<hbm>> -> memref<3072xi32, #tpu.memory_space<hbm>>
      %dma_start3A_190 = arith.constant 0 : i32
      %dma_start3A_191 = tpu.memref_slice %arg14[%dma_start3A_190] : memref<3088xi32, #tpu.memory_space<vmem>> -> memref<3072xi32, #tpu.memory_space<vmem>>
      tpu.enqueue_dma source(%dma_start3A_191 : memref<3072xi32, #tpu.memory_space<vmem>>) target(%dma_start3A_189 : memref<3072xi32, #tpu.memory_space<hbm>>) target_semaphore(%run_scoped3A_180 : memref<!tpu.dma_semaphore, #tpu.memory_space<semaphore_mem>>)
      %dma_wait3A = arith.constant 0 : i32
      %dma_wait3A_192 = tpu.memref_slice %arg14[%dma_wait3A] : memref<3088xi32, #tpu.memory_space<vmem>> -> memref<3072xi32, #tpu.memory_space<vmem>>
      %dma_wait3A_193 = arith.constant 0 : i32
      %dma_wait3A_194 = tpu.memref_slice %arg4[%run_scoped3A_176, %dma_wait3A_193] : memref<4x98304xi32, #tpu.memory_space<hbm>> -> memref<1x98304xi32, #tpu.memory_space<hbm>>
      %dma_wait3A_195 = tpu.memref_squeeze %dma_wait3A_194 : memref<1x98304xi32, #tpu.memory_space<hbm>> -> memref<98304xi32, #tpu.memory_space<hbm>>
      %dma_wait3A_196 = tpu.memref_slice %dma_wait3A_195[%mul3A_175] : memref<98304xi32, #tpu.memory_space<hbm>> -> memref<3072xi32, #tpu.memory_space<hbm>>
      %dma_wait3A_197 = arith.constant 0 : i32
      %dma_wait3A_198 = tpu.memref_slice %arg4[%run_scoped3A_176, %dma_wait3A_197] : memref<4x98304xi32, #tpu.memory_space<hbm>> -> memref<1x98304xi32, #tpu.memory_space<hbm>>
      %dma_wait3A_199 = tpu.memref_squeeze %dma_wait3A_198 : memref<1x98304xi32, #tpu.memory_space<hbm>> -> memref<98304xi32, #tpu.memory_space<hbm>>
      %dma_wait3A_200 = tpu.memref_slice %dma_wait3A_199[%mul3A_175] : memref<98304xi32, #tpu.memory_space<hbm>> -> memref<3072xi32, #tpu.memory_space<hbm>>
      %dma_wait3A_201 = arith.constant 0 : i32
      %dma_wait3A_202 = tpu.memref_slice %arg14[%dma_wait3A_201] : memref<3088xi32, #tpu.memory_space<vmem>> -> memref<3072xi32, #tpu.memory_space<vmem>>
      tpu.wait_dma2 semaphore(%run_scoped3A_180 : memref<!tpu.dma_semaphore, #tpu.memory_space<semaphore_mem>>) src(%dma_wait3A_202 : memref<3072xi32, #tpu.memory_space<vmem>>) dst(%dma_wait3A_200 : memref<3072xi32, #tpu.memory_space<hbm>>)
      tpu.yield
    }) : () -> ()
    %mul3A_177 = arith.constant 3072 : i32
    %mul3A_178 = arith.muli %add3A, %mul3A_177 : i32
    %run_scoped3A_179 = arith.constant 3 : i32
    "tpu.region"() ({
      %run_scoped3A_180 = tpu.sem_alloc : memref<!tpu.dma_semaphore, #tpu.memory_space<semaphore_mem>>
      %dma_start3A = arith.constant 0 : i32
      %dma_start3A_181 = tpu.memref_slice %arg15[%dma_start3A] : memref<3088xi32, #tpu.memory_space<vmem>> -> memref<3072xi32, #tpu.memory_space<vmem>>
      %dma_start3A_182 = arith.constant 0 : i32
      %dma_start3A_183 = tpu.memref_slice %arg5[%run_scoped3A_179, %dma_start3A_182] : memref<4x98304xi32, #tpu.memory_space<hbm>> -> memref<1x98304xi32, #tpu.memory_space<hbm>>
      %dma_start3A_184 = tpu.memref_squeeze %dma_start3A_183 : memref<1x98304xi32, #tpu.memory_space<hbm>> -> memref<98304xi32, #tpu.memory_space<hbm>>
      %dma_start3A_185 = tpu.memref_slice %dma_start3A_184[%mul3A_178] : memref<98304xi32, #tpu.memory_space<hbm>> -> memref<3072xi32, #tpu.memory_space<hbm>>
      %dma_start3A_186 = arith.constant 0 : i32
      %dma_start3A_187 = tpu.memref_slice %arg5[%run_scoped3A_179, %dma_start3A_186] : memref<4x98304xi32, #tpu.memory_space<hbm>> -> memref<1x98304xi32, #tpu.memory_space<hbm>>
      %dma_start3A_188 = tpu.memref_squeeze %dma_start3A_187 : memref<1x98304xi32, #tpu.memory_space<hbm>> -> memref<98304xi32, #tpu.memory_space<hbm>>
      %dma_start3A_189 = tpu.memref_slice %dma_start3A_188[%mul3A_178] : memref<98304xi32, #tpu.memory_space<hbm>> -> memref<3072xi32, #tpu.memory_space<hbm>>
      %dma_start3A_190 = arith.constant 0 : i32
      %dma_start3A_191 = tpu.memref_slice %arg15[%dma_start3A_190] : memref<3088xi32, #tpu.memory_space<vmem>> -> memref<3072xi32, #tpu.memory_space<vmem>>
      tpu.enqueue_dma source(%dma_start3A_191 : memref<3072xi32, #tpu.memory_space<vmem>>) target(%dma_start3A_189 : memref<3072xi32, #tpu.memory_space<hbm>>) target_semaphore(%run_scoped3A_180 : memref<!tpu.dma_semaphore, #tpu.memory_space<semaphore_mem>>)
      %dma_wait3A = arith.constant 0 : i32
      %dma_wait3A_192 = tpu.memref_slice %arg15[%dma_wait3A] : memref<3088xi32, #tpu.memory_space<vmem>> -> memref<3072xi32, #tpu.memory_space<vmem>>
      %dma_wait3A_193 = arith.constant 0 : i32
      %dma_wait3A_194 = tpu.memref_slice %arg5[%run_scoped3A_179, %dma_wait3A_193] : memref<4x98304xi32, #tpu.memory_space<hbm>> -> memref<1x98304xi32, #tpu.memory_space<hbm>>
      %dma_wait3A_195 = tpu.memref_squeeze %dma_wait3A_194 : memref<1x98304xi32, #tpu.memory_space<hbm>> -> memref<98304xi32, #tpu.memory_space<hbm>>
      %dma_wait3A_196 = tpu.memref_slice %dma_wait3A_195[%mul3A_178] : memref<98304xi32, #tpu.memory_space<hbm>> -> memref<3072xi32, #tpu.memory_space<hbm>>
      %dma_wait3A_197 = arith.constant 0 : i32
      %dma_wait3A_198 = tpu.memref_slice %arg5[%run_scoped3A_179, %dma_wait3A_197] : memref<4x98304xi32, #tpu.memory_space<hbm>> -> memref<1x98304xi32, #tpu.memory_space<hbm>>
      %dma_wait3A_199 = tpu.memref_squeeze %dma_wait3A_198 : memref<1x98304xi32, #tpu.memory_space<hbm>> -> memref<98304xi32, #tpu.memory_space<hbm>>
      %dma_wait3A_200 = tpu.memref_slice %dma_wait3A_199[%mul3A_178] : memref<98304xi32, #tpu.memory_space<hbm>> -> memref<3072xi32, #tpu.memory_space<hbm>>
      %dma_wait3A_201 = arith.constant 0 : i32
      %dma_wait3A_202 = tpu.memref_slice %arg15[%dma_wait3A_201] : memref<3088xi32, #tpu.memory_space<vmem>> -> memref<3072xi32, #tpu.memory_space<vmem>>
      tpu.wait_dma2 semaphore(%run_scoped3A_180 : memref<!tpu.dma_semaphore, #tpu.memory_space<semaphore_mem>>) src(%dma_wait3A_202 : memref<3072xi32, #tpu.memory_space<vmem>>) dst(%dma_wait3A_200 : memref<3072xi32, #tpu.memory_space<hbm>>)
      tpu.yield
    }) : () -> ()
    return
  }
}

#map = affine_map<(d0, d1) -> (0, 0, 0)>
#map1 = affine_map<(d0, d1) -> (0, 0)>
module attributes {stable_mosaic.version = 14 : i64} {
  func.func @k(%arg0: i32, %arg1: i32, %arg2: memref<2x5120x128xf32, #tpu.memory_space<hbm>>, %arg3: memref<4x768x128xi32, #tpu.memory_space<hbm>>, %arg4: memref<4x768x128xi32, #tpu.memory_space<hbm>>, %arg5: memref<640x128xf32, #tpu.memory_space<hbm>>, %arg6: memref<2x5376x128xf32, #tpu.memory_space<hbm>>, %arg7: memref<48x128xi32, #tpu.memory_space<vmem>>, %arg8: memref<48x128xi32, #tpu.memory_space<vmem>>, %arg9: memref<128x128xf32, #tpu.memory_space<vmem>>, %arg10: memref<128x128xf32, #tpu.memory_space<vmem>>, %arg11: memref<5376x128xf32, #tpu.memory_space<vmem_shared>>, %arg12: memref<5120x128xf32, #tpu.memory_space<vmem_shared>>, %arg13: memref<!tpu.dma_semaphore, #tpu.memory_space<semaphore_mem>>, %arg14: memref<!tpu.dma_semaphore, #tpu.memory_space<semaphore_mem>>) attributes {dimension_semantics = [#tpu.dimension_semantics<core_parallel>, #tpu.dimension_semantics<subcore_parallel>], iteration_bounds = array<i64: 2, 16>, scalar_prefetch = 0 : i64, scratch_operands = 8 : i64, tpu.core_type = #tpu.core_type<sc_vector_subcore>, window_params = [{transform_indices = #map}, {transform_indices = #map}, {transform_indices = #map}, {transform_indices = #map1}, {transform_indices = #map}]} {
    %mul3A = arith.constant 336 : i32
    %mul3A_0 = arith.muli %arg1, %mul3A : i32
    "tpu.region"() ({
      %run_scoped3A_52 = tpu.sem_alloc : memref<!tpu.dma_semaphore, #tpu.memory_space<semaphore_mem>>
      %dma_start3A_53 = arith.constant 0 : i32
      %dma_start3A_54 = tpu.memref_slice %arg11[%mul3A_0, %dma_start3A_53] : memref<5376x128xf32, #tpu.memory_space<vmem_shared>> -> memref<336x128xf32, #tpu.memory_space<vmem_shared>>
      %dma_start3A_55 = arith.constant 0 : i32
      %dma_start3A_56 = arith.constant 0 : i32
      %dma_start3A_57 = tpu.memref_slice %arg5[%dma_start3A_55, %dma_start3A_56] : memref<640x128xf32, #tpu.memory_space<hbm>> -> memref<336x128xf32, #tpu.memory_space<hbm>>
      tpu.enqueue_dma source(%dma_start3A_57 : memref<336x128xf32, #tpu.memory_space<hbm>>) target(%dma_start3A_54 : memref<336x128xf32, #tpu.memory_space<vmem_shared>>) target_semaphore(%run_scoped3A_52 : memref<!tpu.dma_semaphore, #tpu.memory_space<semaphore_mem>>)
      %dma_wait3A = arith.constant 0 : i32
      %dma_wait3A_58 = tpu.memref_slice %arg11[%mul3A_0, %dma_wait3A] : memref<5376x128xf32, #tpu.memory_space<vmem_shared>> -> memref<336x128xf32, #tpu.memory_space<vmem_shared>>
      %dma_wait3A_59 = arith.constant 0 : i32
      %dma_wait3A_60 = arith.constant 0 : i32
      %dma_wait3A_61 = tpu.memref_slice %arg5[%dma_wait3A_59, %dma_wait3A_60] : memref<640x128xf32, #tpu.memory_space<hbm>> -> memref<336x128xf32, #tpu.memory_space<hbm>>
      tpu.wait_dma2 semaphore(%run_scoped3A_52 : memref<!tpu.dma_semaphore, #tpu.memory_space<semaphore_mem>>) src(%dma_wait3A_61 : memref<336x128xf32, #tpu.memory_space<hbm>>) dst(%dma_wait3A_58 : memref<336x128xf32, #tpu.memory_space<vmem_shared>>)
      tpu.yield
    }) : () -> ()
    %mul3A_1 = arith.constant 320 : i32
    %mul3A_2 = arith.muli %arg1, %mul3A_1 : i32
    %mul3A_3 = arith.constant 320 : i32
    %mul3A_4 = arith.muli %arg1, %mul3A_3 : i32
    %run_scoped3A = arith.constant 0 : i32
    "tpu.region"() ({
      %run_scoped3A_52 = tpu.sem_alloc : memref<!tpu.dma_semaphore, #tpu.memory_space<semaphore_mem>>
      %dma_start3A_53 = arith.constant 0 : i32
      %dma_start3A_54 = tpu.memref_slice %arg12[%mul3A_4, %dma_start3A_53] : memref<5120x128xf32, #tpu.memory_space<vmem_shared>> -> memref<320x128xf32, #tpu.memory_space<vmem_shared>>
      %dma_start3A_55 = arith.constant 0 : i32
      %dma_start3A_56 = arith.constant 0 : i32
      %dma_start3A_57 = tpu.memref_slice %arg2[%run_scoped3A, %dma_start3A_55, %dma_start3A_56] : memref<2x5120x128xf32, #tpu.memory_space<hbm>> -> memref<1x5120x128xf32, #tpu.memory_space<hbm>>
      %dma_start3A_58 = tpu.memref_squeeze %dma_start3A_57 : memref<1x5120x128xf32, #tpu.memory_space<hbm>> -> memref<5120x128xf32, #tpu.memory_space<hbm>>
      %dma_start3A_59 = arith.constant 0 : i32
      %dma_start3A_60 = tpu.memref_slice %dma_start3A_58[%mul3A_2, %dma_start3A_59] : memref<5120x128xf32, #tpu.memory_space<hbm>> -> memref<320x128xf32, #tpu.memory_space<hbm>>
      tpu.enqueue_dma source(%dma_start3A_60 : memref<320x128xf32, #tpu.memory_space<hbm>>) target(%dma_start3A_54 : memref<320x128xf32, #tpu.memory_space<vmem_shared>>) target_semaphore(%run_scoped3A_52 : memref<!tpu.dma_semaphore, #tpu.memory_space<semaphore_mem>>)
      %dma_wait3A = arith.constant 0 : i32
      %dma_wait3A_61 = tpu.memref_slice %arg12[%mul3A_4, %dma_wait3A] : memref<5120x128xf32, #tpu.memory_space<vmem_shared>> -> memref<320x128xf32, #tpu.memory_space<vmem_shared>>
      %dma_wait3A_62 = arith.constant 0 : i32
      %dma_wait3A_63 = arith.constant 0 : i32
      %dma_wait3A_64 = tpu.memref_slice %arg2[%run_scoped3A, %dma_wait3A_62, %dma_wait3A_63] : memref<2x5120x128xf32, #tpu.memory_space<hbm>> -> memref<1x5120x128xf32, #tpu.memory_space<hbm>>
      %dma_wait3A_65 = tpu.memref_squeeze %dma_wait3A_64 : memref<1x5120x128xf32, #tpu.memory_space<hbm>> -> memref<5120x128xf32, #tpu.memory_space<hbm>>
      %dma_wait3A_66 = arith.constant 0 : i32
      %dma_wait3A_67 = tpu.memref_slice %dma_wait3A_65[%mul3A_2, %dma_wait3A_66] : memref<5120x128xf32, #tpu.memory_space<hbm>> -> memref<320x128xf32, #tpu.memory_space<hbm>>
      tpu.wait_dma2 semaphore(%run_scoped3A_52 : memref<!tpu.dma_semaphore, #tpu.memory_space<semaphore_mem>>) src(%dma_wait3A_67 : memref<320x128xf32, #tpu.memory_space<hbm>>) dst(%dma_wait3A_61 : memref<320x128xf32, #tpu.memory_space<vmem_shared>>)
      tpu.yield
    }) : () -> ()
    %barrier3A = arith.constant 0 : index
    tpu.barrier barrier_id(%barrier3A)
    %add3A = arith.constant 0 : i32
    %add3A_5 = arith.addi %add3A, %arg0 : i32
    %mul3A_6 = arith.constant 48 : i32
    %mul3A_7 = arith.muli %arg1, %mul3A_6 : i32
    "tpu.region"() ({
      %run_scoped3A_52 = tpu.sem_alloc : memref<!tpu.dma_semaphore, #tpu.memory_space<semaphore_mem>>
      %dma_start3A_53 = arith.constant 0 : i32
      %dma_start3A_54 = arith.constant 0 : i32
      %dma_start3A_55 = tpu.memref_slice %arg3[%add3A_5, %dma_start3A_53, %dma_start3A_54] : memref<4x768x128xi32, #tpu.memory_space<hbm>> -> memref<1x768x128xi32, #tpu.memory_space<hbm>>
      %dma_start3A_56 = tpu.memref_squeeze %dma_start3A_55 : memref<1x768x128xi32, #tpu.memory_space<hbm>> -> memref<768x128xi32, #tpu.memory_space<hbm>>
      %dma_start3A_57 = arith.constant 0 : i32
      %dma_start3A_58 = tpu.memref_slice %dma_start3A_56[%mul3A_7, %dma_start3A_57] : memref<768x128xi32, #tpu.memory_space<hbm>> -> memref<48x128xi32, #tpu.memory_space<hbm>>
      %dma_start3A_59 = arith.constant 0 : i32
      %dma_start3A_60 = arith.constant 0 : i32
      %dma_start3A_61 = tpu.memref_slice %arg3[%add3A_5, %dma_start3A_59, %dma_start3A_60] : memref<4x768x128xi32, #tpu.memory_space<hbm>> -> memref<1x768x128xi32, #tpu.memory_space<hbm>>
      %dma_start3A_62 = tpu.memref_squeeze %dma_start3A_61 : memref<1x768x128xi32, #tpu.memory_space<hbm>> -> memref<768x128xi32, #tpu.memory_space<hbm>>
      %dma_start3A_63 = arith.constant 0 : i32
      %dma_start3A_64 = tpu.memref_slice %dma_start3A_62[%mul3A_7, %dma_start3A_63] : memref<768x128xi32, #tpu.memory_space<hbm>> -> memref<48x128xi32, #tpu.memory_space<hbm>>
      tpu.enqueue_dma source(%dma_start3A_64 : memref<48x128xi32, #tpu.memory_space<hbm>>) target(%arg7 : memref<48x128xi32, #tpu.memory_space<vmem>>) target_semaphore(%run_scoped3A_52 : memref<!tpu.dma_semaphore, #tpu.memory_space<semaphore_mem>>)
      %dma_wait3A = arith.constant 0 : i32
      %dma_wait3A_65 = arith.constant 0 : i32
      %dma_wait3A_66 = tpu.memref_slice %arg3[%add3A_5, %dma_wait3A, %dma_wait3A_65] : memref<4x768x128xi32, #tpu.memory_space<hbm>> -> memref<1x768x128xi32, #tpu.memory_space<hbm>>
      %dma_wait3A_67 = tpu.memref_squeeze %dma_wait3A_66 : memref<1x768x128xi32, #tpu.memory_space<hbm>> -> memref<768x128xi32, #tpu.memory_space<hbm>>
      %dma_wait3A_68 = arith.constant 0 : i32
      %dma_wait3A_69 = tpu.memref_slice %dma_wait3A_67[%mul3A_7, %dma_wait3A_68] : memref<768x128xi32, #tpu.memory_space<hbm>> -> memref<48x128xi32, #tpu.memory_space<hbm>>
      %dma_wait3A_70 = arith.constant 0 : i32
      %dma_wait3A_71 = arith.constant 0 : i32
      %dma_wait3A_72 = tpu.memref_slice %arg3[%add3A_5, %dma_wait3A_70, %dma_wait3A_71] : memref<4x768x128xi32, #tpu.memory_space<hbm>> -> memref<1x768x128xi32, #tpu.memory_space<hbm>>
      %dma_wait3A_73 = tpu.memref_squeeze %dma_wait3A_72 : memref<1x768x128xi32, #tpu.memory_space<hbm>> -> memref<768x128xi32, #tpu.memory_space<hbm>>
      %dma_wait3A_74 = arith.constant 0 : i32
      %dma_wait3A_75 = tpu.memref_slice %dma_wait3A_73[%mul3A_7, %dma_wait3A_74] : memref<768x128xi32, #tpu.memory_space<hbm>> -> memref<48x128xi32, #tpu.memory_space<hbm>>
      tpu.wait_dma2 semaphore(%run_scoped3A_52 : memref<!tpu.dma_semaphore, #tpu.memory_space<semaphore_mem>>) src(%dma_wait3A_75 : memref<48x128xi32, #tpu.memory_space<hbm>>) dst(%arg7 : memref<48x128xi32, #tpu.memory_space<vmem>>)
      tpu.yield
    }) : () -> ()
    %mul3A_8 = arith.constant 48 : i32
    %mul3A_9 = arith.muli %arg1, %mul3A_8 : i32
    "tpu.region"() ({
      %run_scoped3A_52 = tpu.sem_alloc : memref<!tpu.dma_semaphore, #tpu.memory_space<semaphore_mem>>
      %dma_start3A_53 = arith.constant 0 : i32
      %dma_start3A_54 = arith.constant 0 : i32
      %dma_start3A_55 = tpu.memref_slice %arg4[%add3A_5, %dma_start3A_53, %dma_start3A_54] : memref<4x768x128xi32, #tpu.memory_space<hbm>> -> memref<1x768x128xi32, #tpu.memory_space<hbm>>
      %dma_start3A_56 = tpu.memref_squeeze %dma_start3A_55 : memref<1x768x128xi32, #tpu.memory_space<hbm>> -> memref<768x128xi32, #tpu.memory_space<hbm>>
      %dma_start3A_57 = arith.constant 0 : i32
      %dma_start3A_58 = tpu.memref_slice %dma_start3A_56[%mul3A_9, %dma_start3A_57] : memref<768x128xi32, #tpu.memory_space<hbm>> -> memref<48x128xi32, #tpu.memory_space<hbm>>
      %dma_start3A_59 = arith.constant 0 : i32
      %dma_start3A_60 = arith.constant 0 : i32
      %dma_start3A_61 = tpu.memref_slice %arg4[%add3A_5, %dma_start3A_59, %dma_start3A_60] : memref<4x768x128xi32, #tpu.memory_space<hbm>> -> memref<1x768x128xi32, #tpu.memory_space<hbm>>
      %dma_start3A_62 = tpu.memref_squeeze %dma_start3A_61 : memref<1x768x128xi32, #tpu.memory_space<hbm>> -> memref<768x128xi32, #tpu.memory_space<hbm>>
      %dma_start3A_63 = arith.constant 0 : i32
      %dma_start3A_64 = tpu.memref_slice %dma_start3A_62[%mul3A_9, %dma_start3A_63] : memref<768x128xi32, #tpu.memory_space<hbm>> -> memref<48x128xi32, #tpu.memory_space<hbm>>
      tpu.enqueue_dma source(%dma_start3A_64 : memref<48x128xi32, #tpu.memory_space<hbm>>) target(%arg8 : memref<48x128xi32, #tpu.memory_space<vmem>>) target_semaphore(%run_scoped3A_52 : memref<!tpu.dma_semaphore, #tpu.memory_space<semaphore_mem>>)
      %dma_wait3A = arith.constant 0 : i32
      %dma_wait3A_65 = arith.constant 0 : i32
      %dma_wait3A_66 = tpu.memref_slice %arg4[%add3A_5, %dma_wait3A, %dma_wait3A_65] : memref<4x768x128xi32, #tpu.memory_space<hbm>> -> memref<1x768x128xi32, #tpu.memory_space<hbm>>
      %dma_wait3A_67 = tpu.memref_squeeze %dma_wait3A_66 : memref<1x768x128xi32, #tpu.memory_space<hbm>> -> memref<768x128xi32, #tpu.memory_space<hbm>>
      %dma_wait3A_68 = arith.constant 0 : i32
      %dma_wait3A_69 = tpu.memref_slice %dma_wait3A_67[%mul3A_9, %dma_wait3A_68] : memref<768x128xi32, #tpu.memory_space<hbm>> -> memref<48x128xi32, #tpu.memory_space<hbm>>
      %dma_wait3A_70 = arith.constant 0 : i32
      %dma_wait3A_71 = arith.constant 0 : i32
      %dma_wait3A_72 = tpu.memref_slice %arg4[%add3A_5, %dma_wait3A_70, %dma_wait3A_71] : memref<4x768x128xi32, #tpu.memory_space<hbm>> -> memref<1x768x128xi32, #tpu.memory_space<hbm>>
      %dma_wait3A_73 = tpu.memref_squeeze %dma_wait3A_72 : memref<1x768x128xi32, #tpu.memory_space<hbm>> -> memref<768x128xi32, #tpu.memory_space<hbm>>
      %dma_wait3A_74 = arith.constant 0 : i32
      %dma_wait3A_75 = tpu.memref_slice %dma_wait3A_73[%mul3A_9, %dma_wait3A_74] : memref<768x128xi32, #tpu.memory_space<hbm>> -> memref<48x128xi32, #tpu.memory_space<hbm>>
      tpu.wait_dma2 semaphore(%run_scoped3A_52 : memref<!tpu.dma_semaphore, #tpu.memory_space<semaphore_mem>>) src(%dma_wait3A_75 : memref<48x128xi32, #tpu.memory_space<hbm>>) dst(%arg8 : memref<48x128xi32, #tpu.memory_space<vmem>>)
      tpu.yield
    }) : () -> ()
    %dma_start3A = arith.constant 0 : i32
    %dma_start3A_10 = arith.constant 0 : i32
    %dma_start3A_11 = tpu.memref_slice %arg7[%dma_start3A, %dma_start3A_10] : memref<48x128xi32, #tpu.memory_space<vmem>> -> memref<1x128xi32, #tpu.memory_space<vmem>>
    %dma_start3A_12 = tpu.memref_squeeze %dma_start3A_11 : memref<1x128xi32, #tpu.memory_space<vmem>> -> memref<128xi32, #tpu.memory_space<vmem>>
    %dma_start3A_13 = arith.constant 0 : i32
    %dma_start3A_14 = arith.constant 0 : i32
    %dma_start3A_15 = tpu.memref_slice %arg12[%dma_start3A_13, %dma_start3A_14] : memref<5120x128xf32, #tpu.memory_space<vmem_shared>> -> memref<5120x128xf32, #tpu.memory_space<vmem_shared>>
    tpu.enqueue_indirect_dma source(%dma_start3A_15 : memref<5120x128xf32, #tpu.memory_space<vmem_shared>>) target(%arg9 : memref<128x128xf32, #tpu.memory_space<vmem>>) offsets(%dma_start3A_12 : memref<128xi32, #tpu.memory_space<vmem>>) semaphore(%arg13 : memref<!tpu.dma_semaphore, #tpu.memory_space<semaphore_mem>>)
    %scan3A = arith.constant 0 : i32
    %scan3A_16 = arith.constant 0 : i32
    %scan3A_17 = arith.constant 24 : i32
    %scan3A_18 = arith.addi %scan3A_16, %scan3A_17 : i32
    %scan3A_19 = arith.constant 1 : i32
    scf.for %scan3A_52 = %scan3A_16 to %scan3A_18 step %scan3A_19  : i32 {
      %mul3A_53 = arith.constant 2 : i32
      %mul3A_54 = arith.muli %mul3A_53, %scan3A_52 : i32
      %add3A_55 = arith.constant 1 : i32
      %add3A_56 = arith.addi %mul3A_54, %add3A_55 : i32
      %dma_start3A_57 = arith.constant 0 : i32
      %dma_start3A_58 = tpu.memref_slice %arg7[%add3A_56, %dma_start3A_57] : memref<48x128xi32, #tpu.memory_space<vmem>> -> memref<1x128xi32, #tpu.memory_space<vmem>>
      %dma_start3A_59 = tpu.memref_squeeze %dma_start3A_58 : memref<1x128xi32, #tpu.memory_space<vmem>> -> memref<128xi32, #tpu.memory_space<vmem>>
      %dma_start3A_60 = arith.constant 0 : i32
      %dma_start3A_61 = arith.constant 0 : i32
      %dma_start3A_62 = tpu.memref_slice %arg12[%dma_start3A_60, %dma_start3A_61] : memref<5120x128xf32, #tpu.memory_space<vmem_shared>> -> memref<5120x128xf32, #tpu.memory_space<vmem_shared>>
      tpu.enqueue_indirect_dma source(%dma_start3A_62 : memref<5120x128xf32, #tpu.memory_space<vmem_shared>>) target(%arg10 : memref<128x128xf32, #tpu.memory_space<vmem>>) offsets(%dma_start3A_59 : memref<128xi32, #tpu.memory_space<vmem>>) semaphore(%arg14 : memref<!tpu.dma_semaphore, #tpu.memory_space<semaphore_mem>>)
      %dma_wait3A = arith.constant 0 : i32
      %dma_wait3A_63 = tpu.memref_slice %arg7[%mul3A_54, %dma_wait3A] : memref<48x128xi32, #tpu.memory_space<vmem>> -> memref<1x128xi32, #tpu.memory_space<vmem>>
      %dma_wait3A_64 = tpu.memref_squeeze %dma_wait3A_63 : memref<1x128xi32, #tpu.memory_space<vmem>> -> memref<128xi32, #tpu.memory_space<vmem>>
      %dma_wait3A_65 = arith.constant 0 : i32
      %dma_wait3A_66 = arith.constant 0 : i32
      %dma_wait3A_67 = tpu.memref_slice %arg12[%dma_wait3A_65, %dma_wait3A_66] : memref<5120x128xf32, #tpu.memory_space<vmem_shared>> -> memref<5120x128xf32, #tpu.memory_space<vmem_shared>>
      tpu.wait_indirect_dma semaphore(%arg13 : memref<!tpu.dma_semaphore, #tpu.memory_space<semaphore_mem>>) src(%dma_wait3A_67 : memref<5120x128xf32, #tpu.memory_space<vmem_shared>>) dst(%arg9 : memref<128x128xf32, #tpu.memory_space<vmem>>)
      "tpu.region"() ({
        %run_scoped3A_80 = tpu.sem_alloc : memref<!tpu.dma_semaphore, #tpu.memory_space<semaphore_mem>>
        %dma_start3A_81 = arith.constant 0 : i32
        %dma_start3A_82 = tpu.memref_slice %arg8[%mul3A_54, %dma_start3A_81] : memref<48x128xi32, #tpu.memory_space<vmem>> -> memref<1x128xi32, #tpu.memory_space<vmem>>
        %dma_start3A_83 = tpu.memref_squeeze %dma_start3A_82 : memref<1x128xi32, #tpu.memory_space<vmem>> -> memref<128xi32, #tpu.memory_space<vmem>>
        %dma_start3A_84 = arith.constant 0 : i32
        %dma_start3A_85 = arith.constant 0 : i32
        %dma_start3A_86 = tpu.memref_slice %arg11[%dma_start3A_84, %dma_start3A_85] : memref<5376x128xf32, #tpu.memory_space<vmem_shared>> -> memref<5376x128xf32, #tpu.memory_space<vmem_shared>>
        tpu.enqueue_indirect_dma source(%arg9 : memref<128x128xf32, #tpu.memory_space<vmem>>) target(%dma_start3A_86 : memref<5376x128xf32, #tpu.memory_space<vmem_shared>>) offsets(%dma_start3A_83 : memref<128xi32, #tpu.memory_space<vmem>>) semaphore(%run_scoped3A_80 : memref<!tpu.dma_semaphore, #tpu.memory_space<semaphore_mem>>) {add = true}
        %dma_wait3A_87 = arith.constant 0 : i32
        %dma_wait3A_88 = tpu.memref_slice %arg8[%mul3A_54, %dma_wait3A_87] : memref<48x128xi32, #tpu.memory_space<vmem>> -> memref<1x128xi32, #tpu.memory_space<vmem>>
        %dma_wait3A_89 = tpu.memref_squeeze %dma_wait3A_88 : memref<1x128xi32, #tpu.memory_space<vmem>> -> memref<128xi32, #tpu.memory_space<vmem>>
        %dma_wait3A_90 = arith.constant 0 : i32
        %dma_wait3A_91 = arith.constant 0 : i32
        %dma_wait3A_92 = tpu.memref_slice %arg11[%dma_wait3A_90, %dma_wait3A_91] : memref<5376x128xf32, #tpu.memory_space<vmem_shared>> -> memref<5376x128xf32, #tpu.memory_space<vmem_shared>>
        tpu.wait_indirect_dma semaphore(%run_scoped3A_80 : memref<!tpu.dma_semaphore, #tpu.memory_space<semaphore_mem>>) src(%arg9 : memref<128x128xf32, #tpu.memory_space<vmem>>) dst(%dma_wait3A_92 : memref<5376x128xf32, #tpu.memory_space<vmem_shared>>)
        tpu.yield
      }) : () -> ()
      %lt3A = arith.constant 23 : i32
      %lt3A_68 = arith.cmpi slt, %scan3A_52, %lt3A : i32
      %convert_element_type3A = arith.extui %lt3A_68 : i1 to i32
      %cond3A = arith.constant 0 : i32
      %cond3A_69 = arith.cmpi ne, %convert_element_type3A, %cond3A : i32
      scf.if %cond3A_69 {
        %add3A_80 = arith.constant 2 : i32
        %add3A_81 = arith.addi %mul3A_54, %add3A_80 : i32
        %dma_start3A_82 = arith.constant 0 : i32
        %dma_start3A_83 = tpu.memref_slice %arg7[%add3A_81, %dma_start3A_82] : memref<48x128xi32, #tpu.memory_space<vmem>> -> memref<1x128xi32, #tpu.memory_space<vmem>>
        %dma_start3A_84 = tpu.memref_squeeze %dma_start3A_83 : memref<1x128xi32, #tpu.memory_space<vmem>> -> memref<128xi32, #tpu.memory_space<vmem>>
        %dma_start3A_85 = arith.constant 0 : i32
        %dma_start3A_86 = arith.constant 0 : i32
        %dma_start3A_87 = tpu.memref_slice %arg12[%dma_start3A_85, %dma_start3A_86] : memref<5120x128xf32, #tpu.memory_space<vmem_shared>> -> memref<5120x128xf32, #tpu.memory_space<vmem_shared>>
        tpu.enqueue_indirect_dma source(%dma_start3A_87 : memref<5120x128xf32, #tpu.memory_space<vmem_shared>>) target(%arg9 : memref<128x128xf32, #tpu.memory_space<vmem>>) offsets(%dma_start3A_84 : memref<128xi32, #tpu.memory_space<vmem>>) semaphore(%arg13 : memref<!tpu.dma_semaphore, #tpu.memory_space<semaphore_mem>>)
      } else {
      }
      %add3A_70 = arith.constant 1 : i32
      %add3A_71 = arith.addi %mul3A_54, %add3A_70 : i32
      %dma_wait3A_72 = arith.constant 0 : i32
      %dma_wait3A_73 = tpu.memref_slice %arg7[%add3A_71, %dma_wait3A_72] : memref<48x128xi32, #tpu.memory_space<vmem>> -> memref<1x128xi32, #tpu.memory_space<vmem>>
      %dma_wait3A_74 = tpu.memref_squeeze %dma_wait3A_73 : memref<1x128xi32, #tpu.memory_space<vmem>> -> memref<128xi32, #tpu.memory_space<vmem>>
      %dma_wait3A_75 = arith.constant 0 : i32
      %dma_wait3A_76 = arith.constant 0 : i32
      %dma_wait3A_77 = tpu.memref_slice %arg12[%dma_wait3A_75, %dma_wait3A_76] : memref<5120x128xf32, #tpu.memory_space<vmem_shared>> -> memref<5120x128xf32, #tpu.memory_space<vmem_shared>>
      tpu.wait_indirect_dma semaphore(%arg14 : memref<!tpu.dma_semaphore, #tpu.memory_space<semaphore_mem>>) src(%dma_wait3A_77 : memref<5120x128xf32, #tpu.memory_space<vmem_shared>>) dst(%arg10 : memref<128x128xf32, #tpu.memory_space<vmem>>)
      %add3A_78 = arith.constant 1 : i32
      %add3A_79 = arith.addi %mul3A_54, %add3A_78 : i32
      "tpu.region"() ({
        %run_scoped3A_80 = tpu.sem_alloc : memref<!tpu.dma_semaphore, #tpu.memory_space<semaphore_mem>>
        %dma_start3A_81 = arith.constant 0 : i32
        %dma_start3A_82 = tpu.memref_slice %arg8[%add3A_79, %dma_start3A_81] : memref<48x128xi32, #tpu.memory_space<vmem>> -> memref<1x128xi32, #tpu.memory_space<vmem>>
        %dma_start3A_83 = tpu.memref_squeeze %dma_start3A_82 : memref<1x128xi32, #tpu.memory_space<vmem>> -> memref<128xi32, #tpu.memory_space<vmem>>
        %dma_start3A_84 = arith.constant 0 : i32
        %dma_start3A_85 = arith.constant 0 : i32
        %dma_start3A_86 = tpu.memref_slice %arg11[%dma_start3A_84, %dma_start3A_85] : memref<5376x128xf32, #tpu.memory_space<vmem_shared>> -> memref<5376x128xf32, #tpu.memory_space<vmem_shared>>
        tpu.enqueue_indirect_dma source(%arg10 : memref<128x128xf32, #tpu.memory_space<vmem>>) target(%dma_start3A_86 : memref<5376x128xf32, #tpu.memory_space<vmem_shared>>) offsets(%dma_start3A_83 : memref<128xi32, #tpu.memory_space<vmem>>) semaphore(%run_scoped3A_80 : memref<!tpu.dma_semaphore, #tpu.memory_space<semaphore_mem>>) {add = true}
        %dma_wait3A_87 = arith.constant 0 : i32
        %dma_wait3A_88 = tpu.memref_slice %arg8[%add3A_79, %dma_wait3A_87] : memref<48x128xi32, #tpu.memory_space<vmem>> -> memref<1x128xi32, #tpu.memory_space<vmem>>
        %dma_wait3A_89 = tpu.memref_squeeze %dma_wait3A_88 : memref<1x128xi32, #tpu.memory_space<vmem>> -> memref<128xi32, #tpu.memory_space<vmem>>
        %dma_wait3A_90 = arith.constant 0 : i32
        %dma_wait3A_91 = arith.constant 0 : i32
        %dma_wait3A_92 = tpu.memref_slice %arg11[%dma_wait3A_90, %dma_wait3A_91] : memref<5376x128xf32, #tpu.memory_space<vmem_shared>> -> memref<5376x128xf32, #tpu.memory_space<vmem_shared>>
        tpu.wait_indirect_dma semaphore(%run_scoped3A_80 : memref<!tpu.dma_semaphore, #tpu.memory_space<semaphore_mem>>) src(%arg10 : memref<128x128xf32, #tpu.memory_space<vmem>>) dst(%dma_wait3A_92 : memref<5376x128xf32, #tpu.memory_space<vmem_shared>>)
        tpu.yield
      }) : () -> ()
    }
    %scan3A_20 = arith.constant 24 : i32
    %barrier3A_21 = arith.constant 0 : index
    tpu.barrier barrier_id(%barrier3A_21)
    %mul3A_22 = arith.constant 320 : i32
    %mul3A_23 = arith.muli %arg1, %mul3A_22 : i32
    %mul3A_24 = arith.constant 320 : i32
    %mul3A_25 = arith.muli %arg1, %mul3A_24 : i32
    %run_scoped3A_26 = arith.constant 1 : i32
    "tpu.region"() ({
      %run_scoped3A_52 = tpu.sem_alloc : memref<!tpu.dma_semaphore, #tpu.memory_space<semaphore_mem>>
      %dma_start3A_53 = arith.constant 0 : i32
      %dma_start3A_54 = tpu.memref_slice %arg12[%mul3A_25, %dma_start3A_53] : memref<5120x128xf32, #tpu.memory_space<vmem_shared>> -> memref<320x128xf32, #tpu.memory_space<vmem_shared>>
      %dma_start3A_55 = arith.constant 0 : i32
      %dma_start3A_56 = arith.constant 0 : i32
      %dma_start3A_57 = tpu.memref_slice %arg2[%run_scoped3A_26, %dma_start3A_55, %dma_start3A_56] : memref<2x5120x128xf32, #tpu.memory_space<hbm>> -> memref<1x5120x128xf32, #tpu.memory_space<hbm>>
      %dma_start3A_58 = tpu.memref_squeeze %dma_start3A_57 : memref<1x5120x128xf32, #tpu.memory_space<hbm>> -> memref<5120x128xf32, #tpu.memory_space<hbm>>
      %dma_start3A_59 = arith.constant 0 : i32
      %dma_start3A_60 = tpu.memref_slice %dma_start3A_58[%mul3A_23, %dma_start3A_59] : memref<5120x128xf32, #tpu.memory_space<hbm>> -> memref<320x128xf32, #tpu.memory_space<hbm>>
      tpu.enqueue_dma source(%dma_start3A_60 : memref<320x128xf32, #tpu.memory_space<hbm>>) target(%dma_start3A_54 : memref<320x128xf32, #tpu.memory_space<vmem_shared>>) target_semaphore(%run_scoped3A_52 : memref<!tpu.dma_semaphore, #tpu.memory_space<semaphore_mem>>)
      %dma_wait3A = arith.constant 0 : i32
      %dma_wait3A_61 = tpu.memref_slice %arg12[%mul3A_25, %dma_wait3A] : memref<5120x128xf32, #tpu.memory_space<vmem_shared>> -> memref<320x128xf32, #tpu.memory_space<vmem_shared>>
      %dma_wait3A_62 = arith.constant 0 : i32
      %dma_wait3A_63 = arith.constant 0 : i32
      %dma_wait3A_64 = tpu.memref_slice %arg2[%run_scoped3A_26, %dma_wait3A_62, %dma_wait3A_63] : memref<2x5120x128xf32, #tpu.memory_space<hbm>> -> memref<1x5120x128xf32, #tpu.memory_space<hbm>>
      %dma_wait3A_65 = tpu.memref_squeeze %dma_wait3A_64 : memref<1x5120x128xf32, #tpu.memory_space<hbm>> -> memref<5120x128xf32, #tpu.memory_space<hbm>>
      %dma_wait3A_66 = arith.constant 0 : i32
      %dma_wait3A_67 = tpu.memref_slice %dma_wait3A_65[%mul3A_23, %dma_wait3A_66] : memref<5120x128xf32, #tpu.memory_space<hbm>> -> memref<320x128xf32, #tpu.memory_space<hbm>>
      tpu.wait_dma2 semaphore(%run_scoped3A_52 : memref<!tpu.dma_semaphore, #tpu.memory_space<semaphore_mem>>) src(%dma_wait3A_67 : memref<320x128xf32, #tpu.memory_space<hbm>>) dst(%dma_wait3A_61 : memref<320x128xf32, #tpu.memory_space<vmem_shared>>)
      tpu.yield
    }) : () -> ()
    %barrier3A_27 = arith.constant 0 : index
    tpu.barrier barrier_id(%barrier3A_27)
    %add3A_28 = arith.constant 2 : i32
    %add3A_29 = arith.addi %add3A_28, %arg0 : i32
    %mul3A_30 = arith.constant 48 : i32
    %mul3A_31 = arith.muli %arg1, %mul3A_30 : i32
    "tpu.region"() ({
      %run_scoped3A_52 = tpu.sem_alloc : memref<!tpu.dma_semaphore, #tpu.memory_space<semaphore_mem>>
      %dma_start3A_53 = arith.constant 0 : i32
      %dma_start3A_54 = arith.constant 0 : i32
      %dma_start3A_55 = tpu.memref_slice %arg3[%add3A_29, %dma_start3A_53, %dma_start3A_54] : memref<4x768x128xi32, #tpu.memory_space<hbm>> -> memref<1x768x128xi32, #tpu.memory_space<hbm>>
      %dma_start3A_56 = tpu.memref_squeeze %dma_start3A_55 : memref<1x768x128xi32, #tpu.memory_space<hbm>> -> memref<768x128xi32, #tpu.memory_space<hbm>>
      %dma_start3A_57 = arith.constant 0 : i32
      %dma_start3A_58 = tpu.memref_slice %dma_start3A_56[%mul3A_31, %dma_start3A_57] : memref<768x128xi32, #tpu.memory_space<hbm>> -> memref<48x128xi32, #tpu.memory_space<hbm>>
      %dma_start3A_59 = arith.constant 0 : i32
      %dma_start3A_60 = arith.constant 0 : i32
      %dma_start3A_61 = tpu.memref_slice %arg3[%add3A_29, %dma_start3A_59, %dma_start3A_60] : memref<4x768x128xi32, #tpu.memory_space<hbm>> -> memref<1x768x128xi32, #tpu.memory_space<hbm>>
      %dma_start3A_62 = tpu.memref_squeeze %dma_start3A_61 : memref<1x768x128xi32, #tpu.memory_space<hbm>> -> memref<768x128xi32, #tpu.memory_space<hbm>>
      %dma_start3A_63 = arith.constant 0 : i32
      %dma_start3A_64 = tpu.memref_slice %dma_start3A_62[%mul3A_31, %dma_start3A_63] : memref<768x128xi32, #tpu.memory_space<hbm>> -> memref<48x128xi32, #tpu.memory_space<hbm>>
      tpu.enqueue_dma source(%dma_start3A_64 : memref<48x128xi32, #tpu.memory_space<hbm>>) target(%arg7 : memref<48x128xi32, #tpu.memory_space<vmem>>) target_semaphore(%run_scoped3A_52 : memref<!tpu.dma_semaphore, #tpu.memory_space<semaphore_mem>>)
      %dma_wait3A = arith.constant 0 : i32
      %dma_wait3A_65 = arith.constant 0 : i32
      %dma_wait3A_66 = tpu.memref_slice %arg3[%add3A_29, %dma_wait3A, %dma_wait3A_65] : memref<4x768x128xi32, #tpu.memory_space<hbm>> -> memref<1x768x128xi32, #tpu.memory_space<hbm>>
      %dma_wait3A_67 = tpu.memref_squeeze %dma_wait3A_66 : memref<1x768x128xi32, #tpu.memory_space<hbm>> -> memref<768x128xi32, #tpu.memory_space<hbm>>
      %dma_wait3A_68 = arith.constant 0 : i32
      %dma_wait3A_69 = tpu.memref_slice %dma_wait3A_67[%mul3A_31, %dma_wait3A_68] : memref<768x128xi32, #tpu.memory_space<hbm>> -> memref<48x128xi32, #tpu.memory_space<hbm>>
      %dma_wait3A_70 = arith.constant 0 : i32
      %dma_wait3A_71 = arith.constant 0 : i32
      %dma_wait3A_72 = tpu.memref_slice %arg3[%add3A_29, %dma_wait3A_70, %dma_wait3A_71] : memref<4x768x128xi32, #tpu.memory_space<hbm>> -> memref<1x768x128xi32, #tpu.memory_space<hbm>>
      %dma_wait3A_73 = tpu.memref_squeeze %dma_wait3A_72 : memref<1x768x128xi32, #tpu.memory_space<hbm>> -> memref<768x128xi32, #tpu.memory_space<hbm>>
      %dma_wait3A_74 = arith.constant 0 : i32
      %dma_wait3A_75 = tpu.memref_slice %dma_wait3A_73[%mul3A_31, %dma_wait3A_74] : memref<768x128xi32, #tpu.memory_space<hbm>> -> memref<48x128xi32, #tpu.memory_space<hbm>>
      tpu.wait_dma2 semaphore(%run_scoped3A_52 : memref<!tpu.dma_semaphore, #tpu.memory_space<semaphore_mem>>) src(%dma_wait3A_75 : memref<48x128xi32, #tpu.memory_space<hbm>>) dst(%arg7 : memref<48x128xi32, #tpu.memory_space<vmem>>)
      tpu.yield
    }) : () -> ()
    %mul3A_32 = arith.constant 48 : i32
    %mul3A_33 = arith.muli %arg1, %mul3A_32 : i32
    "tpu.region"() ({
      %run_scoped3A_52 = tpu.sem_alloc : memref<!tpu.dma_semaphore, #tpu.memory_space<semaphore_mem>>
      %dma_start3A_53 = arith.constant 0 : i32
      %dma_start3A_54 = arith.constant 0 : i32
      %dma_start3A_55 = tpu.memref_slice %arg4[%add3A_29, %dma_start3A_53, %dma_start3A_54] : memref<4x768x128xi32, #tpu.memory_space<hbm>> -> memref<1x768x128xi32, #tpu.memory_space<hbm>>
      %dma_start3A_56 = tpu.memref_squeeze %dma_start3A_55 : memref<1x768x128xi32, #tpu.memory_space<hbm>> -> memref<768x128xi32, #tpu.memory_space<hbm>>
      %dma_start3A_57 = arith.constant 0 : i32
      %dma_start3A_58 = tpu.memref_slice %dma_start3A_56[%mul3A_33, %dma_start3A_57] : memref<768x128xi32, #tpu.memory_space<hbm>> -> memref<48x128xi32, #tpu.memory_space<hbm>>
      %dma_start3A_59 = arith.constant 0 : i32
      %dma_start3A_60 = arith.constant 0 : i32
      %dma_start3A_61 = tpu.memref_slice %arg4[%add3A_29, %dma_start3A_59, %dma_start3A_60] : memref<4x768x128xi32, #tpu.memory_space<hbm>> -> memref<1x768x128xi32, #tpu.memory_space<hbm>>
      %dma_start3A_62 = tpu.memref_squeeze %dma_start3A_61 : memref<1x768x128xi32, #tpu.memory_space<hbm>> -> memref<768x128xi32, #tpu.memory_space<hbm>>
      %dma_start3A_63 = arith.constant 0 : i32
      %dma_start3A_64 = tpu.memref_slice %dma_start3A_62[%mul3A_33, %dma_start3A_63] : memref<768x128xi32, #tpu.memory_space<hbm>> -> memref<48x128xi32, #tpu.memory_space<hbm>>
      tpu.enqueue_dma source(%dma_start3A_64 : memref<48x128xi32, #tpu.memory_space<hbm>>) target(%arg8 : memref<48x128xi32, #tpu.memory_space<vmem>>) target_semaphore(%run_scoped3A_52 : memref<!tpu.dma_semaphore, #tpu.memory_space<semaphore_mem>>)
      %dma_wait3A = arith.constant 0 : i32
      %dma_wait3A_65 = arith.constant 0 : i32
      %dma_wait3A_66 = tpu.memref_slice %arg4[%add3A_29, %dma_wait3A, %dma_wait3A_65] : memref<4x768x128xi32, #tpu.memory_space<hbm>> -> memref<1x768x128xi32, #tpu.memory_space<hbm>>
      %dma_wait3A_67 = tpu.memref_squeeze %dma_wait3A_66 : memref<1x768x128xi32, #tpu.memory_space<hbm>> -> memref<768x128xi32, #tpu.memory_space<hbm>>
      %dma_wait3A_68 = arith.constant 0 : i32
      %dma_wait3A_69 = tpu.memref_slice %dma_wait3A_67[%mul3A_33, %dma_wait3A_68] : memref<768x128xi32, #tpu.memory_space<hbm>> -> memref<48x128xi32, #tpu.memory_space<hbm>>
      %dma_wait3A_70 = arith.constant 0 : i32
      %dma_wait3A_71 = arith.constant 0 : i32
      %dma_wait3A_72 = tpu.memref_slice %arg4[%add3A_29, %dma_wait3A_70, %dma_wait3A_71] : memref<4x768x128xi32, #tpu.memory_space<hbm>> -> memref<1x768x128xi32, #tpu.memory_space<hbm>>
      %dma_wait3A_73 = tpu.memref_squeeze %dma_wait3A_72 : memref<1x768x128xi32, #tpu.memory_space<hbm>> -> memref<768x128xi32, #tpu.memory_space<hbm>>
      %dma_wait3A_74 = arith.constant 0 : i32
      %dma_wait3A_75 = tpu.memref_slice %dma_wait3A_73[%mul3A_33, %dma_wait3A_74] : memref<768x128xi32, #tpu.memory_space<hbm>> -> memref<48x128xi32, #tpu.memory_space<hbm>>
      tpu.wait_dma2 semaphore(%run_scoped3A_52 : memref<!tpu.dma_semaphore, #tpu.memory_space<semaphore_mem>>) src(%dma_wait3A_75 : memref<48x128xi32, #tpu.memory_space<hbm>>) dst(%arg8 : memref<48x128xi32, #tpu.memory_space<vmem>>)
      tpu.yield
    }) : () -> ()
    %dma_start3A_34 = arith.constant 0 : i32
    %dma_start3A_35 = arith.constant 0 : i32
    %dma_start3A_36 = tpu.memref_slice %arg7[%dma_start3A_34, %dma_start3A_35] : memref<48x128xi32, #tpu.memory_space<vmem>> -> memref<1x128xi32, #tpu.memory_space<vmem>>
    %dma_start3A_37 = tpu.memref_squeeze %dma_start3A_36 : memref<1x128xi32, #tpu.memory_space<vmem>> -> memref<128xi32, #tpu.memory_space<vmem>>
    %dma_start3A_38 = arith.constant 0 : i32
    %dma_start3A_39 = arith.constant 0 : i32
    %dma_start3A_40 = tpu.memref_slice %arg12[%dma_start3A_38, %dma_start3A_39] : memref<5120x128xf32, #tpu.memory_space<vmem_shared>> -> memref<5120x128xf32, #tpu.memory_space<vmem_shared>>
    tpu.enqueue_indirect_dma source(%dma_start3A_40 : memref<5120x128xf32, #tpu.memory_space<vmem_shared>>) target(%arg9 : memref<128x128xf32, #tpu.memory_space<vmem>>) offsets(%dma_start3A_37 : memref<128xi32, #tpu.memory_space<vmem>>) semaphore(%arg13 : memref<!tpu.dma_semaphore, #tpu.memory_space<semaphore_mem>>)
    %scan3A_41 = arith.constant 0 : i32
    %scan3A_42 = arith.constant 0 : i32
    %scan3A_43 = arith.constant 24 : i32
    %scan3A_44 = arith.addi %scan3A_42, %scan3A_43 : i32
    %scan3A_45 = arith.constant 1 : i32
    scf.for %scan3A_52 = %scan3A_42 to %scan3A_44 step %scan3A_45  : i32 {
      %mul3A_53 = arith.constant 2 : i32
      %mul3A_54 = arith.muli %mul3A_53, %scan3A_52 : i32
      %add3A_55 = arith.constant 1 : i32
      %add3A_56 = arith.addi %mul3A_54, %add3A_55 : i32
      %dma_start3A_57 = arith.constant 0 : i32
      %dma_start3A_58 = tpu.memref_slice %arg7[%add3A_56, %dma_start3A_57] : memref<48x128xi32, #tpu.memory_space<vmem>> -> memref<1x128xi32, #tpu.memory_space<vmem>>
      %dma_start3A_59 = tpu.memref_squeeze %dma_start3A_58 : memref<1x128xi32, #tpu.memory_space<vmem>> -> memref<128xi32, #tpu.memory_space<vmem>>
      %dma_start3A_60 = arith.constant 0 : i32
      %dma_start3A_61 = arith.constant 0 : i32
      %dma_start3A_62 = tpu.memref_slice %arg12[%dma_start3A_60, %dma_start3A_61] : memref<5120x128xf32, #tpu.memory_space<vmem_shared>> -> memref<5120x128xf32, #tpu.memory_space<vmem_shared>>
      tpu.enqueue_indirect_dma source(%dma_start3A_62 : memref<5120x128xf32, #tpu.memory_space<vmem_shared>>) target(%arg10 : memref<128x128xf32, #tpu.memory_space<vmem>>) offsets(%dma_start3A_59 : memref<128xi32, #tpu.memory_space<vmem>>) semaphore(%arg14 : memref<!tpu.dma_semaphore, #tpu.memory_space<semaphore_mem>>)
      %dma_wait3A = arith.constant 0 : i32
      %dma_wait3A_63 = tpu.memref_slice %arg7[%mul3A_54, %dma_wait3A] : memref<48x128xi32, #tpu.memory_space<vmem>> -> memref<1x128xi32, #tpu.memory_space<vmem>>
      %dma_wait3A_64 = tpu.memref_squeeze %dma_wait3A_63 : memref<1x128xi32, #tpu.memory_space<vmem>> -> memref<128xi32, #tpu.memory_space<vmem>>
      %dma_wait3A_65 = arith.constant 0 : i32
      %dma_wait3A_66 = arith.constant 0 : i32
      %dma_wait3A_67 = tpu.memref_slice %arg12[%dma_wait3A_65, %dma_wait3A_66] : memref<5120x128xf32, #tpu.memory_space<vmem_shared>> -> memref<5120x128xf32, #tpu.memory_space<vmem_shared>>
      tpu.wait_indirect_dma semaphore(%arg13 : memref<!tpu.dma_semaphore, #tpu.memory_space<semaphore_mem>>) src(%dma_wait3A_67 : memref<5120x128xf32, #tpu.memory_space<vmem_shared>>) dst(%arg9 : memref<128x128xf32, #tpu.memory_space<vmem>>)
      "tpu.region"() ({
        %run_scoped3A_80 = tpu.sem_alloc : memref<!tpu.dma_semaphore, #tpu.memory_space<semaphore_mem>>
        %dma_start3A_81 = arith.constant 0 : i32
        %dma_start3A_82 = tpu.memref_slice %arg8[%mul3A_54, %dma_start3A_81] : memref<48x128xi32, #tpu.memory_space<vmem>> -> memref<1x128xi32, #tpu.memory_space<vmem>>
        %dma_start3A_83 = tpu.memref_squeeze %dma_start3A_82 : memref<1x128xi32, #tpu.memory_space<vmem>> -> memref<128xi32, #tpu.memory_space<vmem>>
        %dma_start3A_84 = arith.constant 0 : i32
        %dma_start3A_85 = arith.constant 0 : i32
        %dma_start3A_86 = tpu.memref_slice %arg11[%dma_start3A_84, %dma_start3A_85] : memref<5376x128xf32, #tpu.memory_space<vmem_shared>> -> memref<5376x128xf32, #tpu.memory_space<vmem_shared>>
        tpu.enqueue_indirect_dma source(%arg9 : memref<128x128xf32, #tpu.memory_space<vmem>>) target(%dma_start3A_86 : memref<5376x128xf32, #tpu.memory_space<vmem_shared>>) offsets(%dma_start3A_83 : memref<128xi32, #tpu.memory_space<vmem>>) semaphore(%run_scoped3A_80 : memref<!tpu.dma_semaphore, #tpu.memory_space<semaphore_mem>>) {add = true}
        %dma_wait3A_87 = arith.constant 0 : i32
        %dma_wait3A_88 = tpu.memref_slice %arg8[%mul3A_54, %dma_wait3A_87] : memref<48x128xi32, #tpu.memory_space<vmem>> -> memref<1x128xi32, #tpu.memory_space<vmem>>
        %dma_wait3A_89 = tpu.memref_squeeze %dma_wait3A_88 : memref<1x128xi32, #tpu.memory_space<vmem>> -> memref<128xi32, #tpu.memory_space<vmem>>
        %dma_wait3A_90 = arith.constant 0 : i32
        %dma_wait3A_91 = arith.constant 0 : i32
        %dma_wait3A_92 = tpu.memref_slice %arg11[%dma_wait3A_90, %dma_wait3A_91] : memref<5376x128xf32, #tpu.memory_space<vmem_shared>> -> memref<5376x128xf32, #tpu.memory_space<vmem_shared>>
        tpu.wait_indirect_dma semaphore(%run_scoped3A_80 : memref<!tpu.dma_semaphore, #tpu.memory_space<semaphore_mem>>) src(%arg9 : memref<128x128xf32, #tpu.memory_space<vmem>>) dst(%dma_wait3A_92 : memref<5376x128xf32, #tpu.memory_space<vmem_shared>>)
        tpu.yield
      }) : () -> ()
      %lt3A = arith.constant 23 : i32
      %lt3A_68 = arith.cmpi slt, %scan3A_52, %lt3A : i32
      %convert_element_type3A = arith.extui %lt3A_68 : i1 to i32
      %cond3A = arith.constant 0 : i32
      %cond3A_69 = arith.cmpi ne, %convert_element_type3A, %cond3A : i32
      scf.if %cond3A_69 {
        %add3A_80 = arith.constant 2 : i32
        %add3A_81 = arith.addi %mul3A_54, %add3A_80 : i32
        %dma_start3A_82 = arith.constant 0 : i32
        %dma_start3A_83 = tpu.memref_slice %arg7[%add3A_81, %dma_start3A_82] : memref<48x128xi32, #tpu.memory_space<vmem>> -> memref<1x128xi32, #tpu.memory_space<vmem>>
        %dma_start3A_84 = tpu.memref_squeeze %dma_start3A_83 : memref<1x128xi32, #tpu.memory_space<vmem>> -> memref<128xi32, #tpu.memory_space<vmem>>
        %dma_start3A_85 = arith.constant 0 : i32
        %dma_start3A_86 = arith.constant 0 : i32
        %dma_start3A_87 = tpu.memref_slice %arg12[%dma_start3A_85, %dma_start3A_86] : memref<5120x128xf32, #tpu.memory_space<vmem_shared>> -> memref<5120x128xf32, #tpu.memory_space<vmem_shared>>
        tpu.enqueue_indirect_dma source(%dma_start3A_87 : memref<5120x128xf32, #tpu.memory_space<vmem_shared>>) target(%arg9 : memref<128x128xf32, #tpu.memory_space<vmem>>) offsets(%dma_start3A_84 : memref<128xi32, #tpu.memory_space<vmem>>) semaphore(%arg13 : memref<!tpu.dma_semaphore, #tpu.memory_space<semaphore_mem>>)
      } else {
      }
      %add3A_70 = arith.constant 1 : i32
      %add3A_71 = arith.addi %mul3A_54, %add3A_70 : i32
      %dma_wait3A_72 = arith.constant 0 : i32
      %dma_wait3A_73 = tpu.memref_slice %arg7[%add3A_71, %dma_wait3A_72] : memref<48x128xi32, #tpu.memory_space<vmem>> -> memref<1x128xi32, #tpu.memory_space<vmem>>
      %dma_wait3A_74 = tpu.memref_squeeze %dma_wait3A_73 : memref<1x128xi32, #tpu.memory_space<vmem>> -> memref<128xi32, #tpu.memory_space<vmem>>
      %dma_wait3A_75 = arith.constant 0 : i32
      %dma_wait3A_76 = arith.constant 0 : i32
      %dma_wait3A_77 = tpu.memref_slice %arg12[%dma_wait3A_75, %dma_wait3A_76] : memref<5120x128xf32, #tpu.memory_space<vmem_shared>> -> memref<5120x128xf32, #tpu.memory_space<vmem_shared>>
      tpu.wait_indirect_dma semaphore(%arg14 : memref<!tpu.dma_semaphore, #tpu.memory_space<semaphore_mem>>) src(%dma_wait3A_77 : memref<5120x128xf32, #tpu.memory_space<vmem_shared>>) dst(%arg10 : memref<128x128xf32, #tpu.memory_space<vmem>>)
      %add3A_78 = arith.constant 1 : i32
      %add3A_79 = arith.addi %mul3A_54, %add3A_78 : i32
      "tpu.region"() ({
        %run_scoped3A_80 = tpu.sem_alloc : memref<!tpu.dma_semaphore, #tpu.memory_space<semaphore_mem>>
        %dma_start3A_81 = arith.constant 0 : i32
        %dma_start3A_82 = tpu.memref_slice %arg8[%add3A_79, %dma_start3A_81] : memref<48x128xi32, #tpu.memory_space<vmem>> -> memref<1x128xi32, #tpu.memory_space<vmem>>
        %dma_start3A_83 = tpu.memref_squeeze %dma_start3A_82 : memref<1x128xi32, #tpu.memory_space<vmem>> -> memref<128xi32, #tpu.memory_space<vmem>>
        %dma_start3A_84 = arith.constant 0 : i32
        %dma_start3A_85 = arith.constant 0 : i32
        %dma_start3A_86 = tpu.memref_slice %arg11[%dma_start3A_84, %dma_start3A_85] : memref<5376x128xf32, #tpu.memory_space<vmem_shared>> -> memref<5376x128xf32, #tpu.memory_space<vmem_shared>>
        tpu.enqueue_indirect_dma source(%arg10 : memref<128x128xf32, #tpu.memory_space<vmem>>) target(%dma_start3A_86 : memref<5376x128xf32, #tpu.memory_space<vmem_shared>>) offsets(%dma_start3A_83 : memref<128xi32, #tpu.memory_space<vmem>>) semaphore(%run_scoped3A_80 : memref<!tpu.dma_semaphore, #tpu.memory_space<semaphore_mem>>) {add = true}
        %dma_wait3A_87 = arith.constant 0 : i32
        %dma_wait3A_88 = tpu.memref_slice %arg8[%add3A_79, %dma_wait3A_87] : memref<48x128xi32, #tpu.memory_space<vmem>> -> memref<1x128xi32, #tpu.memory_space<vmem>>
        %dma_wait3A_89 = tpu.memref_squeeze %dma_wait3A_88 : memref<1x128xi32, #tpu.memory_space<vmem>> -> memref<128xi32, #tpu.memory_space<vmem>>
        %dma_wait3A_90 = arith.constant 0 : i32
        %dma_wait3A_91 = arith.constant 0 : i32
        %dma_wait3A_92 = tpu.memref_slice %arg11[%dma_wait3A_90, %dma_wait3A_91] : memref<5376x128xf32, #tpu.memory_space<vmem_shared>> -> memref<5376x128xf32, #tpu.memory_space<vmem_shared>>
        tpu.wait_indirect_dma semaphore(%run_scoped3A_80 : memref<!tpu.dma_semaphore, #tpu.memory_space<semaphore_mem>>) src(%arg10 : memref<128x128xf32, #tpu.memory_space<vmem>>) dst(%dma_wait3A_92 : memref<5376x128xf32, #tpu.memory_space<vmem_shared>>)
        tpu.yield
      }) : () -> ()
    }
    %scan3A_46 = arith.constant 24 : i32
    %barrier3A_47 = arith.constant 0 : index
    tpu.barrier barrier_id(%barrier3A_47)
    %mul3A_48 = arith.constant 336 : i32
    %mul3A_49 = arith.muli %arg1, %mul3A_48 : i32
    %mul3A_50 = arith.constant 336 : i32
    %mul3A_51 = arith.muli %arg1, %mul3A_50 : i32
    "tpu.region"() ({
      %run_scoped3A_52 = tpu.sem_alloc : memref<!tpu.dma_semaphore, #tpu.memory_space<semaphore_mem>>
      %dma_start3A_53 = arith.constant 0 : i32
      %dma_start3A_54 = arith.constant 0 : i32
      %dma_start3A_55 = tpu.memref_slice %arg6[%arg0, %dma_start3A_53, %dma_start3A_54] : memref<2x5376x128xf32, #tpu.memory_space<hbm>> -> memref<1x5376x128xf32, #tpu.memory_space<hbm>>
      %dma_start3A_56 = tpu.memref_squeeze %dma_start3A_55 : memref<1x5376x128xf32, #tpu.memory_space<hbm>> -> memref<5376x128xf32, #tpu.memory_space<hbm>>
      %dma_start3A_57 = arith.constant 0 : i32
      %dma_start3A_58 = tpu.memref_slice %dma_start3A_56[%mul3A_51, %dma_start3A_57] : memref<5376x128xf32, #tpu.memory_space<hbm>> -> memref<336x128xf32, #tpu.memory_space<hbm>>
      %dma_start3A_59 = arith.constant 0 : i32
      %dma_start3A_60 = tpu.memref_slice %arg11[%mul3A_49, %dma_start3A_59] : memref<5376x128xf32, #tpu.memory_space<vmem_shared>> -> memref<336x128xf32, #tpu.memory_space<vmem_shared>>
      tpu.enqueue_dma source(%dma_start3A_60 : memref<336x128xf32, #tpu.memory_space<vmem_shared>>) target(%dma_start3A_58 : memref<336x128xf32, #tpu.memory_space<hbm>>) target_semaphore(%run_scoped3A_52 : memref<!tpu.dma_semaphore, #tpu.memory_space<semaphore_mem>>)
      %dma_wait3A = arith.constant 0 : i32
      %dma_wait3A_61 = arith.constant 0 : i32
      %dma_wait3A_62 = tpu.memref_slice %arg6[%arg0, %dma_wait3A, %dma_wait3A_61] : memref<2x5376x128xf32, #tpu.memory_space<hbm>> -> memref<1x5376x128xf32, #tpu.memory_space<hbm>>
      %dma_wait3A_63 = tpu.memref_squeeze %dma_wait3A_62 : memref<1x5376x128xf32, #tpu.memory_space<hbm>> -> memref<5376x128xf32, #tpu.memory_space<hbm>>
      %dma_wait3A_64 = arith.constant 0 : i32
      %dma_wait3A_65 = tpu.memref_slice %dma_wait3A_63[%mul3A_51, %dma_wait3A_64] : memref<5376x128xf32, #tpu.memory_space<hbm>> -> memref<336x128xf32, #tpu.memory_space<hbm>>
      %dma_wait3A_66 = arith.constant 0 : i32
      %dma_wait3A_67 = tpu.memref_slice %arg11[%mul3A_49, %dma_wait3A_66] : memref<5376x128xf32, #tpu.memory_space<vmem_shared>> -> memref<336x128xf32, #tpu.memory_space<vmem_shared>>
      tpu.wait_dma2 semaphore(%run_scoped3A_52 : memref<!tpu.dma_semaphore, #tpu.memory_space<semaphore_mem>>) src(%dma_wait3A_67 : memref<336x128xf32, #tpu.memory_space<vmem_shared>>) dst(%dma_wait3A_65 : memref<336x128xf32, #tpu.memory_space<hbm>>)
      tpu.yield
    }) : () -> ()
    return
  }
}

#map = affine_map<(d0, d1) -> (0)>
#map1 = affine_map<(d0, d1) -> (0, 0)>
module attributes {stable_mosaic.version = 14 : i64} {
  func.func @k(%arg0: i32, %arg1: i32, %arg2: memref<320000xi32, #tpu.memory_space<hbm>>, %arg3: memref<10240xi32, #tpu.memory_space<hbm>>, %arg4: memref<32x10240xf32, #tpu.memory_space<hbm>>, %arg5: memref<32x512xf32, #tpu.memory_space<hbm>>, %arg6: memref<10000xi32, #tpu.memory_space<vmem>>, %arg7: memref<320xi32, #tpu.memory_space<vmem>>, %arg8: memref<10240xf32, #tpu.memory_space<vmem>>, %arg9: memref<512xf32, #tpu.memory_space<vmem>>) attributes {dimension_semantics = [#tpu.dimension_semantics<core_parallel>, #tpu.dimension_semantics<subcore_parallel>], iteration_bounds = array<i64: 2, 16>, scalar_prefetch = 0 : i64, scratch_operands = 4 : i64, tpu.core_type = #tpu.core_type<sc_vector_subcore>, window_params = [{transform_indices = #map}, {transform_indices = #map}, {transform_indices = #map1}, {transform_indices = #map1}]} {
    %mul3A = arith.constant 16 : i32
    %mul3A_0 = arith.muli %arg0, %mul3A : i32
    %add3A = arith.addi %mul3A_0, %arg1 : i32
    %mul3A_1 = arith.constant 10000 : i32
    %mul3A_2 = arith.muli %add3A, %mul3A_1 : i32
    "tpu.region"() ({
      %run_scoped3A = tpu.sem_alloc : memref<!tpu.dma_semaphore, #tpu.memory_space<semaphore_mem>>
      %dma_start3A = tpu.memref_slice %arg2[%mul3A_2] : memref<320000xi32, #tpu.memory_space<hbm>> -> memref<10000xi32, #tpu.memory_space<hbm>>
      %dma_start3A_31 = tpu.memref_slice %arg2[%mul3A_2] : memref<320000xi32, #tpu.memory_space<hbm>> -> memref<10000xi32, #tpu.memory_space<hbm>>
      tpu.enqueue_dma source(%dma_start3A_31 : memref<10000xi32, #tpu.memory_space<hbm>>) target(%arg6 : memref<10000xi32, #tpu.memory_space<vmem>>) target_semaphore(%run_scoped3A : memref<!tpu.dma_semaphore, #tpu.memory_space<semaphore_mem>>)
      %dma_wait3A = tpu.memref_slice %arg2[%mul3A_2] : memref<320000xi32, #tpu.memory_space<hbm>> -> memref<10000xi32, #tpu.memory_space<hbm>>
      %dma_wait3A_32 = tpu.memref_slice %arg2[%mul3A_2] : memref<320000xi32, #tpu.memory_space<hbm>> -> memref<10000xi32, #tpu.memory_space<hbm>>
      tpu.wait_dma2 semaphore(%run_scoped3A : memref<!tpu.dma_semaphore, #tpu.memory_space<semaphore_mem>>) src(%dma_wait3A_32 : memref<10000xi32, #tpu.memory_space<hbm>>) dst(%arg6 : memref<10000xi32, #tpu.memory_space<vmem>>)
      tpu.yield
    }) : () -> ()
    %mul3A_3 = arith.constant 320 : i32
    %mul3A_4 = arith.muli %add3A, %mul3A_3 : i32
    "tpu.region"() ({
      %run_scoped3A = tpu.sem_alloc : memref<!tpu.dma_semaphore, #tpu.memory_space<semaphore_mem>>
      %dma_start3A = tpu.memref_slice %arg3[%mul3A_4] : memref<10240xi32, #tpu.memory_space<hbm>> -> memref<320xi32, #tpu.memory_space<hbm>>
      %dma_start3A_31 = tpu.memref_slice %arg3[%mul3A_4] : memref<10240xi32, #tpu.memory_space<hbm>> -> memref<320xi32, #tpu.memory_space<hbm>>
      tpu.enqueue_dma source(%dma_start3A_31 : memref<320xi32, #tpu.memory_space<hbm>>) target(%arg7 : memref<320xi32, #tpu.memory_space<vmem>>) target_semaphore(%run_scoped3A : memref<!tpu.dma_semaphore, #tpu.memory_space<semaphore_mem>>)
      %dma_wait3A = tpu.memref_slice %arg3[%mul3A_4] : memref<10240xi32, #tpu.memory_space<hbm>> -> memref<320xi32, #tpu.memory_space<hbm>>
      %dma_wait3A_32 = tpu.memref_slice %arg3[%mul3A_4] : memref<10240xi32, #tpu.memory_space<hbm>> -> memref<320xi32, #tpu.memory_space<hbm>>
      tpu.wait_dma2 semaphore(%run_scoped3A : memref<!tpu.dma_semaphore, #tpu.memory_space<semaphore_mem>>) src(%dma_wait3A_32 : memref<320xi32, #tpu.memory_space<hbm>>) dst(%arg7 : memref<320xi32, #tpu.memory_space<vmem>>)
      tpu.yield
    }) : () -> ()
    %broadcast_in_dim3A = arith.constant 0.000000e+00 : f32
    %broadcast_in_dim3A_5 = vector.broadcast %broadcast_in_dim3A : f32 to vector<16xf32>
    %broadcast_in_dim3A_6 = arith.constant 1.000000e+00 : f32
    %broadcast_in_dim3A_7 = vector.broadcast %broadcast_in_dim3A_6 : f32 to vector<16xf32>
    %scan3A = arith.constant 0 : i32
    %scan3A_8 = arith.constant 0 : i32
    %scan3A_9 = arith.constant 640 : i32
    %scan3A_10 = arith.addi %scan3A_8, %scan3A_9 : i32
    %scan3A_11 = arith.constant 1 : i32
    scf.for %scan3A_31 = %scan3A_8 to %scan3A_10 step %scan3A_11  : i32 {
      %mul3A_32 = arith.constant 16 : i32
      %mul3A_33 = arith.muli %scan3A_31, %mul3A_32 : i32
      %swap3A = arith.index_cast %mul3A_33 : i32 to index
      %swap3A_34 = tpu.vector_load %arg8[%swap3A] {strides = array<i32>} : memref<10240xf32, #tpu.memory_space<vmem>>, vector<16xf32>,
      tpu.vector_store %arg8[%swap3A], %broadcast_in_dim3A_5 {strides = array<i32>} : memref<10240xf32, #tpu.memory_space<vmem>>, vector<16xf32>,
    }
    %scan3A_12 = arith.constant 640 : i32
    %scan3A_13 = arith.constant 0 : i32
    %scan3A_14 = arith.constant 0 : i32
    %scan3A_15 = arith.constant 32 : i32
    %scan3A_16 = arith.addi %scan3A_14, %scan3A_15 : i32
    %scan3A_17 = arith.constant 1 : i32
    scf.for %scan3A_31 = %scan3A_14 to %scan3A_16 step %scan3A_17  : i32 {
      %mul3A_32 = arith.constant 16 : i32
      %mul3A_33 = arith.muli %scan3A_31, %mul3A_32 : i32
      %swap3A = arith.index_cast %mul3A_33 : i32 to index
      %swap3A_34 = tpu.vector_load %arg9[%swap3A] {strides = array<i32>} : memref<512xf32, #tpu.memory_space<vmem>>, vector<16xf32>,
      tpu.vector_store %arg9[%swap3A], %broadcast_in_dim3A_5 {strides = array<i32>} : memref<512xf32, #tpu.memory_space<vmem>>, vector<16xf32>,
    }
    %scan3A_18 = arith.constant 32 : i32
    %scan3A_19 = arith.constant 0 : i32
    %scan3A_20 = arith.constant 0 : i32
    %scan3A_21 = arith.constant 625 : i32
    %scan3A_22 = arith.addi %scan3A_20, %scan3A_21 : i32
    %scan3A_23 = arith.constant 1 : i32
    scf.for %scan3A_31 = %scan3A_20 to %scan3A_22 step %scan3A_23  : i32 {
      %mul3A_32 = arith.constant 16 : i32
      %mul3A_33 = arith.muli %scan3A_31, %mul3A_32 : i32
      %get3A = arith.index_cast %mul3A_33 : i32 to index
      %get3A_34 = tpu.vector_load %arg6[%get3A] {strides = array<i32>} : memref<10000xi32, #tpu.memory_space<vmem>>, vector<16xi32>,
      tpu.vector_store_idx %arg8[%get3A_34], %broadcast_in_dim3A_7 {add = true} : memref<10240xf32, #tpu.memory_space<vmem>>[vector<16xi32>], vector<16xf32>,
    }
    %scan3A_24 = arith.constant 625 : i32
    %scan3A_25 = arith.constant 0 : i32
    %scan3A_26 = arith.constant 0 : i32
    %scan3A_27 = arith.constant 20 : i32
    %scan3A_28 = arith.addi %scan3A_26, %scan3A_27 : i32
    %scan3A_29 = arith.constant 1 : i32
    scf.for %scan3A_31 = %scan3A_26 to %scan3A_28 step %scan3A_29  : i32 {
      %mul3A_32 = arith.constant 16 : i32
      %mul3A_33 = arith.muli %scan3A_31, %mul3A_32 : i32
      %get3A = arith.index_cast %mul3A_33 : i32 to index
      %get3A_34 = tpu.vector_load %arg7[%get3A] {strides = array<i32>} : memref<320xi32, #tpu.memory_space<vmem>>, vector<16xi32>,
      tpu.vector_store_idx %arg9[%get3A_34], %broadcast_in_dim3A_7 {add = true} : memref<512xf32, #tpu.memory_space<vmem>>[vector<16xi32>], vector<16xf32>,
    }
    %scan3A_30 = arith.constant 20 : i32
    "tpu.region"() ({
      %run_scoped3A = tpu.sem_alloc : memref<!tpu.dma_semaphore, #tpu.memory_space<semaphore_mem>>
      %dma_start3A = arith.constant 0 : i32
      %dma_start3A_31 = tpu.memref_slice %arg4[%add3A, %dma_start3A] : memref<32x10240xf32, #tpu.memory_space<hbm>> -> memref<1x10240xf32, #tpu.memory_space<hbm>>
      %dma_start3A_32 = tpu.memref_squeeze %dma_start3A_31 : memref<1x10240xf32, #tpu.memory_space<hbm>> -> memref<10240xf32, #tpu.memory_space<hbm>>
      %dma_start3A_33 = arith.constant 0 : i32
      %dma_start3A_34 = tpu.memref_slice %arg4[%add3A, %dma_start3A_33] : memref<32x10240xf32, #tpu.memory_space<hbm>> -> memref<1x10240xf32, #tpu.memory_space<hbm>>
      %dma_start3A_35 = tpu.memref_squeeze %dma_start3A_34 : memref<1x10240xf32, #tpu.memory_space<hbm>> -> memref<10240xf32, #tpu.memory_space<hbm>>
      tpu.enqueue_dma source(%arg8 : memref<10240xf32, #tpu.memory_space<vmem>>) target(%dma_start3A_35 : memref<10240xf32, #tpu.memory_space<hbm>>) target_semaphore(%run_scoped3A : memref<!tpu.dma_semaphore, #tpu.memory_space<semaphore_mem>>)
      %dma_wait3A = arith.constant 0 : i32
      %dma_wait3A_36 = tpu.memref_slice %arg4[%add3A, %dma_wait3A] : memref<32x10240xf32, #tpu.memory_space<hbm>> -> memref<1x10240xf32, #tpu.memory_space<hbm>>
      %dma_wait3A_37 = tpu.memref_squeeze %dma_wait3A_36 : memref<1x10240xf32, #tpu.memory_space<hbm>> -> memref<10240xf32, #tpu.memory_space<hbm>>
      %dma_wait3A_38 = arith.constant 0 : i32
      %dma_wait3A_39 = tpu.memref_slice %arg4[%add3A, %dma_wait3A_38] : memref<32x10240xf32, #tpu.memory_space<hbm>> -> memref<1x10240xf32, #tpu.memory_space<hbm>>
      %dma_wait3A_40 = tpu.memref_squeeze %dma_wait3A_39 : memref<1x10240xf32, #tpu.memory_space<hbm>> -> memref<10240xf32, #tpu.memory_space<hbm>>
      tpu.wait_dma2 semaphore(%run_scoped3A : memref<!tpu.dma_semaphore, #tpu.memory_space<semaphore_mem>>) src(%arg8 : memref<10240xf32, #tpu.memory_space<vmem>>) dst(%dma_wait3A_40 : memref<10240xf32, #tpu.memory_space<hbm>>)
      tpu.yield
    }) : () -> ()
    "tpu.region"() ({
      %run_scoped3A = tpu.sem_alloc : memref<!tpu.dma_semaphore, #tpu.memory_space<semaphore_mem>>
      %dma_start3A = arith.constant 0 : i32
      %dma_start3A_31 = tpu.memref_slice %arg5[%add3A, %dma_start3A] : memref<32x512xf32, #tpu.memory_space<hbm>> -> memref<1x512xf32, #tpu.memory_space<hbm>>
      %dma_start3A_32 = tpu.memref_squeeze %dma_start3A_31 : memref<1x512xf32, #tpu.memory_space<hbm>> -> memref<512xf32, #tpu.memory_space<hbm>>
      %dma_start3A_33 = arith.constant 0 : i32
      %dma_start3A_34 = tpu.memref_slice %arg5[%add3A, %dma_start3A_33] : memref<32x512xf32, #tpu.memory_space<hbm>> -> memref<1x512xf32, #tpu.memory_space<hbm>>
      %dma_start3A_35 = tpu.memref_squeeze %dma_start3A_34 : memref<1x512xf32, #tpu.memory_space<hbm>> -> memref<512xf32, #tpu.memory_space<hbm>>
      tpu.enqueue_dma source(%arg9 : memref<512xf32, #tpu.memory_space<vmem>>) target(%dma_start3A_35 : memref<512xf32, #tpu.memory_space<hbm>>) target_semaphore(%run_scoped3A : memref<!tpu.dma_semaphore, #tpu.memory_space<semaphore_mem>>)
      %dma_wait3A = arith.constant 0 : i32
      %dma_wait3A_36 = tpu.memref_slice %arg5[%add3A, %dma_wait3A] : memref<32x512xf32, #tpu.memory_space<hbm>> -> memref<1x512xf32, #tpu.memory_space<hbm>>
      %dma_wait3A_37 = tpu.memref_squeeze %dma_wait3A_36 : memref<1x512xf32, #tpu.memory_space<hbm>> -> memref<512xf32, #tpu.memory_space<hbm>>
      %dma_wait3A_38 = arith.constant 0 : i32
      %dma_wait3A_39 = tpu.memref_slice %arg5[%add3A, %dma_wait3A_38] : memref<32x512xf32, #tpu.memory_space<hbm>> -> memref<1x512xf32, #tpu.memory_space<hbm>>
      %dma_wait3A_40 = tpu.memref_squeeze %dma_wait3A_39 : memref<1x512xf32, #tpu.memory_space<hbm>> -> memref<512xf32, #tpu.memory_space<hbm>>
      tpu.wait_dma2 semaphore(%run_scoped3A : memref<!tpu.dma_semaphore, #tpu.memory_space<semaphore_mem>>) src(%arg9 : memref<512xf32, #tpu.memory_space<vmem>>) dst(%dma_wait3A_40 : memref<512xf32, #tpu.memory_space<hbm>>)
      tpu.yield
    }) : () -> ()
    return
  }
}

#map = affine_map<(d0, d1) -> (0, 0, 0)>
#map1 = affine_map<(d0, d1) -> (0, 0)>
module attributes {stable_mosaic.version = 14 : i64} {
  func.func @k(%arg0: i32, %arg1: i32, %arg2: memref<2x5120x128xf32, #tpu.memory_space<hbm>>, %arg3: memref<4x768x128xi32, #tpu.memory_space<hbm>>, %arg4: memref<4x768x128xi32, #tpu.memory_space<hbm>>, %arg5: memref<640x128xf32, #tpu.memory_space<hbm>>, %arg6: memref<2x5376x128xf32, #tpu.memory_space<hbm>>, %arg7: memref<48x128xi32, #tpu.memory_space<vmem>>, %arg8: memref<48x128xi32, #tpu.memory_space<vmem>>, %arg9: memref<128x128xf32, #tpu.memory_space<vmem>>, %arg10: memref<128x128xf32, #tpu.memory_space<vmem>>, %arg11: memref<5376x128xf32, #tpu.memory_space<vmem_shared>>, %arg12: memref<5120x128xf32, #tpu.memory_space<vmem_shared>>, %arg13: memref<!tpu.dma_semaphore, #tpu.memory_space<semaphore_mem>>, %arg14: memref<!tpu.dma_semaphore, #tpu.memory_space<semaphore_mem>>) attributes {dimension_semantics = [#tpu.dimension_semantics<core_parallel>, #tpu.dimension_semantics<subcore_parallel>], iteration_bounds = array<i64: 2, 16>, scalar_prefetch = 0 : i64, scratch_operands = 8 : i64, tpu.core_type = #tpu.core_type<sc_vector_subcore>, window_params = [{transform_indices = #map}, {transform_indices = #map}, {transform_indices = #map}, {transform_indices = #map1}, {transform_indices = #map}]} {
    %mul3A = arith.constant 336 : i32
    %mul3A_0 = arith.muli %arg1, %mul3A : i32
    "tpu.region"() ({
      %run_scoped3A_52 = tpu.sem_alloc : memref<!tpu.dma_semaphore, #tpu.memory_space<semaphore_mem>>
      %dma_start3A_53 = arith.constant 0 : i32
      %dma_start3A_54 = tpu.memref_slice %arg11[%mul3A_0, %dma_start3A_53] : memref<5376x128xf32, #tpu.memory_space<vmem_shared>> -> memref<336x128xf32, #tpu.memory_space<vmem_shared>>
      %dma_start3A_55 = arith.constant 0 : i32
      %dma_start3A_56 = arith.constant 0 : i32
      %dma_start3A_57 = tpu.memref_slice %arg5[%dma_start3A_55, %dma_start3A_56] : memref<640x128xf32, #tpu.memory_space<hbm>> -> memref<336x128xf32, #tpu.memory_space<hbm>>
      tpu.enqueue_dma source(%dma_start3A_57 : memref<336x128xf32, #tpu.memory_space<hbm>>) target(%dma_start3A_54 : memref<336x128xf32, #tpu.memory_space<vmem_shared>>) target_semaphore(%run_scoped3A_52 : memref<!tpu.dma_semaphore, #tpu.memory_space<semaphore_mem>>)
      %dma_wait3A = arith.constant 0 : i32
      %dma_wait3A_58 = tpu.memref_slice %arg11[%mul3A_0, %dma_wait3A] : memref<5376x128xf32, #tpu.memory_space<vmem_shared>> -> memref<336x128xf32, #tpu.memory_space<vmem_shared>>
      %dma_wait3A_59 = arith.constant 0 : i32
      %dma_wait3A_60 = arith.constant 0 : i32
      %dma_wait3A_61 = tpu.memref_slice %arg5[%dma_wait3A_59, %dma_wait3A_60] : memref<640x128xf32, #tpu.memory_space<hbm>> -> memref<336x128xf32, #tpu.memory_space<hbm>>
      tpu.wait_dma2 semaphore(%run_scoped3A_52 : memref<!tpu.dma_semaphore, #tpu.memory_space<semaphore_mem>>) src(%dma_wait3A_61 : memref<336x128xf32, #tpu.memory_space<hbm>>) dst(%dma_wait3A_58 : memref<336x128xf32, #tpu.memory_space<vmem_shared>>)
      tpu.yield
    }) : () -> ()
    %mul3A_1 = arith.constant 320 : i32
    %mul3A_2 = arith.muli %arg1, %mul3A_1 : i32
    %mul3A_3 = arith.constant 320 : i32
    %mul3A_4 = arith.muli %arg1, %mul3A_3 : i32
    %run_scoped3A = arith.constant 0 : i32
    "tpu.region"() ({
      %run_scoped3A_52 = tpu.sem_alloc : memref<!tpu.dma_semaphore, #tpu.memory_space<semaphore_mem>>
      %dma_start3A_53 = arith.constant 0 : i32
      %dma_start3A_54 = tpu.memref_slice %arg12[%mul3A_4, %dma_start3A_53] : memref<5120x128xf32, #tpu.memory_space<vmem_shared>> -> memref<320x128xf32, #tpu.memory_space<vmem_shared>>
      %dma_start3A_55 = arith.constant 0 : i32
      %dma_start3A_56 = arith.constant 0 : i32
      %dma_start3A_57 = tpu.memref_slice %arg2[%run_scoped3A, %dma_start3A_55, %dma_start3A_56] : memref<2x5120x128xf32, #tpu.memory_space<hbm>> -> memref<1x5120x128xf32, #tpu.memory_space<hbm>>
      %dma_start3A_58 = tpu.memref_squeeze %dma_start3A_57 : memref<1x5120x128xf32, #tpu.memory_space<hbm>> -> memref<5120x128xf32, #tpu.memory_space<hbm>>
      %dma_start3A_59 = arith.constant 0 : i32
      %dma_start3A_60 = tpu.memref_slice %dma_start3A_58[%mul3A_2, %dma_start3A_59] : memref<5120x128xf32, #tpu.memory_space<hbm>> -> memref<320x128xf32, #tpu.memory_space<hbm>>
      tpu.enqueue_dma source(%dma_start3A_60 : memref<320x128xf32, #tpu.memory_space<hbm>>) target(%dma_start3A_54 : memref<320x128xf32, #tpu.memory_space<vmem_shared>>) target_semaphore(%run_scoped3A_52 : memref<!tpu.dma_semaphore, #tpu.memory_space<semaphore_mem>>)
      %dma_wait3A = arith.constant 0 : i32
      %dma_wait3A_61 = tpu.memref_slice %arg12[%mul3A_4, %dma_wait3A] : memref<5120x128xf32, #tpu.memory_space<vmem_shared>> -> memref<320x128xf32, #tpu.memory_space<vmem_shared>>
      %dma_wait3A_62 = arith.constant 0 : i32
      %dma_wait3A_63 = arith.constant 0 : i32
      %dma_wait3A_64 = tpu.memref_slice %arg2[%run_scoped3A, %dma_wait3A_62, %dma_wait3A_63] : memref<2x5120x128xf32, #tpu.memory_space<hbm>> -> memref<1x5120x128xf32, #tpu.memory_space<hbm>>
      %dma_wait3A_65 = tpu.memref_squeeze %dma_wait3A_64 : memref<1x5120x128xf32, #tpu.memory_space<hbm>> -> memref<5120x128xf32, #tpu.memory_space<hbm>>
      %dma_wait3A_66 = arith.constant 0 : i32
      %dma_wait3A_67 = tpu.memref_slice %dma_wait3A_65[%mul3A_2, %dma_wait3A_66] : memref<5120x128xf32, #tpu.memory_space<hbm>> -> memref<320x128xf32, #tpu.memory_space<hbm>>
      tpu.wait_dma2 semaphore(%run_scoped3A_52 : memref<!tpu.dma_semaphore, #tpu.memory_space<semaphore_mem>>) src(%dma_wait3A_67 : memref<320x128xf32, #tpu.memory_space<hbm>>) dst(%dma_wait3A_61 : memref<320x128xf32, #tpu.memory_space<vmem_shared>>)
      tpu.yield
    }) : () -> ()
    %barrier3A = arith.constant 0 : index
    tpu.barrier barrier_id(%barrier3A)
    %add3A = arith.constant 0 : i32
    %add3A_5 = arith.addi %add3A, %arg0 : i32
    %mul3A_6 = arith.constant 48 : i32
    %mul3A_7 = arith.muli %arg1, %mul3A_6 : i32
    "tpu.region"() ({
      %run_scoped3A_52 = tpu.sem_alloc : memref<!tpu.dma_semaphore, #tpu.memory_space<semaphore_mem>>
      %dma_start3A_53 = arith.constant 0 : i32
      %dma_start3A_54 = arith.constant 0 : i32
      %dma_start3A_55 = tpu.memref_slice %arg3[%add3A_5, %dma_start3A_53, %dma_start3A_54] : memref<4x768x128xi32, #tpu.memory_space<hbm>> -> memref<1x768x128xi32, #tpu.memory_space<hbm>>
      %dma_start3A_56 = tpu.memref_squeeze %dma_start3A_55 : memref<1x768x128xi32, #tpu.memory_space<hbm>> -> memref<768x128xi32, #tpu.memory_space<hbm>>
      %dma_start3A_57 = arith.constant 0 : i32
      %dma_start3A_58 = tpu.memref_slice %dma_start3A_56[%mul3A_7, %dma_start3A_57] : memref<768x128xi32, #tpu.memory_space<hbm>> -> memref<48x128xi32, #tpu.memory_space<hbm>>
      %dma_start3A_59 = arith.constant 0 : i32
      %dma_start3A_60 = arith.constant 0 : i32
      %dma_start3A_61 = tpu.memref_slice %arg3[%add3A_5, %dma_start3A_59, %dma_start3A_60] : memref<4x768x128xi32, #tpu.memory_space<hbm>> -> memref<1x768x128xi32, #tpu.memory_space<hbm>>
      %dma_start3A_62 = tpu.memref_squeeze %dma_start3A_61 : memref<1x768x128xi32, #tpu.memory_space<hbm>> -> memref<768x128xi32, #tpu.memory_space<hbm>>
      %dma_start3A_63 = arith.constant 0 : i32
      %dma_start3A_64 = tpu.memref_slice %dma_start3A_62[%mul3A_7, %dma_start3A_63] : memref<768x128xi32, #tpu.memory_space<hbm>> -> memref<48x128xi32, #tpu.memory_space<hbm>>
      tpu.enqueue_dma source(%dma_start3A_64 : memref<48x128xi32, #tpu.memory_space<hbm>>) target(%arg7 : memref<48x128xi32, #tpu.memory_space<vmem>>) target_semaphore(%run_scoped3A_52 : memref<!tpu.dma_semaphore, #tpu.memory_space<semaphore_mem>>)
      %dma_wait3A = arith.constant 0 : i32
      %dma_wait3A_65 = arith.constant 0 : i32
      %dma_wait3A_66 = tpu.memref_slice %arg3[%add3A_5, %dma_wait3A, %dma_wait3A_65] : memref<4x768x128xi32, #tpu.memory_space<hbm>> -> memref<1x768x128xi32, #tpu.memory_space<hbm>>
      %dma_wait3A_67 = tpu.memref_squeeze %dma_wait3A_66 : memref<1x768x128xi32, #tpu.memory_space<hbm>> -> memref<768x128xi32, #tpu.memory_space<hbm>>
      %dma_wait3A_68 = arith.constant 0 : i32
      %dma_wait3A_69 = tpu.memref_slice %dma_wait3A_67[%mul3A_7, %dma_wait3A_68] : memref<768x128xi32, #tpu.memory_space<hbm>> -> memref<48x128xi32, #tpu.memory_space<hbm>>
      %dma_wait3A_70 = arith.constant 0 : i32
      %dma_wait3A_71 = arith.constant 0 : i32
      %dma_wait3A_72 = tpu.memref_slice %arg3[%add3A_5, %dma_wait3A_70, %dma_wait3A_71] : memref<4x768x128xi32, #tpu.memory_space<hbm>> -> memref<1x768x128xi32, #tpu.memory_space<hbm>>
      %dma_wait3A_73 = tpu.memref_squeeze %dma_wait3A_72 : memref<1x768x128xi32, #tpu.memory_space<hbm>> -> memref<768x128xi32, #tpu.memory_space<hbm>>
      %dma_wait3A_74 = arith.constant 0 : i32
      %dma_wait3A_75 = tpu.memref_slice %dma_wait3A_73[%mul3A_7, %dma_wait3A_74] : memref<768x128xi32, #tpu.memory_space<hbm>> -> memref<48x128xi32, #tpu.memory_space<hbm>>
      tpu.wait_dma2 semaphore(%run_scoped3A_52 : memref<!tpu.dma_semaphore, #tpu.memory_space<semaphore_mem>>) src(%dma_wait3A_75 : memref<48x128xi32, #tpu.memory_space<hbm>>) dst(%arg7 : memref<48x128xi32, #tpu.memory_space<vmem>>)
      tpu.yield
    }) : () -> ()
    %mul3A_8 = arith.constant 48 : i32
    %mul3A_9 = arith.muli %arg1, %mul3A_8 : i32
    "tpu.region"() ({
      %run_scoped3A_52 = tpu.sem_alloc : memref<!tpu.dma_semaphore, #tpu.memory_space<semaphore_mem>>
      %dma_start3A_53 = arith.constant 0 : i32
      %dma_start3A_54 = arith.constant 0 : i32
      %dma_start3A_55 = tpu.memref_slice %arg4[%add3A_5, %dma_start3A_53, %dma_start3A_54] : memref<4x768x128xi32, #tpu.memory_space<hbm>> -> memref<1x768x128xi32, #tpu.memory_space<hbm>>
      %dma_start3A_56 = tpu.memref_squeeze %dma_start3A_55 : memref<1x768x128xi32, #tpu.memory_space<hbm>> -> memref<768x128xi32, #tpu.memory_space<hbm>>
      %dma_start3A_57 = arith.constant 0 : i32
      %dma_start3A_58 = tpu.memref_slice %dma_start3A_56[%mul3A_9, %dma_start3A_57] : memref<768x128xi32, #tpu.memory_space<hbm>> -> memref<48x128xi32, #tpu.memory_space<hbm>>
      %dma_start3A_59 = arith.constant 0 : i32
      %dma_start3A_60 = arith.constant 0 : i32
      %dma_start3A_61 = tpu.memref_slice %arg4[%add3A_5, %dma_start3A_59, %dma_start3A_60] : memref<4x768x128xi32, #tpu.memory_space<hbm>> -> memref<1x768x128xi32, #tpu.memory_space<hbm>>
      %dma_start3A_62 = tpu.memref_squeeze %dma_start3A_61 : memref<1x768x128xi32, #tpu.memory_space<hbm>> -> memref<768x128xi32, #tpu.memory_space<hbm>>
      %dma_start3A_63 = arith.constant 0 : i32
      %dma_start3A_64 = tpu.memref_slice %dma_start3A_62[%mul3A_9, %dma_start3A_63] : memref<768x128xi32, #tpu.memory_space<hbm>> -> memref<48x128xi32, #tpu.memory_space<hbm>>
      tpu.enqueue_dma source(%dma_start3A_64 : memref<48x128xi32, #tpu.memory_space<hbm>>) target(%arg8 : memref<48x128xi32, #tpu.memory_space<vmem>>) target_semaphore(%run_scoped3A_52 : memref<!tpu.dma_semaphore, #tpu.memory_space<semaphore_mem>>)
      %dma_wait3A = arith.constant 0 : i32
      %dma_wait3A_65 = arith.constant 0 : i32
      %dma_wait3A_66 = tpu.memref_slice %arg4[%add3A_5, %dma_wait3A, %dma_wait3A_65] : memref<4x768x128xi32, #tpu.memory_space<hbm>> -> memref<1x768x128xi32, #tpu.memory_space<hbm>>
      %dma_wait3A_67 = tpu.memref_squeeze %dma_wait3A_66 : memref<1x768x128xi32, #tpu.memory_space<hbm>> -> memref<768x128xi32, #tpu.memory_space<hbm>>
      %dma_wait3A_68 = arith.constant 0 : i32
      %dma_wait3A_69 = tpu.memref_slice %dma_wait3A_67[%mul3A_9, %dma_wait3A_68] : memref<768x128xi32, #tpu.memory_space<hbm>> -> memref<48x128xi32, #tpu.memory_space<hbm>>
      %dma_wait3A_70 = arith.constant 0 : i32
      %dma_wait3A_71 = arith.constant 0 : i32
      %dma_wait3A_72 = tpu.memref_slice %arg4[%add3A_5, %dma_wait3A_70, %dma_wait3A_71] : memref<4x768x128xi32, #tpu.memory_space<hbm>> -> memref<1x768x128xi32, #tpu.memory_space<hbm>>
      %dma_wait3A_73 = tpu.memref_squeeze %dma_wait3A_72 : memref<1x768x128xi32, #tpu.memory_space<hbm>> -> memref<768x128xi32, #tpu.memory_space<hbm>>
      %dma_wait3A_74 = arith.constant 0 : i32
      %dma_wait3A_75 = tpu.memref_slice %dma_wait3A_73[%mul3A_9, %dma_wait3A_74] : memref<768x128xi32, #tpu.memory_space<hbm>> -> memref<48x128xi32, #tpu.memory_space<hbm>>
      tpu.wait_dma2 semaphore(%run_scoped3A_52 : memref<!tpu.dma_semaphore, #tpu.memory_space<semaphore_mem>>) src(%dma_wait3A_75 : memref<48x128xi32, #tpu.memory_space<hbm>>) dst(%arg8 : memref<48x128xi32, #tpu.memory_space<vmem>>)
      tpu.yield
    }) : () -> ()
    %dma_start3A = arith.constant 0 : i32
    %dma_start3A_10 = arith.constant 0 : i32
    %dma_start3A_11 = tpu.memref_slice %arg7[%dma_start3A, %dma_start3A_10] : memref<48x128xi32, #tpu.memory_space<vmem>> -> memref<1x128xi32, #tpu.memory_space<vmem>>
    %dma_start3A_12 = tpu.memref_squeeze %dma_start3A_11 : memref<1x128xi32, #tpu.memory_space<vmem>> -> memref<128xi32, #tpu.memory_space<vmem>>
    %dma_start3A_13 = arith.constant 0 : i32
    %dma_start3A_14 = arith.constant 0 : i32
    %dma_start3A_15 = tpu.memref_slice %arg12[%dma_start3A_13, %dma_start3A_14] : memref<5120x128xf32, #tpu.memory_space<vmem_shared>> -> memref<5120x128xf32, #tpu.memory_space<vmem_shared>>
    tpu.enqueue_indirect_dma source(%dma_start3A_15 : memref<5120x128xf32, #tpu.memory_space<vmem_shared>>) target(%arg9 : memref<128x128xf32, #tpu.memory_space<vmem>>) offsets(%dma_start3A_12 : memref<128xi32, #tpu.memory_space<vmem>>) semaphore(%arg13 : memref<!tpu.dma_semaphore, #tpu.memory_space<semaphore_mem>>)
    %scan3A = arith.constant 0 : i32
    %scan3A_16 = arith.constant 0 : i32
    %scan3A_17 = arith.constant 24 : i32
    %scan3A_18 = arith.addi %scan3A_16, %scan3A_17 : i32
    %scan3A_19 = arith.constant 1 : i32
    scf.for %scan3A_52 = %scan3A_16 to %scan3A_18 step %scan3A_19  : i32 {
      %mul3A_53 = arith.constant 2 : i32
      %mul3A_54 = arith.muli %mul3A_53, %scan3A_52 : i32
      %add3A_55 = arith.constant 1 : i32
      %add3A_56 = arith.addi %mul3A_54, %add3A_55 : i32
      %dma_start3A_57 = arith.constant 0 : i32
      %dma_start3A_58 = tpu.memref_slice %arg7[%add3A_56, %dma_start3A_57] : memref<48x128xi32, #tpu.memory_space<vmem>> -> memref<1x128xi32, #tpu.memory_space<vmem>>
      %dma_start3A_59 = tpu.memref_squeeze %dma_start3A_58 : memref<1x128xi32, #tpu.memory_space<vmem>> -> memref<128xi32, #tpu.memory_space<vmem>>
      %dma_start3A_60 = arith.constant 0 : i32
      %dma_start3A_61 = arith.constant 0 : i32
      %dma_start3A_62 = tpu.memref_slice %arg12[%dma_start3A_60, %dma_start3A_61] : memref<5120x128xf32, #tpu.memory_space<vmem_shared>> -> memref<5120x128xf32, #tpu.memory_space<vmem_shared>>
      tpu.enqueue_indirect_dma source(%dma_start3A_62 : memref<5120x128xf32, #tpu.memory_space<vmem_shared>>) target(%arg10 : memref<128x128xf32, #tpu.memory_space<vmem>>) offsets(%dma_start3A_59 : memref<128xi32, #tpu.memory_space<vmem>>) semaphore(%arg14 : memref<!tpu.dma_semaphore, #tpu.memory_space<semaphore_mem>>)
      %dma_wait3A = arith.constant 0 : i32
      %dma_wait3A_63 = tpu.memref_slice %arg7[%mul3A_54, %dma_wait3A] : memref<48x128xi32, #tpu.memory_space<vmem>> -> memref<1x128xi32, #tpu.memory_space<vmem>>
      %dma_wait3A_64 = tpu.memref_squeeze %dma_wait3A_63 : memref<1x128xi32, #tpu.memory_space<vmem>> -> memref<128xi32, #tpu.memory_space<vmem>>
      %dma_wait3A_65 = arith.constant 0 : i32
      %dma_wait3A_66 = arith.constant 0 : i32
      %dma_wait3A_67 = tpu.memref_slice %arg12[%dma_wait3A_65, %dma_wait3A_66] : memref<5120x128xf32, #tpu.memory_space<vmem_shared>> -> memref<5120x128xf32, #tpu.memory_space<vmem_shared>>
      tpu.wait_indirect_dma semaphore(%arg13 : memref<!tpu.dma_semaphore, #tpu.memory_space<semaphore_mem>>) src(%dma_wait3A_67 : memref<5120x128xf32, #tpu.memory_space<vmem_shared>>) dst(%arg9 : memref<128x128xf32, #tpu.memory_space<vmem>>)
      "tpu.region"() ({
        %run_scoped3A_80 = tpu.sem_alloc : memref<!tpu.dma_semaphore, #tpu.memory_space<semaphore_mem>>
        %dma_start3A_81 = arith.constant 0 : i32
        %dma_start3A_82 = tpu.memref_slice %arg8[%mul3A_54, %dma_start3A_81] : memref<48x128xi32, #tpu.memory_space<vmem>> -> memref<1x128xi32, #tpu.memory_space<vmem>>
        %dma_start3A_83 = tpu.memref_squeeze %dma_start3A_82 : memref<1x128xi32, #tpu.memory_space<vmem>> -> memref<128xi32, #tpu.memory_space<vmem>>
        %dma_start3A_84 = arith.constant 0 : i32
        %dma_start3A_85 = arith.constant 0 : i32
        %dma_start3A_86 = tpu.memref_slice %arg11[%dma_start3A_84, %dma_start3A_85] : memref<5376x128xf32, #tpu.memory_space<vmem_shared>> -> memref<5376x128xf32, #tpu.memory_space<vmem_shared>>
        tpu.enqueue_indirect_dma source(%arg9 : memref<128x128xf32, #tpu.memory_space<vmem>>) target(%dma_start3A_86 : memref<5376x128xf32, #tpu.memory_space<vmem_shared>>) offsets(%dma_start3A_83 : memref<128xi32, #tpu.memory_space<vmem>>) semaphore(%run_scoped3A_80 : memref<!tpu.dma_semaphore, #tpu.memory_space<semaphore_mem>>) {add = true}
        %dma_wait3A_87 = arith.constant 0 : i32
        %dma_wait3A_88 = tpu.memref_slice %arg8[%mul3A_54, %dma_wait3A_87] : memref<48x128xi32, #tpu.memory_space<vmem>> -> memref<1x128xi32, #tpu.memory_space<vmem>>
        %dma_wait3A_89 = tpu.memref_squeeze %dma_wait3A_88 : memref<1x128xi32, #tpu.memory_space<vmem>> -> memref<128xi32, #tpu.memory_space<vmem>>
        %dma_wait3A_90 = arith.constant 0 : i32
        %dma_wait3A_91 = arith.constant 0 : i32
        %dma_wait3A_92 = tpu.memref_slice %arg11[%dma_wait3A_90, %dma_wait3A_91] : memref<5376x128xf32, #tpu.memory_space<vmem_shared>> -> memref<5376x128xf32, #tpu.memory_space<vmem_shared>>
        tpu.wait_indirect_dma semaphore(%run_scoped3A_80 : memref<!tpu.dma_semaphore, #tpu.memory_space<semaphore_mem>>) src(%arg9 : memref<128x128xf32, #tpu.memory_space<vmem>>) dst(%dma_wait3A_92 : memref<5376x128xf32, #tpu.memory_space<vmem_shared>>)
        tpu.yield
      }) : () -> ()
      %lt3A = arith.constant 23 : i32
      %lt3A_68 = arith.cmpi slt, %scan3A_52, %lt3A : i32
      %convert_element_type3A = arith.extui %lt3A_68 : i1 to i32
      %cond3A = arith.constant 0 : i32
      %cond3A_69 = arith.cmpi ne, %convert_element_type3A, %cond3A : i32
      scf.if %cond3A_69 {
        %add3A_80 = arith.constant 2 : i32
        %add3A_81 = arith.addi %mul3A_54, %add3A_80 : i32
        %dma_start3A_82 = arith.constant 0 : i32
        %dma_start3A_83 = tpu.memref_slice %arg7[%add3A_81, %dma_start3A_82] : memref<48x128xi32, #tpu.memory_space<vmem>> -> memref<1x128xi32, #tpu.memory_space<vmem>>
        %dma_start3A_84 = tpu.memref_squeeze %dma_start3A_83 : memref<1x128xi32, #tpu.memory_space<vmem>> -> memref<128xi32, #tpu.memory_space<vmem>>
        %dma_start3A_85 = arith.constant 0 : i32
        %dma_start3A_86 = arith.constant 0 : i32
        %dma_start3A_87 = tpu.memref_slice %arg12[%dma_start3A_85, %dma_start3A_86] : memref<5120x128xf32, #tpu.memory_space<vmem_shared>> -> memref<5120x128xf32, #tpu.memory_space<vmem_shared>>
        tpu.enqueue_indirect_dma source(%dma_start3A_87 : memref<5120x128xf32, #tpu.memory_space<vmem_shared>>) target(%arg9 : memref<128x128xf32, #tpu.memory_space<vmem>>) offsets(%dma_start3A_84 : memref<128xi32, #tpu.memory_space<vmem>>) semaphore(%arg13 : memref<!tpu.dma_semaphore, #tpu.memory_space<semaphore_mem>>)
      } else {
      }
      %add3A_70 = arith.constant 1 : i32
      %add3A_71 = arith.addi %mul3A_54, %add3A_70 : i32
      %dma_wait3A_72 = arith.constant 0 : i32
      %dma_wait3A_73 = tpu.memref_slice %arg7[%add3A_71, %dma_wait3A_72] : memref<48x128xi32, #tpu.memory_space<vmem>> -> memref<1x128xi32, #tpu.memory_space<vmem>>
      %dma_wait3A_74 = tpu.memref_squeeze %dma_wait3A_73 : memref<1x128xi32, #tpu.memory_space<vmem>> -> memref<128xi32, #tpu.memory_space<vmem>>
      %dma_wait3A_75 = arith.constant 0 : i32
      %dma_wait3A_76 = arith.constant 0 : i32
      %dma_wait3A_77 = tpu.memref_slice %arg12[%dma_wait3A_75, %dma_wait3A_76] : memref<5120x128xf32, #tpu.memory_space<vmem_shared>> -> memref<5120x128xf32, #tpu.memory_space<vmem_shared>>
      tpu.wait_indirect_dma semaphore(%arg14 : memref<!tpu.dma_semaphore, #tpu.memory_space<semaphore_mem>>) src(%dma_wait3A_77 : memref<5120x128xf32, #tpu.memory_space<vmem_shared>>) dst(%arg10 : memref<128x128xf32, #tpu.memory_space<vmem>>)
      %add3A_78 = arith.constant 1 : i32
      %add3A_79 = arith.addi %mul3A_54, %add3A_78 : i32
      "tpu.region"() ({
        %run_scoped3A_80 = tpu.sem_alloc : memref<!tpu.dma_semaphore, #tpu.memory_space<semaphore_mem>>
        %dma_start3A_81 = arith.constant 0 : i32
        %dma_start3A_82 = tpu.memref_slice %arg8[%add3A_79, %dma_start3A_81] : memref<48x128xi32, #tpu.memory_space<vmem>> -> memref<1x128xi32, #tpu.memory_space<vmem>>
        %dma_start3A_83 = tpu.memref_squeeze %dma_start3A_82 : memref<1x128xi32, #tpu.memory_space<vmem>> -> memref<128xi32, #tpu.memory_space<vmem>>
        %dma_start3A_84 = arith.constant 0 : i32
        %dma_start3A_85 = arith.constant 0 : i32
        %dma_start3A_86 = tpu.memref_slice %arg11[%dma_start3A_84, %dma_start3A_85] : memref<5376x128xf32, #tpu.memory_space<vmem_shared>> -> memref<5376x128xf32, #tpu.memory_space<vmem_shared>>
        tpu.enqueue_indirect_dma source(%arg10 : memref<128x128xf32, #tpu.memory_space<vmem>>) target(%dma_start3A_86 : memref<5376x128xf32, #tpu.memory_space<vmem_shared>>) offsets(%dma_start3A_83 : memref<128xi32, #tpu.memory_space<vmem>>) semaphore(%run_scoped3A_80 : memref<!tpu.dma_semaphore, #tpu.memory_space<semaphore_mem>>) {add = true}
        %dma_wait3A_87 = arith.constant 0 : i32
        %dma_wait3A_88 = tpu.memref_slice %arg8[%add3A_79, %dma_wait3A_87] : memref<48x128xi32, #tpu.memory_space<vmem>> -> memref<1x128xi32, #tpu.memory_space<vmem>>
        %dma_wait3A_89 = tpu.memref_squeeze %dma_wait3A_88 : memref<1x128xi32, #tpu.memory_space<vmem>> -> memref<128xi32, #tpu.memory_space<vmem>>
        %dma_wait3A_90 = arith.constant 0 : i32
        %dma_wait3A_91 = arith.constant 0 : i32
        %dma_wait3A_92 = tpu.memref_slice %arg11[%dma_wait3A_90, %dma_wait3A_91] : memref<5376x128xf32, #tpu.memory_space<vmem_shared>> -> memref<5376x128xf32, #tpu.memory_space<vmem_shared>>
        tpu.wait_indirect_dma semaphore(%run_scoped3A_80 : memref<!tpu.dma_semaphore, #tpu.memory_space<semaphore_mem>>) src(%arg10 : memref<128x128xf32, #tpu.memory_space<vmem>>) dst(%dma_wait3A_92 : memref<5376x128xf32, #tpu.memory_space<vmem_shared>>)
        tpu.yield
      }) : () -> ()
    }
    %scan3A_20 = arith.constant 24 : i32
    %barrier3A_21 = arith.constant 0 : index
    tpu.barrier barrier_id(%barrier3A_21)
    %mul3A_22 = arith.constant 320 : i32
    %mul3A_23 = arith.muli %arg1, %mul3A_22 : i32
    %mul3A_24 = arith.constant 320 : i32
    %mul3A_25 = arith.muli %arg1, %mul3A_24 : i32
    %run_scoped3A_26 = arith.constant 1 : i32
    "tpu.region"() ({
      %run_scoped3A_52 = tpu.sem_alloc : memref<!tpu.dma_semaphore, #tpu.memory_space<semaphore_mem>>
      %dma_start3A_53 = arith.constant 0 : i32
      %dma_start3A_54 = tpu.memref_slice %arg12[%mul3A_25, %dma_start3A_53] : memref<5120x128xf32, #tpu.memory_space<vmem_shared>> -> memref<320x128xf32, #tpu.memory_space<vmem_shared>>
      %dma_start3A_55 = arith.constant 0 : i32
      %dma_start3A_56 = arith.constant 0 : i32
      %dma_start3A_57 = tpu.memref_slice %arg2[%run_scoped3A_26, %dma_start3A_55, %dma_start3A_56] : memref<2x5120x128xf32, #tpu.memory_space<hbm>> -> memref<1x5120x128xf32, #tpu.memory_space<hbm>>
      %dma_start3A_58 = tpu.memref_squeeze %dma_start3A_57 : memref<1x5120x128xf32, #tpu.memory_space<hbm>> -> memref<5120x128xf32, #tpu.memory_space<hbm>>
      %dma_start3A_59 = arith.constant 0 : i32
      %dma_start3A_60 = tpu.memref_slice %dma_start3A_58[%mul3A_23, %dma_start3A_59] : memref<5120x128xf32, #tpu.memory_space<hbm>> -> memref<320x128xf32, #tpu.memory_space<hbm>>
      tpu.enqueue_dma source(%dma_start3A_60 : memref<320x128xf32, #tpu.memory_space<hbm>>) target(%dma_start3A_54 : memref<320x128xf32, #tpu.memory_space<vmem_shared>>) target_semaphore(%run_scoped3A_52 : memref<!tpu.dma_semaphore, #tpu.memory_space<semaphore_mem>>)
      %dma_wait3A = arith.constant 0 : i32
      %dma_wait3A_61 = tpu.memref_slice %arg12[%mul3A_25, %dma_wait3A] : memref<5120x128xf32, #tpu.memory_space<vmem_shared>> -> memref<320x128xf32, #tpu.memory_space<vmem_shared>>
      %dma_wait3A_62 = arith.constant 0 : i32
      %dma_wait3A_63 = arith.constant 0 : i32
      %dma_wait3A_64 = tpu.memref_slice %arg2[%run_scoped3A_26, %dma_wait3A_62, %dma_wait3A_63] : memref<2x5120x128xf32, #tpu.memory_space<hbm>> -> memref<1x5120x128xf32, #tpu.memory_space<hbm>>
      %dma_wait3A_65 = tpu.memref_squeeze %dma_wait3A_64 : memref<1x5120x128xf32, #tpu.memory_space<hbm>> -> memref<5120x128xf32, #tpu.memory_space<hbm>>
      %dma_wait3A_66 = arith.constant 0 : i32
      %dma_wait3A_67 = tpu.memref_slice %dma_wait3A_65[%mul3A_23, %dma_wait3A_66] : memref<5120x128xf32, #tpu.memory_space<hbm>> -> memref<320x128xf32, #tpu.memory_space<hbm>>
      tpu.wait_dma2 semaphore(%run_scoped3A_52 : memref<!tpu.dma_semaphore, #tpu.memory_space<semaphore_mem>>) src(%dma_wait3A_67 : memref<320x128xf32, #tpu.memory_space<hbm>>) dst(%dma_wait3A_61 : memref<320x128xf32, #tpu.memory_space<vmem_shared>>)
      tpu.yield
    }) : () -> ()
    %barrier3A_27 = arith.constant 0 : index
    tpu.barrier barrier_id(%barrier3A_27)
    %add3A_28 = arith.constant 2 : i32
    %add3A_29 = arith.addi %add3A_28, %arg0 : i32
    %mul3A_30 = arith.constant 48 : i32
    %mul3A_31 = arith.muli %arg1, %mul3A_30 : i32
    "tpu.region"() ({
      %run_scoped3A_52 = tpu.sem_alloc : memref<!tpu.dma_semaphore, #tpu.memory_space<semaphore_mem>>
      %dma_start3A_53 = arith.constant 0 : i32
      %dma_start3A_54 = arith.constant 0 : i32
      %dma_start3A_55 = tpu.memref_slice %arg3[%add3A_29, %dma_start3A_53, %dma_start3A_54] : memref<4x768x128xi32, #tpu.memory_space<hbm>> -> memref<1x768x128xi32, #tpu.memory_space<hbm>>
      %dma_start3A_56 = tpu.memref_squeeze %dma_start3A_55 : memref<1x768x128xi32, #tpu.memory_space<hbm>> -> memref<768x128xi32, #tpu.memory_space<hbm>>
      %dma_start3A_57 = arith.constant 0 : i32
      %dma_start3A_58 = tpu.memref_slice %dma_start3A_56[%mul3A_31, %dma_start3A_57] : memref<768x128xi32, #tpu.memory_space<hbm>> -> memref<48x128xi32, #tpu.memory_space<hbm>>
      %dma_start3A_59 = arith.constant 0 : i32
      %dma_start3A_60 = arith.constant 0 : i32
      %dma_start3A_61 = tpu.memref_slice %arg3[%add3A_29, %dma_start3A_59, %dma_start3A_60] : memref<4x768x128xi32, #tpu.memory_space<hbm>> -> memref<1x768x128xi32, #tpu.memory_space<hbm>>
      %dma_start3A_62 = tpu.memref_squeeze %dma_start3A_61 : memref<1x768x128xi32, #tpu.memory_space<hbm>> -> memref<768x128xi32, #tpu.memory_space<hbm>>
      %dma_start3A_63 = arith.constant 0 : i32
      %dma_start3A_64 = tpu.memref_slice %dma_start3A_62[%mul3A_31, %dma_start3A_63] : memref<768x128xi32, #tpu.memory_space<hbm>> -> memref<48x128xi32, #tpu.memory_space<hbm>>
      tpu.enqueue_dma source(%dma_start3A_64 : memref<48x128xi32, #tpu.memory_space<hbm>>) target(%arg7 : memref<48x128xi32, #tpu.memory_space<vmem>>) target_semaphore(%run_scoped3A_52 : memref<!tpu.dma_semaphore, #tpu.memory_space<semaphore_mem>>)
      %dma_wait3A = arith.constant 0 : i32
      %dma_wait3A_65 = arith.constant 0 : i32
      %dma_wait3A_66 = tpu.memref_slice %arg3[%add3A_29, %dma_wait3A, %dma_wait3A_65] : memref<4x768x128xi32, #tpu.memory_space<hbm>> -> memref<1x768x128xi32, #tpu.memory_space<hbm>>
      %dma_wait3A_67 = tpu.memref_squeeze %dma_wait3A_66 : memref<1x768x128xi32, #tpu.memory_space<hbm>> -> memref<768x128xi32, #tpu.memory_space<hbm>>
      %dma_wait3A_68 = arith.constant 0 : i32
      %dma_wait3A_69 = tpu.memref_slice %dma_wait3A_67[%mul3A_31, %dma_wait3A_68] : memref<768x128xi32, #tpu.memory_space<hbm>> -> memref<48x128xi32, #tpu.memory_space<hbm>>
      %dma_wait3A_70 = arith.constant 0 : i32
      %dma_wait3A_71 = arith.constant 0 : i32
      %dma_wait3A_72 = tpu.memref_slice %arg3[%add3A_29, %dma_wait3A_70, %dma_wait3A_71] : memref<4x768x128xi32, #tpu.memory_space<hbm>> -> memref<1x768x128xi32, #tpu.memory_space<hbm>>
      %dma_wait3A_73 = tpu.memref_squeeze %dma_wait3A_72 : memref<1x768x128xi32, #tpu.memory_space<hbm>> -> memref<768x128xi32, #tpu.memory_space<hbm>>
      %dma_wait3A_74 = arith.constant 0 : i32
      %dma_wait3A_75 = tpu.memref_slice %dma_wait3A_73[%mul3A_31, %dma_wait3A_74] : memref<768x128xi32, #tpu.memory_space<hbm>> -> memref<48x128xi32, #tpu.memory_space<hbm>>
      tpu.wait_dma2 semaphore(%run_scoped3A_52 : memref<!tpu.dma_semaphore, #tpu.memory_space<semaphore_mem>>) src(%dma_wait3A_75 : memref<48x128xi32, #tpu.memory_space<hbm>>) dst(%arg7 : memref<48x128xi32, #tpu.memory_space<vmem>>)
      tpu.yield
    }) : () -> ()
    %mul3A_32 = arith.constant 48 : i32
    %mul3A_33 = arith.muli %arg1, %mul3A_32 : i32
    "tpu.region"() ({
      %run_scoped3A_52 = tpu.sem_alloc : memref<!tpu.dma_semaphore, #tpu.memory_space<semaphore_mem>>
      %dma_start3A_53 = arith.constant 0 : i32
      %dma_start3A_54 = arith.constant 0 : i32
      %dma_start3A_55 = tpu.memref_slice %arg4[%add3A_29, %dma_start3A_53, %dma_start3A_54] : memref<4x768x128xi32, #tpu.memory_space<hbm>> -> memref<1x768x128xi32, #tpu.memory_space<hbm>>
      %dma_start3A_56 = tpu.memref_squeeze %dma_start3A_55 : memref<1x768x128xi32, #tpu.memory_space<hbm>> -> memref<768x128xi32, #tpu.memory_space<hbm>>
      %dma_start3A_57 = arith.constant 0 : i32
      %dma_start3A_58 = tpu.memref_slice %dma_start3A_56[%mul3A_33, %dma_start3A_57] : memref<768x128xi32, #tpu.memory_space<hbm>> -> memref<48x128xi32, #tpu.memory_space<hbm>>
      %dma_start3A_59 = arith.constant 0 : i32
      %dma_start3A_60 = arith.constant 0 : i32
      %dma_start3A_61 = tpu.memref_slice %arg4[%add3A_29, %dma_start3A_59, %dma_start3A_60] : memref<4x768x128xi32, #tpu.memory_space<hbm>> -> memref<1x768x128xi32, #tpu.memory_space<hbm>>
      %dma_start3A_62 = tpu.memref_squeeze %dma_start3A_61 : memref<1x768x128xi32, #tpu.memory_space<hbm>> -> memref<768x128xi32, #tpu.memory_space<hbm>>
      %dma_start3A_63 = arith.constant 0 : i32
      %dma_start3A_64 = tpu.memref_slice %dma_start3A_62[%mul3A_33, %dma_start3A_63] : memref<768x128xi32, #tpu.memory_space<hbm>> -> memref<48x128xi32, #tpu.memory_space<hbm>>
      tpu.enqueue_dma source(%dma_start3A_64 : memref<48x128xi32, #tpu.memory_space<hbm>>) target(%arg8 : memref<48x128xi32, #tpu.memory_space<vmem>>) target_semaphore(%run_scoped3A_52 : memref<!tpu.dma_semaphore, #tpu.memory_space<semaphore_mem>>)
      %dma_wait3A = arith.constant 0 : i32
      %dma_wait3A_65 = arith.constant 0 : i32
      %dma_wait3A_66 = tpu.memref_slice %arg4[%add3A_29, %dma_wait3A, %dma_wait3A_65] : memref<4x768x128xi32, #tpu.memory_space<hbm>> -> memref<1x768x128xi32, #tpu.memory_space<hbm>>
      %dma_wait3A_67 = tpu.memref_squeeze %dma_wait3A_66 : memref<1x768x128xi32, #tpu.memory_space<hbm>> -> memref<768x128xi32, #tpu.memory_space<hbm>>
      %dma_wait3A_68 = arith.constant 0 : i32
      %dma_wait3A_69 = tpu.memref_slice %dma_wait3A_67[%mul3A_33, %dma_wait3A_68] : memref<768x128xi32, #tpu.memory_space<hbm>> -> memref<48x128xi32, #tpu.memory_space<hbm>>
      %dma_wait3A_70 = arith.constant 0 : i32
      %dma_wait3A_71 = arith.constant 0 : i32
      %dma_wait3A_72 = tpu.memref_slice %arg4[%add3A_29, %dma_wait3A_70, %dma_wait3A_71] : memref<4x768x128xi32, #tpu.memory_space<hbm>> -> memref<1x768x128xi32, #tpu.memory_space<hbm>>
      %dma_wait3A_73 = tpu.memref_squeeze %dma_wait3A_72 : memref<1x768x128xi32, #tpu.memory_space<hbm>> -> memref<768x128xi32, #tpu.memory_space<hbm>>
      %dma_wait3A_74 = arith.constant 0 : i32
      %dma_wait3A_75 = tpu.memref_slice %dma_wait3A_73[%mul3A_33, %dma_wait3A_74] : memref<768x128xi32, #tpu.memory_space<hbm>> -> memref<48x128xi32, #tpu.memory_space<hbm>>
      tpu.wait_dma2 semaphore(%run_scoped3A_52 : memref<!tpu.dma_semaphore, #tpu.memory_space<semaphore_mem>>) src(%dma_wait3A_75 : memref<48x128xi32, #tpu.memory_space<hbm>>) dst(%arg8 : memref<48x128xi32, #tpu.memory_space<vmem>>)
      tpu.yield
    }) : () -> ()
    %dma_start3A_34 = arith.constant 0 : i32
    %dma_start3A_35 = arith.constant 0 : i32
    %dma_start3A_36 = tpu.memref_slice %arg7[%dma_start3A_34, %dma_start3A_35] : memref<48x128xi32, #tpu.memory_space<vmem>> -> memref<1x128xi32, #tpu.memory_space<vmem>>
    %dma_start3A_37 = tpu.memref_squeeze %dma_start3A_36 : memref<1x128xi32, #tpu.memory_space<vmem>> -> memref<128xi32, #tpu.memory_space<vmem>>
    %dma_start3A_38 = arith.constant 0 : i32
    %dma_start3A_39 = arith.constant 0 : i32
    %dma_start3A_40 = tpu.memref_slice %arg12[%dma_start3A_38, %dma_start3A_39] : memref<5120x128xf32, #tpu.memory_space<vmem_shared>> -> memref<5120x128xf32, #tpu.memory_space<vmem_shared>>
    tpu.enqueue_indirect_dma source(%dma_start3A_40 : memref<5120x128xf32, #tpu.memory_space<vmem_shared>>) target(%arg9 : memref<128x128xf32, #tpu.memory_space<vmem>>) offsets(%dma_start3A_37 : memref<128xi32, #tpu.memory_space<vmem>>) semaphore(%arg13 : memref<!tpu.dma_semaphore, #tpu.memory_space<semaphore_mem>>)
    %scan3A_41 = arith.constant 0 : i32
    %scan3A_42 = arith.constant 0 : i32
    %scan3A_43 = arith.constant 24 : i32
    %scan3A_44 = arith.addi %scan3A_42, %scan3A_43 : i32
    %scan3A_45 = arith.constant 1 : i32
    scf.for %scan3A_52 = %scan3A_42 to %scan3A_44 step %scan3A_45  : i32 {
      %mul3A_53 = arith.constant 2 : i32
      %mul3A_54 = arith.muli %mul3A_53, %scan3A_52 : i32
      %add3A_55 = arith.constant 1 : i32
      %add3A_56 = arith.addi %mul3A_54, %add3A_55 : i32
      %dma_start3A_57 = arith.constant 0 : i32
      %dma_start3A_58 = tpu.memref_slice %arg7[%add3A_56, %dma_start3A_57] : memref<48x128xi32, #tpu.memory_space<vmem>> -> memref<1x128xi32, #tpu.memory_space<vmem>>
      %dma_start3A_59 = tpu.memref_squeeze %dma_start3A_58 : memref<1x128xi32, #tpu.memory_space<vmem>> -> memref<128xi32, #tpu.memory_space<vmem>>
      %dma_start3A_60 = arith.constant 0 : i32
      %dma_start3A_61 = arith.constant 0 : i32
      %dma_start3A_62 = tpu.memref_slice %arg12[%dma_start3A_60, %dma_start3A_61] : memref<5120x128xf32, #tpu.memory_space<vmem_shared>> -> memref<5120x128xf32, #tpu.memory_space<vmem_shared>>
      tpu.enqueue_indirect_dma source(%dma_start3A_62 : memref<5120x128xf32, #tpu.memory_space<vmem_shared>>) target(%arg10 : memref<128x128xf32, #tpu.memory_space<vmem>>) offsets(%dma_start3A_59 : memref<128xi32, #tpu.memory_space<vmem>>) semaphore(%arg14 : memref<!tpu.dma_semaphore, #tpu.memory_space<semaphore_mem>>)
      %dma_wait3A = arith.constant 0 : i32
      %dma_wait3A_63 = tpu.memref_slice %arg7[%mul3A_54, %dma_wait3A] : memref<48x128xi32, #tpu.memory_space<vmem>> -> memref<1x128xi32, #tpu.memory_space<vmem>>
      %dma_wait3A_64 = tpu.memref_squeeze %dma_wait3A_63 : memref<1x128xi32, #tpu.memory_space<vmem>> -> memref<128xi32, #tpu.memory_space<vmem>>
      %dma_wait3A_65 = arith.constant 0 : i32
      %dma_wait3A_66 = arith.constant 0 : i32
      %dma_wait3A_67 = tpu.memref_slice %arg12[%dma_wait3A_65, %dma_wait3A_66] : memref<5120x128xf32, #tpu.memory_space<vmem_shared>> -> memref<5120x128xf32, #tpu.memory_space<vmem_shared>>
      tpu.wait_indirect_dma semaphore(%arg13 : memref<!tpu.dma_semaphore, #tpu.memory_space<semaphore_mem>>) src(%dma_wait3A_67 : memref<5120x128xf32, #tpu.memory_space<vmem_shared>>) dst(%arg9 : memref<128x128xf32, #tpu.memory_space<vmem>>)
      "tpu.region"() ({
        %run_scoped3A_80 = tpu.sem_alloc : memref<!tpu.dma_semaphore, #tpu.memory_space<semaphore_mem>>
        %dma_start3A_81 = arith.constant 0 : i32
        %dma_start3A_82 = tpu.memref_slice %arg8[%mul3A_54, %dma_start3A_81] : memref<48x128xi32, #tpu.memory_space<vmem>> -> memref<1x128xi32, #tpu.memory_space<vmem>>
        %dma_start3A_83 = tpu.memref_squeeze %dma_start3A_82 : memref<1x128xi32, #tpu.memory_space<vmem>> -> memref<128xi32, #tpu.memory_space<vmem>>
        %dma_start3A_84 = arith.constant 0 : i32
        %dma_start3A_85 = arith.constant 0 : i32
        %dma_start3A_86 = tpu.memref_slice %arg11[%dma_start3A_84, %dma_start3A_85] : memref<5376x128xf32, #tpu.memory_space<vmem_shared>> -> memref<5376x128xf32, #tpu.memory_space<vmem_shared>>
        tpu.enqueue_indirect_dma source(%arg9 : memref<128x128xf32, #tpu.memory_space<vmem>>) target(%dma_start3A_86 : memref<5376x128xf32, #tpu.memory_space<vmem_shared>>) offsets(%dma_start3A_83 : memref<128xi32, #tpu.memory_space<vmem>>) semaphore(%run_scoped3A_80 : memref<!tpu.dma_semaphore, #tpu.memory_space<semaphore_mem>>) {add = true}
        %dma_wait3A_87 = arith.constant 0 : i32
        %dma_wait3A_88 = tpu.memref_slice %arg8[%mul3A_54, %dma_wait3A_87] : memref<48x128xi32, #tpu.memory_space<vmem>> -> memref<1x128xi32, #tpu.memory_space<vmem>>
        %dma_wait3A_89 = tpu.memref_squeeze %dma_wait3A_88 : memref<1x128xi32, #tpu.memory_space<vmem>> -> memref<128xi32, #tpu.memory_space<vmem>>
        %dma_wait3A_90 = arith.constant 0 : i32
        %dma_wait3A_91 = arith.constant 0 : i32
        %dma_wait3A_92 = tpu.memref_slice %arg11[%dma_wait3A_90, %dma_wait3A_91] : memref<5376x128xf32, #tpu.memory_space<vmem_shared>> -> memref<5376x128xf32, #tpu.memory_space<vmem_shared>>
        tpu.wait_indirect_dma semaphore(%run_scoped3A_80 : memref<!tpu.dma_semaphore, #tpu.memory_space<semaphore_mem>>) src(%arg9 : memref<128x128xf32, #tpu.memory_space<vmem>>) dst(%dma_wait3A_92 : memref<5376x128xf32, #tpu.memory_space<vmem_shared>>)
        tpu.yield
      }) : () -> ()
      %lt3A = arith.constant 23 : i32
      %lt3A_68 = arith.cmpi slt, %scan3A_52, %lt3A : i32
      %convert_element_type3A = arith.extui %lt3A_68 : i1 to i32
      %cond3A = arith.constant 0 : i32
      %cond3A_69 = arith.cmpi ne, %convert_element_type3A, %cond3A : i32
      scf.if %cond3A_69 {
        %add3A_80 = arith.constant 2 : i32
        %add3A_81 = arith.addi %mul3A_54, %add3A_80 : i32
        %dma_start3A_82 = arith.constant 0 : i32
        %dma_start3A_83 = tpu.memref_slice %arg7[%add3A_81, %dma_start3A_82] : memref<48x128xi32, #tpu.memory_space<vmem>> -> memref<1x128xi32, #tpu.memory_space<vmem>>
        %dma_start3A_84 = tpu.memref_squeeze %dma_start3A_83 : memref<1x128xi32, #tpu.memory_space<vmem>> -> memref<128xi32, #tpu.memory_space<vmem>>
        %dma_start3A_85 = arith.constant 0 : i32
        %dma_start3A_86 = arith.constant 0 : i32
        %dma_start3A_87 = tpu.memref_slice %arg12[%dma_start3A_85, %dma_start3A_86] : memref<5120x128xf32, #tpu.memory_space<vmem_shared>> -> memref<5120x128xf32, #tpu.memory_space<vmem_shared>>
        tpu.enqueue_indirect_dma source(%dma_start3A_87 : memref<5120x128xf32, #tpu.memory_space<vmem_shared>>) target(%arg9 : memref<128x128xf32, #tpu.memory_space<vmem>>) offsets(%dma_start3A_84 : memref<128xi32, #tpu.memory_space<vmem>>) semaphore(%arg13 : memref<!tpu.dma_semaphore, #tpu.memory_space<semaphore_mem>>)
      } else {
      }
      %add3A_70 = arith.constant 1 : i32
      %add3A_71 = arith.addi %mul3A_54, %add3A_70 : i32
      %dma_wait3A_72 = arith.constant 0 : i32
      %dma_wait3A_73 = tpu.memref_slice %arg7[%add3A_71, %dma_wait3A_72] : memref<48x128xi32, #tpu.memory_space<vmem>> -> memref<1x128xi32, #tpu.memory_space<vmem>>
      %dma_wait3A_74 = tpu.memref_squeeze %dma_wait3A_73 : memref<1x128xi32, #tpu.memory_space<vmem>> -> memref<128xi32, #tpu.memory_space<vmem>>
      %dma_wait3A_75 = arith.constant 0 : i32
      %dma_wait3A_76 = arith.constant 0 : i32
      %dma_wait3A_77 = tpu.memref_slice %arg12[%dma_wait3A_75, %dma_wait3A_76] : memref<5120x128xf32, #tpu.memory_space<vmem_shared>> -> memref<5120x128xf32, #tpu.memory_space<vmem_shared>>
      tpu.wait_indirect_dma semaphore(%arg14 : memref<!tpu.dma_semaphore, #tpu.memory_space<semaphore_mem>>) src(%dma_wait3A_77 : memref<5120x128xf32, #tpu.memory_space<vmem_shared>>) dst(%arg10 : memref<128x128xf32, #tpu.memory_space<vmem>>)
      %add3A_78 = arith.constant 1 : i32
      %add3A_79 = arith.addi %mul3A_54, %add3A_78 : i32
      "tpu.region"() ({
        %run_scoped3A_80 = tpu.sem_alloc : memref<!tpu.dma_semaphore, #tpu.memory_space<semaphore_mem>>
        %dma_start3A_81 = arith.constant 0 : i32
        %dma_start3A_82 = tpu.memref_slice %arg8[%add3A_79, %dma_start3A_81] : memref<48x128xi32, #tpu.memory_space<vmem>> -> memref<1x128xi32, #tpu.memory_space<vmem>>
        %dma_start3A_83 = tpu.memref_squeeze %dma_start3A_82 : memref<1x128xi32, #tpu.memory_space<vmem>> -> memref<128xi32, #tpu.memory_space<vmem>>
        %dma_start3A_84 = arith.constant 0 : i32
        %dma_start3A_85 = arith.constant 0 : i32
        %dma_start3A_86 = tpu.memref_slice %arg11[%dma_start3A_84, %dma_start3A_85] : memref<5376x128xf32, #tpu.memory_space<vmem_shared>> -> memref<5376x128xf32, #tpu.memory_space<vmem_shared>>
        tpu.enqueue_indirect_dma source(%arg10 : memref<128x128xf32, #tpu.memory_space<vmem>>) target(%dma_start3A_86 : memref<5376x128xf32, #tpu.memory_space<vmem_shared>>) offsets(%dma_start3A_83 : memref<128xi32, #tpu.memory_space<vmem>>) semaphore(%run_scoped3A_80 : memref<!tpu.dma_semaphore, #tpu.memory_space<semaphore_mem>>) {add = true}
        %dma_wait3A_87 = arith.constant 0 : i32
        %dma_wait3A_88 = tpu.memref_slice %arg8[%add3A_79, %dma_wait3A_87] : memref<48x128xi32, #tpu.memory_space<vmem>> -> memref<1x128xi32, #tpu.memory_space<vmem>>
        %dma_wait3A_89 = tpu.memref_squeeze %dma_wait3A_88 : memref<1x128xi32, #tpu.memory_space<vmem>> -> memref<128xi32, #tpu.memory_space<vmem>>
        %dma_wait3A_90 = arith.constant 0 : i32
        %dma_wait3A_91 = arith.constant 0 : i32
        %dma_wait3A_92 = tpu.memref_slice %arg11[%dma_wait3A_90, %dma_wait3A_91] : memref<5376x128xf32, #tpu.memory_space<vmem_shared>> -> memref<5376x128xf32, #tpu.memory_space<vmem_shared>>
        tpu.wait_indirect_dma semaphore(%run_scoped3A_80 : memref<!tpu.dma_semaphore, #tpu.memory_space<semaphore_mem>>) src(%arg10 : memref<128x128xf32, #tpu.memory_space<vmem>>) dst(%dma_wait3A_92 : memref<5376x128xf32, #tpu.memory_space<vmem_shared>>)
        tpu.yield
      }) : () -> ()
    }
    %scan3A_46 = arith.constant 24 : i32
    %barrier3A_47 = arith.constant 0 : index
    tpu.barrier barrier_id(%barrier3A_47)
    %mul3A_48 = arith.constant 336 : i32
    %mul3A_49 = arith.muli %arg1, %mul3A_48 : i32
    %mul3A_50 = arith.constant 336 : i32
    %mul3A_51 = arith.muli %arg1, %mul3A_50 : i32
    "tpu.region"() ({
      %run_scoped3A_52 = tpu.sem_alloc : memref<!tpu.dma_semaphore, #tpu.memory_space<semaphore_mem>>
      %dma_start3A_53 = arith.constant 0 : i32
      %dma_start3A_54 = arith.constant 0 : i32
      %dma_start3A_55 = tpu.memref_slice %arg6[%arg0, %dma_start3A_53, %dma_start3A_54] : memref<2x5376x128xf32, #tpu.memory_space<hbm>> -> memref<1x5376x128xf32, #tpu.memory_space<hbm>>
      %dma_start3A_56 = tpu.memref_squeeze %dma_start3A_55 : memref<1x5376x128xf32, #tpu.memory_space<hbm>> -> memref<5376x128xf32, #tpu.memory_space<hbm>>
      %dma_start3A_57 = arith.constant 0 : i32
      %dma_start3A_58 = tpu.memref_slice %dma_start3A_56[%mul3A_51, %dma_start3A_57] : memref<5376x128xf32, #tpu.memory_space<hbm>> -> memref<336x128xf32, #tpu.memory_space<hbm>>
      %dma_start3A_59 = arith.constant 0 : i32
      %dma_start3A_60 = tpu.memref_slice %arg11[%mul3A_49, %dma_start3A_59] : memref<5376x128xf32, #tpu.memory_space<vmem_shared>> -> memref<336x128xf32, #tpu.memory_space<vmem_shared>>
      tpu.enqueue_dma source(%dma_start3A_60 : memref<336x128xf32, #tpu.memory_space<vmem_shared>>) target(%dma_start3A_58 : memref<336x128xf32, #tpu.memory_space<hbm>>) target_semaphore(%run_scoped3A_52 : memref<!tpu.dma_semaphore, #tpu.memory_space<semaphore_mem>>)
      %dma_wait3A = arith.constant 0 : i32
      %dma_wait3A_61 = arith.constant 0 : i32
      %dma_wait3A_62 = tpu.memref_slice %arg6[%arg0, %dma_wait3A, %dma_wait3A_61] : memref<2x5376x128xf32, #tpu.memory_space<hbm>> -> memref<1x5376x128xf32, #tpu.memory_space<hbm>>
      %dma_wait3A_63 = tpu.memref_squeeze %dma_wait3A_62 : memref<1x5376x128xf32, #tpu.memory_space<hbm>> -> memref<5376x128xf32, #tpu.memory_space<hbm>>
      %dma_wait3A_64 = arith.constant 0 : i32
      %dma_wait3A_65 = tpu.memref_slice %dma_wait3A_63[%mul3A_51, %dma_wait3A_64] : memref<5376x128xf32, #tpu.memory_space<hbm>> -> memref<336x128xf32, #tpu.memory_space<hbm>>
      %dma_wait3A_66 = arith.constant 0 : i32
      %dma_wait3A_67 = tpu.memref_slice %arg11[%mul3A_49, %dma_wait3A_66] : memref<5376x128xf32, #tpu.memory_space<vmem_shared>> -> memref<336x128xf32, #tpu.memory_space<vmem_shared>>
      tpu.wait_dma2 semaphore(%run_scoped3A_52 : memref<!tpu.dma_semaphore, #tpu.memory_space<semaphore_mem>>) src(%dma_wait3A_67 : memref<336x128xf32, #tpu.memory_space<vmem_shared>>) dst(%dma_wait3A_65 : memref<336x128xf32, #tpu.memory_space<hbm>>)
      tpu.yield
    }) : () -> ()
    return
  }
}

#map = affine_map<(d0, d1) -> (0, 0, 0)>
#map1 = affine_map<(d0, d1) -> (0, 0)>
module attributes {stable_mosaic.version = 14 : i64} {
  func.func @k(%arg0: i32, %arg1: i32, %arg2: memref<2x5120x128xf32, #tpu.memory_space<hbm>>, %arg3: memref<4x768x128xi32, #tpu.memory_space<hbm>>, %arg4: memref<4x768x128xi32, #tpu.memory_space<hbm>>, %arg5: memref<640x128xf32, #tpu.memory_space<hbm>>, %arg6: memref<2x5376x128xf32, #tpu.memory_space<hbm>>, %arg7: memref<48x128xi32, #tpu.memory_space<vmem>>, %arg8: memref<48x128xi32, #tpu.memory_space<vmem>>, %arg9: memref<128x128xf32, #tpu.memory_space<vmem>>, %arg10: memref<128x128xf32, #tpu.memory_space<vmem>>, %arg11: memref<5376x128xf32, #tpu.memory_space<vmem_shared>>, %arg12: memref<5120x128xf32, #tpu.memory_space<vmem_shared>>, %arg13: memref<!tpu.dma_semaphore, #tpu.memory_space<semaphore_mem>>, %arg14: memref<!tpu.dma_semaphore, #tpu.memory_space<semaphore_mem>>) attributes {dimension_semantics = [#tpu.dimension_semantics<core_parallel>, #tpu.dimension_semantics<subcore_parallel>], iteration_bounds = array<i64: 2, 16>, scalar_prefetch = 0 : i64, scratch_operands = 8 : i64, tpu.core_type = #tpu.core_type<sc_vector_subcore>, window_params = [{transform_indices = #map}, {transform_indices = #map}, {transform_indices = #map}, {transform_indices = #map1}, {transform_indices = #map}]} {
    %mul3A = arith.constant 336 : i32
    %mul3A_0 = arith.muli %arg1, %mul3A : i32
    "tpu.region"() ({
      %run_scoped3A_52 = tpu.sem_alloc : memref<!tpu.dma_semaphore, #tpu.memory_space<semaphore_mem>>
      %dma_start3A_53 = arith.constant 0 : i32
      %dma_start3A_54 = tpu.memref_slice %arg11[%mul3A_0, %dma_start3A_53] : memref<5376x128xf32, #tpu.memory_space<vmem_shared>> -> memref<336x128xf32, #tpu.memory_space<vmem_shared>>
      %dma_start3A_55 = arith.constant 0 : i32
      %dma_start3A_56 = arith.constant 0 : i32
      %dma_start3A_57 = tpu.memref_slice %arg5[%dma_start3A_55, %dma_start3A_56] : memref<640x128xf32, #tpu.memory_space<hbm>> -> memref<336x128xf32, #tpu.memory_space<hbm>>
      tpu.enqueue_dma source(%dma_start3A_57 : memref<336x128xf32, #tpu.memory_space<hbm>>) target(%dma_start3A_54 : memref<336x128xf32, #tpu.memory_space<vmem_shared>>) target_semaphore(%run_scoped3A_52 : memref<!tpu.dma_semaphore, #tpu.memory_space<semaphore_mem>>)
      %dma_wait3A = arith.constant 0 : i32
      %dma_wait3A_58 = tpu.memref_slice %arg11[%mul3A_0, %dma_wait3A] : memref<5376x128xf32, #tpu.memory_space<vmem_shared>> -> memref<336x128xf32, #tpu.memory_space<vmem_shared>>
      %dma_wait3A_59 = arith.constant 0 : i32
      %dma_wait3A_60 = arith.constant 0 : i32
      %dma_wait3A_61 = tpu.memref_slice %arg5[%dma_wait3A_59, %dma_wait3A_60] : memref<640x128xf32, #tpu.memory_space<hbm>> -> memref<336x128xf32, #tpu.memory_space<hbm>>
      tpu.wait_dma2 semaphore(%run_scoped3A_52 : memref<!tpu.dma_semaphore, #tpu.memory_space<semaphore_mem>>) src(%dma_wait3A_61 : memref<336x128xf32, #tpu.memory_space<hbm>>) dst(%dma_wait3A_58 : memref<336x128xf32, #tpu.memory_space<vmem_shared>>)
      tpu.yield
    }) : () -> ()
    %mul3A_1 = arith.constant 320 : i32
    %mul3A_2 = arith.muli %arg1, %mul3A_1 : i32
    %mul3A_3 = arith.constant 320 : i32
    %mul3A_4 = arith.muli %arg1, %mul3A_3 : i32
    %run_scoped3A = arith.constant 0 : i32
    "tpu.region"() ({
      %run_scoped3A_52 = tpu.sem_alloc : memref<!tpu.dma_semaphore, #tpu.memory_space<semaphore_mem>>
      %dma_start3A_53 = arith.constant 0 : i32
      %dma_start3A_54 = tpu.memref_slice %arg12[%mul3A_4, %dma_start3A_53] : memref<5120x128xf32, #tpu.memory_space<vmem_shared>> -> memref<320x128xf32, #tpu.memory_space<vmem_shared>>
      %dma_start3A_55 = arith.constant 0 : i32
      %dma_start3A_56 = arith.constant 0 : i32
      %dma_start3A_57 = tpu.memref_slice %arg2[%run_scoped3A, %dma_start3A_55, %dma_start3A_56] : memref<2x5120x128xf32, #tpu.memory_space<hbm>> -> memref<1x5120x128xf32, #tpu.memory_space<hbm>>
      %dma_start3A_58 = tpu.memref_squeeze %dma_start3A_57 : memref<1x5120x128xf32, #tpu.memory_space<hbm>> -> memref<5120x128xf32, #tpu.memory_space<hbm>>
      %dma_start3A_59 = arith.constant 0 : i32
      %dma_start3A_60 = tpu.memref_slice %dma_start3A_58[%mul3A_2, %dma_start3A_59] : memref<5120x128xf32, #tpu.memory_space<hbm>> -> memref<320x128xf32, #tpu.memory_space<hbm>>
      tpu.enqueue_dma source(%dma_start3A_60 : memref<320x128xf32, #tpu.memory_space<hbm>>) target(%dma_start3A_54 : memref<320x128xf32, #tpu.memory_space<vmem_shared>>) target_semaphore(%run_scoped3A_52 : memref<!tpu.dma_semaphore, #tpu.memory_space<semaphore_mem>>)
      %dma_wait3A = arith.constant 0 : i32
      %dma_wait3A_61 = tpu.memref_slice %arg12[%mul3A_4, %dma_wait3A] : memref<5120x128xf32, #tpu.memory_space<vmem_shared>> -> memref<320x128xf32, #tpu.memory_space<vmem_shared>>
      %dma_wait3A_62 = arith.constant 0 : i32
      %dma_wait3A_63 = arith.constant 0 : i32
      %dma_wait3A_64 = tpu.memref_slice %arg2[%run_scoped3A, %dma_wait3A_62, %dma_wait3A_63] : memref<2x5120x128xf32, #tpu.memory_space<hbm>> -> memref<1x5120x128xf32, #tpu.memory_space<hbm>>
      %dma_wait3A_65 = tpu.memref_squeeze %dma_wait3A_64 : memref<1x5120x128xf32, #tpu.memory_space<hbm>> -> memref<5120x128xf32, #tpu.memory_space<hbm>>
      %dma_wait3A_66 = arith.constant 0 : i32
      %dma_wait3A_67 = tpu.memref_slice %dma_wait3A_65[%mul3A_2, %dma_wait3A_66] : memref<5120x128xf32, #tpu.memory_space<hbm>> -> memref<320x128xf32, #tpu.memory_space<hbm>>
      tpu.wait_dma2 semaphore(%run_scoped3A_52 : memref<!tpu.dma_semaphore, #tpu.memory_space<semaphore_mem>>) src(%dma_wait3A_67 : memref<320x128xf32, #tpu.memory_space<hbm>>) dst(%dma_wait3A_61 : memref<320x128xf32, #tpu.memory_space<vmem_shared>>)
      tpu.yield
    }) : () -> ()
    %barrier3A = arith.constant 0 : index
    tpu.barrier barrier_id(%barrier3A)
    %add3A = arith.constant 0 : i32
    %add3A_5 = arith.addi %add3A, %arg0 : i32
    %mul3A_6 = arith.constant 48 : i32
    %mul3A_7 = arith.muli %arg1, %mul3A_6 : i32
    "tpu.region"() ({
      %run_scoped3A_52 = tpu.sem_alloc : memref<!tpu.dma_semaphore, #tpu.memory_space<semaphore_mem>>
      %dma_start3A_53 = arith.constant 0 : i32
      %dma_start3A_54 = arith.constant 0 : i32
      %dma_start3A_55 = tpu.memref_slice %arg3[%add3A_5, %dma_start3A_53, %dma_start3A_54] : memref<4x768x128xi32, #tpu.memory_space<hbm>> -> memref<1x768x128xi32, #tpu.memory_space<hbm>>
      %dma_start3A_56 = tpu.memref_squeeze %dma_start3A_55 : memref<1x768x128xi32, #tpu.memory_space<hbm>> -> memref<768x128xi32, #tpu.memory_space<hbm>>
      %dma_start3A_57 = arith.constant 0 : i32
      %dma_start3A_58 = tpu.memref_slice %dma_start3A_56[%mul3A_7, %dma_start3A_57] : memref<768x128xi32, #tpu.memory_space<hbm>> -> memref<48x128xi32, #tpu.memory_space<hbm>>
      %dma_start3A_59 = arith.constant 0 : i32
      %dma_start3A_60 = arith.constant 0 : i32
      %dma_start3A_61 = tpu.memref_slice %arg3[%add3A_5, %dma_start3A_59, %dma_start3A_60] : memref<4x768x128xi32, #tpu.memory_space<hbm>> -> memref<1x768x128xi32, #tpu.memory_space<hbm>>
      %dma_start3A_62 = tpu.memref_squeeze %dma_start3A_61 : memref<1x768x128xi32, #tpu.memory_space<hbm>> -> memref<768x128xi32, #tpu.memory_space<hbm>>
      %dma_start3A_63 = arith.constant 0 : i32
      %dma_start3A_64 = tpu.memref_slice %dma_start3A_62[%mul3A_7, %dma_start3A_63] : memref<768x128xi32, #tpu.memory_space<hbm>> -> memref<48x128xi32, #tpu.memory_space<hbm>>
      tpu.enqueue_dma source(%dma_start3A_64 : memref<48x128xi32, #tpu.memory_space<hbm>>) target(%arg7 : memref<48x128xi32, #tpu.memory_space<vmem>>) target_semaphore(%run_scoped3A_52 : memref<!tpu.dma_semaphore, #tpu.memory_space<semaphore_mem>>)
      %dma_wait3A = arith.constant 0 : i32
      %dma_wait3A_65 = arith.constant 0 : i32
      %dma_wait3A_66 = tpu.memref_slice %arg3[%add3A_5, %dma_wait3A, %dma_wait3A_65] : memref<4x768x128xi32, #tpu.memory_space<hbm>> -> memref<1x768x128xi32, #tpu.memory_space<hbm>>
      %dma_wait3A_67 = tpu.memref_squeeze %dma_wait3A_66 : memref<1x768x128xi32, #tpu.memory_space<hbm>> -> memref<768x128xi32, #tpu.memory_space<hbm>>
      %dma_wait3A_68 = arith.constant 0 : i32
      %dma_wait3A_69 = tpu.memref_slice %dma_wait3A_67[%mul3A_7, %dma_wait3A_68] : memref<768x128xi32, #tpu.memory_space<hbm>> -> memref<48x128xi32, #tpu.memory_space<hbm>>
      %dma_wait3A_70 = arith.constant 0 : i32
      %dma_wait3A_71 = arith.constant 0 : i32
      %dma_wait3A_72 = tpu.memref_slice %arg3[%add3A_5, %dma_wait3A_70, %dma_wait3A_71] : memref<4x768x128xi32, #tpu.memory_space<hbm>> -> memref<1x768x128xi32, #tpu.memory_space<hbm>>
      %dma_wait3A_73 = tpu.memref_squeeze %dma_wait3A_72 : memref<1x768x128xi32, #tpu.memory_space<hbm>> -> memref<768x128xi32, #tpu.memory_space<hbm>>
      %dma_wait3A_74 = arith.constant 0 : i32
      %dma_wait3A_75 = tpu.memref_slice %dma_wait3A_73[%mul3A_7, %dma_wait3A_74] : memref<768x128xi32, #tpu.memory_space<hbm>> -> memref<48x128xi32, #tpu.memory_space<hbm>>
      tpu.wait_dma2 semaphore(%run_scoped3A_52 : memref<!tpu.dma_semaphore, #tpu.memory_space<semaphore_mem>>) src(%dma_wait3A_75 : memref<48x128xi32, #tpu.memory_space<hbm>>) dst(%arg7 : memref<48x128xi32, #tpu.memory_space<vmem>>)
      tpu.yield
    }) : () -> ()
    %mul3A_8 = arith.constant 48 : i32
    %mul3A_9 = arith.muli %arg1, %mul3A_8 : i32
    "tpu.region"() ({
      %run_scoped3A_52 = tpu.sem_alloc : memref<!tpu.dma_semaphore, #tpu.memory_space<semaphore_mem>>
      %dma_start3A_53 = arith.constant 0 : i32
      %dma_start3A_54 = arith.constant 0 : i32
      %dma_start3A_55 = tpu.memref_slice %arg4[%add3A_5, %dma_start3A_53, %dma_start3A_54] : memref<4x768x128xi32, #tpu.memory_space<hbm>> -> memref<1x768x128xi32, #tpu.memory_space<hbm>>
      %dma_start3A_56 = tpu.memref_squeeze %dma_start3A_55 : memref<1x768x128xi32, #tpu.memory_space<hbm>> -> memref<768x128xi32, #tpu.memory_space<hbm>>
      %dma_start3A_57 = arith.constant 0 : i32
      %dma_start3A_58 = tpu.memref_slice %dma_start3A_56[%mul3A_9, %dma_start3A_57] : memref<768x128xi32, #tpu.memory_space<hbm>> -> memref<48x128xi32, #tpu.memory_space<hbm>>
      %dma_start3A_59 = arith.constant 0 : i32
      %dma_start3A_60 = arith.constant 0 : i32
      %dma_start3A_61 = tpu.memref_slice %arg4[%add3A_5, %dma_start3A_59, %dma_start3A_60] : memref<4x768x128xi32, #tpu.memory_space<hbm>> -> memref<1x768x128xi32, #tpu.memory_space<hbm>>
      %dma_start3A_62 = tpu.memref_squeeze %dma_start3A_61 : memref<1x768x128xi32, #tpu.memory_space<hbm>> -> memref<768x128xi32, #tpu.memory_space<hbm>>
      %dma_start3A_63 = arith.constant 0 : i32
      %dma_start3A_64 = tpu.memref_slice %dma_start3A_62[%mul3A_9, %dma_start3A_63] : memref<768x128xi32, #tpu.memory_space<hbm>> -> memref<48x128xi32, #tpu.memory_space<hbm>>
      tpu.enqueue_dma source(%dma_start3A_64 : memref<48x128xi32, #tpu.memory_space<hbm>>) target(%arg8 : memref<48x128xi32, #tpu.memory_space<vmem>>) target_semaphore(%run_scoped3A_52 : memref<!tpu.dma_semaphore, #tpu.memory_space<semaphore_mem>>)
      %dma_wait3A = arith.constant 0 : i32
      %dma_wait3A_65 = arith.constant 0 : i32
      %dma_wait3A_66 = tpu.memref_slice %arg4[%add3A_5, %dma_wait3A, %dma_wait3A_65] : memref<4x768x128xi32, #tpu.memory_space<hbm>> -> memref<1x768x128xi32, #tpu.memory_space<hbm>>
      %dma_wait3A_67 = tpu.memref_squeeze %dma_wait3A_66 : memref<1x768x128xi32, #tpu.memory_space<hbm>> -> memref<768x128xi32, #tpu.memory_space<hbm>>
      %dma_wait3A_68 = arith.constant 0 : i32
      %dma_wait3A_69 = tpu.memref_slice %dma_wait3A_67[%mul3A_9, %dma_wait3A_68] : memref<768x128xi32, #tpu.memory_space<hbm>> -> memref<48x128xi32, #tpu.memory_space<hbm>>
      %dma_wait3A_70 = arith.constant 0 : i32
      %dma_wait3A_71 = arith.constant 0 : i32
      %dma_wait3A_72 = tpu.memref_slice %arg4[%add3A_5, %dma_wait3A_70, %dma_wait3A_71] : memref<4x768x128xi32, #tpu.memory_space<hbm>> -> memref<1x768x128xi32, #tpu.memory_space<hbm>>
      %dma_wait3A_73 = tpu.memref_squeeze %dma_wait3A_72 : memref<1x768x128xi32, #tpu.memory_space<hbm>> -> memref<768x128xi32, #tpu.memory_space<hbm>>
      %dma_wait3A_74 = arith.constant 0 : i32
      %dma_wait3A_75 = tpu.memref_slice %dma_wait3A_73[%mul3A_9, %dma_wait3A_74] : memref<768x128xi32, #tpu.memory_space<hbm>> -> memref<48x128xi32, #tpu.memory_space<hbm>>
      tpu.wait_dma2 semaphore(%run_scoped3A_52 : memref<!tpu.dma_semaphore, #tpu.memory_space<semaphore_mem>>) src(%dma_wait3A_75 : memref<48x128xi32, #tpu.memory_space<hbm>>) dst(%arg8 : memref<48x128xi32, #tpu.memory_space<vmem>>)
      tpu.yield
    }) : () -> ()
    %dma_start3A = arith.constant 0 : i32
    %dma_start3A_10 = arith.constant 0 : i32
    %dma_start3A_11 = tpu.memref_slice %arg7[%dma_start3A, %dma_start3A_10] : memref<48x128xi32, #tpu.memory_space<vmem>> -> memref<1x128xi32, #tpu.memory_space<vmem>>
    %dma_start3A_12 = tpu.memref_squeeze %dma_start3A_11 : memref<1x128xi32, #tpu.memory_space<vmem>> -> memref<128xi32, #tpu.memory_space<vmem>>
    %dma_start3A_13 = arith.constant 0 : i32
    %dma_start3A_14 = arith.constant 0 : i32
    %dma_start3A_15 = tpu.memref_slice %arg12[%dma_start3A_13, %dma_start3A_14] : memref<5120x128xf32, #tpu.memory_space<vmem_shared>> -> memref<5120x128xf32, #tpu.memory_space<vmem_shared>>
    tpu.enqueue_indirect_dma source(%dma_start3A_15 : memref<5120x128xf32, #tpu.memory_space<vmem_shared>>) target(%arg9 : memref<128x128xf32, #tpu.memory_space<vmem>>) offsets(%dma_start3A_12 : memref<128xi32, #tpu.memory_space<vmem>>) semaphore(%arg13 : memref<!tpu.dma_semaphore, #tpu.memory_space<semaphore_mem>>)
    %scan3A = arith.constant 0 : i32
    %scan3A_16 = arith.constant 0 : i32
    %scan3A_17 = arith.constant 24 : i32
    %scan3A_18 = arith.addi %scan3A_16, %scan3A_17 : i32
    %scan3A_19 = arith.constant 1 : i32
    scf.for %scan3A_52 = %scan3A_16 to %scan3A_18 step %scan3A_19  : i32 {
      %mul3A_53 = arith.constant 2 : i32
      %mul3A_54 = arith.muli %mul3A_53, %scan3A_52 : i32
      %add3A_55 = arith.constant 1 : i32
      %add3A_56 = arith.addi %mul3A_54, %add3A_55 : i32
      %dma_start3A_57 = arith.constant 0 : i32
      %dma_start3A_58 = tpu.memref_slice %arg7[%add3A_56, %dma_start3A_57] : memref<48x128xi32, #tpu.memory_space<vmem>> -> memref<1x128xi32, #tpu.memory_space<vmem>>
      %dma_start3A_59 = tpu.memref_squeeze %dma_start3A_58 : memref<1x128xi32, #tpu.memory_space<vmem>> -> memref<128xi32, #tpu.memory_space<vmem>>
      %dma_start3A_60 = arith.constant 0 : i32
      %dma_start3A_61 = arith.constant 0 : i32
      %dma_start3A_62 = tpu.memref_slice %arg12[%dma_start3A_60, %dma_start3A_61] : memref<5120x128xf32, #tpu.memory_space<vmem_shared>> -> memref<5120x128xf32, #tpu.memory_space<vmem_shared>>
      tpu.enqueue_indirect_dma source(%dma_start3A_62 : memref<5120x128xf32, #tpu.memory_space<vmem_shared>>) target(%arg10 : memref<128x128xf32, #tpu.memory_space<vmem>>) offsets(%dma_start3A_59 : memref<128xi32, #tpu.memory_space<vmem>>) semaphore(%arg14 : memref<!tpu.dma_semaphore, #tpu.memory_space<semaphore_mem>>)
      %dma_wait3A = arith.constant 0 : i32
      %dma_wait3A_63 = tpu.memref_slice %arg7[%mul3A_54, %dma_wait3A] : memref<48x128xi32, #tpu.memory_space<vmem>> -> memref<1x128xi32, #tpu.memory_space<vmem>>
      %dma_wait3A_64 = tpu.memref_squeeze %dma_wait3A_63 : memref<1x128xi32, #tpu.memory_space<vmem>> -> memref<128xi32, #tpu.memory_space<vmem>>
      %dma_wait3A_65 = arith.constant 0 : i32
      %dma_wait3A_66 = arith.constant 0 : i32
      %dma_wait3A_67 = tpu.memref_slice %arg12[%dma_wait3A_65, %dma_wait3A_66] : memref<5120x128xf32, #tpu.memory_space<vmem_shared>> -> memref<5120x128xf32, #tpu.memory_space<vmem_shared>>
      tpu.wait_indirect_dma semaphore(%arg13 : memref<!tpu.dma_semaphore, #tpu.memory_space<semaphore_mem>>) src(%dma_wait3A_67 : memref<5120x128xf32, #tpu.memory_space<vmem_shared>>) dst(%arg9 : memref<128x128xf32, #tpu.memory_space<vmem>>)
      "tpu.region"() ({
        %run_scoped3A_80 = tpu.sem_alloc : memref<!tpu.dma_semaphore, #tpu.memory_space<semaphore_mem>>
        %dma_start3A_81 = arith.constant 0 : i32
        %dma_start3A_82 = tpu.memref_slice %arg8[%mul3A_54, %dma_start3A_81] : memref<48x128xi32, #tpu.memory_space<vmem>> -> memref<1x128xi32, #tpu.memory_space<vmem>>
        %dma_start3A_83 = tpu.memref_squeeze %dma_start3A_82 : memref<1x128xi32, #tpu.memory_space<vmem>> -> memref<128xi32, #tpu.memory_space<vmem>>
        %dma_start3A_84 = arith.constant 0 : i32
        %dma_start3A_85 = arith.constant 0 : i32
        %dma_start3A_86 = tpu.memref_slice %arg11[%dma_start3A_84, %dma_start3A_85] : memref<5376x128xf32, #tpu.memory_space<vmem_shared>> -> memref<5376x128xf32, #tpu.memory_space<vmem_shared>>
        tpu.enqueue_indirect_dma source(%arg9 : memref<128x128xf32, #tpu.memory_space<vmem>>) target(%dma_start3A_86 : memref<5376x128xf32, #tpu.memory_space<vmem_shared>>) offsets(%dma_start3A_83 : memref<128xi32, #tpu.memory_space<vmem>>) semaphore(%run_scoped3A_80 : memref<!tpu.dma_semaphore, #tpu.memory_space<semaphore_mem>>) {add = true}
        %dma_wait3A_87 = arith.constant 0 : i32
        %dma_wait3A_88 = tpu.memref_slice %arg8[%mul3A_54, %dma_wait3A_87] : memref<48x128xi32, #tpu.memory_space<vmem>> -> memref<1x128xi32, #tpu.memory_space<vmem>>
        %dma_wait3A_89 = tpu.memref_squeeze %dma_wait3A_88 : memref<1x128xi32, #tpu.memory_space<vmem>> -> memref<128xi32, #tpu.memory_space<vmem>>
        %dma_wait3A_90 = arith.constant 0 : i32
        %dma_wait3A_91 = arith.constant 0 : i32
        %dma_wait3A_92 = tpu.memref_slice %arg11[%dma_wait3A_90, %dma_wait3A_91] : memref<5376x128xf32, #tpu.memory_space<vmem_shared>> -> memref<5376x128xf32, #tpu.memory_space<vmem_shared>>
        tpu.wait_indirect_dma semaphore(%run_scoped3A_80 : memref<!tpu.dma_semaphore, #tpu.memory_space<semaphore_mem>>) src(%arg9 : memref<128x128xf32, #tpu.memory_space<vmem>>) dst(%dma_wait3A_92 : memref<5376x128xf32, #tpu.memory_space<vmem_shared>>)
        tpu.yield
      }) : () -> ()
      %lt3A = arith.constant 23 : i32
      %lt3A_68 = arith.cmpi slt, %scan3A_52, %lt3A : i32
      %convert_element_type3A = arith.extui %lt3A_68 : i1 to i32
      %cond3A = arith.constant 0 : i32
      %cond3A_69 = arith.cmpi ne, %convert_element_type3A, %cond3A : i32
      scf.if %cond3A_69 {
        %add3A_80 = arith.constant 2 : i32
        %add3A_81 = arith.addi %mul3A_54, %add3A_80 : i32
        %dma_start3A_82 = arith.constant 0 : i32
        %dma_start3A_83 = tpu.memref_slice %arg7[%add3A_81, %dma_start3A_82] : memref<48x128xi32, #tpu.memory_space<vmem>> -> memref<1x128xi32, #tpu.memory_space<vmem>>
        %dma_start3A_84 = tpu.memref_squeeze %dma_start3A_83 : memref<1x128xi32, #tpu.memory_space<vmem>> -> memref<128xi32, #tpu.memory_space<vmem>>
        %dma_start3A_85 = arith.constant 0 : i32
        %dma_start3A_86 = arith.constant 0 : i32
        %dma_start3A_87 = tpu.memref_slice %arg12[%dma_start3A_85, %dma_start3A_86] : memref<5120x128xf32, #tpu.memory_space<vmem_shared>> -> memref<5120x128xf32, #tpu.memory_space<vmem_shared>>
        tpu.enqueue_indirect_dma source(%dma_start3A_87 : memref<5120x128xf32, #tpu.memory_space<vmem_shared>>) target(%arg9 : memref<128x128xf32, #tpu.memory_space<vmem>>) offsets(%dma_start3A_84 : memref<128xi32, #tpu.memory_space<vmem>>) semaphore(%arg13 : memref<!tpu.dma_semaphore, #tpu.memory_space<semaphore_mem>>)
      } else {
      }
      %add3A_70 = arith.constant 1 : i32
      %add3A_71 = arith.addi %mul3A_54, %add3A_70 : i32
      %dma_wait3A_72 = arith.constant 0 : i32
      %dma_wait3A_73 = tpu.memref_slice %arg7[%add3A_71, %dma_wait3A_72] : memref<48x128xi32, #tpu.memory_space<vmem>> -> memref<1x128xi32, #tpu.memory_space<vmem>>
      %dma_wait3A_74 = tpu.memref_squeeze %dma_wait3A_73 : memref<1x128xi32, #tpu.memory_space<vmem>> -> memref<128xi32, #tpu.memory_space<vmem>>
      %dma_wait3A_75 = arith.constant 0 : i32
      %dma_wait3A_76 = arith.constant 0 : i32
      %dma_wait3A_77 = tpu.memref_slice %arg12[%dma_wait3A_75, %dma_wait3A_76] : memref<5120x128xf32, #tpu.memory_space<vmem_shared>> -> memref<5120x128xf32, #tpu.memory_space<vmem_shared>>
      tpu.wait_indirect_dma semaphore(%arg14 : memref<!tpu.dma_semaphore, #tpu.memory_space<semaphore_mem>>) src(%dma_wait3A_77 : memref<5120x128xf32, #tpu.memory_space<vmem_shared>>) dst(%arg10 : memref<128x128xf32, #tpu.memory_space<vmem>>)
      %add3A_78 = arith.constant 1 : i32
      %add3A_79 = arith.addi %mul3A_54, %add3A_78 : i32
      "tpu.region"() ({
        %run_scoped3A_80 = tpu.sem_alloc : memref<!tpu.dma_semaphore, #tpu.memory_space<semaphore_mem>>
        %dma_start3A_81 = arith.constant 0 : i32
        %dma_start3A_82 = tpu.memref_slice %arg8[%add3A_79, %dma_start3A_81] : memref<48x128xi32, #tpu.memory_space<vmem>> -> memref<1x128xi32, #tpu.memory_space<vmem>>
        %dma_start3A_83 = tpu.memref_squeeze %dma_start3A_82 : memref<1x128xi32, #tpu.memory_space<vmem>> -> memref<128xi32, #tpu.memory_space<vmem>>
        %dma_start3A_84 = arith.constant 0 : i32
        %dma_start3A_85 = arith.constant 0 : i32
        %dma_start3A_86 = tpu.memref_slice %arg11[%dma_start3A_84, %dma_start3A_85] : memref<5376x128xf32, #tpu.memory_space<vmem_shared>> -> memref<5376x128xf32, #tpu.memory_space<vmem_shared>>
        tpu.enqueue_indirect_dma source(%arg10 : memref<128x128xf32, #tpu.memory_space<vmem>>) target(%dma_start3A_86 : memref<5376x128xf32, #tpu.memory_space<vmem_shared>>) offsets(%dma_start3A_83 : memref<128xi32, #tpu.memory_space<vmem>>) semaphore(%run_scoped3A_80 : memref<!tpu.dma_semaphore, #tpu.memory_space<semaphore_mem>>) {add = true}
        %dma_wait3A_87 = arith.constant 0 : i32
        %dma_wait3A_88 = tpu.memref_slice %arg8[%add3A_79, %dma_wait3A_87] : memref<48x128xi32, #tpu.memory_space<vmem>> -> memref<1x128xi32, #tpu.memory_space<vmem>>
        %dma_wait3A_89 = tpu.memref_squeeze %dma_wait3A_88 : memref<1x128xi32, #tpu.memory_space<vmem>> -> memref<128xi32, #tpu.memory_space<vmem>>
        %dma_wait3A_90 = arith.constant 0 : i32
        %dma_wait3A_91 = arith.constant 0 : i32
        %dma_wait3A_92 = tpu.memref_slice %arg11[%dma_wait3A_90, %dma_wait3A_91] : memref<5376x128xf32, #tpu.memory_space<vmem_shared>> -> memref<5376x128xf32, #tpu.memory_space<vmem_shared>>
        tpu.wait_indirect_dma semaphore(%run_scoped3A_80 : memref<!tpu.dma_semaphore, #tpu.memory_space<semaphore_mem>>) src(%arg10 : memref<128x128xf32, #tpu.memory_space<vmem>>) dst(%dma_wait3A_92 : memref<5376x128xf32, #tpu.memory_space<vmem_shared>>)
        tpu.yield
      }) : () -> ()
    }
    %scan3A_20 = arith.constant 24 : i32
    %barrier3A_21 = arith.constant 0 : index
    tpu.barrier barrier_id(%barrier3A_21)
    %mul3A_22 = arith.constant 320 : i32
    %mul3A_23 = arith.muli %arg1, %mul3A_22 : i32
    %mul3A_24 = arith.constant 320 : i32
    %mul3A_25 = arith.muli %arg1, %mul3A_24 : i32
    %run_scoped3A_26 = arith.constant 1 : i32
    "tpu.region"() ({
      %run_scoped3A_52 = tpu.sem_alloc : memref<!tpu.dma_semaphore, #tpu.memory_space<semaphore_mem>>
      %dma_start3A_53 = arith.constant 0 : i32
      %dma_start3A_54 = tpu.memref_slice %arg12[%mul3A_25, %dma_start3A_53] : memref<5120x128xf32, #tpu.memory_space<vmem_shared>> -> memref<320x128xf32, #tpu.memory_space<vmem_shared>>
      %dma_start3A_55 = arith.constant 0 : i32
      %dma_start3A_56 = arith.constant 0 : i32
      %dma_start3A_57 = tpu.memref_slice %arg2[%run_scoped3A_26, %dma_start3A_55, %dma_start3A_56] : memref<2x5120x128xf32, #tpu.memory_space<hbm>> -> memref<1x5120x128xf32, #tpu.memory_space<hbm>>
      %dma_start3A_58 = tpu.memref_squeeze %dma_start3A_57 : memref<1x5120x128xf32, #tpu.memory_space<hbm>> -> memref<5120x128xf32, #tpu.memory_space<hbm>>
      %dma_start3A_59 = arith.constant 0 : i32
      %dma_start3A_60 = tpu.memref_slice %dma_start3A_58[%mul3A_23, %dma_start3A_59] : memref<5120x128xf32, #tpu.memory_space<hbm>> -> memref<320x128xf32, #tpu.memory_space<hbm>>
      tpu.enqueue_dma source(%dma_start3A_60 : memref<320x128xf32, #tpu.memory_space<hbm>>) target(%dma_start3A_54 : memref<320x128xf32, #tpu.memory_space<vmem_shared>>) target_semaphore(%run_scoped3A_52 : memref<!tpu.dma_semaphore, #tpu.memory_space<semaphore_mem>>)
      %dma_wait3A = arith.constant 0 : i32
      %dma_wait3A_61 = tpu.memref_slice %arg12[%mul3A_25, %dma_wait3A] : memref<5120x128xf32, #tpu.memory_space<vmem_shared>> -> memref<320x128xf32, #tpu.memory_space<vmem_shared>>
      %dma_wait3A_62 = arith.constant 0 : i32
      %dma_wait3A_63 = arith.constant 0 : i32
      %dma_wait3A_64 = tpu.memref_slice %arg2[%run_scoped3A_26, %dma_wait3A_62, %dma_wait3A_63] : memref<2x5120x128xf32, #tpu.memory_space<hbm>> -> memref<1x5120x128xf32, #tpu.memory_space<hbm>>
      %dma_wait3A_65 = tpu.memref_squeeze %dma_wait3A_64 : memref<1x5120x128xf32, #tpu.memory_space<hbm>> -> memref<5120x128xf32, #tpu.memory_space<hbm>>
      %dma_wait3A_66 = arith.constant 0 : i32
      %dma_wait3A_67 = tpu.memref_slice %dma_wait3A_65[%mul3A_23, %dma_wait3A_66] : memref<5120x128xf32, #tpu.memory_space<hbm>> -> memref<320x128xf32, #tpu.memory_space<hbm>>
      tpu.wait_dma2 semaphore(%run_scoped3A_52 : memref<!tpu.dma_semaphore, #tpu.memory_space<semaphore_mem>>) src(%dma_wait3A_67 : memref<320x128xf32, #tpu.memory_space<hbm>>) dst(%dma_wait3A_61 : memref<320x128xf32, #tpu.memory_space<vmem_shared>>)
      tpu.yield
    }) : () -> ()
    %barrier3A_27 = arith.constant 0 : index
    tpu.barrier barrier_id(%barrier3A_27)
    %add3A_28 = arith.constant 2 : i32
    %add3A_29 = arith.addi %add3A_28, %arg0 : i32
    %mul3A_30 = arith.constant 48 : i32
    %mul3A_31 = arith.muli %arg1, %mul3A_30 : i32
    "tpu.region"() ({
      %run_scoped3A_52 = tpu.sem_alloc : memref<!tpu.dma_semaphore, #tpu.memory_space<semaphore_mem>>
      %dma_start3A_53 = arith.constant 0 : i32
      %dma_start3A_54 = arith.constant 0 : i32
      %dma_start3A_55 = tpu.memref_slice %arg3[%add3A_29, %dma_start3A_53, %dma_start3A_54] : memref<4x768x128xi32, #tpu.memory_space<hbm>> -> memref<1x768x128xi32, #tpu.memory_space<hbm>>
      %dma_start3A_56 = tpu.memref_squeeze %dma_start3A_55 : memref<1x768x128xi32, #tpu.memory_space<hbm>> -> memref<768x128xi32, #tpu.memory_space<hbm>>
      %dma_start3A_57 = arith.constant 0 : i32
      %dma_start3A_58 = tpu.memref_slice %dma_start3A_56[%mul3A_31, %dma_start3A_57] : memref<768x128xi32, #tpu.memory_space<hbm>> -> memref<48x128xi32, #tpu.memory_space<hbm>>
      %dma_start3A_59 = arith.constant 0 : i32
      %dma_start3A_60 = arith.constant 0 : i32
      %dma_start3A_61 = tpu.memref_slice %arg3[%add3A_29, %dma_start3A_59, %dma_start3A_60] : memref<4x768x128xi32, #tpu.memory_space<hbm>> -> memref<1x768x128xi32, #tpu.memory_space<hbm>>
      %dma_start3A_62 = tpu.memref_squeeze %dma_start3A_61 : memref<1x768x128xi32, #tpu.memory_space<hbm>> -> memref<768x128xi32, #tpu.memory_space<hbm>>
      %dma_start3A_63 = arith.constant 0 : i32
      %dma_start3A_64 = tpu.memref_slice %dma_start3A_62[%mul3A_31, %dma_start3A_63] : memref<768x128xi32, #tpu.memory_space<hbm>> -> memref<48x128xi32, #tpu.memory_space<hbm>>
      tpu.enqueue_dma source(%dma_start3A_64 : memref<48x128xi32, #tpu.memory_space<hbm>>) target(%arg7 : memref<48x128xi32, #tpu.memory_space<vmem>>) target_semaphore(%run_scoped3A_52 : memref<!tpu.dma_semaphore, #tpu.memory_space<semaphore_mem>>)
      %dma_wait3A = arith.constant 0 : i32
      %dma_wait3A_65 = arith.constant 0 : i32
      %dma_wait3A_66 = tpu.memref_slice %arg3[%add3A_29, %dma_wait3A, %dma_wait3A_65] : memref<4x768x128xi32, #tpu.memory_space<hbm>> -> memref<1x768x128xi32, #tpu.memory_space<hbm>>
      %dma_wait3A_67 = tpu.memref_squeeze %dma_wait3A_66 : memref<1x768x128xi32, #tpu.memory_space<hbm>> -> memref<768x128xi32, #tpu.memory_space<hbm>>
      %dma_wait3A_68 = arith.constant 0 : i32
      %dma_wait3A_69 = tpu.memref_slice %dma_wait3A_67[%mul3A_31, %dma_wait3A_68] : memref<768x128xi32, #tpu.memory_space<hbm>> -> memref<48x128xi32, #tpu.memory_space<hbm>>
      %dma_wait3A_70 = arith.constant 0 : i32
      %dma_wait3A_71 = arith.constant 0 : i32
      %dma_wait3A_72 = tpu.memref_slice %arg3[%add3A_29, %dma_wait3A_70, %dma_wait3A_71] : memref<4x768x128xi32, #tpu.memory_space<hbm>> -> memref<1x768x128xi32, #tpu.memory_space<hbm>>
      %dma_wait3A_73 = tpu.memref_squeeze %dma_wait3A_72 : memref<1x768x128xi32, #tpu.memory_space<hbm>> -> memref<768x128xi32, #tpu.memory_space<hbm>>
      %dma_wait3A_74 = arith.constant 0 : i32
      %dma_wait3A_75 = tpu.memref_slice %dma_wait3A_73[%mul3A_31, %dma_wait3A_74] : memref<768x128xi32, #tpu.memory_space<hbm>> -> memref<48x128xi32, #tpu.memory_space<hbm>>
      tpu.wait_dma2 semaphore(%run_scoped3A_52 : memref<!tpu.dma_semaphore, #tpu.memory_space<semaphore_mem>>) src(%dma_wait3A_75 : memref<48x128xi32, #tpu.memory_space<hbm>>) dst(%arg7 : memref<48x128xi32, #tpu.memory_space<vmem>>)
      tpu.yield
    }) : () -> ()
    %mul3A_32 = arith.constant 48 : i32
    %mul3A_33 = arith.muli %arg1, %mul3A_32 : i32
    "tpu.region"() ({
      %run_scoped3A_52 = tpu.sem_alloc : memref<!tpu.dma_semaphore, #tpu.memory_space<semaphore_mem>>
      %dma_start3A_53 = arith.constant 0 : i32
      %dma_start3A_54 = arith.constant 0 : i32
      %dma_start3A_55 = tpu.memref_slice %arg4[%add3A_29, %dma_start3A_53, %dma_start3A_54] : memref<4x768x128xi32, #tpu.memory_space<hbm>> -> memref<1x768x128xi32, #tpu.memory_space<hbm>>
      %dma_start3A_56 = tpu.memref_squeeze %dma_start3A_55 : memref<1x768x128xi32, #tpu.memory_space<hbm>> -> memref<768x128xi32, #tpu.memory_space<hbm>>
      %dma_start3A_57 = arith.constant 0 : i32
      %dma_start3A_58 = tpu.memref_slice %dma_start3A_56[%mul3A_33, %dma_start3A_57] : memref<768x128xi32, #tpu.memory_space<hbm>> -> memref<48x128xi32, #tpu.memory_space<hbm>>
      %dma_start3A_59 = arith.constant 0 : i32
      %dma_start3A_60 = arith.constant 0 : i32
      %dma_start3A_61 = tpu.memref_slice %arg4[%add3A_29, %dma_start3A_59, %dma_start3A_60] : memref<4x768x128xi32, #tpu.memory_space<hbm>> -> memref<1x768x128xi32, #tpu.memory_space<hbm>>
      %dma_start3A_62 = tpu.memref_squeeze %dma_start3A_61 : memref<1x768x128xi32, #tpu.memory_space<hbm>> -> memref<768x128xi32, #tpu.memory_space<hbm>>
      %dma_start3A_63 = arith.constant 0 : i32
      %dma_start3A_64 = tpu.memref_slice %dma_start3A_62[%mul3A_33, %dma_start3A_63] : memref<768x128xi32, #tpu.memory_space<hbm>> -> memref<48x128xi32, #tpu.memory_space<hbm>>
      tpu.enqueue_dma source(%dma_start3A_64 : memref<48x128xi32, #tpu.memory_space<hbm>>) target(%arg8 : memref<48x128xi32, #tpu.memory_space<vmem>>) target_semaphore(%run_scoped3A_52 : memref<!tpu.dma_semaphore, #tpu.memory_space<semaphore_mem>>)
      %dma_wait3A = arith.constant 0 : i32
      %dma_wait3A_65 = arith.constant 0 : i32
      %dma_wait3A_66 = tpu.memref_slice %arg4[%add3A_29, %dma_wait3A, %dma_wait3A_65] : memref<4x768x128xi32, #tpu.memory_space<hbm>> -> memref<1x768x128xi32, #tpu.memory_space<hbm>>
      %dma_wait3A_67 = tpu.memref_squeeze %dma_wait3A_66 : memref<1x768x128xi32, #tpu.memory_space<hbm>> -> memref<768x128xi32, #tpu.memory_space<hbm>>
      %dma_wait3A_68 = arith.constant 0 : i32
      %dma_wait3A_69 = tpu.memref_slice %dma_wait3A_67[%mul3A_33, %dma_wait3A_68] : memref<768x128xi32, #tpu.memory_space<hbm>> -> memref<48x128xi32, #tpu.memory_space<hbm>>
      %dma_wait3A_70 = arith.constant 0 : i32
      %dma_wait3A_71 = arith.constant 0 : i32
      %dma_wait3A_72 = tpu.memref_slice %arg4[%add3A_29, %dma_wait3A_70, %dma_wait3A_71] : memref<4x768x128xi32, #tpu.memory_space<hbm>> -> memref<1x768x128xi32, #tpu.memory_space<hbm>>
      %dma_wait3A_73 = tpu.memref_squeeze %dma_wait3A_72 : memref<1x768x128xi32, #tpu.memory_space<hbm>> -> memref<768x128xi32, #tpu.memory_space<hbm>>
      %dma_wait3A_74 = arith.constant 0 : i32
      %dma_wait3A_75 = tpu.memref_slice %dma_wait3A_73[%mul3A_33, %dma_wait3A_74] : memref<768x128xi32, #tpu.memory_space<hbm>> -> memref<48x128xi32, #tpu.memory_space<hbm>>
      tpu.wait_dma2 semaphore(%run_scoped3A_52 : memref<!tpu.dma_semaphore, #tpu.memory_space<semaphore_mem>>) src(%dma_wait3A_75 : memref<48x128xi32, #tpu.memory_space<hbm>>) dst(%arg8 : memref<48x128xi32, #tpu.memory_space<vmem>>)
      tpu.yield
    }) : () -> ()
    %dma_start3A_34 = arith.constant 0 : i32
    %dma_start3A_35 = arith.constant 0 : i32
    %dma_start3A_36 = tpu.memref_slice %arg7[%dma_start3A_34, %dma_start3A_35] : memref<48x128xi32, #tpu.memory_space<vmem>> -> memref<1x128xi32, #tpu.memory_space<vmem>>
    %dma_start3A_37 = tpu.memref_squeeze %dma_start3A_36 : memref<1x128xi32, #tpu.memory_space<vmem>> -> memref<128xi32, #tpu.memory_space<vmem>>
    %dma_start3A_38 = arith.constant 0 : i32
    %dma_start3A_39 = arith.constant 0 : i32
    %dma_start3A_40 = tpu.memref_slice %arg12[%dma_start3A_38, %dma_start3A_39] : memref<5120x128xf32, #tpu.memory_space<vmem_shared>> -> memref<5120x128xf32, #tpu.memory_space<vmem_shared>>
    tpu.enqueue_indirect_dma source(%dma_start3A_40 : memref<5120x128xf32, #tpu.memory_space<vmem_shared>>) target(%arg9 : memref<128x128xf32, #tpu.memory_space<vmem>>) offsets(%dma_start3A_37 : memref<128xi32, #tpu.memory_space<vmem>>) semaphore(%arg13 : memref<!tpu.dma_semaphore, #tpu.memory_space<semaphore_mem>>)
    %scan3A_41 = arith.constant 0 : i32
    %scan3A_42 = arith.constant 0 : i32
    %scan3A_43 = arith.constant 24 : i32
    %scan3A_44 = arith.addi %scan3A_42, %scan3A_43 : i32
    %scan3A_45 = arith.constant 1 : i32
    scf.for %scan3A_52 = %scan3A_42 to %scan3A_44 step %scan3A_45  : i32 {
      %mul3A_53 = arith.constant 2 : i32
      %mul3A_54 = arith.muli %mul3A_53, %scan3A_52 : i32
      %add3A_55 = arith.constant 1 : i32
      %add3A_56 = arith.addi %mul3A_54, %add3A_55 : i32
      %dma_start3A_57 = arith.constant 0 : i32
      %dma_start3A_58 = tpu.memref_slice %arg7[%add3A_56, %dma_start3A_57] : memref<48x128xi32, #tpu.memory_space<vmem>> -> memref<1x128xi32, #tpu.memory_space<vmem>>
      %dma_start3A_59 = tpu.memref_squeeze %dma_start3A_58 : memref<1x128xi32, #tpu.memory_space<vmem>> -> memref<128xi32, #tpu.memory_space<vmem>>
      %dma_start3A_60 = arith.constant 0 : i32
      %dma_start3A_61 = arith.constant 0 : i32
      %dma_start3A_62 = tpu.memref_slice %arg12[%dma_start3A_60, %dma_start3A_61] : memref<5120x128xf32, #tpu.memory_space<vmem_shared>> -> memref<5120x128xf32, #tpu.memory_space<vmem_shared>>
      tpu.enqueue_indirect_dma source(%dma_start3A_62 : memref<5120x128xf32, #tpu.memory_space<vmem_shared>>) target(%arg10 : memref<128x128xf32, #tpu.memory_space<vmem>>) offsets(%dma_start3A_59 : memref<128xi32, #tpu.memory_space<vmem>>) semaphore(%arg14 : memref<!tpu.dma_semaphore, #tpu.memory_space<semaphore_mem>>)
      %dma_wait3A = arith.constant 0 : i32
      %dma_wait3A_63 = tpu.memref_slice %arg7[%mul3A_54, %dma_wait3A] : memref<48x128xi32, #tpu.memory_space<vmem>> -> memref<1x128xi32, #tpu.memory_space<vmem>>
      %dma_wait3A_64 = tpu.memref_squeeze %dma_wait3A_63 : memref<1x128xi32, #tpu.memory_space<vmem>> -> memref<128xi32, #tpu.memory_space<vmem>>
      %dma_wait3A_65 = arith.constant 0 : i32
      %dma_wait3A_66 = arith.constant 0 : i32
      %dma_wait3A_67 = tpu.memref_slice %arg12[%dma_wait3A_65, %dma_wait3A_66] : memref<5120x128xf32, #tpu.memory_space<vmem_shared>> -> memref<5120x128xf32, #tpu.memory_space<vmem_shared>>
      tpu.wait_indirect_dma semaphore(%arg13 : memref<!tpu.dma_semaphore, #tpu.memory_space<semaphore_mem>>) src(%dma_wait3A_67 : memref<5120x128xf32, #tpu.memory_space<vmem_shared>>) dst(%arg9 : memref<128x128xf32, #tpu.memory_space<vmem>>)
      "tpu.region"() ({
        %run_scoped3A_80 = tpu.sem_alloc : memref<!tpu.dma_semaphore, #tpu.memory_space<semaphore_mem>>
        %dma_start3A_81 = arith.constant 0 : i32
        %dma_start3A_82 = tpu.memref_slice %arg8[%mul3A_54, %dma_start3A_81] : memref<48x128xi32, #tpu.memory_space<vmem>> -> memref<1x128xi32, #tpu.memory_space<vmem>>
        %dma_start3A_83 = tpu.memref_squeeze %dma_start3A_82 : memref<1x128xi32, #tpu.memory_space<vmem>> -> memref<128xi32, #tpu.memory_space<vmem>>
        %dma_start3A_84 = arith.constant 0 : i32
        %dma_start3A_85 = arith.constant 0 : i32
        %dma_start3A_86 = tpu.memref_slice %arg11[%dma_start3A_84, %dma_start3A_85] : memref<5376x128xf32, #tpu.memory_space<vmem_shared>> -> memref<5376x128xf32, #tpu.memory_space<vmem_shared>>
        tpu.enqueue_indirect_dma source(%arg9 : memref<128x128xf32, #tpu.memory_space<vmem>>) target(%dma_start3A_86 : memref<5376x128xf32, #tpu.memory_space<vmem_shared>>) offsets(%dma_start3A_83 : memref<128xi32, #tpu.memory_space<vmem>>) semaphore(%run_scoped3A_80 : memref<!tpu.dma_semaphore, #tpu.memory_space<semaphore_mem>>) {add = true}
        %dma_wait3A_87 = arith.constant 0 : i32
        %dma_wait3A_88 = tpu.memref_slice %arg8[%mul3A_54, %dma_wait3A_87] : memref<48x128xi32, #tpu.memory_space<vmem>> -> memref<1x128xi32, #tpu.memory_space<vmem>>
        %dma_wait3A_89 = tpu.memref_squeeze %dma_wait3A_88 : memref<1x128xi32, #tpu.memory_space<vmem>> -> memref<128xi32, #tpu.memory_space<vmem>>
        %dma_wait3A_90 = arith.constant 0 : i32
        %dma_wait3A_91 = arith.constant 0 : i32
        %dma_wait3A_92 = tpu.memref_slice %arg11[%dma_wait3A_90, %dma_wait3A_91] : memref<5376x128xf32, #tpu.memory_space<vmem_shared>> -> memref<5376x128xf32, #tpu.memory_space<vmem_shared>>
        tpu.wait_indirect_dma semaphore(%run_scoped3A_80 : memref<!tpu.dma_semaphore, #tpu.memory_space<semaphore_mem>>) src(%arg9 : memref<128x128xf32, #tpu.memory_space<vmem>>) dst(%dma_wait3A_92 : memref<5376x128xf32, #tpu.memory_space<vmem_shared>>)
        tpu.yield
      }) : () -> ()
      %lt3A = arith.constant 23 : i32
      %lt3A_68 = arith.cmpi slt, %scan3A_52, %lt3A : i32
      %convert_element_type3A = arith.extui %lt3A_68 : i1 to i32
      %cond3A = arith.constant 0 : i32
      %cond3A_69 = arith.cmpi ne, %convert_element_type3A, %cond3A : i32
      scf.if %cond3A_69 {
        %add3A_80 = arith.constant 2 : i32
        %add3A_81 = arith.addi %mul3A_54, %add3A_80 : i32
        %dma_start3A_82 = arith.constant 0 : i32
        %dma_start3A_83 = tpu.memref_slice %arg7[%add3A_81, %dma_start3A_82] : memref<48x128xi32, #tpu.memory_space<vmem>> -> memref<1x128xi32, #tpu.memory_space<vmem>>
        %dma_start3A_84 = tpu.memref_squeeze %dma_start3A_83 : memref<1x128xi32, #tpu.memory_space<vmem>> -> memref<128xi32, #tpu.memory_space<vmem>>
        %dma_start3A_85 = arith.constant 0 : i32
        %dma_start3A_86 = arith.constant 0 : i32
        %dma_start3A_87 = tpu.memref_slice %arg12[%dma_start3A_85, %dma_start3A_86] : memref<5120x128xf32, #tpu.memory_space<vmem_shared>> -> memref<5120x128xf32, #tpu.memory_space<vmem_shared>>
        tpu.enqueue_indirect_dma source(%dma_start3A_87 : memref<5120x128xf32, #tpu.memory_space<vmem_shared>>) target(%arg9 : memref<128x128xf32, #tpu.memory_space<vmem>>) offsets(%dma_start3A_84 : memref<128xi32, #tpu.memory_space<vmem>>) semaphore(%arg13 : memref<!tpu.dma_semaphore, #tpu.memory_space<semaphore_mem>>)
      } else {
      }
      %add3A_70 = arith.constant 1 : i32
      %add3A_71 = arith.addi %mul3A_54, %add3A_70 : i32
      %dma_wait3A_72 = arith.constant 0 : i32
      %dma_wait3A_73 = tpu.memref_slice %arg7[%add3A_71, %dma_wait3A_72] : memref<48x128xi32, #tpu.memory_space<vmem>> -> memref<1x128xi32, #tpu.memory_space<vmem>>
      %dma_wait3A_74 = tpu.memref_squeeze %dma_wait3A_73 : memref<1x128xi32, #tpu.memory_space<vmem>> -> memref<128xi32, #tpu.memory_space<vmem>>
      %dma_wait3A_75 = arith.constant 0 : i32
      %dma_wait3A_76 = arith.constant 0 : i32
      %dma_wait3A_77 = tpu.memref_slice %arg12[%dma_wait3A_75, %dma_wait3A_76] : memref<5120x128xf32, #tpu.memory_space<vmem_shared>> -> memref<5120x128xf32, #tpu.memory_space<vmem_shared>>
      tpu.wait_indirect_dma semaphore(%arg14 : memref<!tpu.dma_semaphore, #tpu.memory_space<semaphore_mem>>) src(%dma_wait3A_77 : memref<5120x128xf32, #tpu.memory_space<vmem_shared>>) dst(%arg10 : memref<128x128xf32, #tpu.memory_space<vmem>>)
      %add3A_78 = arith.constant 1 : i32
      %add3A_79 = arith.addi %mul3A_54, %add3A_78 : i32
      "tpu.region"() ({
        %run_scoped3A_80 = tpu.sem_alloc : memref<!tpu.dma_semaphore, #tpu.memory_space<semaphore_mem>>
        %dma_start3A_81 = arith.constant 0 : i32
        %dma_start3A_82 = tpu.memref_slice %arg8[%add3A_79, %dma_start3A_81] : memref<48x128xi32, #tpu.memory_space<vmem>> -> memref<1x128xi32, #tpu.memory_space<vmem>>
        %dma_start3A_83 = tpu.memref_squeeze %dma_start3A_82 : memref<1x128xi32, #tpu.memory_space<vmem>> -> memref<128xi32, #tpu.memory_space<vmem>>
        %dma_start3A_84 = arith.constant 0 : i32
        %dma_start3A_85 = arith.constant 0 : i32
        %dma_start3A_86 = tpu.memref_slice %arg11[%dma_start3A_84, %dma_start3A_85] : memref<5376x128xf32, #tpu.memory_space<vmem_shared>> -> memref<5376x128xf32, #tpu.memory_space<vmem_shared>>
        tpu.enqueue_indirect_dma source(%arg10 : memref<128x128xf32, #tpu.memory_space<vmem>>) target(%dma_start3A_86 : memref<5376x128xf32, #tpu.memory_space<vmem_shared>>) offsets(%dma_start3A_83 : memref<128xi32, #tpu.memory_space<vmem>>) semaphore(%run_scoped3A_80 : memref<!tpu.dma_semaphore, #tpu.memory_space<semaphore_mem>>) {add = true}
        %dma_wait3A_87 = arith.constant 0 : i32
        %dma_wait3A_88 = tpu.memref_slice %arg8[%add3A_79, %dma_wait3A_87] : memref<48x128xi32, #tpu.memory_space<vmem>> -> memref<1x128xi32, #tpu.memory_space<vmem>>
        %dma_wait3A_89 = tpu.memref_squeeze %dma_wait3A_88 : memref<1x128xi32, #tpu.memory_space<vmem>> -> memref<128xi32, #tpu.memory_space<vmem>>
        %dma_wait3A_90 = arith.constant 0 : i32
        %dma_wait3A_91 = arith.constant 0 : i32
        %dma_wait3A_92 = tpu.memref_slice %arg11[%dma_wait3A_90, %dma_wait3A_91] : memref<5376x128xf32, #tpu.memory_space<vmem_shared>> -> memref<5376x128xf32, #tpu.memory_space<vmem_shared>>
        tpu.wait_indirect_dma semaphore(%run_scoped3A_80 : memref<!tpu.dma_semaphore, #tpu.memory_space<semaphore_mem>>) src(%arg10 : memref<128x128xf32, #tpu.memory_space<vmem>>) dst(%dma_wait3A_92 : memref<5376x128xf32, #tpu.memory_space<vmem_shared>>)
        tpu.yield
      }) : () -> ()
    }
    %scan3A_46 = arith.constant 24 : i32
    %barrier3A_47 = arith.constant 0 : index
    tpu.barrier barrier_id(%barrier3A_47)
    %mul3A_48 = arith.constant 336 : i32
    %mul3A_49 = arith.muli %arg1, %mul3A_48 : i32
    %mul3A_50 = arith.constant 336 : i32
    %mul3A_51 = arith.muli %arg1, %mul3A_50 : i32
    "tpu.region"() ({
      %run_scoped3A_52 = tpu.sem_alloc : memref<!tpu.dma_semaphore, #tpu.memory_space<semaphore_mem>>
      %dma_start3A_53 = arith.constant 0 : i32
      %dma_start3A_54 = arith.constant 0 : i32
      %dma_start3A_55 = tpu.memref_slice %arg6[%arg0, %dma_start3A_53, %dma_start3A_54] : memref<2x5376x128xf32, #tpu.memory_space<hbm>> -> memref<1x5376x128xf32, #tpu.memory_space<hbm>>
      %dma_start3A_56 = tpu.memref_squeeze %dma_start3A_55 : memref<1x5376x128xf32, #tpu.memory_space<hbm>> -> memref<5376x128xf32, #tpu.memory_space<hbm>>
      %dma_start3A_57 = arith.constant 0 : i32
      %dma_start3A_58 = tpu.memref_slice %dma_start3A_56[%mul3A_51, %dma_start3A_57] : memref<5376x128xf32, #tpu.memory_space<hbm>> -> memref<336x128xf32, #tpu.memory_space<hbm>>
      %dma_start3A_59 = arith.constant 0 : i32
      %dma_start3A_60 = tpu.memref_slice %arg11[%mul3A_49, %dma_start3A_59] : memref<5376x128xf32, #tpu.memory_space<vmem_shared>> -> memref<336x128xf32, #tpu.memory_space<vmem_shared>>
      tpu.enqueue_dma source(%dma_start3A_60 : memref<336x128xf32, #tpu.memory_space<vmem_shared>>) target(%dma_start3A_58 : memref<336x128xf32, #tpu.memory_space<hbm>>) target_semaphore(%run_scoped3A_52 : memref<!tpu.dma_semaphore, #tpu.memory_space<semaphore_mem>>)
      %dma_wait3A = arith.constant 0 : i32
      %dma_wait3A_61 = arith.constant 0 : i32
      %dma_wait3A_62 = tpu.memref_slice %arg6[%arg0, %dma_wait3A, %dma_wait3A_61] : memref<2x5376x128xf32, #tpu.memory_space<hbm>> -> memref<1x5376x128xf32, #tpu.memory_space<hbm>>
      %dma_wait3A_63 = tpu.memref_squeeze %dma_wait3A_62 : memref<1x5376x128xf32, #tpu.memory_space<hbm>> -> memref<5376x128xf32, #tpu.memory_space<hbm>>
      %dma_wait3A_64 = arith.constant 0 : i32
      %dma_wait3A_65 = tpu.memref_slice %dma_wait3A_63[%mul3A_51, %dma_wait3A_64] : memref<5376x128xf32, #tpu.memory_space<hbm>> -> memref<336x128xf32, #tpu.memory_space<hbm>>
      %dma_wait3A_66 = arith.constant 0 : i32
      %dma_wait3A_67 = tpu.memref_slice %arg11[%mul3A_49, %dma_wait3A_66] : memref<5376x128xf32, #tpu.memory_space<vmem_shared>> -> memref<336x128xf32, #tpu.memory_space<vmem_shared>>
      tpu.wait_dma2 semaphore(%run_scoped3A_52 : memref<!tpu.dma_semaphore, #tpu.memory_space<semaphore_mem>>) src(%dma_wait3A_67 : memref<336x128xf32, #tpu.memory_space<vmem_shared>>) dst(%dma_wait3A_65 : memref<336x128xf32, #tpu.memory_space<hbm>>)
      tpu.yield
    }) : () -> ()
    return
  }
}

#map = affine_map<(d0, d1) -> (0, 0, 0)>
#map1 = affine_map<(d0, d1) -> (0, 0)>
module attributes {stable_mosaic.version = 14 : i64} {
  func.func @k(%arg0: i32, %arg1: i32, %arg2: memref<2x5120x128xf32, #tpu.memory_space<hbm>>, %arg3: memref<4x768x128xi32, #tpu.memory_space<hbm>>, %arg4: memref<4x768x128xi32, #tpu.memory_space<hbm>>, %arg5: memref<640x128xf32, #tpu.memory_space<hbm>>, %arg6: memref<2x5376x128xf32, #tpu.memory_space<hbm>>, %arg7: memref<48x128xi32, #tpu.memory_space<vmem>>, %arg8: memref<48x128xi32, #tpu.memory_space<vmem>>, %arg9: memref<128x128xf32, #tpu.memory_space<vmem>>, %arg10: memref<128x128xf32, #tpu.memory_space<vmem>>, %arg11: memref<5376x128xf32, #tpu.memory_space<vmem_shared>>, %arg12: memref<5120x128xf32, #tpu.memory_space<vmem_shared>>, %arg13: memref<!tpu.dma_semaphore, #tpu.memory_space<semaphore_mem>>, %arg14: memref<!tpu.dma_semaphore, #tpu.memory_space<semaphore_mem>>) attributes {dimension_semantics = [#tpu.dimension_semantics<core_parallel>, #tpu.dimension_semantics<subcore_parallel>], iteration_bounds = array<i64: 2, 16>, scalar_prefetch = 0 : i64, scratch_operands = 8 : i64, tpu.core_type = #tpu.core_type<sc_vector_subcore>, window_params = [{transform_indices = #map}, {transform_indices = #map}, {transform_indices = #map}, {transform_indices = #map1}, {transform_indices = #map}]} {
    %mul3A = arith.constant 336 : i32
    %mul3A_0 = arith.muli %arg1, %mul3A : i32
    "tpu.region"() ({
      %run_scoped3A_52 = tpu.sem_alloc : memref<!tpu.dma_semaphore, #tpu.memory_space<semaphore_mem>>
      %dma_start3A_53 = arith.constant 0 : i32
      %dma_start3A_54 = tpu.memref_slice %arg11[%mul3A_0, %dma_start3A_53] : memref<5376x128xf32, #tpu.memory_space<vmem_shared>> -> memref<336x128xf32, #tpu.memory_space<vmem_shared>>
      %dma_start3A_55 = arith.constant 0 : i32
      %dma_start3A_56 = arith.constant 0 : i32
      %dma_start3A_57 = tpu.memref_slice %arg5[%dma_start3A_55, %dma_start3A_56] : memref<640x128xf32, #tpu.memory_space<hbm>> -> memref<336x128xf32, #tpu.memory_space<hbm>>
      tpu.enqueue_dma source(%dma_start3A_57 : memref<336x128xf32, #tpu.memory_space<hbm>>) target(%dma_start3A_54 : memref<336x128xf32, #tpu.memory_space<vmem_shared>>) target_semaphore(%run_scoped3A_52 : memref<!tpu.dma_semaphore, #tpu.memory_space<semaphore_mem>>)
      %dma_wait3A = arith.constant 0 : i32
      %dma_wait3A_58 = tpu.memref_slice %arg11[%mul3A_0, %dma_wait3A] : memref<5376x128xf32, #tpu.memory_space<vmem_shared>> -> memref<336x128xf32, #tpu.memory_space<vmem_shared>>
      %dma_wait3A_59 = arith.constant 0 : i32
      %dma_wait3A_60 = arith.constant 0 : i32
      %dma_wait3A_61 = tpu.memref_slice %arg5[%dma_wait3A_59, %dma_wait3A_60] : memref<640x128xf32, #tpu.memory_space<hbm>> -> memref<336x128xf32, #tpu.memory_space<hbm>>
      tpu.wait_dma2 semaphore(%run_scoped3A_52 : memref<!tpu.dma_semaphore, #tpu.memory_space<semaphore_mem>>) src(%dma_wait3A_61 : memref<336x128xf32, #tpu.memory_space<hbm>>) dst(%dma_wait3A_58 : memref<336x128xf32, #tpu.memory_space<vmem_shared>>)
      tpu.yield
    }) : () -> ()
    %mul3A_1 = arith.constant 320 : i32
    %mul3A_2 = arith.muli %arg1, %mul3A_1 : i32
    %mul3A_3 = arith.constant 320 : i32
    %mul3A_4 = arith.muli %arg1, %mul3A_3 : i32
    %run_scoped3A = arith.constant 0 : i32
    "tpu.region"() ({
      %run_scoped3A_52 = tpu.sem_alloc : memref<!tpu.dma_semaphore, #tpu.memory_space<semaphore_mem>>
      %dma_start3A_53 = arith.constant 0 : i32
      %dma_start3A_54 = tpu.memref_slice %arg12[%mul3A_4, %dma_start3A_53] : memref<5120x128xf32, #tpu.memory_space<vmem_shared>> -> memref<320x128xf32, #tpu.memory_space<vmem_shared>>
      %dma_start3A_55 = arith.constant 0 : i32
      %dma_start3A_56 = arith.constant 0 : i32
      %dma_start3A_57 = tpu.memref_slice %arg2[%run_scoped3A, %dma_start3A_55, %dma_start3A_56] : memref<2x5120x128xf32, #tpu.memory_space<hbm>> -> memref<1x5120x128xf32, #tpu.memory_space<hbm>>
      %dma_start3A_58 = tpu.memref_squeeze %dma_start3A_57 : memref<1x5120x128xf32, #tpu.memory_space<hbm>> -> memref<5120x128xf32, #tpu.memory_space<hbm>>
      %dma_start3A_59 = arith.constant 0 : i32
      %dma_start3A_60 = tpu.memref_slice %dma_start3A_58[%mul3A_2, %dma_start3A_59] : memref<5120x128xf32, #tpu.memory_space<hbm>> -> memref<320x128xf32, #tpu.memory_space<hbm>>
      tpu.enqueue_dma source(%dma_start3A_60 : memref<320x128xf32, #tpu.memory_space<hbm>>) target(%dma_start3A_54 : memref<320x128xf32, #tpu.memory_space<vmem_shared>>) target_semaphore(%run_scoped3A_52 : memref<!tpu.dma_semaphore, #tpu.memory_space<semaphore_mem>>)
      %dma_wait3A = arith.constant 0 : i32
      %dma_wait3A_61 = tpu.memref_slice %arg12[%mul3A_4, %dma_wait3A] : memref<5120x128xf32, #tpu.memory_space<vmem_shared>> -> memref<320x128xf32, #tpu.memory_space<vmem_shared>>
      %dma_wait3A_62 = arith.constant 0 : i32
      %dma_wait3A_63 = arith.constant 0 : i32
      %dma_wait3A_64 = tpu.memref_slice %arg2[%run_scoped3A, %dma_wait3A_62, %dma_wait3A_63] : memref<2x5120x128xf32, #tpu.memory_space<hbm>> -> memref<1x5120x128xf32, #tpu.memory_space<hbm>>
      %dma_wait3A_65 = tpu.memref_squeeze %dma_wait3A_64 : memref<1x5120x128xf32, #tpu.memory_space<hbm>> -> memref<5120x128xf32, #tpu.memory_space<hbm>>
      %dma_wait3A_66 = arith.constant 0 : i32
      %dma_wait3A_67 = tpu.memref_slice %dma_wait3A_65[%mul3A_2, %dma_wait3A_66] : memref<5120x128xf32, #tpu.memory_space<hbm>> -> memref<320x128xf32, #tpu.memory_space<hbm>>
      tpu.wait_dma2 semaphore(%run_scoped3A_52 : memref<!tpu.dma_semaphore, #tpu.memory_space<semaphore_mem>>) src(%dma_wait3A_67 : memref<320x128xf32, #tpu.memory_space<hbm>>) dst(%dma_wait3A_61 : memref<320x128xf32, #tpu.memory_space<vmem_shared>>)
      tpu.yield
    }) : () -> ()
    %barrier3A = arith.constant 0 : index
    tpu.barrier barrier_id(%barrier3A)
    %add3A = arith.constant 0 : i32
    %add3A_5 = arith.addi %add3A, %arg0 : i32
    %mul3A_6 = arith.constant 48 : i32
    %mul3A_7 = arith.muli %arg1, %mul3A_6 : i32
    "tpu.region"() ({
      %run_scoped3A_52 = tpu.sem_alloc : memref<!tpu.dma_semaphore, #tpu.memory_space<semaphore_mem>>
      %dma_start3A_53 = arith.constant 0 : i32
      %dma_start3A_54 = arith.constant 0 : i32
      %dma_start3A_55 = tpu.memref_slice %arg3[%add3A_5, %dma_start3A_53, %dma_start3A_54] : memref<4x768x128xi32, #tpu.memory_space<hbm>> -> memref<1x768x128xi32, #tpu.memory_space<hbm>>
      %dma_start3A_56 = tpu.memref_squeeze %dma_start3A_55 : memref<1x768x128xi32, #tpu.memory_space<hbm>> -> memref<768x128xi32, #tpu.memory_space<hbm>>
      %dma_start3A_57 = arith.constant 0 : i32
      %dma_start3A_58 = tpu.memref_slice %dma_start3A_56[%mul3A_7, %dma_start3A_57] : memref<768x128xi32, #tpu.memory_space<hbm>> -> memref<48x128xi32, #tpu.memory_space<hbm>>
      %dma_start3A_59 = arith.constant 0 : i32
      %dma_start3A_60 = arith.constant 0 : i32
      %dma_start3A_61 = tpu.memref_slice %arg3[%add3A_5, %dma_start3A_59, %dma_start3A_60] : memref<4x768x128xi32, #tpu.memory_space<hbm>> -> memref<1x768x128xi32, #tpu.memory_space<hbm>>
      %dma_start3A_62 = tpu.memref_squeeze %dma_start3A_61 : memref<1x768x128xi32, #tpu.memory_space<hbm>> -> memref<768x128xi32, #tpu.memory_space<hbm>>
      %dma_start3A_63 = arith.constant 0 : i32
      %dma_start3A_64 = tpu.memref_slice %dma_start3A_62[%mul3A_7, %dma_start3A_63] : memref<768x128xi32, #tpu.memory_space<hbm>> -> memref<48x128xi32, #tpu.memory_space<hbm>>
      tpu.enqueue_dma source(%dma_start3A_64 : memref<48x128xi32, #tpu.memory_space<hbm>>) target(%arg7 : memref<48x128xi32, #tpu.memory_space<vmem>>) target_semaphore(%run_scoped3A_52 : memref<!tpu.dma_semaphore, #tpu.memory_space<semaphore_mem>>)
      %dma_wait3A = arith.constant 0 : i32
      %dma_wait3A_65 = arith.constant 0 : i32
      %dma_wait3A_66 = tpu.memref_slice %arg3[%add3A_5, %dma_wait3A, %dma_wait3A_65] : memref<4x768x128xi32, #tpu.memory_space<hbm>> -> memref<1x768x128xi32, #tpu.memory_space<hbm>>
      %dma_wait3A_67 = tpu.memref_squeeze %dma_wait3A_66 : memref<1x768x128xi32, #tpu.memory_space<hbm>> -> memref<768x128xi32, #tpu.memory_space<hbm>>
      %dma_wait3A_68 = arith.constant 0 : i32
      %dma_wait3A_69 = tpu.memref_slice %dma_wait3A_67[%mul3A_7, %dma_wait3A_68] : memref<768x128xi32, #tpu.memory_space<hbm>> -> memref<48x128xi32, #tpu.memory_space<hbm>>
      %dma_wait3A_70 = arith.constant 0 : i32
      %dma_wait3A_71 = arith.constant 0 : i32
      %dma_wait3A_72 = tpu.memref_slice %arg3[%add3A_5, %dma_wait3A_70, %dma_wait3A_71] : memref<4x768x128xi32, #tpu.memory_space<hbm>> -> memref<1x768x128xi32, #tpu.memory_space<hbm>>
      %dma_wait3A_73 = tpu.memref_squeeze %dma_wait3A_72 : memref<1x768x128xi32, #tpu.memory_space<hbm>> -> memref<768x128xi32, #tpu.memory_space<hbm>>
      %dma_wait3A_74 = arith.constant 0 : i32
      %dma_wait3A_75 = tpu.memref_slice %dma_wait3A_73[%mul3A_7, %dma_wait3A_74] : memref<768x128xi32, #tpu.memory_space<hbm>> -> memref<48x128xi32, #tpu.memory_space<hbm>>
      tpu.wait_dma2 semaphore(%run_scoped3A_52 : memref<!tpu.dma_semaphore, #tpu.memory_space<semaphore_mem>>) src(%dma_wait3A_75 : memref<48x128xi32, #tpu.memory_space<hbm>>) dst(%arg7 : memref<48x128xi32, #tpu.memory_space<vmem>>)
      tpu.yield
    }) : () -> ()
    %mul3A_8 = arith.constant 48 : i32
    %mul3A_9 = arith.muli %arg1, %mul3A_8 : i32
    "tpu.region"() ({
      %run_scoped3A_52 = tpu.sem_alloc : memref<!tpu.dma_semaphore, #tpu.memory_space<semaphore_mem>>
      %dma_start3A_53 = arith.constant 0 : i32
      %dma_start3A_54 = arith.constant 0 : i32
      %dma_start3A_55 = tpu.memref_slice %arg4[%add3A_5, %dma_start3A_53, %dma_start3A_54] : memref<4x768x128xi32, #tpu.memory_space<hbm>> -> memref<1x768x128xi32, #tpu.memory_space<hbm>>
      %dma_start3A_56 = tpu.memref_squeeze %dma_start3A_55 : memref<1x768x128xi32, #tpu.memory_space<hbm>> -> memref<768x128xi32, #tpu.memory_space<hbm>>
      %dma_start3A_57 = arith.constant 0 : i32
      %dma_start3A_58 = tpu.memref_slice %dma_start3A_56[%mul3A_9, %dma_start3A_57] : memref<768x128xi32, #tpu.memory_space<hbm>> -> memref<48x128xi32, #tpu.memory_space<hbm>>
      %dma_start3A_59 = arith.constant 0 : i32
      %dma_start3A_60 = arith.constant 0 : i32
      %dma_start3A_61 = tpu.memref_slice %arg4[%add3A_5, %dma_start3A_59, %dma_start3A_60] : memref<4x768x128xi32, #tpu.memory_space<hbm>> -> memref<1x768x128xi32, #tpu.memory_space<hbm>>
      %dma_start3A_62 = tpu.memref_squeeze %dma_start3A_61 : memref<1x768x128xi32, #tpu.memory_space<hbm>> -> memref<768x128xi32, #tpu.memory_space<hbm>>
      %dma_start3A_63 = arith.constant 0 : i32
      %dma_start3A_64 = tpu.memref_slice %dma_start3A_62[%mul3A_9, %dma_start3A_63] : memref<768x128xi32, #tpu.memory_space<hbm>> -> memref<48x128xi32, #tpu.memory_space<hbm>>
      tpu.enqueue_dma source(%dma_start3A_64 : memref<48x128xi32, #tpu.memory_space<hbm>>) target(%arg8 : memref<48x128xi32, #tpu.memory_space<vmem>>) target_semaphore(%run_scoped3A_52 : memref<!tpu.dma_semaphore, #tpu.memory_space<semaphore_mem>>)
      %dma_wait3A = arith.constant 0 : i32
      %dma_wait3A_65 = arith.constant 0 : i32
      %dma_wait3A_66 = tpu.memref_slice %arg4[%add3A_5, %dma_wait3A, %dma_wait3A_65] : memref<4x768x128xi32, #tpu.memory_space<hbm>> -> memref<1x768x128xi32, #tpu.memory_space<hbm>>
      %dma_wait3A_67 = tpu.memref_squeeze %dma_wait3A_66 : memref<1x768x128xi32, #tpu.memory_space<hbm>> -> memref<768x128xi32, #tpu.memory_space<hbm>>
      %dma_wait3A_68 = arith.constant 0 : i32
      %dma_wait3A_69 = tpu.memref_slice %dma_wait3A_67[%mul3A_9, %dma_wait3A_68] : memref<768x128xi32, #tpu.memory_space<hbm>> -> memref<48x128xi32, #tpu.memory_space<hbm>>
      %dma_wait3A_70 = arith.constant 0 : i32
      %dma_wait3A_71 = arith.constant 0 : i32
      %dma_wait3A_72 = tpu.memref_slice %arg4[%add3A_5, %dma_wait3A_70, %dma_wait3A_71] : memref<4x768x128xi32, #tpu.memory_space<hbm>> -> memref<1x768x128xi32, #tpu.memory_space<hbm>>
      %dma_wait3A_73 = tpu.memref_squeeze %dma_wait3A_72 : memref<1x768x128xi32, #tpu.memory_space<hbm>> -> memref<768x128xi32, #tpu.memory_space<hbm>>
      %dma_wait3A_74 = arith.constant 0 : i32
      %dma_wait3A_75 = tpu.memref_slice %dma_wait3A_73[%mul3A_9, %dma_wait3A_74] : memref<768x128xi32, #tpu.memory_space<hbm>> -> memref<48x128xi32, #tpu.memory_space<hbm>>
      tpu.wait_dma2 semaphore(%run_scoped3A_52 : memref<!tpu.dma_semaphore, #tpu.memory_space<semaphore_mem>>) src(%dma_wait3A_75 : memref<48x128xi32, #tpu.memory_space<hbm>>) dst(%arg8 : memref<48x128xi32, #tpu.memory_space<vmem>>)
      tpu.yield
    }) : () -> ()
    %dma_start3A = arith.constant 0 : i32
    %dma_start3A_10 = arith.constant 0 : i32
    %dma_start3A_11 = tpu.memref_slice %arg7[%dma_start3A, %dma_start3A_10] : memref<48x128xi32, #tpu.memory_space<vmem>> -> memref<1x128xi32, #tpu.memory_space<vmem>>
    %dma_start3A_12 = tpu.memref_squeeze %dma_start3A_11 : memref<1x128xi32, #tpu.memory_space<vmem>> -> memref<128xi32, #tpu.memory_space<vmem>>
    %dma_start3A_13 = arith.constant 0 : i32
    %dma_start3A_14 = arith.constant 0 : i32
    %dma_start3A_15 = tpu.memref_slice %arg12[%dma_start3A_13, %dma_start3A_14] : memref<5120x128xf32, #tpu.memory_space<vmem_shared>> -> memref<5120x128xf32, #tpu.memory_space<vmem_shared>>
    tpu.enqueue_indirect_dma source(%dma_start3A_15 : memref<5120x128xf32, #tpu.memory_space<vmem_shared>>) target(%arg9 : memref<128x128xf32, #tpu.memory_space<vmem>>) offsets(%dma_start3A_12 : memref<128xi32, #tpu.memory_space<vmem>>) semaphore(%arg13 : memref<!tpu.dma_semaphore, #tpu.memory_space<semaphore_mem>>)
    %scan3A = arith.constant 0 : i32
    %scan3A_16 = arith.constant 0 : i32
    %scan3A_17 = arith.constant 24 : i32
    %scan3A_18 = arith.addi %scan3A_16, %scan3A_17 : i32
    %scan3A_19 = arith.constant 1 : i32
    scf.for %scan3A_52 = %scan3A_16 to %scan3A_18 step %scan3A_19  : i32 {
      %mul3A_53 = arith.constant 2 : i32
      %mul3A_54 = arith.muli %mul3A_53, %scan3A_52 : i32
      %add3A_55 = arith.constant 1 : i32
      %add3A_56 = arith.addi %mul3A_54, %add3A_55 : i32
      %dma_start3A_57 = arith.constant 0 : i32
      %dma_start3A_58 = tpu.memref_slice %arg7[%add3A_56, %dma_start3A_57] : memref<48x128xi32, #tpu.memory_space<vmem>> -> memref<1x128xi32, #tpu.memory_space<vmem>>
      %dma_start3A_59 = tpu.memref_squeeze %dma_start3A_58 : memref<1x128xi32, #tpu.memory_space<vmem>> -> memref<128xi32, #tpu.memory_space<vmem>>
      %dma_start3A_60 = arith.constant 0 : i32
      %dma_start3A_61 = arith.constant 0 : i32
      %dma_start3A_62 = tpu.memref_slice %arg12[%dma_start3A_60, %dma_start3A_61] : memref<5120x128xf32, #tpu.memory_space<vmem_shared>> -> memref<5120x128xf32, #tpu.memory_space<vmem_shared>>
      tpu.enqueue_indirect_dma source(%dma_start3A_62 : memref<5120x128xf32, #tpu.memory_space<vmem_shared>>) target(%arg10 : memref<128x128xf32, #tpu.memory_space<vmem>>) offsets(%dma_start3A_59 : memref<128xi32, #tpu.memory_space<vmem>>) semaphore(%arg14 : memref<!tpu.dma_semaphore, #tpu.memory_space<semaphore_mem>>)
      %dma_wait3A = arith.constant 0 : i32
      %dma_wait3A_63 = tpu.memref_slice %arg7[%mul3A_54, %dma_wait3A] : memref<48x128xi32, #tpu.memory_space<vmem>> -> memref<1x128xi32, #tpu.memory_space<vmem>>
      %dma_wait3A_64 = tpu.memref_squeeze %dma_wait3A_63 : memref<1x128xi32, #tpu.memory_space<vmem>> -> memref<128xi32, #tpu.memory_space<vmem>>
      %dma_wait3A_65 = arith.constant 0 : i32
      %dma_wait3A_66 = arith.constant 0 : i32
      %dma_wait3A_67 = tpu.memref_slice %arg12[%dma_wait3A_65, %dma_wait3A_66] : memref<5120x128xf32, #tpu.memory_space<vmem_shared>> -> memref<5120x128xf32, #tpu.memory_space<vmem_shared>>
      tpu.wait_indirect_dma semaphore(%arg13 : memref<!tpu.dma_semaphore, #tpu.memory_space<semaphore_mem>>) src(%dma_wait3A_67 : memref<5120x128xf32, #tpu.memory_space<vmem_shared>>) dst(%arg9 : memref<128x128xf32, #tpu.memory_space<vmem>>)
      "tpu.region"() ({
        %run_scoped3A_80 = tpu.sem_alloc : memref<!tpu.dma_semaphore, #tpu.memory_space<semaphore_mem>>
        %dma_start3A_81 = arith.constant 0 : i32
        %dma_start3A_82 = tpu.memref_slice %arg8[%mul3A_54, %dma_start3A_81] : memref<48x128xi32, #tpu.memory_space<vmem>> -> memref<1x128xi32, #tpu.memory_space<vmem>>
        %dma_start3A_83 = tpu.memref_squeeze %dma_start3A_82 : memref<1x128xi32, #tpu.memory_space<vmem>> -> memref<128xi32, #tpu.memory_space<vmem>>
        %dma_start3A_84 = arith.constant 0 : i32
        %dma_start3A_85 = arith.constant 0 : i32
        %dma_start3A_86 = tpu.memref_slice %arg11[%dma_start3A_84, %dma_start3A_85] : memref<5376x128xf32, #tpu.memory_space<vmem_shared>> -> memref<5376x128xf32, #tpu.memory_space<vmem_shared>>
        tpu.enqueue_indirect_dma source(%arg9 : memref<128x128xf32, #tpu.memory_space<vmem>>) target(%dma_start3A_86 : memref<5376x128xf32, #tpu.memory_space<vmem_shared>>) offsets(%dma_start3A_83 : memref<128xi32, #tpu.memory_space<vmem>>) semaphore(%run_scoped3A_80 : memref<!tpu.dma_semaphore, #tpu.memory_space<semaphore_mem>>) {add = true}
        %dma_wait3A_87 = arith.constant 0 : i32
        %dma_wait3A_88 = tpu.memref_slice %arg8[%mul3A_54, %dma_wait3A_87] : memref<48x128xi32, #tpu.memory_space<vmem>> -> memref<1x128xi32, #tpu.memory_space<vmem>>
        %dma_wait3A_89 = tpu.memref_squeeze %dma_wait3A_88 : memref<1x128xi32, #tpu.memory_space<vmem>> -> memref<128xi32, #tpu.memory_space<vmem>>
        %dma_wait3A_90 = arith.constant 0 : i32
        %dma_wait3A_91 = arith.constant 0 : i32
        %dma_wait3A_92 = tpu.memref_slice %arg11[%dma_wait3A_90, %dma_wait3A_91] : memref<5376x128xf32, #tpu.memory_space<vmem_shared>> -> memref<5376x128xf32, #tpu.memory_space<vmem_shared>>
        tpu.wait_indirect_dma semaphore(%run_scoped3A_80 : memref<!tpu.dma_semaphore, #tpu.memory_space<semaphore_mem>>) src(%arg9 : memref<128x128xf32, #tpu.memory_space<vmem>>) dst(%dma_wait3A_92 : memref<5376x128xf32, #tpu.memory_space<vmem_shared>>)
        tpu.yield
      }) : () -> ()
      %lt3A = arith.constant 23 : i32
      %lt3A_68 = arith.cmpi slt, %scan3A_52, %lt3A : i32
      %convert_element_type3A = arith.extui %lt3A_68 : i1 to i32
      %cond3A = arith.constant 0 : i32
      %cond3A_69 = arith.cmpi ne, %convert_element_type3A, %cond3A : i32
      scf.if %cond3A_69 {
        %add3A_80 = arith.constant 2 : i32
        %add3A_81 = arith.addi %mul3A_54, %add3A_80 : i32
        %dma_start3A_82 = arith.constant 0 : i32
        %dma_start3A_83 = tpu.memref_slice %arg7[%add3A_81, %dma_start3A_82] : memref<48x128xi32, #tpu.memory_space<vmem>> -> memref<1x128xi32, #tpu.memory_space<vmem>>
        %dma_start3A_84 = tpu.memref_squeeze %dma_start3A_83 : memref<1x128xi32, #tpu.memory_space<vmem>> -> memref<128xi32, #tpu.memory_space<vmem>>
        %dma_start3A_85 = arith.constant 0 : i32
        %dma_start3A_86 = arith.constant 0 : i32
        %dma_start3A_87 = tpu.memref_slice %arg12[%dma_start3A_85, %dma_start3A_86] : memref<5120x128xf32, #tpu.memory_space<vmem_shared>> -> memref<5120x128xf32, #tpu.memory_space<vmem_shared>>
        tpu.enqueue_indirect_dma source(%dma_start3A_87 : memref<5120x128xf32, #tpu.memory_space<vmem_shared>>) target(%arg9 : memref<128x128xf32, #tpu.memory_space<vmem>>) offsets(%dma_start3A_84 : memref<128xi32, #tpu.memory_space<vmem>>) semaphore(%arg13 : memref<!tpu.dma_semaphore, #tpu.memory_space<semaphore_mem>>)
      } else {
      }
      %add3A_70 = arith.constant 1 : i32
      %add3A_71 = arith.addi %mul3A_54, %add3A_70 : i32
      %dma_wait3A_72 = arith.constant 0 : i32
      %dma_wait3A_73 = tpu.memref_slice %arg7[%add3A_71, %dma_wait3A_72] : memref<48x128xi32, #tpu.memory_space<vmem>> -> memref<1x128xi32, #tpu.memory_space<vmem>>
      %dma_wait3A_74 = tpu.memref_squeeze %dma_wait3A_73 : memref<1x128xi32, #tpu.memory_space<vmem>> -> memref<128xi32, #tpu.memory_space<vmem>>
      %dma_wait3A_75 = arith.constant 0 : i32
      %dma_wait3A_76 = arith.constant 0 : i32
      %dma_wait3A_77 = tpu.memref_slice %arg12[%dma_wait3A_75, %dma_wait3A_76] : memref<5120x128xf32, #tpu.memory_space<vmem_shared>> -> memref<5120x128xf32, #tpu.memory_space<vmem_shared>>
      tpu.wait_indirect_dma semaphore(%arg14 : memref<!tpu.dma_semaphore, #tpu.memory_space<semaphore_mem>>) src(%dma_wait3A_77 : memref<5120x128xf32, #tpu.memory_space<vmem_shared>>) dst(%arg10 : memref<128x128xf32, #tpu.memory_space<vmem>>)
      %add3A_78 = arith.constant 1 : i32
      %add3A_79 = arith.addi %mul3A_54, %add3A_78 : i32
      "tpu.region"() ({
        %run_scoped3A_80 = tpu.sem_alloc : memref<!tpu.dma_semaphore, #tpu.memory_space<semaphore_mem>>
        %dma_start3A_81 = arith.constant 0 : i32
        %dma_start3A_82 = tpu.memref_slice %arg8[%add3A_79, %dma_start3A_81] : memref<48x128xi32, #tpu.memory_space<vmem>> -> memref<1x128xi32, #tpu.memory_space<vmem>>
        %dma_start3A_83 = tpu.memref_squeeze %dma_start3A_82 : memref<1x128xi32, #tpu.memory_space<vmem>> -> memref<128xi32, #tpu.memory_space<vmem>>
        %dma_start3A_84 = arith.constant 0 : i32
        %dma_start3A_85 = arith.constant 0 : i32
        %dma_start3A_86 = tpu.memref_slice %arg11[%dma_start3A_84, %dma_start3A_85] : memref<5376x128xf32, #tpu.memory_space<vmem_shared>> -> memref<5376x128xf32, #tpu.memory_space<vmem_shared>>
        tpu.enqueue_indirect_dma source(%arg10 : memref<128x128xf32, #tpu.memory_space<vmem>>) target(%dma_start3A_86 : memref<5376x128xf32, #tpu.memory_space<vmem_shared>>) offsets(%dma_start3A_83 : memref<128xi32, #tpu.memory_space<vmem>>) semaphore(%run_scoped3A_80 : memref<!tpu.dma_semaphore, #tpu.memory_space<semaphore_mem>>) {add = true}
        %dma_wait3A_87 = arith.constant 0 : i32
        %dma_wait3A_88 = tpu.memref_slice %arg8[%add3A_79, %dma_wait3A_87] : memref<48x128xi32, #tpu.memory_space<vmem>> -> memref<1x128xi32, #tpu.memory_space<vmem>>
        %dma_wait3A_89 = tpu.memref_squeeze %dma_wait3A_88 : memref<1x128xi32, #tpu.memory_space<vmem>> -> memref<128xi32, #tpu.memory_space<vmem>>
        %dma_wait3A_90 = arith.constant 0 : i32
        %dma_wait3A_91 = arith.constant 0 : i32
        %dma_wait3A_92 = tpu.memref_slice %arg11[%dma_wait3A_90, %dma_wait3A_91] : memref<5376x128xf32, #tpu.memory_space<vmem_shared>> -> memref<5376x128xf32, #tpu.memory_space<vmem_shared>>
        tpu.wait_indirect_dma semaphore(%run_scoped3A_80 : memref<!tpu.dma_semaphore, #tpu.memory_space<semaphore_mem>>) src(%arg10 : memref<128x128xf32, #tpu.memory_space<vmem>>) dst(%dma_wait3A_92 : memref<5376x128xf32, #tpu.memory_space<vmem_shared>>)
        tpu.yield
      }) : () -> ()
    }
    %scan3A_20 = arith.constant 24 : i32
    %barrier3A_21 = arith.constant 0 : index
    tpu.barrier barrier_id(%barrier3A_21)
    %mul3A_22 = arith.constant 320 : i32
    %mul3A_23 = arith.muli %arg1, %mul3A_22 : i32
    %mul3A_24 = arith.constant 320 : i32
    %mul3A_25 = arith.muli %arg1, %mul3A_24 : i32
    %run_scoped3A_26 = arith.constant 1 : i32
    "tpu.region"() ({
      %run_scoped3A_52 = tpu.sem_alloc : memref<!tpu.dma_semaphore, #tpu.memory_space<semaphore_mem>>
      %dma_start3A_53 = arith.constant 0 : i32
      %dma_start3A_54 = tpu.memref_slice %arg12[%mul3A_25, %dma_start3A_53] : memref<5120x128xf32, #tpu.memory_space<vmem_shared>> -> memref<320x128xf32, #tpu.memory_space<vmem_shared>>
      %dma_start3A_55 = arith.constant 0 : i32
      %dma_start3A_56 = arith.constant 0 : i32
      %dma_start3A_57 = tpu.memref_slice %arg2[%run_scoped3A_26, %dma_start3A_55, %dma_start3A_56] : memref<2x5120x128xf32, #tpu.memory_space<hbm>> -> memref<1x5120x128xf32, #tpu.memory_space<hbm>>
      %dma_start3A_58 = tpu.memref_squeeze %dma_start3A_57 : memref<1x5120x128xf32, #tpu.memory_space<hbm>> -> memref<5120x128xf32, #tpu.memory_space<hbm>>
      %dma_start3A_59 = arith.constant 0 : i32
      %dma_start3A_60 = tpu.memref_slice %dma_start3A_58[%mul3A_23, %dma_start3A_59] : memref<5120x128xf32, #tpu.memory_space<hbm>> -> memref<320x128xf32, #tpu.memory_space<hbm>>
      tpu.enqueue_dma source(%dma_start3A_60 : memref<320x128xf32, #tpu.memory_space<hbm>>) target(%dma_start3A_54 : memref<320x128xf32, #tpu.memory_space<vmem_shared>>) target_semaphore(%run_scoped3A_52 : memref<!tpu.dma_semaphore, #tpu.memory_space<semaphore_mem>>)
      %dma_wait3A = arith.constant 0 : i32
      %dma_wait3A_61 = tpu.memref_slice %arg12[%mul3A_25, %dma_wait3A] : memref<5120x128xf32, #tpu.memory_space<vmem_shared>> -> memref<320x128xf32, #tpu.memory_space<vmem_shared>>
      %dma_wait3A_62 = arith.constant 0 : i32
      %dma_wait3A_63 = arith.constant 0 : i32
      %dma_wait3A_64 = tpu.memref_slice %arg2[%run_scoped3A_26, %dma_wait3A_62, %dma_wait3A_63] : memref<2x5120x128xf32, #tpu.memory_space<hbm>> -> memref<1x5120x128xf32, #tpu.memory_space<hbm>>
      %dma_wait3A_65 = tpu.memref_squeeze %dma_wait3A_64 : memref<1x5120x128xf32, #tpu.memory_space<hbm>> -> memref<5120x128xf32, #tpu.memory_space<hbm>>
      %dma_wait3A_66 = arith.constant 0 : i32
      %dma_wait3A_67 = tpu.memref_slice %dma_wait3A_65[%mul3A_23, %dma_wait3A_66] : memref<5120x128xf32, #tpu.memory_space<hbm>> -> memref<320x128xf32, #tpu.memory_space<hbm>>
      tpu.wait_dma2 semaphore(%run_scoped3A_52 : memref<!tpu.dma_semaphore, #tpu.memory_space<semaphore_mem>>) src(%dma_wait3A_67 : memref<320x128xf32, #tpu.memory_space<hbm>>) dst(%dma_wait3A_61 : memref<320x128xf32, #tpu.memory_space<vmem_shared>>)
      tpu.yield
    }) : () -> ()
    %barrier3A_27 = arith.constant 0 : index
    tpu.barrier barrier_id(%barrier3A_27)
    %add3A_28 = arith.constant 2 : i32
    %add3A_29 = arith.addi %add3A_28, %arg0 : i32
    %mul3A_30 = arith.constant 48 : i32
    %mul3A_31 = arith.muli %arg1, %mul3A_30 : i32
    "tpu.region"() ({
      %run_scoped3A_52 = tpu.sem_alloc : memref<!tpu.dma_semaphore, #tpu.memory_space<semaphore_mem>>
      %dma_start3A_53 = arith.constant 0 : i32
      %dma_start3A_54 = arith.constant 0 : i32
      %dma_start3A_55 = tpu.memref_slice %arg3[%add3A_29, %dma_start3A_53, %dma_start3A_54] : memref<4x768x128xi32, #tpu.memory_space<hbm>> -> memref<1x768x128xi32, #tpu.memory_space<hbm>>
      %dma_start3A_56 = tpu.memref_squeeze %dma_start3A_55 : memref<1x768x128xi32, #tpu.memory_space<hbm>> -> memref<768x128xi32, #tpu.memory_space<hbm>>
      %dma_start3A_57 = arith.constant 0 : i32
      %dma_start3A_58 = tpu.memref_slice %dma_start3A_56[%mul3A_31, %dma_start3A_57] : memref<768x128xi32, #tpu.memory_space<hbm>> -> memref<48x128xi32, #tpu.memory_space<hbm>>
      %dma_start3A_59 = arith.constant 0 : i32
      %dma_start3A_60 = arith.constant 0 : i32
      %dma_start3A_61 = tpu.memref_slice %arg3[%add3A_29, %dma_start3A_59, %dma_start3A_60] : memref<4x768x128xi32, #tpu.memory_space<hbm>> -> memref<1x768x128xi32, #tpu.memory_space<hbm>>
      %dma_start3A_62 = tpu.memref_squeeze %dma_start3A_61 : memref<1x768x128xi32, #tpu.memory_space<hbm>> -> memref<768x128xi32, #tpu.memory_space<hbm>>
      %dma_start3A_63 = arith.constant 0 : i32
      %dma_start3A_64 = tpu.memref_slice %dma_start3A_62[%mul3A_31, %dma_start3A_63] : memref<768x128xi32, #tpu.memory_space<hbm>> -> memref<48x128xi32, #tpu.memory_space<hbm>>
      tpu.enqueue_dma source(%dma_start3A_64 : memref<48x128xi32, #tpu.memory_space<hbm>>) target(%arg7 : memref<48x128xi32, #tpu.memory_space<vmem>>) target_semaphore(%run_scoped3A_52 : memref<!tpu.dma_semaphore, #tpu.memory_space<semaphore_mem>>)
      %dma_wait3A = arith.constant 0 : i32
      %dma_wait3A_65 = arith.constant 0 : i32
      %dma_wait3A_66 = tpu.memref_slice %arg3[%add3A_29, %dma_wait3A, %dma_wait3A_65] : memref<4x768x128xi32, #tpu.memory_space<hbm>> -> memref<1x768x128xi32, #tpu.memory_space<hbm>>
      %dma_wait3A_67 = tpu.memref_squeeze %dma_wait3A_66 : memref<1x768x128xi32, #tpu.memory_space<hbm>> -> memref<768x128xi32, #tpu.memory_space<hbm>>
      %dma_wait3A_68 = arith.constant 0 : i32
      %dma_wait3A_69 = tpu.memref_slice %dma_wait3A_67[%mul3A_31, %dma_wait3A_68] : memref<768x128xi32, #tpu.memory_space<hbm>> -> memref<48x128xi32, #tpu.memory_space<hbm>>
      %dma_wait3A_70 = arith.constant 0 : i32
      %dma_wait3A_71 = arith.constant 0 : i32
      %dma_wait3A_72 = tpu.memref_slice %arg3[%add3A_29, %dma_wait3A_70, %dma_wait3A_71] : memref<4x768x128xi32, #tpu.memory_space<hbm>> -> memref<1x768x128xi32, #tpu.memory_space<hbm>>
      %dma_wait3A_73 = tpu.memref_squeeze %dma_wait3A_72 : memref<1x768x128xi32, #tpu.memory_space<hbm>> -> memref<768x128xi32, #tpu.memory_space<hbm>>
      %dma_wait3A_74 = arith.constant 0 : i32
      %dma_wait3A_75 = tpu.memref_slice %dma_wait3A_73[%mul3A_31, %dma_wait3A_74] : memref<768x128xi32, #tpu.memory_space<hbm>> -> memref<48x128xi32, #tpu.memory_space<hbm>>
      tpu.wait_dma2 semaphore(%run_scoped3A_52 : memref<!tpu.dma_semaphore, #tpu.memory_space<semaphore_mem>>) src(%dma_wait3A_75 : memref<48x128xi32, #tpu.memory_space<hbm>>) dst(%arg7 : memref<48x128xi32, #tpu.memory_space<vmem>>)
      tpu.yield
    }) : () -> ()
    %mul3A_32 = arith.constant 48 : i32
    %mul3A_33 = arith.muli %arg1, %mul3A_32 : i32
    "tpu.region"() ({
      %run_scoped3A_52 = tpu.sem_alloc : memref<!tpu.dma_semaphore, #tpu.memory_space<semaphore_mem>>
      %dma_start3A_53 = arith.constant 0 : i32
      %dma_start3A_54 = arith.constant 0 : i32
      %dma_start3A_55 = tpu.memref_slice %arg4[%add3A_29, %dma_start3A_53, %dma_start3A_54] : memref<4x768x128xi32, #tpu.memory_space<hbm>> -> memref<1x768x128xi32, #tpu.memory_space<hbm>>
      %dma_start3A_56 = tpu.memref_squeeze %dma_start3A_55 : memref<1x768x128xi32, #tpu.memory_space<hbm>> -> memref<768x128xi32, #tpu.memory_space<hbm>>
      %dma_start3A_57 = arith.constant 0 : i32
      %dma_start3A_58 = tpu.memref_slice %dma_start3A_56[%mul3A_33, %dma_start3A_57] : memref<768x128xi32, #tpu.memory_space<hbm>> -> memref<48x128xi32, #tpu.memory_space<hbm>>
      %dma_start3A_59 = arith.constant 0 : i32
      %dma_start3A_60 = arith.constant 0 : i32
      %dma_start3A_61 = tpu.memref_slice %arg4[%add3A_29, %dma_start3A_59, %dma_start3A_60] : memref<4x768x128xi32, #tpu.memory_space<hbm>> -> memref<1x768x128xi32, #tpu.memory_space<hbm>>
      %dma_start3A_62 = tpu.memref_squeeze %dma_start3A_61 : memref<1x768x128xi32, #tpu.memory_space<hbm>> -> memref<768x128xi32, #tpu.memory_space<hbm>>
      %dma_start3A_63 = arith.constant 0 : i32
      %dma_start3A_64 = tpu.memref_slice %dma_start3A_62[%mul3A_33, %dma_start3A_63] : memref<768x128xi32, #tpu.memory_space<hbm>> -> memref<48x128xi32, #tpu.memory_space<hbm>>
      tpu.enqueue_dma source(%dma_start3A_64 : memref<48x128xi32, #tpu.memory_space<hbm>>) target(%arg8 : memref<48x128xi32, #tpu.memory_space<vmem>>) target_semaphore(%run_scoped3A_52 : memref<!tpu.dma_semaphore, #tpu.memory_space<semaphore_mem>>)
      %dma_wait3A = arith.constant 0 : i32
      %dma_wait3A_65 = arith.constant 0 : i32
      %dma_wait3A_66 = tpu.memref_slice %arg4[%add3A_29, %dma_wait3A, %dma_wait3A_65] : memref<4x768x128xi32, #tpu.memory_space<hbm>> -> memref<1x768x128xi32, #tpu.memory_space<hbm>>
      %dma_wait3A_67 = tpu.memref_squeeze %dma_wait3A_66 : memref<1x768x128xi32, #tpu.memory_space<hbm>> -> memref<768x128xi32, #tpu.memory_space<hbm>>
      %dma_wait3A_68 = arith.constant 0 : i32
      %dma_wait3A_69 = tpu.memref_slice %dma_wait3A_67[%mul3A_33, %dma_wait3A_68] : memref<768x128xi32, #tpu.memory_space<hbm>> -> memref<48x128xi32, #tpu.memory_space<hbm>>
      %dma_wait3A_70 = arith.constant 0 : i32
      %dma_wait3A_71 = arith.constant 0 : i32
      %dma_wait3A_72 = tpu.memref_slice %arg4[%add3A_29, %dma_wait3A_70, %dma_wait3A_71] : memref<4x768x128xi32, #tpu.memory_space<hbm>> -> memref<1x768x128xi32, #tpu.memory_space<hbm>>
      %dma_wait3A_73 = tpu.memref_squeeze %dma_wait3A_72 : memref<1x768x128xi32, #tpu.memory_space<hbm>> -> memref<768x128xi32, #tpu.memory_space<hbm>>
      %dma_wait3A_74 = arith.constant 0 : i32
      %dma_wait3A_75 = tpu.memref_slice %dma_wait3A_73[%mul3A_33, %dma_wait3A_74] : memref<768x128xi32, #tpu.memory_space<hbm>> -> memref<48x128xi32, #tpu.memory_space<hbm>>
      tpu.wait_dma2 semaphore(%run_scoped3A_52 : memref<!tpu.dma_semaphore, #tpu.memory_space<semaphore_mem>>) src(%dma_wait3A_75 : memref<48x128xi32, #tpu.memory_space<hbm>>) dst(%arg8 : memref<48x128xi32, #tpu.memory_space<vmem>>)
      tpu.yield
    }) : () -> ()
    %dma_start3A_34 = arith.constant 0 : i32
    %dma_start3A_35 = arith.constant 0 : i32
    %dma_start3A_36 = tpu.memref_slice %arg7[%dma_start3A_34, %dma_start3A_35] : memref<48x128xi32, #tpu.memory_space<vmem>> -> memref<1x128xi32, #tpu.memory_space<vmem>>
    %dma_start3A_37 = tpu.memref_squeeze %dma_start3A_36 : memref<1x128xi32, #tpu.memory_space<vmem>> -> memref<128xi32, #tpu.memory_space<vmem>>
    %dma_start3A_38 = arith.constant 0 : i32
    %dma_start3A_39 = arith.constant 0 : i32
    %dma_start3A_40 = tpu.memref_slice %arg12[%dma_start3A_38, %dma_start3A_39] : memref<5120x128xf32, #tpu.memory_space<vmem_shared>> -> memref<5120x128xf32, #tpu.memory_space<vmem_shared>>
    tpu.enqueue_indirect_dma source(%dma_start3A_40 : memref<5120x128xf32, #tpu.memory_space<vmem_shared>>) target(%arg9 : memref<128x128xf32, #tpu.memory_space<vmem>>) offsets(%dma_start3A_37 : memref<128xi32, #tpu.memory_space<vmem>>) semaphore(%arg13 : memref<!tpu.dma_semaphore, #tpu.memory_space<semaphore_mem>>)
    %scan3A_41 = arith.constant 0 : i32
    %scan3A_42 = arith.constant 0 : i32
    %scan3A_43 = arith.constant 24 : i32
    %scan3A_44 = arith.addi %scan3A_42, %scan3A_43 : i32
    %scan3A_45 = arith.constant 1 : i32
    scf.for %scan3A_52 = %scan3A_42 to %scan3A_44 step %scan3A_45  : i32 {
      %mul3A_53 = arith.constant 2 : i32
      %mul3A_54 = arith.muli %mul3A_53, %scan3A_52 : i32
      %add3A_55 = arith.constant 1 : i32
      %add3A_56 = arith.addi %mul3A_54, %add3A_55 : i32
      %dma_start3A_57 = arith.constant 0 : i32
      %dma_start3A_58 = tpu.memref_slice %arg7[%add3A_56, %dma_start3A_57] : memref<48x128xi32, #tpu.memory_space<vmem>> -> memref<1x128xi32, #tpu.memory_space<vmem>>
      %dma_start3A_59 = tpu.memref_squeeze %dma_start3A_58 : memref<1x128xi32, #tpu.memory_space<vmem>> -> memref<128xi32, #tpu.memory_space<vmem>>
      %dma_start3A_60 = arith.constant 0 : i32
      %dma_start3A_61 = arith.constant 0 : i32
      %dma_start3A_62 = tpu.memref_slice %arg12[%dma_start3A_60, %dma_start3A_61] : memref<5120x128xf32, #tpu.memory_space<vmem_shared>> -> memref<5120x128xf32, #tpu.memory_space<vmem_shared>>
      tpu.enqueue_indirect_dma source(%dma_start3A_62 : memref<5120x128xf32, #tpu.memory_space<vmem_shared>>) target(%arg10 : memref<128x128xf32, #tpu.memory_space<vmem>>) offsets(%dma_start3A_59 : memref<128xi32, #tpu.memory_space<vmem>>) semaphore(%arg14 : memref<!tpu.dma_semaphore, #tpu.memory_space<semaphore_mem>>)
      %dma_wait3A = arith.constant 0 : i32
      %dma_wait3A_63 = tpu.memref_slice %arg7[%mul3A_54, %dma_wait3A] : memref<48x128xi32, #tpu.memory_space<vmem>> -> memref<1x128xi32, #tpu.memory_space<vmem>>
      %dma_wait3A_64 = tpu.memref_squeeze %dma_wait3A_63 : memref<1x128xi32, #tpu.memory_space<vmem>> -> memref<128xi32, #tpu.memory_space<vmem>>
      %dma_wait3A_65 = arith.constant 0 : i32
      %dma_wait3A_66 = arith.constant 0 : i32
      %dma_wait3A_67 = tpu.memref_slice %arg12[%dma_wait3A_65, %dma_wait3A_66] : memref<5120x128xf32, #tpu.memory_space<vmem_shared>> -> memref<5120x128xf32, #tpu.memory_space<vmem_shared>>
      tpu.wait_indirect_dma semaphore(%arg13 : memref<!tpu.dma_semaphore, #tpu.memory_space<semaphore_mem>>) src(%dma_wait3A_67 : memref<5120x128xf32, #tpu.memory_space<vmem_shared>>) dst(%arg9 : memref<128x128xf32, #tpu.memory_space<vmem>>)
      "tpu.region"() ({
        %run_scoped3A_80 = tpu.sem_alloc : memref<!tpu.dma_semaphore, #tpu.memory_space<semaphore_mem>>
        %dma_start3A_81 = arith.constant 0 : i32
        %dma_start3A_82 = tpu.memref_slice %arg8[%mul3A_54, %dma_start3A_81] : memref<48x128xi32, #tpu.memory_space<vmem>> -> memref<1x128xi32, #tpu.memory_space<vmem>>
        %dma_start3A_83 = tpu.memref_squeeze %dma_start3A_82 : memref<1x128xi32, #tpu.memory_space<vmem>> -> memref<128xi32, #tpu.memory_space<vmem>>
        %dma_start3A_84 = arith.constant 0 : i32
        %dma_start3A_85 = arith.constant 0 : i32
        %dma_start3A_86 = tpu.memref_slice %arg11[%dma_start3A_84, %dma_start3A_85] : memref<5376x128xf32, #tpu.memory_space<vmem_shared>> -> memref<5376x128xf32, #tpu.memory_space<vmem_shared>>
        tpu.enqueue_indirect_dma source(%arg9 : memref<128x128xf32, #tpu.memory_space<vmem>>) target(%dma_start3A_86 : memref<5376x128xf32, #tpu.memory_space<vmem_shared>>) offsets(%dma_start3A_83 : memref<128xi32, #tpu.memory_space<vmem>>) semaphore(%run_scoped3A_80 : memref<!tpu.dma_semaphore, #tpu.memory_space<semaphore_mem>>) {add = true}
        %dma_wait3A_87 = arith.constant 0 : i32
        %dma_wait3A_88 = tpu.memref_slice %arg8[%mul3A_54, %dma_wait3A_87] : memref<48x128xi32, #tpu.memory_space<vmem>> -> memref<1x128xi32, #tpu.memory_space<vmem>>
        %dma_wait3A_89 = tpu.memref_squeeze %dma_wait3A_88 : memref<1x128xi32, #tpu.memory_space<vmem>> -> memref<128xi32, #tpu.memory_space<vmem>>
        %dma_wait3A_90 = arith.constant 0 : i32
        %dma_wait3A_91 = arith.constant 0 : i32
        %dma_wait3A_92 = tpu.memref_slice %arg11[%dma_wait3A_90, %dma_wait3A_91] : memref<5376x128xf32, #tpu.memory_space<vmem_shared>> -> memref<5376x128xf32, #tpu.memory_space<vmem_shared>>
        tpu.wait_indirect_dma semaphore(%run_scoped3A_80 : memref<!tpu.dma_semaphore, #tpu.memory_space<semaphore_mem>>) src(%arg9 : memref<128x128xf32, #tpu.memory_space<vmem>>) dst(%dma_wait3A_92 : memref<5376x128xf32, #tpu.memory_space<vmem_shared>>)
        tpu.yield
      }) : () -> ()
      %lt3A = arith.constant 23 : i32
      %lt3A_68 = arith.cmpi slt, %scan3A_52, %lt3A : i32
      %convert_element_type3A = arith.extui %lt3A_68 : i1 to i32
      %cond3A = arith.constant 0 : i32
      %cond3A_69 = arith.cmpi ne, %convert_element_type3A, %cond3A : i32
      scf.if %cond3A_69 {
        %add3A_80 = arith.constant 2 : i32
        %add3A_81 = arith.addi %mul3A_54, %add3A_80 : i32
        %dma_start3A_82 = arith.constant 0 : i32
        %dma_start3A_83 = tpu.memref_slice %arg7[%add3A_81, %dma_start3A_82] : memref<48x128xi32, #tpu.memory_space<vmem>> -> memref<1x128xi32, #tpu.memory_space<vmem>>
        %dma_start3A_84 = tpu.memref_squeeze %dma_start3A_83 : memref<1x128xi32, #tpu.memory_space<vmem>> -> memref<128xi32, #tpu.memory_space<vmem>>
        %dma_start3A_85 = arith.constant 0 : i32
        %dma_start3A_86 = arith.constant 0 : i32
        %dma_start3A_87 = tpu.memref_slice %arg12[%dma_start3A_85, %dma_start3A_86] : memref<5120x128xf32, #tpu.memory_space<vmem_shared>> -> memref<5120x128xf32, #tpu.memory_space<vmem_shared>>
        tpu.enqueue_indirect_dma source(%dma_start3A_87 : memref<5120x128xf32, #tpu.memory_space<vmem_shared>>) target(%arg9 : memref<128x128xf32, #tpu.memory_space<vmem>>) offsets(%dma_start3A_84 : memref<128xi32, #tpu.memory_space<vmem>>) semaphore(%arg13 : memref<!tpu.dma_semaphore, #tpu.memory_space<semaphore_mem>>)
      } else {
      }
      %add3A_70 = arith.constant 1 : i32
      %add3A_71 = arith.addi %mul3A_54, %add3A_70 : i32
      %dma_wait3A_72 = arith.constant 0 : i32
      %dma_wait3A_73 = tpu.memref_slice %arg7[%add3A_71, %dma_wait3A_72] : memref<48x128xi32, #tpu.memory_space<vmem>> -> memref<1x128xi32, #tpu.memory_space<vmem>>
      %dma_wait3A_74 = tpu.memref_squeeze %dma_wait3A_73 : memref<1x128xi32, #tpu.memory_space<vmem>> -> memref<128xi32, #tpu.memory_space<vmem>>
      %dma_wait3A_75 = arith.constant 0 : i32
      %dma_wait3A_76 = arith.constant 0 : i32
      %dma_wait3A_77 = tpu.memref_slice %arg12[%dma_wait3A_75, %dma_wait3A_76] : memref<5120x128xf32, #tpu.memory_space<vmem_shared>> -> memref<5120x128xf32, #tpu.memory_space<vmem_shared>>
      tpu.wait_indirect_dma semaphore(%arg14 : memref<!tpu.dma_semaphore, #tpu.memory_space<semaphore_mem>>) src(%dma_wait3A_77 : memref<5120x128xf32, #tpu.memory_space<vmem_shared>>) dst(%arg10 : memref<128x128xf32, #tpu.memory_space<vmem>>)
      %add3A_78 = arith.constant 1 : i32
      %add3A_79 = arith.addi %mul3A_54, %add3A_78 : i32
      "tpu.region"() ({
        %run_scoped3A_80 = tpu.sem_alloc : memref<!tpu.dma_semaphore, #tpu.memory_space<semaphore_mem>>
        %dma_start3A_81 = arith.constant 0 : i32
        %dma_start3A_82 = tpu.memref_slice %arg8[%add3A_79, %dma_start3A_81] : memref<48x128xi32, #tpu.memory_space<vmem>> -> memref<1x128xi32, #tpu.memory_space<vmem>>
        %dma_start3A_83 = tpu.memref_squeeze %dma_start3A_82 : memref<1x128xi32, #tpu.memory_space<vmem>> -> memref<128xi32, #tpu.memory_space<vmem>>
        %dma_start3A_84 = arith.constant 0 : i32
        %dma_start3A_85 = arith.constant 0 : i32
        %dma_start3A_86 = tpu.memref_slice %arg11[%dma_start3A_84, %dma_start3A_85] : memref<5376x128xf32, #tpu.memory_space<vmem_shared>> -> memref<5376x128xf32, #tpu.memory_space<vmem_shared>>
        tpu.enqueue_indirect_dma source(%arg10 : memref<128x128xf32, #tpu.memory_space<vmem>>) target(%dma_start3A_86 : memref<5376x128xf32, #tpu.memory_space<vmem_shared>>) offsets(%dma_start3A_83 : memref<128xi32, #tpu.memory_space<vmem>>) semaphore(%run_scoped3A_80 : memref<!tpu.dma_semaphore, #tpu.memory_space<semaphore_mem>>) {add = true}
        %dma_wait3A_87 = arith.constant 0 : i32
        %dma_wait3A_88 = tpu.memref_slice %arg8[%add3A_79, %dma_wait3A_87] : memref<48x128xi32, #tpu.memory_space<vmem>> -> memref<1x128xi32, #tpu.memory_space<vmem>>
        %dma_wait3A_89 = tpu.memref_squeeze %dma_wait3A_88 : memref<1x128xi32, #tpu.memory_space<vmem>> -> memref<128xi32, #tpu.memory_space<vmem>>
        %dma_wait3A_90 = arith.constant 0 : i32
        %dma_wait3A_91 = arith.constant 0 : i32
        %dma_wait3A_92 = tpu.memref_slice %arg11[%dma_wait3A_90, %dma_wait3A_91] : memref<5376x128xf32, #tpu.memory_space<vmem_shared>> -> memref<5376x128xf32, #tpu.memory_space<vmem_shared>>
        tpu.wait_indirect_dma semaphore(%run_scoped3A_80 : memref<!tpu.dma_semaphore, #tpu.memory_space<semaphore_mem>>) src(%arg10 : memref<128x128xf32, #tpu.memory_space<vmem>>) dst(%dma_wait3A_92 : memref<5376x128xf32, #tpu.memory_space<vmem_shared>>)
        tpu.yield
      }) : () -> ()
    }
    %scan3A_46 = arith.constant 24 : i32
    %barrier3A_47 = arith.constant 0 : index
    tpu.barrier barrier_id(%barrier3A_47)
    %mul3A_48 = arith.constant 336 : i32
    %mul3A_49 = arith.muli %arg1, %mul3A_48 : i32
    %mul3A_50 = arith.constant 336 : i32
    %mul3A_51 = arith.muli %arg1, %mul3A_50 : i32
    "tpu.region"() ({
      %run_scoped3A_52 = tpu.sem_alloc : memref<!tpu.dma_semaphore, #tpu.memory_space<semaphore_mem>>
      %dma_start3A_53 = arith.constant 0 : i32
      %dma_start3A_54 = arith.constant 0 : i32
      %dma_start3A_55 = tpu.memref_slice %arg6[%arg0, %dma_start3A_53, %dma_start3A_54] : memref<2x5376x128xf32, #tpu.memory_space<hbm>> -> memref<1x5376x128xf32, #tpu.memory_space<hbm>>
      %dma_start3A_56 = tpu.memref_squeeze %dma_start3A_55 : memref<1x5376x128xf32, #tpu.memory_space<hbm>> -> memref<5376x128xf32, #tpu.memory_space<hbm>>
      %dma_start3A_57 = arith.constant 0 : i32
      %dma_start3A_58 = tpu.memref_slice %dma_start3A_56[%mul3A_51, %dma_start3A_57] : memref<5376x128xf32, #tpu.memory_space<hbm>> -> memref<336x128xf32, #tpu.memory_space<hbm>>
      %dma_start3A_59 = arith.constant 0 : i32
      %dma_start3A_60 = tpu.memref_slice %arg11[%mul3A_49, %dma_start3A_59] : memref<5376x128xf32, #tpu.memory_space<vmem_shared>> -> memref<336x128xf32, #tpu.memory_space<vmem_shared>>
      tpu.enqueue_dma source(%dma_start3A_60 : memref<336x128xf32, #tpu.memory_space<vmem_shared>>) target(%dma_start3A_58 : memref<336x128xf32, #tpu.memory_space<hbm>>) target_semaphore(%run_scoped3A_52 : memref<!tpu.dma_semaphore, #tpu.memory_space<semaphore_mem>>)
      %dma_wait3A = arith.constant 0 : i32
      %dma_wait3A_61 = arith.constant 0 : i32
      %dma_wait3A_62 = tpu.memref_slice %arg6[%arg0, %dma_wait3A, %dma_wait3A_61] : memref<2x5376x128xf32, #tpu.memory_space<hbm>> -> memref<1x5376x128xf32, #tpu.memory_space<hbm>>
      %dma_wait3A_63 = tpu.memref_squeeze %dma_wait3A_62 : memref<1x5376x128xf32, #tpu.memory_space<hbm>> -> memref<5376x128xf32, #tpu.memory_space<hbm>>
      %dma_wait3A_64 = arith.constant 0 : i32
      %dma_wait3A_65 = tpu.memref_slice %dma_wait3A_63[%mul3A_51, %dma_wait3A_64] : memref<5376x128xf32, #tpu.memory_space<hbm>> -> memref<336x128xf32, #tpu.memory_space<hbm>>
      %dma_wait3A_66 = arith.constant 0 : i32
      %dma_wait3A_67 = tpu.memref_slice %arg11[%mul3A_49, %dma_wait3A_66] : memref<5376x128xf32, #tpu.memory_space<vmem_shared>> -> memref<336x128xf32, #tpu.memory_space<vmem_shared>>
      tpu.wait_dma2 semaphore(%run_scoped3A_52 : memref<!tpu.dma_semaphore, #tpu.memory_space<semaphore_mem>>) src(%dma_wait3A_67 : memref<336x128xf32, #tpu.memory_space<vmem_shared>>) dst(%dma_wait3A_65 : memref<336x128xf32, #tpu.memory_space<hbm>>)
      tpu.yield
    }) : () -> ()
    return
  }
}

#map = affine_map<(d0, d1) -> (0, 0)>
#map1 = affine_map<(d0, d1) -> (0, 0, 0)>
module attributes {stable_mosaic.version = 14 : i64} {
  func.func @k(%arg0: i32, %arg1: i32, %arg2: memref<10000x128xf32, #tpu.memory_space<hbm>>, %arg3: memref<256x40xi32, #tpu.memory_space<hbm>>, %arg4: memref<256x40xi32, #tpu.memory_space<hbm>>, %arg5: memref<640x128xf32, #tpu.memory_space<hbm>>, %arg6: memref<2x512x128xf32, #tpu.memory_space<hbm>>, %arg7: memref<8x40xi32, #tpu.memory_space<vmem>>, %arg8: memref<8x40xi32, #tpu.memory_space<vmem>>, %arg9: memref<40x128xf32, #tpu.memory_space<vmem>>, %arg10: memref<512x128xf32, #tpu.memory_space<vmem_shared>>, %arg11: memref<!tpu.dma_semaphore, #tpu.memory_space<semaphore_mem>>) attributes {dimension_semantics = [#tpu.dimension_semantics<core_parallel>, #tpu.dimension_semantics<subcore_parallel>], iteration_bounds = array<i64: 2, 16>, scalar_prefetch = 0 : i64, scratch_operands = 5 : i64, tpu.core_type = #tpu.core_type<sc_vector_subcore>, window_params = [{transform_indices = #map}, {transform_indices = #map}, {transform_indices = #map}, {transform_indices = #map}, {transform_indices = #map1}]} {
    %mul3A = arith.constant 16 : i32
    %mul3A_0 = arith.muli %arg0, %mul3A : i32
    %add3A = arith.addi %mul3A_0, %arg1 : i32
    %mul3A_1 = arith.constant 32 : i32
    %mul3A_2 = arith.muli %arg1, %mul3A_1 : i32
    "tpu.region"() ({
      %run_scoped3A = tpu.sem_alloc : memref<!tpu.dma_semaphore, #tpu.memory_space<semaphore_mem>>
      %dma_start3A = arith.constant 0 : i32
      %dma_start3A_16 = tpu.memref_slice %arg10[%mul3A_2, %dma_start3A] : memref<512x128xf32, #tpu.memory_space<vmem_shared>> -> memref<32x128xf32, #tpu.memory_space<vmem_shared>>
      %dma_start3A_17 = arith.constant 0 : i32
      %dma_start3A_18 = arith.constant 0 : i32
      %dma_start3A_19 = tpu.memref_slice %arg5[%dma_start3A_17, %dma_start3A_18] : memref<640x128xf32, #tpu.memory_space<hbm>> -> memref<32x128xf32, #tpu.memory_space<hbm>>
      tpu.enqueue_dma source(%dma_start3A_19 : memref<32x128xf32, #tpu.memory_space<hbm>>) target(%dma_start3A_16 : memref<32x128xf32, #tpu.memory_space<vmem_shared>>) target_semaphore(%run_scoped3A : memref<!tpu.dma_semaphore, #tpu.memory_space<semaphore_mem>>)
      %dma_wait3A = arith.constant 0 : i32
      %dma_wait3A_20 = tpu.memref_slice %arg10[%mul3A_2, %dma_wait3A] : memref<512x128xf32, #tpu.memory_space<vmem_shared>> -> memref<32x128xf32, #tpu.memory_space<vmem_shared>>
      %dma_wait3A_21 = arith.constant 0 : i32
      %dma_wait3A_22 = arith.constant 0 : i32
      %dma_wait3A_23 = tpu.memref_slice %arg5[%dma_wait3A_21, %dma_wait3A_22] : memref<640x128xf32, #tpu.memory_space<hbm>> -> memref<32x128xf32, #tpu.memory_space<hbm>>
      tpu.wait_dma2 semaphore(%run_scoped3A : memref<!tpu.dma_semaphore, #tpu.memory_space<semaphore_mem>>) src(%dma_wait3A_23 : memref<32x128xf32, #tpu.memory_space<hbm>>) dst(%dma_wait3A_20 : memref<32x128xf32, #tpu.memory_space<vmem_shared>>)
      tpu.yield
    }) : () -> ()
    %mul3A_3 = arith.constant 8 : i32
    %mul3A_4 = arith.muli %add3A, %mul3A_3 : i32
    "tpu.region"() ({
      %run_scoped3A = tpu.sem_alloc : memref<!tpu.dma_semaphore, #tpu.memory_space<semaphore_mem>>
      %dma_start3A = arith.constant 0 : i32
      %dma_start3A_16 = tpu.memref_slice %arg3[%mul3A_4, %dma_start3A] : memref<256x40xi32, #tpu.memory_space<hbm>> -> memref<8x40xi32, #tpu.memory_space<hbm>>
      %dma_start3A_17 = arith.constant 0 : i32
      %dma_start3A_18 = tpu.memref_slice %arg3[%mul3A_4, %dma_start3A_17] : memref<256x40xi32, #tpu.memory_space<hbm>> -> memref<8x40xi32, #tpu.memory_space<hbm>>
      tpu.enqueue_dma source(%dma_start3A_18 : memref<8x40xi32, #tpu.memory_space<hbm>>) target(%arg7 : memref<8x40xi32, #tpu.memory_space<vmem>>) target_semaphore(%run_scoped3A : memref<!tpu.dma_semaphore, #tpu.memory_space<semaphore_mem>>)
      %dma_wait3A = arith.constant 0 : i32
      %dma_wait3A_19 = tpu.memref_slice %arg3[%mul3A_4, %dma_wait3A] : memref<256x40xi32, #tpu.memory_space<hbm>> -> memref<8x40xi32, #tpu.memory_space<hbm>>
      %dma_wait3A_20 = arith.constant 0 : i32
      %dma_wait3A_21 = tpu.memref_slice %arg3[%mul3A_4, %dma_wait3A_20] : memref<256x40xi32, #tpu.memory_space<hbm>> -> memref<8x40xi32, #tpu.memory_space<hbm>>
      tpu.wait_dma2 semaphore(%run_scoped3A : memref<!tpu.dma_semaphore, #tpu.memory_space<semaphore_mem>>) src(%dma_wait3A_21 : memref<8x40xi32, #tpu.memory_space<hbm>>) dst(%arg7 : memref<8x40xi32, #tpu.memory_space<vmem>>)
      tpu.yield
    }) : () -> ()
    %mul3A_5 = arith.constant 8 : i32
    %mul3A_6 = arith.muli %add3A, %mul3A_5 : i32
    "tpu.region"() ({
      %run_scoped3A = tpu.sem_alloc : memref<!tpu.dma_semaphore, #tpu.memory_space<semaphore_mem>>
      %dma_start3A = arith.constant 0 : i32
      %dma_start3A_16 = tpu.memref_slice %arg4[%mul3A_6, %dma_start3A] : memref<256x40xi32, #tpu.memory_space<hbm>> -> memref<8x40xi32, #tpu.memory_space<hbm>>
      %dma_start3A_17 = arith.constant 0 : i32
      %dma_start3A_18 = tpu.memref_slice %arg4[%mul3A_6, %dma_start3A_17] : memref<256x40xi32, #tpu.memory_space<hbm>> -> memref<8x40xi32, #tpu.memory_space<hbm>>
      tpu.enqueue_dma source(%dma_start3A_18 : memref<8x40xi32, #tpu.memory_space<hbm>>) target(%arg8 : memref<8x40xi32, #tpu.memory_space<vmem>>) target_semaphore(%run_scoped3A : memref<!tpu.dma_semaphore, #tpu.memory_space<semaphore_mem>>)
      %dma_wait3A = arith.constant 0 : i32
      %dma_wait3A_19 = tpu.memref_slice %arg4[%mul3A_6, %dma_wait3A] : memref<256x40xi32, #tpu.memory_space<hbm>> -> memref<8x40xi32, #tpu.memory_space<hbm>>
      %dma_wait3A_20 = arith.constant 0 : i32
      %dma_wait3A_21 = tpu.memref_slice %arg4[%mul3A_6, %dma_wait3A_20] : memref<256x40xi32, #tpu.memory_space<hbm>> -> memref<8x40xi32, #tpu.memory_space<hbm>>
      tpu.wait_dma2 semaphore(%run_scoped3A : memref<!tpu.dma_semaphore, #tpu.memory_space<semaphore_mem>>) src(%dma_wait3A_21 : memref<8x40xi32, #tpu.memory_space<hbm>>) dst(%arg8 : memref<8x40xi32, #tpu.memory_space<vmem>>)
      tpu.yield
    }) : () -> ()
    %scan3A = arith.constant 0 : i32
    %scan3A_7 = arith.constant 0 : i32
    %scan3A_8 = arith.constant 8 : i32
    %scan3A_9 = arith.addi %scan3A_7, %scan3A_8 : i32
    %scan3A_10 = arith.constant 1 : i32
    scf.for %scan3A_16 = %scan3A_7 to %scan3A_9 step %scan3A_10  : i32 {
      %dma_start3A = arith.constant 0 : i32
      %dma_start3A_17 = tpu.memref_slice %arg7[%scan3A_16, %dma_start3A] : memref<8x40xi32, #tpu.memory_space<vmem>> -> memref<1x40xi32, #tpu.memory_space<vmem>>
      %dma_start3A_18 = tpu.memref_squeeze %dma_start3A_17 : memref<1x40xi32, #tpu.memory_space<vmem>> -> memref<40xi32, #tpu.memory_space<vmem>>
      %dma_start3A_19 = arith.constant 0 : i32
      %dma_start3A_20 = arith.constant 0 : i32
      %dma_start3A_21 = tpu.memref_slice %arg2[%dma_start3A_19, %dma_start3A_20] : memref<10000x128xf32, #tpu.memory_space<hbm>> -> memref<10000x128xf32, #tpu.memory_space<hbm>>
      tpu.enqueue_indirect_dma source(%dma_start3A_21 : memref<10000x128xf32, #tpu.memory_space<hbm>>) target(%arg9 : memref<40x128xf32, #tpu.memory_space<vmem>>) offsets(%dma_start3A_18 : memref<40xi32, #tpu.memory_space<vmem>>) semaphore(%arg11 : memref<!tpu.dma_semaphore, #tpu.memory_space<semaphore_mem>>)
      %dma_wait3A = arith.constant 0 : i32
      %dma_wait3A_22 = tpu.memref_slice %arg7[%scan3A_16, %dma_wait3A] : memref<8x40xi32, #tpu.memory_space<vmem>> -> memref<1x40xi32, #tpu.memory_space<vmem>>
      %dma_wait3A_23 = tpu.memref_squeeze %dma_wait3A_22 : memref<1x40xi32, #tpu.memory_space<vmem>> -> memref<40xi32, #tpu.memory_space<vmem>>
      %dma_wait3A_24 = arith.constant 0 : i32
      %dma_wait3A_25 = arith.constant 0 : i32
      %dma_wait3A_26 = tpu.memref_slice %arg2[%dma_wait3A_24, %dma_wait3A_25] : memref<10000x128xf32, #tpu.memory_space<hbm>> -> memref<10000x128xf32, #tpu.memory_space<hbm>>
      tpu.wait_indirect_dma semaphore(%arg11 : memref<!tpu.dma_semaphore, #tpu.memory_space<semaphore_mem>>) src(%dma_wait3A_26 : memref<10000x128xf32, #tpu.memory_space<hbm>>) dst(%arg9 : memref<40x128xf32, #tpu.memory_space<vmem>>)
      "tpu.region"() ({
        %run_scoped3A = tpu.sem_alloc : memref<!tpu.dma_semaphore, #tpu.memory_space<semaphore_mem>>
        %dma_start3A_27 = arith.constant 0 : i32
        %dma_start3A_28 = tpu.memref_slice %arg8[%scan3A_16, %dma_start3A_27] : memref<8x40xi32, #tpu.memory_space<vmem>> -> memref<1x40xi32, #tpu.memory_space<vmem>>
        %dma_start3A_29 = tpu.memref_squeeze %dma_start3A_28 : memref<1x40xi32, #tpu.memory_space<vmem>> -> memref<40xi32, #tpu.memory_space<vmem>>
        %dma_start3A_30 = arith.constant 0 : i32
        %dma_start3A_31 = arith.constant 0 : i32
        %dma_start3A_32 = tpu.memref_slice %arg10[%dma_start3A_30, %dma_start3A_31] : memref<512x128xf32, #tpu.memory_space<vmem_shared>> -> memref<512x128xf32, #tpu.memory_space<vmem_shared>>
        tpu.enqueue_indirect_dma source(%arg9 : memref<40x128xf32, #tpu.memory_space<vmem>>) target(%dma_start3A_32 : memref<512x128xf32, #tpu.memory_space<vmem_shared>>) offsets(%dma_start3A_29 : memref<40xi32, #tpu.memory_space<vmem>>) semaphore(%run_scoped3A : memref<!tpu.dma_semaphore, #tpu.memory_space<semaphore_mem>>) {add = true}
        %dma_wait3A_33 = arith.constant 0 : i32
        %dma_wait3A_34 = tpu.memref_slice %arg8[%scan3A_16, %dma_wait3A_33] : memref<8x40xi32, #tpu.memory_space<vmem>> -> memref<1x40xi32, #tpu.memory_space<vmem>>
        %dma_wait3A_35 = tpu.memref_squeeze %dma_wait3A_34 : memref<1x40xi32, #tpu.memory_space<vmem>> -> memref<40xi32, #tpu.memory_space<vmem>>
        %dma_wait3A_36 = arith.constant 0 : i32
        %dma_wait3A_37 = arith.constant 0 : i32
        %dma_wait3A_38 = tpu.memref_slice %arg10[%dma_wait3A_36, %dma_wait3A_37] : memref<512x128xf32, #tpu.memory_space<vmem_shared>> -> memref<512x128xf32, #tpu.memory_space<vmem_shared>>
        tpu.wait_indirect_dma semaphore(%run_scoped3A : memref<!tpu.dma_semaphore, #tpu.memory_space<semaphore_mem>>) src(%arg9 : memref<40x128xf32, #tpu.memory_space<vmem>>) dst(%dma_wait3A_38 : memref<512x128xf32, #tpu.memory_space<vmem_shared>>)
        tpu.yield
      }) : () -> ()
    }
    %scan3A_11 = arith.constant 8 : i32
    %barrier3A = arith.constant 0 : index
    tpu.barrier barrier_id(%barrier3A)
    %mul3A_12 = arith.constant 32 : i32
    %mul3A_13 = arith.muli %arg1, %mul3A_12 : i32
    %mul3A_14 = arith.constant 32 : i32
    %mul3A_15 = arith.muli %arg1, %mul3A_14 : i32
    "tpu.region"() ({
      %run_scoped3A = tpu.sem_alloc : memref<!tpu.dma_semaphore, #tpu.memory_space<semaphore_mem>>
      %dma_start3A = arith.constant 0 : i32
      %dma_start3A_16 = arith.constant 0 : i32
      %dma_start3A_17 = tpu.memref_slice %arg6[%arg0, %dma_start3A, %dma_start3A_16] : memref<2x512x128xf32, #tpu.memory_space<hbm>> -> memref<1x512x128xf32, #tpu.memory_space<hbm>>
      %dma_start3A_18 = tpu.memref_squeeze %dma_start3A_17 : memref<1x512x128xf32, #tpu.memory_space<hbm>> -> memref<512x128xf32, #tpu.memory_space<hbm>>
      %dma_start3A_19 = arith.constant 0 : i32
      %dma_start3A_20 = tpu.memref_slice %dma_start3A_18[%mul3A_15, %dma_start3A_19] : memref<512x128xf32, #tpu.memory_space<hbm>> -> memref<32x128xf32, #tpu.memory_space<hbm>>
      %dma_start3A_21 = arith.constant 0 : i32
      %dma_start3A_22 = tpu.memref_slice %arg10[%mul3A_13, %dma_start3A_21] : memref<512x128xf32, #tpu.memory_space<vmem_shared>> -> memref<32x128xf32, #tpu.memory_space<vmem_shared>>
      tpu.enqueue_dma source(%dma_start3A_22 : memref<32x128xf32, #tpu.memory_space<vmem_shared>>) target(%dma_start3A_20 : memref<32x128xf32, #tpu.memory_space<hbm>>) target_semaphore(%run_scoped3A : memref<!tpu.dma_semaphore, #tpu.memory_space<semaphore_mem>>)
      %dma_wait3A = arith.constant 0 : i32
      %dma_wait3A_23 = arith.constant 0 : i32
      %dma_wait3A_24 = tpu.memref_slice %arg6[%arg0, %dma_wait3A, %dma_wait3A_23] : memref<2x512x128xf32, #tpu.memory_space<hbm>> -> memref<1x512x128xf32, #tpu.memory_space<hbm>>
      %dma_wait3A_25 = tpu.memref_squeeze %dma_wait3A_24 : memref<1x512x128xf32, #tpu.memory_space<hbm>> -> memref<512x128xf32, #tpu.memory_space<hbm>>
      %dma_wait3A_26 = arith.constant 0 : i32
      %dma_wait3A_27 = tpu.memref_slice %dma_wait3A_25[%mul3A_15, %dma_wait3A_26] : memref<512x128xf32, #tpu.memory_space<hbm>> -> memref<32x128xf32, #tpu.memory_space<hbm>>
      %dma_wait3A_28 = arith.constant 0 : i32
      %dma_wait3A_29 = tpu.memref_slice %arg10[%mul3A_13, %dma_wait3A_28] : memref<512x128xf32, #tpu.memory_space<vmem_shared>> -> memref<32x128xf32, #tpu.memory_space<vmem_shared>>
      tpu.wait_dma2 semaphore(%run_scoped3A : memref<!tpu.dma_semaphore, #tpu.memory_space<semaphore_mem>>) src(%dma_wait3A_29 : memref<32x128xf32, #tpu.memory_space<vmem_shared>>) dst(%dma_wait3A_27 : memref<32x128xf32, #tpu.memory_space<hbm>>)
      tpu.yield
    }) : () -> ()
    return
  }
}

module attributes {stable_mosaic.version = 14 : i64} {
  func.func @body(%arg0: i32, %arg1: memref<400x32xf32, #tpu.memory_space<vmem>>, %arg2: memref<400x1xf32, #tpu.memory_space<vmem>>) attributes {dimension_semantics = [#tpu.dimension_semantics<arbitrary>], iteration_bounds = array<i64: 25>, scalar_prefetch = 0 : i64, scratch_operands = 0 : i64, tpu.core_type = #tpu.core_type<tc>, window_params = [{transform_indices = @transform_0, window_bounds = array<i64: 400, 32>}, {transform_indices = @transform_1, window_bounds = array<i64: 400, 1>}]} {
    %get3A = arith.constant 0 : index
    %get3A_0 = arith.constant 0 : index
    %get3A_1 = vector.load %arg1[%get3A, %get3A_0] : memref<400x32xf32, #tpu.memory_space<vmem>>, vector<400x32xf32>
    %reduce_sum3A = arith.constant dense<0.000000e+00> : vector<400xf32>
    %reduce_sum3A_2 = vector.multi_reduction <add>, %get3A_1, %reduce_sum3A [1] : vector<400x32xf32> to vector<400xf32>
    %broadcast_in_dim3A = vector.shape_cast %reduce_sum3A_2 : vector<400xf32> to vector<400x1xf32>
    %add3A = arith.constant 1.000000e+00 : f32
    %add3A_3 = vector.broadcast %add3A : f32 to vector<400x1xf32>
    %add3A_4 = arith.addf %broadcast_in_dim3A, %add3A_3 : vector<400x1xf32>
    %rsqrt3A = math.rsqrt %add3A_4 : vector<400x1xf32>
    %swap3A = arith.constant 0 : index
    %swap3A_5 = arith.constant 0 : index
    %swap3A_6 = vector.load %arg2[%swap3A, %swap3A_5] : memref<400x1xf32, #tpu.memory_space<vmem>>, vector<400x1xf32>
    tpu.vector_store %arg2[%swap3A, %swap3A_5], %rsqrt3A {strides = array<i32>} : memref<400x1xf32, #tpu.memory_space<vmem>>, vector<400x1xf32>,
    return
  }
  func.func @transform_0(%arg0: i32) -> (i32, i32) {
    %c0_i32 = arith.constant 0 : i32
    %c0_i32_0 = arith.constant 0 : i32
    return %arg0, %c0_i32 : i32, i32
  }
  func.func @transform_1(%arg0: i32) -> (i32, i32) {
    %c0_i32 = arith.constant 0 : i32
    %c0_i32_0 = arith.constant 0 : i32
    return %arg0, %c0_i32 : i32, i32
  }
}

module attributes {stable_mosaic.version = 14 : i64} {
  func.func @body(%arg0: i32, %arg1: memref<400x128xf32, #tpu.memory_space<vmem>>, %arg2: memref<400x128xf32, #tpu.memory_space<vmem>>, %arg3: memref<128x128xf32, #tpu.memory_space<vmem>>, %arg4: memref<128x128xf32, #tpu.memory_space<vmem>>, %arg5: memref<1x128xf32, #tpu.memory_space<vmem>>, %arg6: memref<128x128xf32, #tpu.memory_space<vmem>>, %arg7: memref<400x1xf32, #tpu.memory_space<vmem>>, %arg8: memref<400x128xf32, #tpu.memory_space<vmem>>) attributes {dimension_semantics = [#tpu.dimension_semantics<arbitrary>], iteration_bounds = array<i64: 25>, scalar_prefetch = 0 : i64, scratch_operands = 0 : i64, tpu.core_type = #tpu.core_type<tc>, window_params = [{transform_indices = @transform_0, window_bounds = array<i64: 400, 128>}, {transform_indices = @transform_1, window_bounds = array<i64: 400, 128>}, {pipeline_mode = #tpu.pipeline_mode<synchronous>, transform_indices = @transform_2, window_bounds = array<i64: 128, 128>}, {pipeline_mode = #tpu.pipeline_mode<synchronous>, transform_indices = @transform_3, window_bounds = array<i64: 128, 128>}, {pipeline_mode = #tpu.pipeline_mode<synchronous>, transform_indices = @transform_4, window_bounds = array<i64: 1, 128>}, {pipeline_mode = #tpu.pipeline_mode<synchronous>, transform_indices = @transform_5, window_bounds = array<i64: 128, 128>}, {transform_indices = @transform_6, window_bounds = array<i64: 400, 1>}, {transform_indices = @transform_7, window_bounds = array<i64: 400, 128>}]} {
    %get3A = arith.constant 0 : index
    %get3A_0 = arith.constant 0 : index
    %get3A_1 = vector.load %arg1[%get3A, %get3A_0] : memref<400x128xf32, #tpu.memory_space<vmem>>, vector<400x128xf32>
    %get3A_2 = arith.constant 0 : index
    %get3A_3 = arith.constant 0 : index
    %get3A_4 = vector.load %arg3[%get3A_2, %get3A_3] : memref<128x128xf32, #tpu.memory_space<vmem>>, vector<128x128xf32>
    %dot_general3A = arith.constant dense<0.000000e+00> : vector<400x128xf32>
    %dot_general3A_5 = tpu.matmul %get3A_1, %get3A_4, %dot_general3A {dimension_numbers = #tpu.dot_dimension_numbers<[1], [0], [0], [1], [0, 0, 1, 1], [], []>, transpose_lhs_hint = false} : vector<400x128xf32>, vector<128x128xf32>, vector<400x128xf32> -> vector<400x128xf32>
    %get3A_6 = arith.constant 0 : index
    %get3A_7 = arith.constant 0 : index
    %get3A_8 = vector.load %arg2[%get3A_6, %get3A_7] : memref<400x128xf32, #tpu.memory_space<vmem>>, vector<400x128xf32>
    %get3A_9 = arith.constant 0 : index
    %get3A_10 = arith.constant 0 : index
    %get3A_11 = vector.load %arg4[%get3A_9, %get3A_10] : memref<128x128xf32, #tpu.memory_space<vmem>>, vector<128x128xf32>
    %dot_general3A_12 = arith.constant dense<0.000000e+00> : vector<400x128xf32>
    %dot_general3A_13 = tpu.matmul %get3A_8, %get3A_11, %dot_general3A_12 {dimension_numbers = #tpu.dot_dimension_numbers<[1], [0], [0], [1], [0, 0, 1, 1], [], []>, transpose_lhs_hint = false} : vector<400x128xf32>, vector<128x128xf32>, vector<400x128xf32> -> vector<400x128xf32>
    %add3A = arith.addf %dot_general3A_5, %dot_general3A_13 : vector<400x128xf32>
    %get3A_14 = arith.constant 0 : index
    %get3A_15 = arith.constant 0 : index
    %get3A_16 = vector.load %arg5[%get3A_14, %get3A_15] : memref<1x128xf32, #tpu.memory_space<vmem>>, vector<1x128xf32>
    %add3A_17 = vector.broadcast %get3A_16 : vector<1x128xf32> to vector<400x128xf32>
    %add3A_18 = arith.addf %add3A, %add3A_17 : vector<400x128xf32>
    %max3A = arith.constant 0.000000e+00 : f32
    %max3A_19 = vector.broadcast %max3A : f32 to vector<400x128xf32>
    %max3A_20 = arith.maximumf %add3A_18, %max3A_19 : vector<400x128xf32>
    %get3A_21 = arith.constant 0 : index
    %get3A_22 = arith.constant 0 : index
    %get3A_23 = vector.load %arg7[%get3A_21, %get3A_22] : memref<400x1xf32, #tpu.memory_space<vmem>>, vector<400x1xf32>
    %get3A_24 = arith.constant 0 : index
    %get3A_25 = arith.constant 0 : index
    %get3A_26 = vector.load %arg6[%get3A_24, %get3A_25] : memref<128x128xf32, #tpu.memory_space<vmem>>, vector<128x128xf32>
    %dot_general3A_27 = arith.constant dense<0.000000e+00> : vector<400x128xf32>
    %dot_general3A_28 = tpu.matmul %max3A_20, %get3A_26, %dot_general3A_27 {dimension_numbers = #tpu.dot_dimension_numbers<[1], [0], [0], [1], [0, 0, 1, 1], [], []>, transpose_lhs_hint = false} : vector<400x128xf32>, vector<128x128xf32>, vector<400x128xf32> -> vector<400x128xf32>
    %mul3A = vector.broadcast %get3A_23 : vector<400x1xf32> to vector<400x128xf32>
    %mul3A_29 = arith.mulf %mul3A, %dot_general3A_28 : vector<400x128xf32>
    %swap3A = arith.constant 0 : index
    %swap3A_30 = arith.constant 0 : index
    %swap3A_31 = vector.load %arg8[%swap3A, %swap3A_30] : memref<400x128xf32, #tpu.memory_space<vmem>>, vector<400x128xf32>
    tpu.vector_store %arg8[%swap3A, %swap3A_30], %mul3A_29 {strides = array<i32>} : memref<400x128xf32, #tpu.memory_space<vmem>>, vector<400x128xf32>,
    return
  }
  func.func @transform_0(%arg0: i32) -> (i32, i32) {
    %c0_i32 = arith.constant 0 : i32
    %c0_i32_0 = arith.constant 0 : i32
    return %arg0, %c0_i32 : i32, i32
  }
  func.func @transform_1(%arg0: i32) -> (i32, i32) {
    %c0_i32 = arith.constant 0 : i32
    %c0_i32_0 = arith.constant 0 : i32
    return %arg0, %c0_i32 : i32, i32
  }
  func.func @transform_2(%arg0: i32) -> (i32, i32) {
    %c0_i32 = arith.constant 0 : i32
    %c0_i32_0 = arith.constant 0 : i32
    %c0_i32_1 = arith.constant 0 : i32
    return %c0_i32, %c0_i32_0 : i32, i32
  }
  func.func @transform_3(%arg0: i32) -> (i32, i32) {
    %c0_i32 = arith.constant 0 : i32
    %c0_i32_0 = arith.constant 0 : i32
    %c0_i32_1 = arith.constant 0 : i32
    return %c0_i32, %c0_i32_0 : i32, i32
  }
  func.func @transform_4(%arg0: i32) -> (i32, i32) {
    %c0_i32 = arith.constant 0 : i32
    %c0_i32_0 = arith.constant 0 : i32
    %c0_i32_1 = arith.constant 0 : i32
    return %c0_i32, %c0_i32_0 : i32, i32
  }
  func.func @transform_5(%arg0: i32) -> (i32, i32) {
    %c0_i32 = arith.constant 0 : i32
    %c0_i32_0 = arith.constant 0 : i32
    %c0_i32_1 = arith.constant 0 : i32
    return %c0_i32, %c0_i32_0 : i32, i32
  }
  func.func @transform_6(%arg0: i32) -> (i32, i32) {
    %c0_i32 = arith.constant 0 : i32
    %c0_i32_0 = arith.constant 0 : i32
    return %arg0, %c0_i32 : i32, i32
  }
  func.func @transform_7(%arg0: i32) -> (i32, i32) {
    %c0_i32 = arith.constant 0 : i32
    %c0_i32_0 = arith.constant 0 : i32
    return %arg0, %c0_i32 : i32, i32
  }
}

module attributes {stable_mosaic.version = 14 : i64} {
  func.func @body(%arg0: i32, %arg1: memref<400x128xf32, #tpu.memory_space<vmem>>, %arg2: memref<400x128xf32, #tpu.memory_space<vmem>>, %arg3: memref<400x1xf32, #tpu.memory_space<vmem>>, %arg4: memref<400x128xf32, #tpu.memory_space<vmem>>, %arg5: memref<8x128xf32, #tpu.memory_space<vmem>>) attributes {dimension_semantics = [#tpu.dimension_semantics<arbitrary>], iteration_bounds = array<i64: 25>, scalar_prefetch = 0 : i64, scratch_operands = 0 : i64, tpu.core_type = #tpu.core_type<tc>, window_params = [{transform_indices = @transform_0, window_bounds = array<i64: 400, 128>}, {transform_indices = @transform_1, window_bounds = array<i64: 400, 128>}, {transform_indices = @transform_2, window_bounds = array<i64: 400, 1>}, {transform_indices = @transform_3, window_bounds = array<i64: 400, 128>}, {pipeline_mode = #tpu.pipeline_mode<synchronous>, transform_indices = @transform_4, window_bounds = array<i64: 8, 128>}]} {
    %get3A = arith.constant 0 : index
    %get3A_0 = arith.constant 0 : index
    %get3A_1 = vector.load %arg3[%get3A, %get3A_0] : memref<400x1xf32, #tpu.memory_space<vmem>>, vector<400x1xf32>
    %get3A_2 = arith.constant 0 : index
    %get3A_3 = arith.constant 0 : index
    %get3A_4 = vector.load %arg1[%get3A_2, %get3A_3] : memref<400x128xf32, #tpu.memory_space<vmem>>, vector<400x128xf32>
    %get3A_5 = arith.constant 0 : index
    %get3A_6 = arith.constant 0 : index
    %get3A_7 = vector.load %arg2[%get3A_5, %get3A_6] : memref<400x128xf32, #tpu.memory_space<vmem>>, vector<400x128xf32>
    %add3A = arith.addf %get3A_4, %get3A_7 : vector<400x128xf32>
    %mul3A = vector.broadcast %get3A_1 : vector<400x1xf32> to vector<400x128xf32>
    %mul3A_8 = arith.mulf %mul3A, %add3A : vector<400x128xf32>
    %swap3A = arith.constant 0 : index
    %swap3A_9 = arith.constant 0 : index
    %swap3A_10 = vector.load %arg4[%swap3A, %swap3A_9] : memref<400x128xf32, #tpu.memory_space<vmem>>, vector<400x128xf32>
    tpu.vector_store %arg4[%swap3A, %swap3A_9], %mul3A_8 {strides = array<i32>} : memref<400x128xf32, #tpu.memory_space<vmem>>, vector<400x128xf32>,
    %reduce_sum3A = arith.constant dense<0.000000e+00> : vector<128xf32>
    %reduce_sum3A_11 = vector.multi_reduction <add>, %mul3A_8, %reduce_sum3A [0] : vector<400x128xf32> to vector<128xf32>
    %broadcast_in_dim3A = vector.shape_cast %reduce_sum3A_11 : vector<128xf32> to vector<1x128xf32>
    %mul3A_12 = arith.mulf %mul3A_8, %mul3A_8 : vector<400x128xf32>
    %reduce_sum3A_13 = arith.constant dense<0.000000e+00> : vector<128xf32>
    %reduce_sum3A_14 = vector.multi_reduction <add>, %mul3A_12, %reduce_sum3A_13 [0] : vector<400x128xf32> to vector<128xf32>
    %broadcast_in_dim3A_15 = vector.shape_cast %reduce_sum3A_14 : vector<128xf32> to vector<1x128xf32>
    %broadcast_in_dim3A_16 = arith.constant 0.000000e+00 : f32
    %broadcast_in_dim3A_17 = vector.broadcast %broadcast_in_dim3A_16 : f32 to vector<6x128xf32>
    %concatenate3A = tpu.concatenate %broadcast_in_dim3A, %broadcast_in_dim3A_15, %broadcast_in_dim3A_17 in 0 : vector<1x128xf32>, vector<1x128xf32>, vector<6x128xf32> -> vector<8x128xf32>
    %eq3A = arith.constant 0 : i32
    %eq3A_18 = arith.cmpi eq, %arg0, %eq3A : i32
    %convert_element_type3A = arith.extui %eq3A_18 : i1 to i32
    %cond3A = arith.constant 0 : i32
    %cond3A_19 = arith.cmpi ne, %convert_element_type3A, %cond3A : i32
    scf.if %cond3A_19 {
      %swap3A_24 = arith.constant 0 : index
      %swap3A_25 = arith.constant 0 : index
      %swap3A_26 = vector.load %arg5[%swap3A_24, %swap3A_25] : memref<8x128xf32, #tpu.memory_space<vmem>>, vector<8x128xf32>
      tpu.vector_store %arg5[%swap3A_24, %swap3A_25], %concatenate3A {strides = array<i32>} : memref<8x128xf32, #tpu.memory_space<vmem>>, vector<8x128xf32>,
    } else {
    }
    %gt3A = arith.constant 0 : i32
    %gt3A_20 = arith.cmpi sgt, %arg0, %gt3A : i32
    %convert_element_type3A_21 = arith.extui %gt3A_20 : i1 to i32
    %cond3A_22 = arith.constant 0 : i32
    %cond3A_23 = arith.cmpi ne, %convert_element_type3A_21, %cond3A_22 : i32
    scf.if %cond3A_23 {
      %get3A_24 = arith.constant 0 : index
      %get3A_25 = arith.constant 0 : index
      %get3A_26 = vector.load %arg5[%get3A_24, %get3A_25] : memref<8x128xf32, #tpu.memory_space<vmem>>, vector<8x128xf32>
      %add3A_27 = arith.addf %get3A_26, %concatenate3A : vector<8x128xf32>
      %swap3A_28 = arith.constant 0 : index
      %swap3A_29 = arith.constant 0 : index
      %swap3A_30 = vector.load %arg5[%swap3A_28, %swap3A_29] : memref<8x128xf32, #tpu.memory_space<vmem>>, vector<8x128xf32>
      tpu.vector_store %arg5[%swap3A_28, %swap3A_29], %add3A_27 {strides = array<i32>} : memref<8x128xf32, #tpu.memory_space<vmem>>, vector<8x128xf32>,
    } else {
    }
    return
  }
  func.func @transform_0(%arg0: i32) -> (i32, i32) {
    %c0_i32 = arith.constant 0 : i32
    %c0_i32_0 = arith.constant 0 : i32
    return %arg0, %c0_i32 : i32, i32
  }
  func.func @transform_1(%arg0: i32) -> (i32, i32) {
    %c0_i32 = arith.constant 0 : i32
    %c0_i32_0 = arith.constant 0 : i32
    return %arg0, %c0_i32 : i32, i32
  }
  func.func @transform_2(%arg0: i32) -> (i32, i32) {
    %c0_i32 = arith.constant 0 : i32
    %c0_i32_0 = arith.constant 0 : i32
    return %arg0, %c0_i32 : i32, i32
  }
  func.func @transform_3(%arg0: i32) -> (i32, i32) {
    %c0_i32 = arith.constant 0 : i32
    %c0_i32_0 = arith.constant 0 : i32
    return %arg0, %c0_i32 : i32, i32
  }
  func.func @transform_4(%arg0: i32) -> (i32, i32) {
    %c0_i32 = arith.constant 0 : i32
    %c0_i32_0 = arith.constant 0 : i32
    %c0_i32_1 = arith.constant 0 : i32
    return %c0_i32, %c0_i32_0 : i32, i32
  }
}

module attributes {stable_mosaic.version = 14 : i64} {
  func.func @body(%arg0: i32, %arg1: memref<400x128xf32, #tpu.memory_space<vmem>>, %arg2: memref<8x128xf32, #tpu.memory_space<vmem>>, %arg3: memref<1x128xf32, #tpu.memory_space<vmem>>, %arg4: memref<1x128xf32, #tpu.memory_space<vmem>>, %arg5: memref<128x128xf32, #tpu.memory_space<vmem>>, %arg6: memref<400x1xf32, #tpu.memory_space<vmem>>, %arg7: memref<400x128xf32, #tpu.memory_space<vmem>>) attributes {dimension_semantics = [#tpu.dimension_semantics<arbitrary>], iteration_bounds = array<i64: 25>, scalar_prefetch = 0 : i64, scratch_operands = 0 : i64, tpu.core_type = #tpu.core_type<tc>, window_params = [{transform_indices = @transform_0, window_bounds = array<i64: 400, 128>}, {pipeline_mode = #tpu.pipeline_mode<synchronous>, transform_indices = @transform_1, window_bounds = array<i64: 8, 128>}, {pipeline_mode = #tpu.pipeline_mode<synchronous>, transform_indices = @transform_2, window_bounds = array<i64: 1, 128>}, {pipeline_mode = #tpu.pipeline_mode<synchronous>, transform_indices = @transform_3, window_bounds = array<i64: 1, 128>}, {pipeline_mode = #tpu.pipeline_mode<synchronous>, transform_indices = @transform_4, window_bounds = array<i64: 128, 128>}, {transform_indices = @transform_5, window_bounds = array<i64: 400, 1>}, {transform_indices = @transform_6, window_bounds = array<i64: 400, 128>}]} {
    %get3A = arith.constant 0 : index
    %get3A_0 = arith.constant 0 : index
    %get3A_1 = vector.load %arg1[%get3A, %get3A_0] : memref<400x128xf32, #tpu.memory_space<vmem>>, vector<400x128xf32>
    %get3A_2 = arith.constant 0 : index
    %get3A_3 = arith.constant 0 : index
    %get3A_4 = vector.load %arg2[%get3A_2, %get3A_3] : memref<8x128xf32, #tpu.memory_space<vmem>>, vector<8x128xf32>
    %get3A_5 = arith.constant 0 : index
    %get3A_6 = arith.constant 0 : index
    %get3A_7 = vector.load %arg3[%get3A_5, %get3A_6] : memref<1x128xf32, #tpu.memory_space<vmem>>, vector<1x128xf32>
    %get3A_8 = arith.constant 0 : index
    %get3A_9 = arith.constant 0 : index
    %get3A_10 = vector.load %arg4[%get3A_8, %get3A_9] : memref<1x128xf32, #tpu.memory_space<vmem>>, vector<1x128xf32>
    %slice3A = vector.extract_strided_slice %get3A_4 {offsets = [0, 0], sizes = [1, 128], strides = [1, 1]} : vector<8x128xf32> to vector<1x128xf32>
    %mul3A = arith.constant 9.99999974E-5 : f32
    %mul3A_11 = vector.broadcast %mul3A : f32 to vector<1x128xf32>
    %mul3A_12 = arith.mulf %slice3A, %mul3A_11 : vector<1x128xf32>
    %slice3A_13 = vector.extract_strided_slice %get3A_4 {offsets = [1, 0], sizes = [1, 128], strides = [1, 1]} : vector<8x128xf32> to vector<1x128xf32>
    %mul3A_14 = arith.constant 9.99999974E-5 : f32
    %mul3A_15 = vector.broadcast %mul3A_14 : f32 to vector<1x128xf32>
    %mul3A_16 = arith.mulf %slice3A_13, %mul3A_15 : vector<1x128xf32>
    %mul3A_17 = arith.mulf %mul3A_12, %mul3A_12 : vector<1x128xf32>
    %sub3A = arith.subf %mul3A_16, %mul3A_17 : vector<1x128xf32>
    %add3A = arith.constant 9.99999974E-6 : f32
    %add3A_18 = vector.broadcast %add3A : f32 to vector<1x128xf32>
    %add3A_19 = arith.addf %sub3A, %add3A_18 : vector<1x128xf32>
    %rsqrt3A = math.rsqrt %add3A_19 : vector<1x128xf32>
    %sub3A_20 = vector.broadcast %mul3A_12 : vector<1x128xf32> to vector<400x128xf32>
    %sub3A_21 = arith.subf %get3A_1, %sub3A_20 : vector<400x128xf32>
    %mul3A_22 = vector.broadcast %rsqrt3A : vector<1x128xf32> to vector<400x128xf32>
    %mul3A_23 = arith.mulf %sub3A_21, %mul3A_22 : vector<400x128xf32>
    %mul3A_24 = vector.broadcast %get3A_7 : vector<1x128xf32> to vector<400x128xf32>
    %mul3A_25 = arith.mulf %mul3A_23, %mul3A_24 : vector<400x128xf32>
    %add3A_26 = vector.broadcast %get3A_10 : vector<1x128xf32> to vector<400x128xf32>
    %add3A_27 = arith.addf %mul3A_25, %add3A_26 : vector<400x128xf32>
    %max3A = arith.constant 0.000000e+00 : f32
    %max3A_28 = vector.broadcast %max3A : f32 to vector<400x128xf32>
    %max3A_29 = arith.maximumf %add3A_27, %max3A_28 : vector<400x128xf32>
    %get3A_30 = arith.constant 0 : index
    %get3A_31 = arith.constant 0 : index
    %get3A_32 = vector.load %arg6[%get3A_30, %get3A_31] : memref<400x1xf32, #tpu.memory_space<vmem>>, vector<400x1xf32>
    %get3A_33 = arith.constant 0 : index
    %get3A_34 = arith.constant 0 : index
    %get3A_35 = vector.load %arg5[%get3A_33, %get3A_34] : memref<128x128xf32, #tpu.memory_space<vmem>>, vector<128x128xf32>
    %dot_general3A = arith.constant dense<0.000000e+00> : vector<400x128xf32>
    %dot_general3A_36 = tpu.matmul %max3A_29, %get3A_35, %dot_general3A {dimension_numbers = #tpu.dot_dimension_numbers<[1], [0], [0], [1], [0, 0, 1, 1], [], []>, transpose_lhs_hint = false} : vector<400x128xf32>, vector<128x128xf32>, vector<400x128xf32> -> vector<400x128xf32>
    %mul3A_37 = vector.broadcast %get3A_32 : vector<400x1xf32> to vector<400x128xf32>
    %mul3A_38 = arith.mulf %mul3A_37, %dot_general3A_36 : vector<400x128xf32>
    %swap3A = arith.constant 0 : index
    %swap3A_39 = arith.constant 0 : index
    %swap3A_40 = vector.load %arg7[%swap3A, %swap3A_39] : memref<400x128xf32, #tpu.memory_space<vmem>>, vector<400x128xf32>
    tpu.vector_store %arg7[%swap3A, %swap3A_39], %mul3A_38 {strides = array<i32>} : memref<400x128xf32, #tpu.memory_space<vmem>>, vector<400x128xf32>,
    return
  }
  func.func @transform_0(%arg0: i32) -> (i32, i32) {
    %c0_i32 = arith.constant 0 : i32
    %c0_i32_0 = arith.constant 0 : i32
    return %arg0, %c0_i32 : i32, i32
  }
  func.func @transform_1(%arg0: i32) -> (i32, i32) {
    %c0_i32 = arith.constant 0 : i32
    %c0_i32_0 = arith.constant 0 : i32
    %c0_i32_1 = arith.constant 0 : i32
    return %c0_i32, %c0_i32_0 : i32, i32
  }
  func.func @transform_2(%arg0: i32) -> (i32, i32) {
    %c0_i32 = arith.constant 0 : i32
    %c0_i32_0 = arith.constant 0 : i32
    %c0_i32_1 = arith.constant 0 : i32
    return %c0_i32, %c0_i32_0 : i32, i32
  }
  func.func @transform_3(%arg0: i32) -> (i32, i32) {
    %c0_i32 = arith.constant 0 : i32
    %c0_i32_0 = arith.constant 0 : i32
    %c0_i32_1 = arith.constant 0 : i32
    return %c0_i32, %c0_i32_0 : i32, i32
  }
  func.func @transform_4(%arg0: i32) -> (i32, i32) {
    %c0_i32 = arith.constant 0 : i32
    %c0_i32_0 = arith.constant 0 : i32
    %c0_i32_1 = arith.constant 0 : i32
    return %c0_i32, %c0_i32_0 : i32, i32
  }
  func.func @transform_5(%arg0: i32) -> (i32, i32) {
    %c0_i32 = arith.constant 0 : i32
    %c0_i32_0 = arith.constant 0 : i32
    return %arg0, %c0_i32 : i32, i32
  }
  func.func @transform_6(%arg0: i32) -> (i32, i32) {
    %c0_i32 = arith.constant 0 : i32
    %c0_i32_0 = arith.constant 0 : i32
    return %arg0, %c0_i32 : i32, i32
  }
}

module attributes {stable_mosaic.version = 14 : i64} {
  func.func @body(%arg0: i32, %arg1: memref<400x128xf32, #tpu.memory_space<vmem>>, %arg2: memref<8x128xf32, #tpu.memory_space<vmem>>, %arg3: memref<1x128xf32, #tpu.memory_space<vmem>>, %arg4: memref<1x128xf32, #tpu.memory_space<vmem>>, %arg5: memref<400x128xf32, #tpu.memory_space<vmem>>) attributes {dimension_semantics = [#tpu.dimension_semantics<arbitrary>], iteration_bounds = array<i64: 25>, scalar_prefetch = 0 : i64, scratch_operands = 0 : i64, tpu.core_type = #tpu.core_type<tc>, window_params = [{transform_indices = @transform_0, window_bounds = array<i64: 400, 128>}, {pipeline_mode = #tpu.pipeline_mode<synchronous>, transform_indices = @transform_1, window_bounds = array<i64: 8, 128>}, {pipeline_mode = #tpu.pipeline_mode<synchronous>, transform_indices = @transform_2, window_bounds = array<i64: 1, 128>}, {pipeline_mode = #tpu.pipeline_mode<synchronous>, transform_indices = @transform_3, window_bounds = array<i64: 1, 128>}, {transform_indices = @transform_4, window_bounds = array<i64: 400, 128>}]} {
    %get3A = arith.constant 0 : index
    %get3A_0 = arith.constant 0 : index
    %get3A_1 = vector.load %arg1[%get3A, %get3A_0] : memref<400x128xf32, #tpu.memory_space<vmem>>, vector<400x128xf32>
    %get3A_2 = arith.constant 0 : index
    %get3A_3 = arith.constant 0 : index
    %get3A_4 = vector.load %arg2[%get3A_2, %get3A_3] : memref<8x128xf32, #tpu.memory_space<vmem>>, vector<8x128xf32>
    %get3A_5 = arith.constant 0 : index
    %get3A_6 = arith.constant 0 : index
    %get3A_7 = vector.load %arg3[%get3A_5, %get3A_6] : memref<1x128xf32, #tpu.memory_space<vmem>>, vector<1x128xf32>
    %get3A_8 = arith.constant 0 : index
    %get3A_9 = arith.constant 0 : index
    %get3A_10 = vector.load %arg4[%get3A_8, %get3A_9] : memref<1x128xf32, #tpu.memory_space<vmem>>, vector<1x128xf32>
    %slice3A = vector.extract_strided_slice %get3A_4 {offsets = [0, 0], sizes = [1, 128], strides = [1, 1]} : vector<8x128xf32> to vector<1x128xf32>
    %mul3A = arith.constant 9.99999974E-5 : f32
    %mul3A_11 = vector.broadcast %mul3A : f32 to vector<1x128xf32>
    %mul3A_12 = arith.mulf %slice3A, %mul3A_11 : vector<1x128xf32>
    %slice3A_13 = vector.extract_strided_slice %get3A_4 {offsets = [1, 0], sizes = [1, 128], strides = [1, 1]} : vector<8x128xf32> to vector<1x128xf32>
    %mul3A_14 = arith.constant 9.99999974E-5 : f32
    %mul3A_15 = vector.broadcast %mul3A_14 : f32 to vector<1x128xf32>
    %mul3A_16 = arith.mulf %slice3A_13, %mul3A_15 : vector<1x128xf32>
    %mul3A_17 = arith.mulf %mul3A_12, %mul3A_12 : vector<1x128xf32>
    %sub3A = arith.subf %mul3A_16, %mul3A_17 : vector<1x128xf32>
    %add3A = arith.constant 9.99999974E-6 : f32
    %add3A_18 = vector.broadcast %add3A : f32 to vector<1x128xf32>
    %add3A_19 = arith.addf %sub3A, %add3A_18 : vector<1x128xf32>
    %rsqrt3A = math.rsqrt %add3A_19 : vector<1x128xf32>
    %sub3A_20 = vector.broadcast %mul3A_12 : vector<1x128xf32> to vector<400x128xf32>
    %sub3A_21 = arith.subf %get3A_1, %sub3A_20 : vector<400x128xf32>
    %mul3A_22 = vector.broadcast %rsqrt3A : vector<1x128xf32> to vector<400x128xf32>
    %mul3A_23 = arith.mulf %sub3A_21, %mul3A_22 : vector<400x128xf32>
    %mul3A_24 = vector.broadcast %get3A_7 : vector<1x128xf32> to vector<400x128xf32>
    %mul3A_25 = arith.mulf %mul3A_23, %mul3A_24 : vector<400x128xf32>
    %add3A_26 = vector.broadcast %get3A_10 : vector<1x128xf32> to vector<400x128xf32>
    %add3A_27 = arith.addf %mul3A_25, %add3A_26 : vector<400x128xf32>
    %max3A = arith.constant 0.000000e+00 : f32
    %max3A_28 = vector.broadcast %max3A : f32 to vector<400x128xf32>
    %max3A_29 = arith.maximumf %add3A_27, %max3A_28 : vector<400x128xf32>
    %swap3A = arith.constant 0 : index
    %swap3A_30 = arith.constant 0 : index
    %swap3A_31 = vector.load %arg5[%swap3A, %swap3A_30] : memref<400x128xf32, #tpu.memory_space<vmem>>, vector<400x128xf32>
    tpu.vector_store %arg5[%swap3A, %swap3A_30], %max3A_29 {strides = array<i32>} : memref<400x128xf32, #tpu.memory_space<vmem>>, vector<400x128xf32>,
    return
  }
  func.func @transform_0(%arg0: i32) -> (i32, i32) {
    %c0_i32 = arith.constant 0 : i32
    %c0_i32_0 = arith.constant 0 : i32
    return %arg0, %c0_i32 : i32, i32
  }
  func.func @transform_1(%arg0: i32) -> (i32, i32) {
    %c0_i32 = arith.constant 0 : i32
    %c0_i32_0 = arith.constant 0 : i32
    %c0_i32_1 = arith.constant 0 : i32
    return %c0_i32, %c0_i32_0 : i32, i32
  }
  func.func @transform_2(%arg0: i32) -> (i32, i32) {
    %c0_i32 = arith.constant 0 : i32
    %c0_i32_0 = arith.constant 0 : i32
    %c0_i32_1 = arith.constant 0 : i32
    return %c0_i32, %c0_i32_0 : i32, i32
  }
  func.func @transform_3(%arg0: i32) -> (i32, i32) {
    %c0_i32 = arith.constant 0 : i32
    %c0_i32_0 = arith.constant 0 : i32
    %c0_i32_1 = arith.constant 0 : i32
    return %c0_i32, %c0_i32_0 : i32, i32
  }
  func.func @transform_4(%arg0: i32) -> (i32, i32) {
    %c0_i32 = arith.constant 0 : i32
    %c0_i32_0 = arith.constant 0 : i32
    return %arg0, %c0_i32 : i32, i32
  }
}

module attributes {stable_mosaic.version = 14 : i64} {
  func.func @body(%arg0: i32, %arg1: memref<2x512x128xf32, #tpu.memory_space<vmem>>, %arg2: memref<256x32xf32, #tpu.memory_space<vmem>>, %arg3: memref<128x128xf32, #tpu.memory_space<vmem>>, %arg4: memref<1x128xf32, #tpu.memory_space<vmem>>, %arg5: memref<128x19xf32, #tpu.memory_space<vmem>>, %arg6: memref<1x19xf32, #tpu.memory_space<vmem>>, %arg7: memref<256x19xf32, #tpu.memory_space<vmem>>) attributes {dimension_semantics = [#tpu.dimension_semantics<arbitrary>], iteration_bounds = array<i64: 1>, scalar_prefetch = 0 : i64, scratch_operands = 0 : i64, tpu.core_type = #tpu.core_type<tc>, window_params = [{pipeline_mode = #tpu.pipeline_mode<synchronous>, transform_indices = @transform_0, window_bounds = array<i64: 2, 512, 128>}, {transform_indices = @transform_1, window_bounds = array<i64: 256, 32>}, {pipeline_mode = #tpu.pipeline_mode<synchronous>, transform_indices = @transform_2, window_bounds = array<i64: 128, 128>}, {pipeline_mode = #tpu.pipeline_mode<synchronous>, transform_indices = @transform_3, window_bounds = array<i64: 1, 128>}, {pipeline_mode = #tpu.pipeline_mode<synchronous>, transform_indices = @transform_4, window_bounds = array<i64: 128, 19>}, {pipeline_mode = #tpu.pipeline_mode<synchronous>, transform_indices = @transform_5, window_bounds = array<i64: 1, 19>}, {pipeline_mode = #tpu.pipeline_mode<synchronous>, transform_indices = @transform_6, window_bounds = array<i64: 256, 19>}]} {
    %get3A = arith.constant 0 : index
    %get3A_0 = arith.constant 0 : index
    %get3A_1 = vector.load %arg2[%get3A, %get3A_0] : memref<256x32xf32, #tpu.memory_space<vmem>>, vector<256x32xf32>
    %reduce_sum3A = arith.constant dense<0.000000e+00> : vector<256xf32>
    %reduce_sum3A_2 = vector.multi_reduction <add>, %get3A_1, %reduce_sum3A [1] : vector<256x32xf32> to vector<256xf32>
    %broadcast_in_dim3A = vector.shape_cast %reduce_sum3A_2 : vector<256xf32> to vector<256x1xf32>
    %max3A = arith.constant 1.000000e+00 : f32
    %max3A_3 = vector.broadcast %max3A : f32 to vector<256x1xf32>
    %max3A_4 = arith.maximumf %broadcast_in_dim3A, %max3A_3 : vector<256x1xf32>
    %get3A_5 = arith.constant 0 : index
    %get3A_6 = arith.constant 0 : index
    %get3A_7 = arith.constant 0 : index
    %get3A_8 = vector.load %arg1[%get3A_5, %get3A_6, %get3A_7] : memref<2x512x128xf32, #tpu.memory_space<vmem>>, vector<1x256x128xf32>
    %get3A_9 = vector.shape_cast %get3A_8 : vector<1x256x128xf32> to vector<256x128xf32>
    %get3A_10 = arith.constant 1 : index
    %get3A_11 = arith.constant 0 : index
    %get3A_12 = arith.constant 0 : index
    %get3A_13 = vector.load %arg1[%get3A_10, %get3A_11, %get3A_12] : memref<2x512x128xf32, #tpu.memory_space<vmem>>, vector<1x256x128xf32>
    %get3A_14 = vector.shape_cast %get3A_13 : vector<1x256x128xf32> to vector<256x128xf32>
    %add3A = arith.addf %get3A_9, %get3A_14 : vector<256x128xf32>
    %div3A = vector.broadcast %max3A_4 : vector<256x1xf32> to vector<256x128xf32>
    %div3A_15 = arith.divf %add3A, %div3A : vector<256x128xf32>
    %get3A_16 = arith.constant 0 : index
    %get3A_17 = arith.constant 0 : index
    %get3A_18 = vector.load %arg3[%get3A_16, %get3A_17] : memref<128x128xf32, #tpu.memory_space<vmem>>, vector<128x128xf32>
    %dot_general3A = arith.constant dense<0.000000e+00> : vector<256x128xf32>
    %dot_general3A_19 = tpu.matmul %div3A_15, %get3A_18, %dot_general3A {dimension_numbers = #tpu.dot_dimension_numbers<[1], [0], [0], [1], [0, 0, 1, 1], [], []>, transpose_lhs_hint = false} : vector<256x128xf32>, vector<128x128xf32>, vector<256x128xf32> -> vector<256x128xf32>
    %get3A_20 = arith.constant 0 : index
    %get3A_21 = arith.constant 0 : index
    %get3A_22 = vector.load %arg4[%get3A_20, %get3A_21] : memref<1x128xf32, #tpu.memory_space<vmem>>, vector<1x128xf32>
    %add3A_23 = vector.broadcast %get3A_22 : vector<1x128xf32> to vector<256x128xf32>
    %add3A_24 = arith.addf %dot_general3A_19, %add3A_23 : vector<256x128xf32>
    %max3A_25 = arith.constant 0.000000e+00 : f32
    %max3A_26 = vector.broadcast %max3A_25 : f32 to vector<256x128xf32>
    %max3A_27 = arith.maximumf %add3A_24, %max3A_26 : vector<256x128xf32>
    %get3A_28 = arith.constant 0 : index
    %get3A_29 = arith.constant 0 : index
    %get3A_30 = vector.load %arg5[%get3A_28, %get3A_29] : memref<128x19xf32, #tpu.memory_space<vmem>>, vector<128x19xf32>
    %dot_general3A_31 = arith.constant dense<0.000000e+00> : vector<256x19xf32>
    %dot_general3A_32 = tpu.matmul %max3A_27, %get3A_30, %dot_general3A_31 {dimension_numbers = #tpu.dot_dimension_numbers<[1], [0], [0], [1], [0, 0, 1, 1], [], []>, transpose_lhs_hint = false} : vector<256x128xf32>, vector<128x19xf32>, vector<256x19xf32> -> vector<256x19xf32>
    %get3A_33 = arith.constant 0 : index
    %get3A_34 = arith.constant 0 : index
    %get3A_35 = vector.load %arg6[%get3A_33, %get3A_34] : memref<1x19xf32, #tpu.memory_space<vmem>>, vector<1x19xf32>
    %add3A_36 = vector.broadcast %get3A_35 : vector<1x19xf32> to vector<256x19xf32>
    %add3A_37 = arith.addf %dot_general3A_32, %add3A_36 : vector<256x19xf32>
    %swap3A = arith.constant 0 : index
    %swap3A_38 = arith.constant 0 : index
    %swap3A_39 = vector.load %arg7[%swap3A, %swap3A_38] : memref<256x19xf32, #tpu.memory_space<vmem>>, vector<256x19xf32>
    tpu.vector_store %arg7[%swap3A, %swap3A_38], %add3A_37 {strides = array<i32>} : memref<256x19xf32, #tpu.memory_space<vmem>>, vector<256x19xf32>,
    return
  }
  func.func @transform_0(%arg0: i32) -> (i32, i32, i32) {
    %c0_i32 = arith.constant 0 : i32
    %c0_i32_0 = arith.constant 0 : i32
    %c0_i32_1 = arith.constant 0 : i32
    %c0_i32_2 = arith.constant 0 : i32
    return %c0_i32, %c0_i32_0, %c0_i32_1 : i32, i32, i32
  }
  func.func @transform_1(%arg0: i32) -> (i32, i32) {
    %c0_i32 = arith.constant 0 : i32
    %c0_i32_0 = arith.constant 0 : i32
    %c0_i32_1 = arith.constant 0 : i32
    return %c0_i32, %c0_i32_0 : i32, i32
  }
  func.func @transform_2(%arg0: i32) -> (i32, i32) {
    %c0_i32 = arith.constant 0 : i32
    %c0_i32_0 = arith.constant 0 : i32
    %c0_i32_1 = arith.constant 0 : i32
    return %c0_i32, %c0_i32_0 : i32, i32
  }
  func.func @transform_3(%arg0: i32) -> (i32, i32) {
    %c0_i32 = arith.constant 0 : i32
    %c0_i32_0 = arith.constant 0 : i32
    %c0_i32_1 = arith.constant 0 : i32
    return %c0_i32, %c0_i32_0 : i32, i32
  }
  func.func @transform_4(%arg0: i32) -> (i32, i32) {
    %c0_i32 = arith.constant 0 : i32
    %c0_i32_0 = arith.constant 0 : i32
    %c0_i32_1 = arith.constant 0 : i32
    return %c0_i32, %c0_i32_0 : i32, i32
  }
  func.func @transform_5(%arg0: i32) -> (i32, i32) {
    %c0_i32 = arith.constant 0 : i32
    %c0_i32_0 = arith.constant 0 : i32
    %c0_i32_1 = arith.constant 0 : i32
    return %c0_i32, %c0_i32_0 : i32, i32
  }
  func.func @transform_6(%arg0: i32) -> (i32, i32) {
    %c0_i32 = arith.constant 0 : i32
    %c0_i32_0 = arith.constant 0 : i32
    %c0_i32_1 = arith.constant 0 : i32
    return %c0_i32, %c0_i32_0 : i32, i32
  }
}

</mosaic_0001>

<sc_bundles>
// kernel: kernel.20.cloned.1.call-start
scs
__scs_entry_jumppad:
0x0: {  	(pc) =	sbr.rel $0x88, $3  }
0x1: {  	(tag) =	ssettag $0x0;
	lr =	simm.s32 $0x1  }
0x2: {  	[smem:$0x3F94] =	sst lr;
	_ =	strace $0xD0000000  }
0x3: {  	_ = 	snop  }
0x4: {  	_ = 	snop  }
0x5: {  	_ = 	snop  }
0x6: {  	_ = 	snop  }
0x7: {  	_ = 	snop  }
__scs_overlays_trampoline_lowered:
0x8: {  	[smem:$0x3FA3] =	sst s0  }
0x9: {  	[smem:$0x3FA4] =	sst s1  }
0xa: {  	[smem:$0x3FA5] =	sst s2  }
0xb: {  	[smem:$0x3FA6] =	sst s3  }
0xc: {  	[smem:$0x3FA7] =	sst s4  }
0xd: {  	[smem:$0x3FA8] =	sst s5  }
0xe: {  	[smem:$0x3FA9] =	sst s6  }
0xf: {  	[smem:$0x3FAA] =	sst s7  }
0x10: {  	[smem:$0x3FAB] =	sst s8  }
0x11: {  	[smem:$0x3FAC] =	sst s9;
	s0 =	simm.s32 @!p0 $0x0  }
0x12: {  	s1 =	sld [smem:$0x3F92];
	s0 =	simm.s32 @p0 $0x1  }
0x13: {  	[smem:$0x3FAD] =	sst s0;
	s0 =	simm.s32 @!p1 $0x0  }
0x14: {  	s2 =	sld [smem:$0x3F91];
	s0 =	simm.s32 @p1 $0x1  }
0x15: {  	[smem:$0x3FAE] =	sst s0;
	s0 =	simm.s32 @!p2 $0x0  }
0x16: {  	s3 =	sld [smem:$0x3FDB];
	s0 =	simm.s32 @p2 $0x1  }
0x17: {  	s4 =	simm.s32 $0x1BF5;
	[smem:$0x3FB0] =	sst s0  }
0x18: {  	s0 =	sld [smem:$0x3F93];
	_ =	swait.ge [sflag:s4], $0x0  }
0x19: {  	s7 =	sld [smem:$0x3F94]  }
0x1a: {  	s8 =	sadd.s32 $0xFFFFE003, lr  }
0x1b: {  	s9 =	sadd.s32 $0xFFFFFEF7, lr;
	s5 =	simm.s32 $0xFFFFFFFF;
	p2 =	slt.u32 s8, $0xFFFFF086  }
0x1c: {  	p1 =	slt.u32 s9, $0xF7A;
	s5 =	simm.s32 @!p2 $0x0  }
0x1d: {  	s5 =	simm.s32 @p1 $0x1;
	p0 =	seq.s32 s7, s2  }
0x1e: {  	s7 =	smul.u32 @!p0 $0xF7A, s2;
	p2 =	seq.s32 @!p0 s5, $0x0  }
0x1f: {  	s9 =	smul.u32 $0xF7A, s1;
	s8 =	simm.s32 @!p0 $0x1BF5;
	p2 =	por !p2, p0  }
0x20: {  	[sflag:s8] =	ssyncset.s32 @!p0 $0xFFFFF086;
	s6 =	sadd.s32 @!p0 s3, s7;
	s7 =	simm.s32 @!p0 $0x108  }
0x21: {  	s3 =	sadd.s32 s3, s9;
	s6 =	sadd.s32 @!p0 $0x88, s6;
	s7 =	simm.s32 @p2 $0x1082  }
0x22: {  	[simem:s7], [sflag:s8] =	dma.local @!p0 [hbm:s6], $0xF7A  }
0x23: {  	s9 =	sor.u32 $0xD0000000, s2;
	s6 =	simm.s32 $0x108;
	_ =	swait.ge @!p0 [sflag:s8], $0x0  }
0x24: {  	s3 =	sadd.s32 $0x88, s3;
	s6 =	simm.s32 @!p1 $0x1082;
	[sflag:s4] =	ssyncset.s32 $0xFFFFF086  }
0x25: {  	[simem:s6], [sflag:s4] =	dma.local [hbm:s3], $0xF7A  }
0x26: {  	[smem:$0x3F94] =	sst s1;
	(tag) =	ssettag s2;
	_ =	strace s9  }
0x27: {  	s1 =	sld [smem:$0x3FA4]  }
0x28: {  	s2 =	sld [smem:$0x3FA5]  }
0x29: {  	s4 =	sld [smem:$0x3FA7]  }
0x2a: {  	p0 =	seq.s32 s5, $0x0;
	s5 =	sld [smem:$0x3FA8]  }
0x2b: {  	s6 =	sld [smem:$0x3FA9]  }
0x2c: {  	s7 =	sld [smem:$0x3FAA]  }
0x2d: {  	s3 =	simm.s32 $0x108;
	s8 =	sld [smem:$0x3FAB]  }
0x2e: {  	s3 =	simm.s32 @!p0 $0x1082;
	s9 =	sld [smem:$0x3FAC]  }
0x2f: {  	lr =	sadd.s32 s0, s3;
	s0 =	sld [smem:$0x3FA3]  }
0x30: {  	s3 =	sld [smem:$0x3FA6]  }
0x31: {  	[smem:$0x3FAF] =	sst s10  }
0x32: {  	s10 =	sld [smem:$0x3FAD];
	_ =	sdelay $0x3  }
0x33: {  	p0 =	seq.s32 s10, $0x1;
	s10 =	sld [smem:$0x3FAF];
	_ =	sdelay $0x3  }
0x34: {  	[smem:$0x3FAF] =	sst s10  }
0x35: {  	s10 =	sld [smem:$0x3FAE];
	_ =	sdelay $0x3  }
0x36: {  	p1 =	seq.s32 s10, $0x1;
	s10 =	sld [smem:$0x3FAF];
	_ =	sdelay $0x3  }
0x37: {  	[smem:$0x3FAF] =	sst s10  }
0x38: {  	s10 =	sld [smem:$0x3FB0]  }
0x39: {  	_ = 	snop;
	(pc) =	sbr.ind lr, $3  }
0x3a: {  	_ = 	snop  }
0x3b: {  	_ = 	snop  }
0x3c: {  	p2 =	seq.s32 s10, $0x1;
	s10 =	sld [smem:$0x3FAF]  }
0x3d: {  	_ =	shalt  }
0x3e: {  	_ =	shalt  }
0x3f: {  	_ =	shalt  }
0x40: {  	_ =	shalt  }
0x41: {  	_ =	shalt  }
0x42: {  	_ =	shalt  }
0x43: {  	_ =	shalt  }
0x44: {  	_ =	shalt  }
0x45: {  	_ =	shalt  }
0x46: {  	_ =	shalt  }
0x47: {  	_ =	shalt  }
0x48: {  	_ =	shalt  }
0x49: {  	_ =	shalt  }
0x4a: {  	_ =	shalt  }
0x4b: {  	_ =	shalt  }
0x4c: {  	_ =	shalt  }
0x4d: {  	_ =	shalt  }
0x4e: {  	_ =	shalt  }
0x4f: {  	_ =	shalt  }
0x50: {  	_ =	shalt  }
0x51: {  	_ =	shalt  }
0x52: {  	_ =	shalt  }
0x53: {  	_ =	shalt  }
0x54: {  	_ =	shalt  }
0x55: {  	_ =	shalt  }
0x56: {  	_ =	shalt  }
0x57: {  	_ =	shalt  }
0x58: {  	_ =	shalt  }
0x59: {  	_ =	shalt  }
0x5a: {  	_ =	shalt  }
0x5b: {  	_ =	shalt  }
0x5c: {  	_ =	shalt  }
0x5d: {  	_ =	shalt  }
0x5e: {  	_ =	shalt  }
0x5f: {  	_ =	shalt  }
0x60: {  	_ =	shalt  }
0x61: {  	_ =	shalt  }
0x62: {  	_ =	shalt  }
0x63: {  	_ =	shalt  }
0x64: {  	_ =	shalt  }
0x65: {  	_ =	shalt  }
0x66: {  	_ =	shalt  }
0x67: {  	_ =	shalt  }
0x68: {  	_ =	shalt  }
0x69: {  	_ =	shalt  }
0x6a: {  	_ =	shalt  }
0x6b: {  	_ =	shalt  }
0x6c: {  	_ =	shalt  }
0x6d: {  	_ =	shalt  }
0x6e: {  	_ =	shalt  }
0x6f: {  	_ =	shalt  }
0x70: {  	_ =	shalt  }
0x71: {  	_ =	shalt  }
0x72: {  	_ =	shalt  }
0x73: {  	_ =	shalt  }
0x74: {  	_ =	shalt  }
0x75: {  	_ =	shalt  }
0x76: {  	_ =	shalt  }
0x77: {  	_ =	shalt  }
0x78: {  	_ =	shalt  }
0x79: {  	_ =	shalt  }
0x7a: {  	_ =	shalt  }
0x7b: {  	_ =	shalt  }
0x7c: {  	_ =	shalt  }
0x7d: {  	_ =	shalt  }
0x7e: {  	_ =	shalt  }
0x7f: {  	_ =	shalt  }
0x80: {  	_ =	shalt  }
0x81: {  	_ =	shalt  }
0x82: {  	_ =	shalt  }
0x83: {  	_ =	shalt  }
0x84: {  	_ =	shalt  }
0x85: {  	_ =	shalt  }
0x86: {  	_ =	shalt  }
0x87: {  	_ =	shalt  }
.Lfunc_end0:
.L_simem_size_0:
called_computation_lowered:
.L_overlay_start_0:
0x88: {  	s2 =	sld [smem:$0x3FD9]  }
0x89: {  	s3 =	sld [smem:$0x3FFE];
	_ =	sdelay $0x1  }
0x8a: {  	s1 =	srdreg.scid  }
0x8b: {  	s0 =	sand.u32 $0x1, s1  }
0x8c: {  	s16 =	sshll.u32 s0, $0xA;
	s2 =	sadd.s32 s3, s2  }
0x8d: {  	s2 =	sadd.s32 s2, s16  }
0x8e: {  	[smem:$0x3FBB] =	sst s2  }
0x8f: {  	_ = 	snop  }
0x90: {  	(tm) =	ssettm $0x1  }
0x91: {  	s17 =	sld [smem:$0x3FFB];
	_ =	sdelay $0x3  }
0x92: {  	_ =	strace s17  }
0x93: {  	s2 =	sld [smem:$0x3FFC];
	_ =	sdelay $0x3  }
0x94: {  	_ =	strace s2  }
0x95: {  	s2 =	sld [smem:$0x3FFD];
	_ =	sdelay $0x3  }
0x96: {  	_ =	strace s2  }
0x97: {  	_ =	strace $0x8FFFFFFF  }
0x98: {  	s18 =	sld [smem:$0x3FDB];
	_ =	sdelay $0x1  }
0x99: {  	s19 =	simm.s32 $_scs_section_size  }
0x9a: {  	s4 =	simm.s32 $_size__tile_overlayer_lowered;
	s5 =	simm.s32 $_tile_overlayer_lowered  }
0x9b: {  	s22 =	simm.s32 $0x1BFF;
	s21 =	sshll.u32 s5, $0x1;
	s2 =	sadd.s32 s19, s18  }
0x9c: {  	s6 =	simm.s32 $0x0;
	s20 =	sshll.u32 s4, $0x1;
	s4 =	sadd.s32 s21, s2  }
0x9d: {  	[timem:s6], [sflag:s22] =	dma.local [hbm:s4], s20  }
0x9e: {  	_ =	swait.ge [sflag:s22], s20  }
0x9f: {  	s3 =	ssub.s32 $0x0, s20;
	[sflag:s22] =	ssyncset.done $0x0  }
0xa0: {  	[sflag:s22] =	ssyncadd.s32 s3;
	_ =	sdelay $0x1  }
0xa1: {  	s23 =	simm.s32 $0x1B8B  }
0xa2: {  	_ =	swait.ge [sflag:s23], $0x1  }
0xa3: {  	[sflag:s23] =	ssyncset.done $0x0  }
0xa4: {  	s25 =	simm.s32 $0x1B8E;
	s24 =	sld [smem:$0x3FFE];
	[sflag:s23] =	ssyncadd.s32 $0xFFFFFFFF  }
0xa5: {  	s26 =	simm.s32 $execute0_lowered;
	[smem:$0x3FD2] =	sst s25  }
0xa6: {  	s4 =	sshll.u32 s26, $0x1;
	_ =	strace $0x80000046;
	[dreg:$0x1] =	wrdreg $0xFFFFFFFF  }
0xa7: {  	s28 =	simm.s32 $_size_execute0_lowered;
	s2 =	sadd.s32 s2, s4;
	[dreg:$0x0] =	wrdreg $0x0  }
0xa8: {  	s4 =	sshll.u32 s28, $0x1;
	[dreg:$0x2] =	wrdreg s2  }
0xa9: {  	[dreg:$0x3] =	wrdreg s4  }
0xaa: {  	[dreg:$0x4] =	wrdreg $0xC0  }
0xab: {  	_ =	task [dreg:s6], $0x5FFFF  }
0xac: {  	[dreg:$0x1] =	wrdreg $0xFFFFFFFF  }
0xad: {  	[dreg:$0x0] =	wrdreg $0x60  }
0xae: {  	[dreg:$0x2] =	wrdreg s24  }
0xaf: {  	[dreg:$0x3] =	wrdreg $0x9  }
0xb0: {  	_ =	task.clear_ibuf [dreg:s6], $0x4FFFF;
	_ =	strace $0x90000046  }
0xb1: {  	s29 =	simm.s32 $0x9;
	_ =	strace $0x80000048  }
0xb2: {  	_ =	swait.ge [sflag:s29], $0x1  }
0xb3: {  	[sflag:s29] =	ssyncadd.s32 $0xFFFFFFFF  }
0xb4: {  	_ =	strace $0x90000048  }
0xb5: {  	_ =	sfence  }
0xb6: {  	s30 =	sld [smem:$0x0];
	_ =	sdelay $0x2  }
0xb7: {  	s31 =	sshll.u32 s1, $0xD;
	s1 =	sshrl.u32 s1, $0x2  }
0xb8: {  	s3 =	sand.u32 $0x4000, s31;
	s1 =	sadd.s32 s1, s30  }
0xb9: {  	s0 =	sor.u32 s3, s0;
	s1 =	sshll.u32 s1, $0x11  }
0xba: {  	s0 =	sor.u32 s1, s0  }
0xbb: {  	s0 =	sadd.s32 $0x8F2B, s0  }
0xbc: {  	[sflag:s0] =	ssyncadd.remote.s32 $0x1  }
0xbd: {  	_ =	sfence.sel $0xFFFF  }
0xbe: {  	[dreg:$0x0] =	wrdreg $0xFFFFFFFF;
	(pc) =	sbr.abs _section_cstart, $3  }
0xbf: {  	[dreg:$0x1] =	wrdreg $0xFFFFFFFF  }
0xc0: {  	_ =	task.clear_ibuf [dreg:s6], $0x2FFFF;
	_ =	strace $0x9FFFFFFF  }
0xc1: {  	(tm) =	ssettm $0x7FFFFFFF  }
tec
execute0_lowered:
.L_overlay_start_1:
0x0: {  	(tag) =	ssettag $0x1  }
0x1: {  	s0 =	srdreg.scid  }
0x2: {  	s4 =	rddreg [dreg:$0x0];
	s1 =	stileid.u32;
	s2 =	simm.s32 $0x0  }
0x3: {  	s11 =	simm.s32 $0x5100;
	s12 =	simm.s32 $0x80;
	s3 =	sand.u32 $0x1, s0  }
0x4: {  	s13 =	simm.s32 $0x400;
	s0 =	rddreg [dreg:$0x1];
	s5 =	sshll.u32 s3, $0x4  }
0x5: {  	s14 =	simm.s32 $0x0;
	[smem:$0x7FF] =	sst s2;
	s5 =	sor.u32 s1, s5  }
0x6: {  	s9 =	sshll.u32 s1, $0x7;
	_ =	strace $0x80000047;
	s6 =	smul.u32 $0x4E2, s5  }
0x7: {  	s9 =	sand.u32 $0x380, s9;
	s7 =	smul.u32 $0x28, s5;
	s5 =	sshrl.u32 s5, $0x3  }
0x8: {  	s3 =	ssub.s32 $0x2, s3;
	s8 =	smul.u32 $0x14000, s5;
	s5 =	sshll.u32 s5, $0xC  }
0x9: {  	s31 =	sshrl.u32 s3, $0x1;
	s6 =	sadd.s32 s6, s4;
	s5 =	sor.u32 s9, s5  }
0xa: {  	s7 =	sadd.s32 s7, s4;
	s8 =	sor.u32 s9, s8;
	s5 =	sshrl.u32 s5, $0x3  }
0xb: {  	s9 =	ssub.s32 s3, s31;
	s3 =	sadd.s32 $0xF400, s6;
	s8 =	sshrl.u32 s8, $0x3  }
0xc: {  	s10 =	sadd.s32 s5, s4;
	s8 =	sadd.s32 s8, s4;
	s4 =	sadd.s32 $0x19200, s7  }
0xd: {  	s6 =	sadd.s32 $0x23800, s10;
	s7 =	smax.u32 s9, $0x1;
	s9 =	simm.s32 $0x2780  }
0xe: {  	v0 =	vimm.f32 $0.0e+00;
	v1 =	vimm.f32 $1.000000000e+00;
	s10 =	simm.s32 $0x2900;
	s5 =	sadd.s32 $0x19800, s8;
	s8 =	simm.s32 $0x1  }
.LBB2_1:
0xf: {  	[tilespmem:s2], [sflag:$0x1] =	stream.linear.gather [hbm4b:s3+s2], $0x2710, $0x38;
	[tilespmem:$0x5300] =	vst v63  }
0x10: {  	_ =	swait.ge [sflag:s8], $0x2710  }
0x11: {  	[sflag:s8] =	ssyncset.done $0x0  }
0x12: {  	[sflag:s8] =	ssyncadd.s32 $0xFFFFD8F0  }
0x13: {  	[tilespmem:s9], [sflag:$0x1] =	stream.linear.gather [hbm4b:s4+s2], $0x140, $0x38;
	[tilespmem:$0x5300] =	vst v63  }
0x14: {  	_ =	swait.ge [sflag:s8], $0x140  }
0x15: {  	[sflag:s8] =	ssyncset.done $0x0  }
0x16: {  	s15 =	simm.s32 $0x40;
	s16 =	simm.s32 $0x0;
	[sflag:s8] =	ssyncadd.s32 $0xFFFFFEC0  }
.LBB2_2:
0x17: {  	p0 =	sne.s32 s15, $0x9FC0;
	[tilespmem:s16+$0x2900] =	vst v0;
	s16 =	smov.u32 s15;
	s15 =	sadd.s32 $0x40, s15  }
.Ltmp0:
0x18: {  	(pc) =	sbr.rel @p0 .LBB2_2-.Ltmp0, $2  }
0x19: {  	_ =	sdelay $0x2  }
0x1a: {  	s16 =	sshra.s32 s16, $0x2  }
0x1b: {  	[tilespmem:s16+$0x2900] =	vst v0  }
0x1c: {  	[tilespmem:$0x5100] =	vst v0  }
0x1d: {  	[tilespmem:$0x5110] =	vst v0  }
0x1e: {  	[tilespmem:$0x5120] =	vst v0  }
0x1f: {  	[tilespmem:$0x5130] =	vst v0  }
0x20: {  	[tilespmem:$0x5140] =	vst v0  }
0x21: {  	[tilespmem:$0x5150] =	vst v0  }
0x22: {  	[tilespmem:$0x5160] =	vst v0  }
0x23: {  	[tilespmem:$0x5170] =	vst v0  }
0x24: {  	[tilespmem:$0x5180] =	vst v0  }
0x25: {  	[tilespmem:$0x5190] =	vst v0  }
0x26: {  	[tilespmem:$0x51A0] =	vst v0  }
0x27: {  	[tilespmem:$0x51B0] =	vst v0  }
0x28: {  	[tilespmem:$0x51C0] =	vst v0  }
0x29: {  	[tilespmem:$0x51D0] =	vst v0  }
0x2a: {  	[tilespmem:$0x51E0] =	vst v0  }
0x2b: {  	[tilespmem:$0x51F0] =	vst v0  }
0x2c: {  	[tilespmem:$0x5200] =	vst v0  }
0x2d: {  	[tilespmem:$0x5210] =	vst v0  }
0x2e: {  	[tilespmem:$0x5220] =	vst v0  }
0x2f: {  	[tilespmem:$0x5230] =	vst v0  }
0x30: {  	[tilespmem:$0x5240] =	vst v0  }
0x31: {  	[tilespmem:$0x5250] =	vst v0  }
0x32: {  	[tilespmem:$0x5260] =	vst v0  }
0x33: {  	[tilespmem:$0x5270] =	vst v0  }
0x34: {  	[tilespmem:$0x5280] =	vst v0  }
0x35: {  	[tilespmem:$0x5290] =	vst v0  }
0x36: {  	[tilespmem:$0x52A0] =	vst v0  }
0x37: {  	[tilespmem:$0x52B0] =	vst v0  }
0x38: {  	[tilespmem:$0x52C0] =	vst v0  }
0x39: {  	[tilespmem:$0x52D0] =	vst v0  }
0x3a: {  	[tilespmem:$0x52E0] =	vst v0  }
0x3b: {  	s16 =	simm.s32 $0x0;
	s15 =	simm.s32 $0x40;
	[tilespmem:$0x52F0] =	vst v0  }
.LBB2_4:
0x3c: {  	p0 =	sne.s32 s15, $0x9C00;
	v2 =	vld [tilespmem:s16+$0x0];
	_ =	sdelay $0x3  }
.Ltmp1:
0x3d: {  	(pc) =	sbr.rel @p0 .LBB2_4-.Ltmp1, $2  }
0x3e: {  	_ =	sdelay $0x2  }
0x3f: {  	s16 =	sshra.s32 s15, $0x2;
	s15 =	sadd.s32 $0x40, s15;
	[tilespmem:v2+s10+$0x0] =	vst.idx.add.f32.msk $0xffff, v1  }
0x40: {  	v2 =	vld [tilespmem:s16+$0x0];
	_ =	sdelay $0x7  }
0x41: {  	[tilespmem:v2+s10+$0x0] =	vst.idx.add.f32.msk $0xffff, v1  }
0x42: {  	v2 =	vld [tilespmem:$0x2780];
	_ =	sdelay $0x7  }
0x43: {  	[tilespmem:v2+s11+$0x0] =	vst.idx.add.f32.msk $0xffff, v1  }
0x44: {  	v2 =	vld [tilespmem:$0x2790];
	_ =	sdelay $0x7  }
0x45: {  	[tilespmem:v2+s11+$0x0] =	vst.idx.add.f32.msk $0xffff, v1  }
0x46: {  	v2 =	vld [tilespmem:$0x27A0];
	_ =	sdelay $0x7  }
0x47: {  	[tilespmem:v2+s11+$0x0] =	vst.idx.add.f32.msk $0xffff, v1  }
0x48: {  	v2 =	vld [tilespmem:$0x27B0];
	_ =	sdelay $0x7  }
0x49: {  	[tilespmem:v2+s11+$0x0] =	vst.idx.add.f32.msk $0xffff, v1  }
0x4a: {  	v2 =	vld [tilespmem:$0x27C0];
	_ =	sdelay $0x7  }
0x4b: {  	[tilespmem:v2+s11+$0x0] =	vst.idx.add.f32.msk $0xffff, v1  }
0x4c: {  	v2 =	vld [tilespmem:$0x27D0];
	_ =	sdelay $0x7  }
0x4d: {  	[tilespmem:v2+s11+$0x0] =	vst.idx.add.f32.msk $0xffff, v1  }
0x4e: {  	v2 =	vld [tilespmem:$0x27E0];
	_ =	sdelay $0x7  }
0x4f: {  	[tilespmem:v2+s11+$0x0] =	vst.idx.add.f32.msk $0xffff, v1  }
0x50: {  	v2 =	vld [tilespmem:$0x27F0];
	_ =	sdelay $0x7  }
0x51: {  	[tilespmem:v2+s11+$0x0] =	vst.idx.add.f32.msk $0xffff, v1  }
0x52: {  	v2 =	vld [tilespmem:$0x2800];
	_ =	sdelay $0x7  }
0x53: {  	[tilespmem:v2+s11+$0x0] =	vst.idx.add.f32.msk $0xffff, v1  }
0x54: {  	v2 =	vld [tilespmem:$0x2810];
	_ =	sdelay $0x7  }
0x55: {  	[tilespmem:v2+s11+$0x0] =	vst.idx.add.f32.msk $0xffff, v1  }
0x56: {  	v2 =	vld [tilespmem:$0x2820];
	_ =	sdelay $0x7  }
0x57: {  	[tilespmem:v2+s11+$0x0] =	vst.idx.add.f32.msk $0xffff, v1  }
0x58: {  	v2 =	vld [tilespmem:$0x2830];
	_ =	sdelay $0x7  }
0x59: {  	[tilespmem:v2+s11+$0x0] =	vst.idx.add.f32.msk $0xffff, v1  }
0x5a: {  	v2 =	vld [tilespmem:$0x2840];
	_ =	sdelay $0x7  }
0x5b: {  	[tilespmem:v2+s11+$0x0] =	vst.idx.add.f32.msk $0xffff, v1  }
0x5c: {  	v2 =	vld [tilespmem:$0x2850];
	_ =	sdelay $0x7  }
0x5d: {  	[tilespmem:v2+s11+$0x0] =	vst.idx.add.f32.msk $0xffff, v1  }
0x5e: {  	v2 =	vld [tilespmem:$0x2860];
	_ =	sdelay $0x7  }
0x5f: {  	[tilespmem:v2+s11+$0x0] =	vst.idx.add.f32.msk $0xffff, v1  }
0x60: {  	v2 =	vld [tilespmem:$0x2870];
	_ =	sdelay $0x7  }
0x61: {  	[tilespmem:v2+s11+$0x0] =	vst.idx.add.f32.msk $0xffff, v1  }
0x62: {  	v2 =	vld [tilespmem:$0x2880];
	_ =	sdelay $0x7  }
0x63: {  	[tilespmem:v2+s11+$0x0] =	vst.idx.add.f32.msk $0xffff, v1  }
0x64: {  	v2 =	vld [tilespmem:$0x2890];
	_ =	sdelay $0x7  }
0x65: {  	[tilespmem:v2+s11+$0x0] =	vst.idx.add.f32.msk $0xffff, v1  }
0x66: {  	v2 =	vld [tilespmem:$0x28A0];
	_ =	sdelay $0x7  }
0x67: {  	[tilespmem:v2+s11+$0x0] =	vst.idx.add.f32.msk $0xffff, v1  }
0x68: {  	v2 =	vld [tilespmem:$0x28B0];
	_ =	sdelay $0x7  }
0x69: {  	[tilespmem:v2+s11+$0x0] =	vst.idx.add.f32.msk $0xffff, v1  }
0x6a: {  	[hbm4b:s5+s12] =	stream.strided.scatter [tilespmem:s10], [sflag:$0x1], $0x2800, s13, s12, $0x38;
	[tilespmem:$0x5300] =	vst v63  }
0x6b: {  	s14 =	sadd.s32 $0x1, s14;
	_ =	swait.ge [sflag:s8], $0x2800  }
0x6c: {  	p0 =	sne.s32 s14, s7;
	[sflag:s8] =	ssyncset.done $0x0  }
.Ltmp2:
0x6d: {  	[sflag:s8] =	ssyncadd.s32 $0xFFFFD800;
	(pc) =	sbr.rel @p0 .LBB2_1-.Ltmp2, $4  }
0x6e: {  	[hbm4b:s6+s12] =	stream.strided.scatter [tilespmem:s11], [sflag:$0x1], $0x200, s13, s12, $0x38;
	[tilespmem:$0x5300] =	vst v63  }
0x6f: {  	_ =	swait.ge [sflag:s8], $0x200  }
0x70: {  	[sflag:s8] =	ssyncset.done $0x0  }
0x71: {  	[sflag:s8] =	ssyncadd.s32 $0xFFFFFE00  }
0x72: {  	_ =	sfence.sel $0x180000  }
0x73: {  	[bflag:$0x0] =	sbarrier.arrive $0xFFFF  }
0x74: {  	p0 =	sne.s32 s1, $0x0;
	_ =	strace $0x90000047  }
0x75: {  	s0 =	sadd.s32 @!p0 $0x100000, s0;
	[bflag:$0x2] =	sbarrier.arrive $0xFFFF  }
0x76: {  	[sflag:s0] =	ssyncadd.tile.s32 @!p0 $0x1;
	_ =	shalt  }
.Lfunc_end2:
_tile_overlayer_lowered:
.L_overlay_start_2:
0x77: {  	(tag) =	ssettag $0x2  }
0x78: {  	s0 =	rddreg [dreg:$0x0];
	s2 =	stileid.u32  }
0x79: {  	s1 =	rddreg [dreg:$0x1];
	p0 =	sne.s32 s2, $0x0  }
0x7a: {  	s3 =	rddreg [dreg:$0x2];
	[bflag:$0x3] =	sbarrier.arrive $0xFFFF;
	s2 =	simm.s32 @!p0 $0x1C01  }
0x7b: {  	[timem:s3], [sflag:s2] =	dma.local @!p0 [hbm:s0], s1  }
0x7c: {  	s0 =	simm.s32 @!p0 $0x1  }
0x7d: {  	_ =	swait.ge @!p0 [sflag:s0], s1  }
0x7e: {  	s1 =	ssub.s32 @!p0 $0x0, s1;
	[sflag:s0] =	ssyncset.done @!p0 $0x0  }
0x7f: {  	[sflag:s0] =	ssyncadd.s32 @!p0 s1  }
0x80: {  	[bflag:$0x3] =	sbarrier.arrive $0xFFFF  }
0x81: {  	_ =	shalt  }

// kernel: kernel.23.cloned.1.call-start
scs
__scs_entry_jumppad:
0x0: {  	(pc) =	sbr.rel $0x88, $3  }
0x1: {  	(tag) =	ssettag $0x0;
	lr =	simm.s32 $0x1  }
0x2: {  	[smem:$0x3F94] =	sst lr;
	_ =	strace $0xD0000000  }
0x3: {  	_ = 	snop  }
0x4: {  	_ = 	snop  }
0x5: {  	_ = 	snop  }
0x6: {  	_ = 	snop  }
0x7: {  	_ = 	snop  }
__scs_overlays_trampoline_lowered:
0x8: {  	[smem:$0x3FA3] =	sst s0  }
0x9: {  	[smem:$0x3FA4] =	sst s1  }
0xa: {  	[smem:$0x3FA5] =	sst s2  }
0xb: {  	[smem:$0x3FA6] =	sst s3  }
0xc: {  	[smem:$0x3FA7] =	sst s4  }
0xd: {  	[smem:$0x3FA8] =	sst s5  }
0xe: {  	[smem:$0x3FA9] =	sst s6  }
0xf: {  	[smem:$0x3FAA] =	sst s7  }
0x10: {  	[smem:$0x3FAB] =	sst s8  }
0x11: {  	[smem:$0x3FAC] =	sst s9;
	s0 =	simm.s32 @!p0 $0x0  }
0x12: {  	s1 =	sld [smem:$0x3F92];
	s0 =	simm.s32 @p0 $0x1  }
0x13: {  	[smem:$0x3FAD] =	sst s0;
	s0 =	simm.s32 @!p1 $0x0  }
0x14: {  	s2 =	sld [smem:$0x3F91];
	s0 =	simm.s32 @p1 $0x1  }
0x15: {  	[smem:$0x3FAE] =	sst s0;
	s0 =	simm.s32 @!p2 $0x0  }
0x16: {  	s3 =	sld [smem:$0x3FDB];
	s0 =	simm.s32 @p2 $0x1  }
0x17: {  	s4 =	simm.s32 $0x1BF5;
	[smem:$0x3FB0] =	sst s0  }
0x18: {  	s0 =	sld [smem:$0x3F93];
	_ =	swait.ge [sflag:s4], $0x0  }
0x19: {  	s7 =	sld [smem:$0x3F94]  }
0x1a: {  	s8 =	sadd.s32 $0xFFFFE003, lr  }
0x1b: {  	s9 =	sadd.s32 $0xFFFFFEF7, lr;
	s5 =	simm.s32 $0xFFFFFFFF;
	p2 =	slt.u32 s8, $0xFFFFF086  }
0x1c: {  	p1 =	slt.u32 s9, $0xF7A;
	s5 =	simm.s32 @!p2 $0x0  }
0x1d: {  	s5 =	simm.s32 @p1 $0x1;
	p0 =	seq.s32 s7, s2  }
0x1e: {  	s7 =	smul.u32 @!p0 $0xF7A, s2;
	p2 =	seq.s32 @!p0 s5, $0x0  }
0x1f: {  	s9 =	smul.u32 $0xF7A, s1;
	s8 =	simm.s32 @!p0 $0x1BF5;
	p2 =	por !p2, p0  }
0x20: {  	[sflag:s8] =	ssyncset.s32 @!p0 $0xFFFFF086;
	s6 =	sadd.s32 @!p0 s3, s7;
	s7 =	simm.s32 @!p0 $0x108  }
0x21: {  	s3 =	sadd.s32 s3, s9;
	s6 =	sadd.s32 @!p0 $0x88, s6;
	s7 =	simm.s32 @p2 $0x1082  }
0x22: {  	[simem:s7], [sflag:s8] =	dma.local @!p0 [hbm:s6], $0xF7A  }
0x23: {  	s9 =	sor.u32 $0xD0000000, s2;
	s6 =	simm.s32 $0x108;
	_ =	swait.ge @!p0 [sflag:s8], $0x0  }
0x24: {  	s3 =	sadd.s32 $0x88, s3;
	s6 =	simm.s32 @!p1 $0x1082;
	[sflag:s4] =	ssyncset.s32 $0xFFFFF086  }
0x25: {  	[simem:s6], [sflag:s4] =	dma.local [hbm:s3], $0xF7A  }
0x26: {  	[smem:$0x3F94] =	sst s1;
	(tag) =	ssettag s2;
	_ =	strace s9  }
0x27: {  	s1 =	sld [smem:$0x3FA4]  }
0x28: {  	s2 =	sld [smem:$0x3FA5]  }
0x29: {  	s4 =	sld [smem:$0x3FA7]  }
0x2a: {  	p0 =	seq.s32 s5, $0x0;
	s5 =	sld [smem:$0x3FA8]  }
0x2b: {  	s6 =	sld [smem:$0x3FA9]  }
0x2c: {  	s7 =	sld [smem:$0x3FAA]  }
0x2d: {  	s3 =	simm.s32 $0x108;
	s8 =	sld [smem:$0x3FAB]  }
0x2e: {  	s3 =	simm.s32 @!p0 $0x1082;
	s9 =	sld [smem:$0x3FAC]  }
0x2f: {  	lr =	sadd.s32 s0, s3;
	s0 =	sld [smem:$0x3FA3]  }
0x30: {  	s3 =	sld [smem:$0x3FA6]  }
0x31: {  	[smem:$0x3FAF] =	sst s10  }
0x32: {  	s10 =	sld [smem:$0x3FAD];
	_ =	sdelay $0x3  }
0x33: {  	p0 =	seq.s32 s10, $0x1;
	s10 =	sld [smem:$0x3FAF];
	_ =	sdelay $0x3  }
0x34: {  	[smem:$0x3FAF] =	sst s10  }
0x35: {  	s10 =	sld [smem:$0x3FAE];
	_ =	sdelay $0x3  }
0x36: {  	p1 =	seq.s32 s10, $0x1;
	s10 =	sld [smem:$0x3FAF];
	_ =	sdelay $0x3  }
0x37: {  	[smem:$0x3FAF] =	sst s10  }
0x38: {  	s10 =	sld [smem:$0x3FB0]  }
0x39: {  	_ = 	snop;
	(pc) =	sbr.ind lr, $3  }
0x3a: {  	_ = 	snop  }
0x3b: {  	_ = 	snop  }
0x3c: {  	p2 =	seq.s32 s10, $0x1;
	s10 =	sld [smem:$0x3FAF]  }
0x3d: {  	_ =	shalt  }
0x3e: {  	_ =	shalt  }
0x3f: {  	_ =	shalt  }
0x40: {  	_ =	shalt  }
0x41: {  	_ =	shalt  }
0x42: {  	_ =	shalt  }
0x43: {  	_ =	shalt  }
0x44: {  	_ =	shalt  }
0x45: {  	_ =	shalt  }
0x46: {  	_ =	shalt  }
0x47: {  	_ =	shalt  }
0x48: {  	_ =	shalt  }
0x49: {  	_ =	shalt  }
0x4a: {  	_ =	shalt  }
0x4b: {  	_ =	shalt  }
0x4c: {  	_ =	shalt  }
0x4d: {  	_ =	shalt  }
0x4e: {  	_ =	shalt  }
0x4f: {  	_ =	shalt  }
0x50: {  	_ =	shalt  }
0x51: {  	_ =	shalt  }
0x52: {  	_ =	shalt  }
0x53: {  	_ =	shalt  }
0x54: {  	_ =	shalt  }
0x55: {  	_ =	shalt  }
0x56: {  	_ =	shalt  }
0x57: {  	_ =	shalt  }
0x58: {  	_ =	shalt  }
0x59: {  	_ =	shalt  }
0x5a: {  	_ =	shalt  }
0x5b: {  	_ =	shalt  }
0x5c: {  	_ =	shalt  }
0x5d: {  	_ =	shalt  }
0x5e: {  	_ =	shalt  }
0x5f: {  	_ =	shalt  }
0x60: {  	_ =	shalt  }
0x61: {  	_ =	shalt  }
0x62: {  	_ =	shalt  }
0x63: {  	_ =	shalt  }
0x64: {  	_ =	shalt  }
0x65: {  	_ =	shalt  }
0x66: {  	_ =	shalt  }
0x67: {  	_ =	shalt  }
0x68: {  	_ =	shalt  }
0x69: {  	_ =	shalt  }
0x6a: {  	_ =	shalt  }
0x6b: {  	_ =	shalt  }
0x6c: {  	_ =	shalt  }
0x6d: {  	_ =	shalt  }
0x6e: {  	_ =	shalt  }
0x6f: {  	_ =	shalt  }
0x70: {  	_ =	shalt  }
0x71: {  	_ =	shalt  }
0x72: {  	_ =	shalt  }
0x73: {  	_ =	shalt  }
0x74: {  	_ =	shalt  }
0x75: {  	_ =	shalt  }
0x76: {  	_ =	shalt  }
0x77: {  	_ =	shalt  }
0x78: {  	_ =	shalt  }
0x79: {  	_ =	shalt  }
0x7a: {  	_ =	shalt  }
0x7b: {  	_ =	shalt  }
0x7c: {  	_ =	shalt  }
0x7d: {  	_ =	shalt  }
0x7e: {  	_ =	shalt  }
0x7f: {  	_ =	shalt  }
0x80: {  	_ =	shalt  }
0x81: {  	_ =	shalt  }
0x82: {  	_ =	shalt  }
0x83: {  	_ =	shalt  }
0x84: {  	_ =	shalt  }
0x85: {  	_ =	shalt  }
0x86: {  	_ =	shalt  }
0x87: {  	_ =	shalt  }
.Lfunc_end0:
.L_simem_size_0:
called_computation.1_lowered:
.L_overlay_start_0:
0x88: {  	s2 =	sld [smem:$0x3FD9]  }
0x89: {  	s3 =	sld [smem:$0x3FFE];
	_ =	sdelay $0x1  }
0x8a: {  	s1 =	srdreg.scid  }
0x8b: {  	s0 =	sand.u32 $0x1, s1  }
0x8c: {  	s17 =	sshll.u32 s0, $0xA;
	s2 =	sadd.s32 s3, s2  }
0x8d: {  	s2 =	sadd.s32 s2, s17  }
0x8e: {  	[smem:$0x3FBB] =	sst s2  }
0x8f: {  	_ = 	snop  }
0x90: {  	(tm) =	ssettm $0x1  }
0x91: {  	s18 =	sld [smem:$0x3FFB];
	_ =	sdelay $0x3  }
0x92: {  	_ =	strace s18  }
0x93: {  	s2 =	sld [smem:$0x3FFC];
	_ =	sdelay $0x3  }
0x94: {  	_ =	strace s2  }
0x95: {  	s2 =	sld [smem:$0x3FFD];
	_ =	sdelay $0x3  }
0x96: {  	_ =	strace s2  }
0x97: {  	_ =	strace $0x8FFFFFFF  }
0x98: {  	s19 =	sld [smem:$0x3FDB];
	_ =	sdelay $0x1  }
0x99: {  	s20 =	simm.s32 $_scs_section_size  }
0x9a: {  	s4 =	simm.s32 $_size__tile_overlayer_lowered;
	s5 =	simm.s32 $_tile_overlayer_lowered  }
0x9b: {  	s6 =	simm.s32 $0x1BFF;
	s21 =	sshll.u32 s5, $0x1;
	s3 =	sadd.s32 s20, s19  }
0x9c: {  	s22 =	simm.s32 $0x0;
	s4 =	sshll.u32 s4, $0x1;
	s5 =	sadd.s32 s21, s3  }
0x9d: {  	[timem:s22], [sflag:s6] =	dma.local [hbm:s5], s4  }
0x9e: {  	_ =	swait.ge [sflag:s6], s4  }
0x9f: {  	s4 =	ssub.s32 $0x0, s4;
	[sflag:s6] =	ssyncset.done $0x0  }
0xa0: {  	[sflag:s6] =	ssyncadd.s32 s4;
	_ =	sdelay $0x1  }
0xa1: {  	s23 =	simm.s32 $0x1B8B  }
0xa2: {  	_ =	swait.ge [sflag:s23], $0x1  }
0xa3: {  	[sflag:s23] =	ssyncset.done $0x0  }
0xa4: {  	[sflag:s23] =	ssyncadd.s32 $0xFFFFFFFF  }
0xa5: {  	s4 =	sld [smem:$0x0]  }
0xa6: {  	s5 =	sand.u32 $0xFFFFFFFE, s1  }
0xa7: {  	p0 =	sne.s32 s1, s5  }
0xa8: {  	s5 =	sshll.u32 @p0 s5, $0xE  }
0xa9: {  	s5 =	sadd.s32 @p0 $0x11B8D, s5;
	s6 =	sshll.u32 @p0 s4, $0x11  }
0xaa: {  	s5 =	sor.u32 @p0 s6, s5  }
0xab: {  	[sflag:s5] =	ssyncadd.remote.s32 @p0 $0x1;
	_ =	sdelay $0x1  }
0xac: {  	s5 =	simm.s32 @p0 $0x1B8D  }
0xad: {  	_ =	swait.eq @p0 [sflag:s5], $0x1  }
0xae: {  	[sflag:s5] =	ssyncadd.s32 @p0 $0xFFFFFFFF  }
0xaf: {  	s6 =	sshll.u32 @!p0 s1, $0xE  }
0xb0: {  	s6 =	sor.u32 @!p0 $0x4000, s6;
	s5 =	simm.s32 @!p0 $0x1B8D  }
0xb1: {  	s4 =	sshll.u32 @!p0 s4, $0x11;
	s6 =	sadd.s32 @!p0 $0x11B8D, s6;
	_ =	swait.eq @!p0 [sflag:s5], $0x1  }
0xb2: {  	s4 =	sor.u32 @!p0 s4, s6;
	[sflag:s5] =	ssyncadd.s32 @!p0 $0xFFFFFFFF  }
0xb3: {  	s25 =	simm.s32 $0x1B8E;
	s24 =	sld [smem:$0x3FFE];
	[sflag:s4] =	ssyncadd.remote.s32 @!p0 $0x1  }
0xb4: {  	s26 =	simm.s32 $execute0_lowered;
	[smem:$0x3FD2] =	sst s25  }
0xb5: {  	s5 =	sshll.u32 s26, $0x1;
	_ =	strace $0x80000049;
	[dreg:$0x1] =	wrdreg $0xFFFFFFFF  }
0xb6: {  	s28 =	simm.s32 $_size_execute0_lowered;
	s3 =	sadd.s32 s3, s5;
	[dreg:$0x0] =	wrdreg $0x0  }
0xb7: {  	s5 =	sshll.u32 s28, $0x1;
	[dreg:$0x2] =	wrdreg s3  }
0xb8: {  	[dreg:$0x3] =	wrdreg s5  }
0xb9: {  	[dreg:$0x4] =	wrdreg $0xC0  }
0xba: {  	_ =	task [dreg:s22], $0x5FFFF  }
0xbb: {  	[dreg:$0x1] =	wrdreg $0xFFFFFFFF  }
0xbc: {  	[dreg:$0x0] =	wrdreg $0x60  }
0xbd: {  	[dreg:$0x2] =	wrdreg s24  }
0xbe: {  	[dreg:$0x3] =	wrdreg $0xA  }
0xbf: {  	_ =	task.clear_ibuf [dreg:s22], $0x4FFFF;
	_ =	strace $0x90000049  }
0xc0: {  	s29 =	simm.s32 $0xA;
	_ =	strace $0x8000004B  }
0xc1: {  	_ =	swait.ge [sflag:s29], $0x1  }
0xc2: {  	[sflag:s29] =	ssyncadd.s32 $0xFFFFFFFF  }
0xc3: {  	_ =	strace $0x9000004B  }
0xc4: {  	_ =	sfence  }
0xc5: {  	s30 =	sld [smem:$0x0];
	_ =	sdelay $0x2  }
0xc6: {  	s31 =	sshll.u32 s1, $0xD;
	s1 =	sshrl.u32 s1, $0x2  }
0xc7: {  	s4 =	sand.u32 $0x4000, s31;
	s1 =	sadd.s32 s1, s30  }
0xc8: {  	s0 =	sor.u32 s4, s0;
	s1 =	sshll.u32 s1, $0x11  }
0xc9: {  	s0 =	sor.u32 s1, s0  }
0xca: {  	s0 =	sadd.s32 $0x8F2B, s0  }
0xcb: {  	[sflag:s0] =	ssyncadd.remote.s32 $0x1  }
0xcc: {  	_ =	sfence.sel $0xFFFF  }
0xcd: {  	[dreg:$0x0] =	wrdreg $0xFFFFFFFF;
	(pc) =	sbr.abs _section_cstart, $3  }
0xce: {  	[dreg:$0x1] =	wrdreg $0xFFFFFFFF  }
0xcf: {  	_ =	task.clear_ibuf [dreg:s22], $0x2FFFF;
	_ =	strace $0x9FFFFFFF  }
0xd0: {  	(tm) =	ssettm $0x7FFFFFFF  }
0xd1: {  	_ =	shalt  }
tec
execute0_lowered:
.L_overlay_start_1:
0x0: {  	(tag) =	ssettag $0x1  }
0x1: {  	s0 =	srdreg.scid  }
0x2: {  	s2 =	stileid.u32;
	s7 =	rddreg [dreg:$0x0];
	s8 =	simm.s32 $0x1  }
0x3: {  	s10 =	simm.s32 $0x80;
	s11 =	simm.s32 $0x200;
	s23 =	simm.s32 $0x9A00  }
0x4: {  	s25 =	simm.s32 $0xA680;
	s26 =	simm.s32 $0x0;
	s0 =	sand.u32 $0x1, s0  }
0x5: {  	s9 =	sadd.s32 $0x24010, s7;
	s12 =	sadd.s32 $0x30010, s7;
	s13 =	sadd.s32 $0x24020, s7  }
0x6: {  	s15 =	sadd.s32 $0x30020, s7;
	s17 =	sadd.s32 $0x24030, s7;
	s1 =	sshll.u32 s0, $0x4  }
0x7: {  	s19 =	sadd.s32 $0x30030, s7;
	s0 =	ssub.s32 $0x2, s0;
	s1 =	sor.u32 s2, s1  }
0x8: {  	s2 =	simm.s32 $0x0;
	s4 =	sshrl.u32 s0, $0x1;
	s3 =	smul.u32 $0x4E2, s1  }
0x9: {  	[smem:$0x7FF] =	sst s2;
	s1 =	smul.u32 $0x600, s1;
	s0 =	ssub.s32 s0, s4  }
.Ltmp0:
0xa: {  	_ =	strace $0x8000004A;
	s5 =	sadd.s32 s3, s7;
	(pc) =	sbr.rel .LBB2_1-.Ltmp0, $4  }
0xb: {  	s6 =	sadd.s32 s1, s7;
	s7 =	smax.u32 s0, $0x1;
	s14 =	sadd.s32 s1, s9  }
0xc: {  	s16 =	sadd.s32 s1, s12;
	s18 =	sadd.s32 s1, s13;
	s20 =	sadd.s32 s1, s15  }
0xd: {  	s22 =	sadd.s32 s1, s17;
	s24 =	sadd.s32 s1, s19;
	s3 =	sadd.s32 $0x5600, s5  }
0xe: {  	v0 =	vimm.s32 $0x0;
	v1 =	vlaneseq.u32;
	s4 =	sadd.s32 $0xF400, s5;
	s5 =	sadd.s32 $0x24000, s6;
	s6 =	sadd.s32 $0x30000, s6  }
.LBB2_15:
0xf: {  	[hbm4b:s22+s10] =	stream.strided.scatter [tilespmem:s23], [sflag:$0x1], $0xC00, s11, s10, $0x38;
	[tilespmem:$0xB300] =	vst v63  }
0x10: {  	s26 =	sadd.s32 $0x1, s26;
	_ =	swait.ge [sflag:s8], $0xC00  }
0x11: {  	p0 =	sne.s32 s26, s7;
	[sflag:s8] =	ssyncset.done $0x0  }
.Ltmp1:
0x12: {  	[sflag:s8] =	ssyncadd.s32 $0xFFFFF400;
	(pc) =	sbr.rel @!p0 .LBB2_16-.Ltmp1, $4  }
0x13: {  	[hbm4b:s24+s10] =	stream.strided.scatter [tilespmem:s25], [sflag:$0x1], $0xC00, s11, s10, $0x38;
	[tilespmem:$0xB300] =	vst v63  }
0x14: {  	_ =	swait.ge [sflag:s8], $0xC00  }
0x15: {  	[sflag:s8] =	ssyncset.done $0x0  }
0x16: {  	[sflag:s8] =	ssyncadd.s32 $0xFFFFF400  }
.LBB2_1:
0x17: {  	[tilespmem:s2], [sflag:$0x1] =	stream.linear.gather [hbm4b:s3+s2], $0x2710, $0x38;
	[tilespmem:$0xB300] =	vst v63  }
0x18: {  	_ =	swait.ge [sflag:s8], $0x2710  }
0x19: {  	[sflag:s8] =	ssyncset.done $0x0  }
0x1a: {  	s0 =	simm.s32 $0x2780;
	[sflag:s8] =	ssyncadd.s32 $0xFFFFD8F0  }
0x1b: {  	[tilespmem:s0], [sflag:$0x1] =	stream.linear.gather [hbm4b:s4+s2], $0x2710, $0x38;
	[tilespmem:$0xB300] =	vst v63  }
0x1c: {  	_ =	swait.ge [sflag:s8], $0x2710  }
0x1d: {  	[sflag:s8] =	ssyncset.done $0x0  }
0x1e: {  	s30 =	simm.s32 $0x0;
	[sflag:s8] =	ssyncadd.s32 $0xFFFFD8F0  }
0x1f: {  	v2 =	vld [tilespmem:s30+$0x0]  }
0x20: {  	v3 =	vld [tilespmem:s30+$0x2780];
	_ =	sdelay $0x4  }
0x21: {  	vm0 =	vlt.s32 v2, $0x1400;
	v4 =	vadd.s32 $0xFFFFEC00, v2;
	vm1 =	vlt.s32 v3, $0x1400  }
0x22: {  	v5 =	vadd.s32 $0xFFFFEC00, v3;
	vm2 =	vmand vm0, vm1;
	v4 =	vsel vm0, v2, v4  }
0x23: {  	vm3 =	vge.s32 v3, $0x1400;
	v3 =	vsel vm1, v3, v5;
	[tilespmem:s2+$0x4F00] =	vst.msk vm2, v4  }
0x24: {  	vm4 =	vge.s32 v2, $0x1400;
	vm0 =	vmand vm0, vm3;
	v2 =	vsel vm2, $0x1, v0;
	[tilespmem:s2+$0x5B80] =	vst.msk vm2, v3  }
0x25: {  	vm1 =	vmand vm1, vm4;
	v5 =	vsel vm0, $0x1, v0;
	(xrf0) =	vadd.scan.msk.s32 $0xffff, v2;
	[tilespmem:s2+$0x6800] =	vst.msk vm0, v4  }
0x26: {  	v2 =	vsel vm1, $0x1, v0;
	(xrf0) =	vadd.scan.msk.s32 $0xffff, v5;
	[tilespmem:s2+$0x7480] =	vst.msk vm0, v3;
	vm0 =	vmand vm4, vm3  }
0x27: {  	(xrf0) =	vadd.scan.msk.s32 $0xffff, v2;
	v5 =	vsel vm0, $0x1, v0  }
0x28: {  	(xrf0) =	vadd.scan.msk.s32 $0xffff, v5  }
0x29: {  	[tilespmem:s2+$0x8100] =	vst.msk vm1, v4  }
0x2a: {  	[tilespmem:s2+$0x8D80] =	vst.msk vm1, v3  }
0x2b: {  	[tilespmem:s2+$0x9A00] =	vst.msk vm0, v4;
	v4, _, _ =	vpop (xrf0)  }
0x2c: {  	(v2sf) =	vpush v4, $0xF;
	v4, _, _ =	vpop (xrf0)  }
0x2d: {  	(v2sf) =	vpush v4, $0xF;
	v4, _, _ =	vpop (xrf0)  }
0x2e: {  	(v2sf) =	vpush v4, $0xF;
	v4, _, _ =	vpop (xrf0)  }
0x2f: {  	s31 =	simm.s32 $0x10;
	[tilespmem:s2+$0xA680] =	vst.msk vm0, v3;
	(v2sf) =	vpush v4, $0xF  }
0x30: {  	v3 =	vld [tilespmem:s31+$0x0]  }
0x31: {  	v2 =	vld [tilespmem:s31+$0x2780];
	_ =	sdelay $0x3  }
0x32: {  	vm0 =	vge.s32 v3, $0x1400;
	vm5 =	vlt.s32 v3, $0x1400  }
0x33: {  	v5 =	vadd.s32 $0xFFFFEC00, v3;
	vm6 =	vge.s32 v2, $0x1400;
	vm4 =	vlt.s32 v2, $0x1400  }
0x34: {  	v4 =	vadd.s32 $0xFFFFEC00, v2;
	vm3 =	vmand vm5, vm4;
	vm2 =	vmand vm5, vm6  }
0x35: {  	s9 =	simm.s32 $0x80;
	s29 =	simm.s32 $0x0;
	vm1 =	vmand vm4, vm0;
	vm0 =	vmand vm0, vm6;
	v9 =	vsel vm3, $0x1, v0  }
0x36: {  	s28 =	simm.s32 $0x0;
	s1 =	simm.s32 $0x0;
	s0 =	simm.s32 $0x0;
	v8 =	vsel vm2, $0x1, v0;
	v7 =	vsel vm1, $0x1, v0;
	v6 =	vsel vm0, $0x1, v0;
	(xrf0) =	vadd.scan.msk.s32 $0xffff, v9  }
.LBB2_2:
0x37: {  	p0 =	sne.s32 s9, $0x9C00  }
0x38: {  	(xrf0) =	vadd.scan.msk.s32 $0xffff, v8;
	s12 =	spop (v2sf);
	s13 =	smov.u32 s9;
	s9 =	sadd.s32 $0x40, s9  }
0x39: {  	v3 =	vsel vm5, v3, v5;
	(xrf0) =	vadd.scan.msk.s32 $0xffff, v7;
	s29 =	sadd.s32 s29, s12;
	s12 =	spop (v2sf)  }
0x3a: {  	v2 =	vsel vm4, v2, v4;
	[tilespmem:s29+$0x4F00] =	vst.msk vm3, v3;
	(xrf0) =	vadd.scan.msk.s32 $0xffff, v6;
	s28 =	sadd.s32 s28, s12;
	s12 =	spop (v2sf)  }
0x3b: {  	[tilespmem:s29+$0x5B80] =	vst.msk vm3, v2;
	s0 =	sadd.s32 s0, s12;
	s12 =	spop (v2sf)  }
0x3c: {  	[tilespmem:s28+$0x6800] =	vst.msk vm2, v3;
	s1 =	sadd.s32 s1, s12  }
0x3d: {  	[tilespmem:s28+$0x7480] =	vst.msk vm2, v2;
	v4, _, _ =	vpop (xrf0)  }
0x3e: {  	[tilespmem:s0+$0x8100] =	vst.msk vm1, v3;
	(v2sf) =	vpush v4, $0xF;
	v4, _, _ =	vpop (xrf0)  }
0x3f: {  	[tilespmem:s0+$0x8D80] =	vst.msk vm1, v2;
	(v2sf) =	vpush v4, $0xF;
	v4, _, _ =	vpop (xrf0)  }
0x40: {  	[tilespmem:s1+$0x9A00] =	vst.msk vm0, v3;
	(v2sf) =	vpush v4, $0xF;
	v3, _, _ =	vpop (xrf0)  }
0x41: {  	[tilespmem:s1+$0xA680] =	vst.msk vm0, v2;
	(v2sf) =	vpush v3, $0xF  }
0x42: {  	s12 =	sshra.s32 s13, $0x2  }
0x43: {  	v3 =	vld [tilespmem:s12+$0x0]  }
0x44: {  	v2 =	vld [tilespmem:s12+$0x2780];
	_ =	sdelay $0x3  }
.Ltmp2:
0x45: {  	vm0 =	vge.s32 v3, $0x1400;
	vm5 =	vlt.s32 v3, $0x1400;
	v5 =	vadd.s32 $0xFFFFEC00, v3;
	(pc) =	sbr.rel @p0 .LBB2_2-.Ltmp2, $4  }
0x46: {  	vm6 =	vge.s32 v2, $0x1400;
	vm4 =	vlt.s32 v2, $0x1400;
	v4 =	vadd.s32 $0xFFFFEC00, v2  }
0x47: {  	vm3 =	vmand vm5, vm4;
	vm2 =	vmand vm5, vm6;
	vm1 =	vmand vm4, vm0  }
0x48: {  	vm0 =	vmand vm0, vm6;
	v9 =	vsel vm3, $0x1, v0;
	v8 =	vsel vm2, $0x1, v0  }
0x49: {  	v7 =	vsel vm1, $0x1, v0;
	v6 =	vsel vm0, $0x1, v0;
	(xrf0) =	vadd.scan.msk.s32 $0xffff, v9  }
0x4a: {  	_ =	sdelay $0x4  }
0x4b: {  	v9, _, _ =	vpop (xrf0)  }
0x4c: {  	(v2sf) =	vpush v9, $0xF;
	_ =	sdelay $0x4  }
0x4d: {  	(xrf0) =	vadd.scan.msk.s32 $0xffff, v8  }
0x4e: {  	(xrf0) =	vadd.scan.msk.s32 $0xffff, v7  }
0x4f: {  	(xrf0) =	vadd.scan.msk.s32 $0xffff, v6;
	_ =	sdelay $0x3  }
0x50: {  	s9 =	spop (v2sf);
	v61, _, _ =	vpop (xrf0)  }
0x51: {  	s12 =	spop (v2sf);
	(v2sf) =	vpush v61, $0xF;
	v62, _, _ =	vpop (xrf0)  }
0x52: {  	s13 =	spop (v2sf);
	(v2sf) =	vpush v62, $0xF;
	v63, _, _ =	vpop (xrf0)  }
0x53: {  	s19 =	spop (v2sf);
	(v2sf) =	vpush v63, $0xF  }
0x54: {  	s15 =	sadd.s32 s29, s9;
	s17 =	spop (v2sf)  }
0x55: {  	s9 =	sadd.s32 s15, s17  }
0x56: {  	s21 =	ssub.s32 $0xC0F, s9;
	p0 =	sne.s32 s9, $0xC0F;
	s9 =	simm.s32 $0x1  }
0x57: {  	s29 =	sshra.s32 s21, $0x1F;
	s9 =	simm.s32 @!p0 $0x0  }
0x58: {  	s31 =	sand.u32 $0xF, s21;
	s30 =	sor.u32 s9, s29  }
0x59: {  	p1 =	sne.s32 s31, $0x0;
	p6 =	sne.s32 s30, $0x1  }
0x5a: {  	s31 =	sadd.s32 s0, s13;
	s13 =	sshrl.u32 s29, $0x1C;
	p0 =	por !p1, !p6  }
0x5b: {  	v3 =	vsel vm5, v3, v5;
	s0 =	sadd.s32 s13, s21;
	s13 =	simm.s32 $0x1;
	p0 =	por !p0, !p0  }
0x5c: {  	v2 =	vsel vm4, v2, v4;
	[tilespmem:s15+$0x4F00] =	vst.msk vm3, v3;
	s0 =	sshra.s32 s0, $0x4;
	s13 =	simm.s32 @!p0 $0x0  }
0x5d: {  	[tilespmem:s15+$0x5B80] =	vst.msk vm3, v2;
	s9 =	sadd.s32 s28, s12;
	s28 =	sadd.s32 s1, s19;
	s19 =	ssub.s32 s0, s13  }
0x5e: {  	[tilespmem:s9+$0x6800] =	vst.msk vm2, v3;
	p0 =	slt.s32 s19, $0x1  }
.Ltmp3:
0x5f: {  	[tilespmem:s9+$0x7480] =	vst.msk vm2, v2;
	(pc) =	sbr.rel @p0 .LBB2_6-.Ltmp3, $4  }
0x60: {  	s12 =	spop (v2sf);
	[tilespmem:s31+$0x8100] =	vst.msk vm1, v3  }
0x61: {  	s1 =	spop (v2sf);
	[tilespmem:s31+$0x8D80] =	vst.msk vm1, v2  }
0x62: {  	s29 =	spop (v2sf);
	[tilespmem:s28+$0x9A00] =	vst.msk vm0, v3  }
0x63: {  	s13 =	sadd.s32 s9, s12;
	s0 =	sadd.s32 s31, s1;
	s30 =	sadd.s32 s28, s29;
	[tilespmem:s28+$0xA680] =	vst.msk vm0, v2  }
0x64: {  	s21 =	sadd.s32 s15, s17;
	p0 =	sne.s32 s19, $0x1  }
.Ltmp4:
0x65: {  	s15 =	sshll.u32 s21, $0x2;
	(pc) =	sbr.rel @!p0 .LBB2_6-.Ltmp4, $4  }
0x66: {  	v2 =	vadd.s32 s21, v1;
	s17 =	sshra.s32 s15, $0x2  }
0x67: {  	v2 =	vand.u32 $0x7F, v2;
	s15 =	sadd.s32 $0x4F00, s17  }
0x68: {  	s17 =	sadd.s32 $0x5B80, s17;
	v2 =	vor.u32 $0x1400, v2;
	[tilespmem:s15+$0x0] =	vst v0  }
0x69: {  	s19 =	sadd.s32 $0xFFFFFFFF, s19;
	s21 =	sadd.s32 $0x10, s21;
	[tilespmem:s17+$0x0] =	vst v2  }
.LBB2_5:
0x6a: {  	v2 =	vadd.s32 s21, v1;
	p0 =	sne.s32 s19, $0x1;
	s19 =	sadd.s32 $0xFFFFFFFF, s19  }
.Ltmp5:
0x6b: {  	s15 =	sadd.s32 $0x10, s15;
	v2 =	vand.u32 $0x7F, v2;
	(pc) =	sbr.rel @p0 .LBB2_5-.Ltmp5, $3  }
0x6c: {  	s17 =	sadd.s32 $0x10, s17;
	[tilespmem:s15+$0x0] =	vst v0;
	v2 =	vor.u32 $0x1400, v2  }
0x6d: {  	[tilespmem:s17+$0x0] =	vst v2;
	_ =	sdelay $0x1  }
0x6e: {  	s21 =	sadd.s32 $0x10, s21  }
.LBB2_6:
0x6f: {  	s15 =	simm.s32 $0x4F00  }
0x70: {  	[hbm4b:s5+s10] =	stream.strided.scatter [tilespmem:s15], [sflag:$0x1], $0xC00, s11, s10, $0x38;
	[tilespmem:$0xB300] =	vst v63  }
0x71: {  	s19 =	simm.s32 $0x5B80;
	p0 =	sne.s32 s13, $0xC0F;
	_ =	swait.ge [sflag:s8], $0xC00  }
0x72: {  	s15 =	ssub.s32 $0xC0F, s13;
	s13 =	simm.s32 $0x1;
	[sflag:s8] =	ssyncset.done $0x0  }
0x73: {  	s17 =	sshra.s32 s15, $0x1F;
	s13 =	simm.s32 @!p0 $0x0;
	[sflag:s8] =	ssyncadd.s32 $0xFFFFF400  }
0x74: {  	[hbm4b:s6+s10] =	stream.strided.scatter [tilespmem:s19], [sflag:$0x1], $0xC00, s11, s10, $0x38;
	[tilespmem:$0xB300] =	vst v63  }
0x75: {  	s13 =	sor.u32 s13, s17;
	s19 =	sand.u32 $0xF, s15  }
0x76: {  	p6 =	sne.s32 s13, $0x1;
	p1 =	sne.s32 s19, $0x0  }
0x77: {  	s21 =	sshrl.u32 s17, $0x1C;
	p0 =	por !p1, !p6  }
0x78: {  	s13 =	sadd.s32 s21, s15;
	s15 =	simm.s32 $0x1;
	p0 =	por !p0, !p0  }
0x79: {  	s13 =	sshra.s32 s13, $0x4;
	s15 =	simm.s32 @!p0 $0x0  }
0x7a: {  	s13 =	ssub.s32 s13, s15  }
0x7b: {  	p0 =	slt.s32 s13, $0x1  }
.Ltmp6:
0x7c: {  	_ = 	snop;
	(pc) =	sbr.rel @p0 .LBB2_9-.Ltmp6, $4  }
0x7d: {  	_ = 	snop  }
0x7e: {  	_ =	swait.ge [sflag:s8], $0xC00  }
0x7f: {  	[sflag:s8] =	ssyncset.done $0x0  }
0x80: {  	[sflag:s8] =	ssyncadd.s32 $0xFFFFF400  }
0x81: {  	s15 =	sadd.s32 s9, s12;
	p0 =	sne.s32 s13, $0x1  }
.Ltmp7:
0x82: {  	s9 =	sshll.u32 s15, $0x2;
	(pc) =	sbr.rel @!p0 .LBB2_9-.Ltmp7, $4  }
0x83: {  	v2 =	vadd.s32 s15, v1;
	s21 =	sshra.s32 s9, $0x2  }
0x84: {  	v2 =	vand.u32 $0x7F, v2;
	s9 =	sadd.s32 $0x6800, s21  }
0x85: {  	s12 =	sadd.s32 $0x7480, s21;
	v2 =	vor.u32 $0x1400, v2;
	[tilespmem:s9+$0x0] =	vst v0  }
0x86: {  	s13 =	sadd.s32 $0xFFFFFFFF, s13;
	s15 =	sadd.s32 $0x10, s15;
	[tilespmem:s12+$0x0] =	vst v2  }
.LBB2_8:
0x87: {  	v2 =	vadd.s32 s15, v1;
	p0 =	sne.s32 s13, $0x1;
	s13 =	sadd.s32 $0xFFFFFFFF, s13  }
.Ltmp8:
0x88: {  	s9 =	sadd.s32 $0x10, s9;
	v2 =	vand.u32 $0x7F, v2;
	(pc) =	sbr.rel @p0 .LBB2_8-.Ltmp8, $3  }
0x89: {  	s12 =	sadd.s32 $0x10, s12;
	[tilespmem:s9+$0x0] =	vst v0;
	v2 =	vor.u32 $0x1400, v2  }
0x8a: {  	[tilespmem:s12+$0x0] =	vst v2;
	_ =	sdelay $0x1  }
0x8b: {  	s15 =	sadd.s32 $0x10, s15  }
.LBB2_9:
0x8c: {  	s9 =	simm.s32 $0x6800  }
0x8d: {  	s19 =	ssub.s32 $0xC0F, s0;
	p0 =	sne.s32 s0, $0xC0F;
	s0 =	simm.s32 $0x1  }
0x8e: {  	[hbm4b:s14+s10] =	stream.strided.scatter [tilespmem:s9], [sflag:$0x1], $0xC00, s11, s10, $0x38;
	[tilespmem:$0xB300] =	vst v63  }
0x8f: {  	s12 =	sshra.s32 s19, $0x1F;
	s0 =	simm.s32 @!p0 $0x0  }
0x90: {  	s13 =	sand.u32 $0xF, s19;
	s0 =	sor.u32 s0, s12  }
0x91: {  	p1 =	sne.s32 s13, $0x0;
	p6 =	sne.s32 s0, $0x1  }
0x92: {  	s21 =	sshrl.u32 s12, $0x1C;
	p0 =	por !p1, !p6  }
0x93: {  	s9 =	simm.s32 $0x1;
	s0 =	sadd.s32 s21, s19;
	p0 =	por !p0, !p0  }
0x94: {  	s0 =	sshra.s32 s0, $0x4;
	s9 =	simm.s32 @!p0 $0x0  }
0x95: {  	_ =	swait.ge [sflag:s8], $0xC00;
	s9 =	ssub.s32 s0, s9  }
0x96: {  	[sflag:s8] =	ssyncset.done $0x0;
	p0 =	slt.s32 s9, $0x1  }
.Ltmp9:
0x97: {  	s17 =	simm.s32 $0x7480;
	[sflag:s8] =	ssyncadd.s32 $0xFFFFF400;
	(pc) =	sbr.rel @p0 .LBB2_12-.Ltmp9, $4  }
0x98: {  	[hbm4b:s16+s10] =	stream.strided.scatter [tilespmem:s17], [sflag:$0x1], $0xC00, s11, s10, $0x38;
	[tilespmem:$0xB300] =	vst v63  }
0x99: {  	_ =	swait.ge [sflag:s8], $0xC00  }
0x9a: {  	[sflag:s8] =	ssyncset.done $0x0  }
0x9b: {  	[sflag:s8] =	ssyncadd.s32 $0xFFFFF400  }
0x9c: {  	s12 =	sadd.s32 s31, s1;
	p0 =	sne.s32 s9, $0x1  }
.Ltmp10:
0x9d: {  	s0 =	sshll.u32 s12, $0x2;
	(pc) =	sbr.rel @!p0 .LBB2_12-.Ltmp10, $4  }
0x9e: {  	v2 =	vadd.s32 s12, v1;
	s31 =	sshra.s32 s0, $0x2  }
0x9f: {  	v2 =	vand.u32 $0x7F, v2;
	s0 =	sadd.s32 $0x8100, s31  }
0xa0: {  	s1 =	sadd.s32 $0x8D80, s31;
	v2 =	vor.u32 $0x1400, v2;
	[tilespmem:s0+$0x0] =	vst v0  }
0xa1: {  	s9 =	sadd.s32 $0xFFFFFFFF, s9;
	s12 =	sadd.s32 $0x10, s12;
	[tilespmem:s1+$0x0] =	vst v2  }
.LBB2_11:
0xa2: {  	v2 =	vadd.s32 s12, v1;
	p0 =	sne.s32 s9, $0x1;
	s9 =	sadd.s32 $0xFFFFFFFF, s9  }
.Ltmp11:
0xa3: {  	s0 =	sadd.s32 $0x10, s0;
	v2 =	vand.u32 $0x7F, v2;
	(pc) =	sbr.rel @p0 .LBB2_11-.Ltmp11, $3  }
0xa4: {  	s1 =	sadd.s32 $0x10, s1;
	[tilespmem:s0+$0x0] =	vst v0;
	v2 =	vor.u32 $0x1400, v2  }
0xa5: {  	[tilespmem:s1+$0x0] =	vst v2;
	_ =	sdelay $0x1  }
0xa6: {  	s12 =	sadd.s32 $0x10, s12  }
.LBB2_12:
0xa7: {  	s0 =	simm.s32 $0x8100  }
0xa8: {  	s21 =	ssub.s32 $0xC0F, s30;
	p0 =	sne.s32 s30, $0xC0F;
	s1 =	simm.s32 $0x1  }
0xa9: {  	[hbm4b:s18+s10] =	stream.strided.scatter [tilespmem:s0], [sflag:$0x1], $0xC00, s11, s10, $0x38;
	[tilespmem:$0xB300] =	vst v63  }
0xaa: {  	s9 =	sshra.s32 s21, $0x1F;
	s1 =	simm.s32 @!p0 $0x0  }
0xab: {  	s12 =	sand.u32 $0xF, s21;
	s1 =	sor.u32 s1, s9  }
0xac: {  	p1 =	sne.s32 s12, $0x0;
	p6 =	sne.s32 s1, $0x1  }
0xad: {  	s31 =	sshrl.u32 s9, $0x1C;
	p0 =	por !p1, !p6  }
0xae: {  	s0 =	sadd.s32 s31, s21;
	s1 =	simm.s32 $0x1;
	p0 =	por !p0, !p0  }
0xaf: {  	s0 =	sshra.s32 s0, $0x4;
	s1 =	simm.s32 @!p0 $0x0  }
0xb0: {  	_ =	swait.ge [sflag:s8], $0xC00;
	s9 =	ssub.s32 s0, s1  }
0xb1: {  	[sflag:s8] =	ssyncset.done $0x0;
	p0 =	slt.s32 s9, $0x1  }
.Ltmp12:
0xb2: {  	s19 =	simm.s32 $0x8D80;
	[sflag:s8] =	ssyncadd.s32 $0xFFFFF400;
	(pc) =	sbr.rel @p0 .LBB2_15-.Ltmp12, $4  }
0xb3: {  	[hbm4b:s20+s10] =	stream.strided.scatter [tilespmem:s19], [sflag:$0x1], $0xC00, s11, s10, $0x38;
	[tilespmem:$0xB300] =	vst v63  }
0xb4: {  	_ =	swait.ge [sflag:s8], $0xC00  }
0xb5: {  	[sflag:s8] =	ssyncset.done $0x0  }
0xb6: {  	[sflag:s8] =	ssyncadd.s32 $0xFFFFF400  }
0xb7: {  	s12 =	sadd.s32 s28, s29;
	p0 =	sne.s32 s9, $0x1  }
.Ltmp13:
0xb8: {  	s0 =	sshll.u32 s12, $0x2;
	(pc) =	sbr.rel @!p0 .LBB2_15-.Ltmp13, $4  }
0xb9: {  	v2 =	vadd.s32 s12, v1;
	s1 =	sshra.s32 s0, $0x2  }
0xba: {  	v2 =	vand.u32 $0x7F, v2;
	s0 =	sadd.s32 $0x9A00, s1  }
0xbb: {  	s1 =	sadd.s32 $0xA680, s1;
	v2 =	vor.u32 $0x1400, v2;
	[tilespmem:s0+$0x0] =	vst v0  }
0xbc: {  	s9 =	sadd.s32 $0xFFFFFFFF, s9;
	s12 =	sadd.s32 $0x10, s12;
	[tilespmem:s1+$0x0] =	vst v2  }
.LBB2_14:
0xbd: {  	v2 =	vadd.s32 s12, v1;
	p0 =	sne.s32 s9, $0x1;
	s9 =	sadd.s32 $0xFFFFFFFF, s9  }
.Ltmp14:
0xbe: {  	s0 =	sadd.s32 $0x10, s0;
	v2 =	vand.u32 $0x7F, v2;
	(pc) =	sbr.rel @p0 .LBB2_14-.Ltmp14, $3  }
0xbf: {  	s1 =	sadd.s32 $0x10, s1;
	[tilespmem:s0+$0x0] =	vst v0;
	v2 =	vor.u32 $0x1400, v2  }
0xc0: {  	[tilespmem:s1+$0x0] =	vst v2;
	_ =	sdelay $0x1  }
0xc1: {  	s12 =	sadd.s32 $0x10, s12  }
.Ltmp15:
0xc2: {  	_ = 	snop;
	(pc) =	sbr.rel .LBB2_15-.Ltmp15, $1  }
0xc3: {  	_ =	sdelay $0x3  }
.LBB2_16:
0xc4: {  	_ =	sfence.sel $0x180000  }
0xc5: {  	[bflag:$0x0] =	sbarrier.arrive $0xFFFF  }
0xc6: {  	_ =	strace $0x9000004A  }
0xc7: {  	s0 =	stileid.u32;
	[bflag:$0x2] =	sbarrier.arrive $0xFFFF  }
0xc8: {  	p0 =	sne.s32 s0, $0x0;
	s0 =	rddreg [dreg:$0x1]  }
0xc9: {  	s0 =	sadd.s32 @!p0 $0x100000, s0  }
0xca: {  	[sflag:s0] =	ssyncadd.tile.s32 @!p0 $0x1;
	_ =	shalt  }
.Lfunc_end2:
_tile_overlayer_lowered:
.L_overlay_start_2:
0xcb: {  	(tag) =	ssettag $0x2  }
0xcc: {  	s0 =	rddreg [dreg:$0x0];
	s2 =	stileid.u32  }
0xcd: {  	s1 =	rddreg [dreg:$0x1];
	p0 =	sne.s32 s2, $0x0  }
0xce: {  	s3 =	rddreg [dreg:$0x2];
	[bflag:$0x3] =	sbarrier.arrive $0xFFFF;
	s2 =	simm.s32 @!p0 $0x1C01  }
0xcf: {  	[timem:s3], [sflag:s2] =	dma.local @!p0 [hbm:s0], s1  }
0xd0: {  	s0 =	simm.s32 @!p0 $0x1  }
0xd1: {  	_ =	swait.ge @!p0 [sflag:s0], s1  }
0xd2: {  	s1 =	ssub.s32 @!p0 $0x0, s1;
	[sflag:s0] =	ssyncset.done @!p0 $0x0  }
0xd3: {  	[sflag:s0] =	ssyncadd.s32 @!p0 s1  }
0xd4: {  	[bflag:$0x3] =	sbarrier.arrive $0xFFFF  }
0xd5: {  	_ =	shalt  }

// kernel: kernel.26.cloned.1.call-start
scs
__scs_entry_jumppad:
0x0: {  	(pc) =	sbr.rel $0x88, $3  }
0x1: {  	(tag) =	ssettag $0x0;
	lr =	simm.s32 $0x1  }
0x2: {  	[smem:$0x3F94] =	sst lr;
	_ =	strace $0xD0000000  }
0x3: {  	_ = 	snop  }
0x4: {  	_ = 	snop  }
0x5: {  	_ = 	snop  }
0x6: {  	_ = 	snop  }
0x7: {  	_ = 	snop  }
__scs_overlays_trampoline_lowered:
0x8: {  	[smem:$0x3FA3] =	sst s0  }
0x9: {  	[smem:$0x3FA4] =	sst s1  }
0xa: {  	[smem:$0x3FA5] =	sst s2  }
0xb: {  	[smem:$0x3FA6] =	sst s3  }
0xc: {  	[smem:$0x3FA7] =	sst s4  }
0xd: {  	[smem:$0x3FA8] =	sst s5  }
0xe: {  	[smem:$0x3FA9] =	sst s6  }
0xf: {  	[smem:$0x3FAA] =	sst s7  }
0x10: {  	[smem:$0x3FAB] =	sst s8  }
0x11: {  	[smem:$0x3FAC] =	sst s9;
	s0 =	simm.s32 @!p0 $0x0  }
0x12: {  	s1 =	sld [smem:$0x3F92];
	s0 =	simm.s32 @p0 $0x1  }
0x13: {  	[smem:$0x3FAD] =	sst s0;
	s0 =	simm.s32 @!p1 $0x0  }
0x14: {  	s2 =	sld [smem:$0x3F91];
	s0 =	simm.s32 @p1 $0x1  }
0x15: {  	[smem:$0x3FAE] =	sst s0;
	s0 =	simm.s32 @!p2 $0x0  }
0x16: {  	s3 =	sld [smem:$0x3FDB];
	s0 =	simm.s32 @p2 $0x1  }
0x17: {  	s4 =	simm.s32 $0x1BF5;
	[smem:$0x3FB0] =	sst s0  }
0x18: {  	s0 =	sld [smem:$0x3F93];
	_ =	swait.ge [sflag:s4], $0x0  }
0x19: {  	s7 =	sld [smem:$0x3F94]  }
0x1a: {  	s8 =	sadd.s32 $0xFFFFE003, lr  }
0x1b: {  	s9 =	sadd.s32 $0xFFFFFEF7, lr;
	s5 =	simm.s32 $0xFFFFFFFF;
	p2 =	slt.u32 s8, $0xFFFFF086  }
0x1c: {  	p1 =	slt.u32 s9, $0xF7A;
	s5 =	simm.s32 @!p2 $0x0  }
0x1d: {  	s5 =	simm.s32 @p1 $0x1;
	p0 =	seq.s32 s7, s2  }
0x1e: {  	s7 =	smul.u32 @!p0 $0xF7A, s2;
	p2 =	seq.s32 @!p0 s5, $0x0  }
0x1f: {  	s9 =	smul.u32 $0xF7A, s1;
	s8 =	simm.s32 @!p0 $0x1BF5;
	p2 =	por !p2, p0  }
0x20: {  	[sflag:s8] =	ssyncset.s32 @!p0 $0xFFFFF086;
	s6 =	sadd.s32 @!p0 s3, s7;
	s7 =	simm.s32 @!p0 $0x108  }
0x21: {  	s3 =	sadd.s32 s3, s9;
	s6 =	sadd.s32 @!p0 $0x88, s6;
	s7 =	simm.s32 @p2 $0x1082  }
0x22: {  	[simem:s7], [sflag:s8] =	dma.local @!p0 [hbm:s6], $0xF7A  }
0x23: {  	s9 =	sor.u32 $0xD0000000, s2;
	s6 =	simm.s32 $0x108;
	_ =	swait.ge @!p0 [sflag:s8], $0x0  }
0x24: {  	s3 =	sadd.s32 $0x88, s3;
	s6 =	simm.s32 @!p1 $0x1082;
	[sflag:s4] =	ssyncset.s32 $0xFFFFF086  }
0x25: {  	[simem:s6], [sflag:s4] =	dma.local [hbm:s3], $0xF7A  }
0x26: {  	[smem:$0x3F94] =	sst s1;
	(tag) =	ssettag s2;
	_ =	strace s9  }
0x27: {  	s1 =	sld [smem:$0x3FA4]  }
0x28: {  	s2 =	sld [smem:$0x3FA5]  }
0x29: {  	s4 =	sld [smem:$0x3FA7]  }
0x2a: {  	p0 =	seq.s32 s5, $0x0;
	s5 =	sld [smem:$0x3FA8]  }
0x2b: {  	s6 =	sld [smem:$0x3FA9]  }
0x2c: {  	s7 =	sld [smem:$0x3FAA]  }
0x2d: {  	s3 =	simm.s32 $0x108;
	s8 =	sld [smem:$0x3FAB]  }
0x2e: {  	s3 =	simm.s32 @!p0 $0x1082;
	s9 =	sld [smem:$0x3FAC]  }
0x2f: {  	lr =	sadd.s32 s0, s3;
	s0 =	sld [smem:$0x3FA3]  }
0x30: {  	s3 =	sld [smem:$0x3FA6]  }
0x31: {  	[smem:$0x3FAF] =	sst s10  }
0x32: {  	s10 =	sld [smem:$0x3FAD];
	_ =	sdelay $0x3  }
0x33: {  	p0 =	seq.s32 s10, $0x1;
	s10 =	sld [smem:$0x3FAF];
	_ =	sdelay $0x3  }
0x34: {  	[smem:$0x3FAF] =	sst s10  }
0x35: {  	s10 =	sld [smem:$0x3FAE];
	_ =	sdelay $0x3  }
0x36: {  	p1 =	seq.s32 s10, $0x1;
	s10 =	sld [smem:$0x3FAF];
	_ =	sdelay $0x3  }
0x37: {  	[smem:$0x3FAF] =	sst s10  }
0x38: {  	s10 =	sld [smem:$0x3FB0]  }
0x39: {  	_ = 	snop;
	(pc) =	sbr.ind lr, $3  }
0x3a: {  	_ = 	snop  }
0x3b: {  	_ = 	snop  }
0x3c: {  	p2 =	seq.s32 s10, $0x1;
	s10 =	sld [smem:$0x3FAF]  }
0x3d: {  	_ =	shalt  }
0x3e: {  	_ =	shalt  }
0x3f: {  	_ =	shalt  }
0x40: {  	_ =	shalt  }
0x41: {  	_ =	shalt  }
0x42: {  	_ =	shalt  }
0x43: {  	_ =	shalt  }
0x44: {  	_ =	shalt  }
0x45: {  	_ =	shalt  }
0x46: {  	_ =	shalt  }
0x47: {  	_ =	shalt  }
0x48: {  	_ =	shalt  }
0x49: {  	_ =	shalt  }
0x4a: {  	_ =	shalt  }
0x4b: {  	_ =	shalt  }
0x4c: {  	_ =	shalt  }
0x4d: {  	_ =	shalt  }
0x4e: {  	_ =	shalt  }
0x4f: {  	_ =	shalt  }
0x50: {  	_ =	shalt  }
0x51: {  	_ =	shalt  }
0x52: {  	_ =	shalt  }
0x53: {  	_ =	shalt  }
0x54: {  	_ =	shalt  }
0x55: {  	_ =	shalt  }
0x56: {  	_ =	shalt  }
0x57: {  	_ =	shalt  }
0x58: {  	_ =	shalt  }
0x59: {  	_ =	shalt  }
0x5a: {  	_ =	shalt  }
0x5b: {  	_ =	shalt  }
0x5c: {  	_ =	shalt  }
0x5d: {  	_ =	shalt  }
0x5e: {  	_ =	shalt  }
0x5f: {  	_ =	shalt  }
0x60: {  	_ =	shalt  }
0x61: {  	_ =	shalt  }
0x62: {  	_ =	shalt  }
0x63: {  	_ =	shalt  }
0x64: {  	_ =	shalt  }
0x65: {  	_ =	shalt  }
0x66: {  	_ =	shalt  }
0x67: {  	_ =	shalt  }
0x68: {  	_ =	shalt  }
0x69: {  	_ =	shalt  }
0x6a: {  	_ =	shalt  }
0x6b: {  	_ =	shalt  }
0x6c: {  	_ =	shalt  }
0x6d: {  	_ =	shalt  }
0x6e: {  	_ =	shalt  }
0x6f: {  	_ =	shalt  }
0x70: {  	_ =	shalt  }
0x71: {  	_ =	shalt  }
0x72: {  	_ =	shalt  }
0x73: {  	_ =	shalt  }
0x74: {  	_ =	shalt  }
0x75: {  	_ =	shalt  }
0x76: {  	_ =	shalt  }
0x77: {  	_ =	shalt  }
0x78: {  	_ =	shalt  }
0x79: {  	_ =	shalt  }
0x7a: {  	_ =	shalt  }
0x7b: {  	_ =	shalt  }
0x7c: {  	_ =	shalt  }
0x7d: {  	_ =	shalt  }
0x7e: {  	_ =	shalt  }
0x7f: {  	_ =	shalt  }
0x80: {  	_ =	shalt  }
0x81: {  	_ =	shalt  }
0x82: {  	_ =	shalt  }
0x83: {  	_ =	shalt  }
0x84: {  	_ =	shalt  }
0x85: {  	_ =	shalt  }
0x86: {  	_ =	shalt  }
0x87: {  	_ =	shalt  }
.Lfunc_end0:
.L_simem_size_0:
called_computation.2_lowered:
.L_overlay_start_0:
0x88: {  	s2 =	sld [smem:$0x3FD9]  }
0x89: {  	s3 =	sld [smem:$0x3FFE];
	_ =	sdelay $0x1  }
0x8a: {  	s1 =	srdreg.scid  }
0x8b: {  	s0 =	sand.u32 $0x1, s1  }
0x8c: {  	s16 =	sshll.u32 s0, $0xA;
	s2 =	sadd.s32 s3, s2  }
0x8d: {  	s2 =	sadd.s32 s2, s16  }
0x8e: {  	[smem:$0x3FBB] =	sst s2  }
0x8f: {  	_ = 	snop  }
0x90: {  	(tm) =	ssettm $0x1  }
0x91: {  	s17 =	sld [smem:$0x3FFB];
	_ =	sdelay $0x3  }
0x92: {  	_ =	strace s17  }
0x93: {  	s2 =	sld [smem:$0x3FFC];
	_ =	sdelay $0x3  }
0x94: {  	_ =	strace s2  }
0x95: {  	s2 =	sld [smem:$0x3FFD];
	_ =	sdelay $0x3  }
0x96: {  	_ =	strace s2  }
0x97: {  	_ =	strace $0x8FFFFFFF  }
0x98: {  	s18 =	sld [smem:$0x3FDB];
	_ =	sdelay $0x1  }
0x99: {  	s19 =	simm.s32 $_scs_section_size  }
0x9a: {  	s4 =	simm.s32 $_size__tile_overlayer_lowered;
	s5 =	simm.s32 $_tile_overlayer_lowered  }
0x9b: {  	s22 =	simm.s32 $0x1BFF;
	s21 =	sshll.u32 s5, $0x1;
	s2 =	sadd.s32 s19, s18  }
0x9c: {  	s6 =	simm.s32 $0x0;
	s20 =	sshll.u32 s4, $0x1;
	s4 =	sadd.s32 s21, s2  }
0x9d: {  	[timem:s6], [sflag:s22] =	dma.local [hbm:s4], s20  }
0x9e: {  	_ =	swait.ge [sflag:s22], s20  }
0x9f: {  	s3 =	ssub.s32 $0x0, s20;
	[sflag:s22] =	ssyncset.done $0x0  }
0xa0: {  	[sflag:s22] =	ssyncadd.s32 s3;
	_ =	sdelay $0x1  }
0xa1: {  	s23 =	simm.s32 $0x1B8B  }
0xa2: {  	_ =	swait.ge [sflag:s23], $0x1  }
0xa3: {  	[sflag:s23] =	ssyncset.done $0x0  }
0xa4: {  	s25 =	simm.s32 $0x1B8E;
	s24 =	sld [smem:$0x3FFE];
	[sflag:s23] =	ssyncadd.s32 $0xFFFFFFFF  }
0xa5: {  	s26 =	simm.s32 $execute0_lowered;
	[smem:$0x3FD2] =	sst s25  }
0xa6: {  	s4 =	sshll.u32 s26, $0x1;
	_ =	strace $0x8000004C;
	[dreg:$0x1] =	wrdreg $0xFFFFFFFF  }
0xa7: {  	s28 =	simm.s32 $_size_execute0_lowered;
	s2 =	sadd.s32 s2, s4;
	[dreg:$0x0] =	wrdreg $0x0  }
0xa8: {  	s4 =	sshll.u32 s28, $0x1;
	[dreg:$0x2] =	wrdreg s2  }
0xa9: {  	[dreg:$0x3] =	wrdreg s4  }
0xaa: {  	[dreg:$0x4] =	wrdreg $0xC0  }
0xab: {  	_ =	task [dreg:s6], $0x5FFFF  }
0xac: {  	[dreg:$0x1] =	wrdreg $0xFFFFFFFF  }
0xad: {  	[dreg:$0x0] =	wrdreg $0x60  }
0xae: {  	[dreg:$0x2] =	wrdreg s24  }
0xaf: {  	[dreg:$0x3] =	wrdreg $0xB0000  }
0xb0: {  	[dreg:$0x4] =	wrdreg $0x158000  }
0xb1: {  	[dreg:$0x5] =	wrdreg $0x9  }
0xb2: {  	_ =	task.clear_ibuf [dreg:s6], $0x6FFFF;
	_ =	strace $0x9000004C  }
0xb3: {  	s29 =	simm.s32 $0x9;
	_ =	strace $0x8000004E  }
0xb4: {  	_ =	swait.ge [sflag:s29], $0x1  }
0xb5: {  	[sflag:s29] =	ssyncadd.s32 $0xFFFFFFFF  }
0xb6: {  	_ =	strace $0x9000004E  }
0xb7: {  	_ =	sfence  }
0xb8: {  	s30 =	sld [smem:$0x0];
	_ =	sdelay $0x2  }
0xb9: {  	s31 =	sshll.u32 s1, $0xD;
	s1 =	sshrl.u32 s1, $0x2  }
0xba: {  	s3 =	sand.u32 $0x4000, s31;
	s1 =	sadd.s32 s1, s30  }
0xbb: {  	s0 =	sor.u32 s3, s0;
	s1 =	sshll.u32 s1, $0x11  }
0xbc: {  	s0 =	sor.u32 s1, s0  }
0xbd: {  	s0 =	sadd.s32 $0x8F2B, s0  }
0xbe: {  	[sflag:s0] =	ssyncadd.remote.s32 $0x1  }
0xbf: {  	_ =	sfence.sel $0xFFFF  }
0xc0: {  	[dreg:$0x0] =	wrdreg $0xFFFFFFFF;
	(pc) =	sbr.abs _section_cstart, $3  }
0xc1: {  	[dreg:$0x1] =	wrdreg $0xFFFFFFFF  }
0xc2: {  	_ =	task.clear_ibuf [dreg:s6], $0x2FFFF;
	_ =	strace $0x9FFFFFFF  }
0xc3: {  	(tm) =	ssettm $0x7FFFFFFF  }
tec
execute0_lowered:
.L_overlay_start_1:
0x0: {  	(tag) =	ssettag $0x1  }
0x1: {  	s8 =	rddreg [dreg:$0x0]  }
0x2: {  	s2 =	rddreg [dreg:$0x1];
	s0 =	stileid.u32  }
0x3: {  	s3 =	rddreg [dreg:$0x2];
	s4 =	simm.s32 $0x0;
	s19 =	smul.u32 $0x1400, s0  }
0x4: {  	s5 =	srdreg.scid;
	s18 =	simm.s32 $0x1;
	s12 =	smul.u32 $0x2A000, s0  }
0x5: {  	s26 =	simm.s32 $0x2F80;
	s28 =	simm.s32 $0x0;
	s15 =	smul.u32 $0x28000, s0  }
0x6: {  	[smem:$0x7FF] =	sst s4;
	s6 =	sand.u32 $0x1, s5;
	s22 =	smul.u32 $0x300, s0  }
0x7: {  	s10 =	sadd.s32 $0x64000, s8;
	s11 =	sadd.s32 $0x5600, s8;
	s25 =	smul.u32 $0x1500, s0  }
0x8: {  	s5 =	sadd.s32 $0x11600, s8;
	s16 =	sshll.u32 s0, $0x6;
	s9 =	smul.u32 $0x15000, s6  }
0x9: {  	s20 =	sadd.s32 $0x50000, s8;
	_ =	strace $0x8000004D;
	s29 =	smul.u32 $0x3000, s6  }
0xa: {  	s13 =	ssub.s32 $0x2, s6;
	s17 =	smul.u32 $0x18000, s6;
	s6 =	sor.u32 $0x1C03, s16  }
0xb: {  	s16 =	simm.s32 $0x3000;
	s7 =	sadd.s32 s19, s8;
	s14 =	sshrl.u32 s13, $0x1  }
0xc: {  	s12 =	sshrl.u32 s12, $0x2;
	s15 =	sshrl.u32 s15, $0x2;
	s19 =	sadd.s32 s19, s20  }
0xd: {  	s20 =	simm.s32 $0x2;
	s9 =	sadd.s32 s9, s8;
	s13 =	ssub.s32 s13, s14  }
0xe: {  	s12 =	sadd.s32 s12, s2;
	s15 =	sadd.s32 s15, s3;
	s7 =	sadd.s32 $0x3C000, s7  }
0xf: {  	s30 =	sadd.s32 s10, s29;
	s17 =	sshrl.u32 s17, $0x3;
	s14 =	sadd.s32 s11, s29  }
0x10: {  	s31 =	sadd.s32 $0x6000, s17;
	s24 =	sadd.s32 $0x70000, s9;
	s8 =	smax.u32 s13, $0x1  }
0x11: {  	s9 =	sshrl.u32 s12, $0x3;
	s12 =	sadd.s32 s22, s30;
	s13 =	sadd.s32 s22, s14  }
0x12: {  	s14 =	simm.s32 $0x1800;
	s17 =	simm.s32 $0x7000;
	s21 =	sadd.s32 s10, s31  }
0x13: {  	s23 =	sadd.s32 s11, s31;
	s10 =	simm.s32 $0x3;
	s11 =	sshrl.u32 s15, $0x3  }
0x14: {  	s15 =	simm.s32 $0x80;
	s24 =	sadd.s32 s25, s24;
	s25 =	simm.s32 $0x2F00  }
0x15: {  	s21 =	sadd.s32 s22, s21;
	s22 =	sadd.s32 s22, s23;
	s23 =	simm.s32 $0x1780  }
.LBB2_1:
0x16: {  	[spmem:s9], [sflag:s6] =	dma.local [hbm:s5], $0x1500  }
0x17: {  	_ =	swait.ge [sflag:s10], $0x1500  }
0x18: {  	[sflag:s10] =	ssyncset.done $0x0  }
0x19: {  	[sflag:s10] =	ssyncadd.s32 $0xFFFFEB00  }
0x1a: {  	[spmem:s11], [sflag:s6] =	dma.local [hbm:s7], $0x1400  }
0x1b: {  	_ =	swait.ge [sflag:s10], $0x1400  }
0x1c: {  	[sflag:s10] =	ssyncset.done $0x0  }
0x1d: {  	[sflag:s10] =	ssyncadd.s32 $0xFFFFEC00  }
0x1e: {  	[bflag:$0x0] =	sbarrier.arrive $0xFFFF  }
0x1f: {  	[tilespmem:s4], [sflag:$0x3] =	stream.linear.gather [hbm4b:s12+s4], $0x1800, $0x38;
	[tilespmem:$0x1F800] =	vst v63  }
0x20: {  	_ =	swait.ge [sflag:s10], $0x1800  }
0x21: {  	[sflag:s10] =	ssyncset.done $0x0  }
0x22: {  	[sflag:s10] =	ssyncadd.s32 $0xFFFFE800  }
0x23: {  	[tilespmem:s14], [sflag:$0x3] =	stream.linear.gather [hbm4b:s13+s4], $0x1800, $0x38;
	[tilespmem:$0x1F800] =	vst v63  }
0x24: {  	_ =	swait.ge [sflag:s10], $0x1800  }
0x25: {  	[sflag:s10] =	ssyncset.done $0x0  }
0x26: {  	[sflag:s10] =	ssyncadd.s32 $0xFFFFE800  }
0x27: {  	[tilespmem:s16], [sflag:$0x1] =	stream.indirect.gather [spmem:s3], $0x80, s4, s15, $0xb8;
	[tilespmem:$0x1F800] =	vst v63  }
0x28: {  	s29 =	simm.s32 $0x80  }
0x29: {  	[tilespmem:s17], [sflag:$0x2] =	stream.indirect.gather [spmem:s3], $0x80, s29, s15, $0xb8;
	[tilespmem:$0x1F800] =	vst v63  }
0x2a: {  	_ =	swait.ge [sflag:s18], $0x4000  }
0x2b: {  	[sflag:s18] =	ssyncset.done $0x0  }
0x2c: {  	s29 =	simm.s32 $0x1800;
	[sflag:s18] =	ssyncadd.s32 $0xFFFFC000  }
0x2d: {  	[spmem:s2] =	stream.indirect.scatter.add.f32 [tilespmem:s16], [sflag:$0x3], $0x80, s29, s15, $0xb8;
	[tilespmem:$0x1F800] =	vst v63  }
0x2e: {  	_ =	swait.ge [sflag:s10], $0x4000  }
0x2f: {  	[sflag:s10] =	ssyncset.done $0x0  }
0x30: {  	s29 =	simm.s32 $0x100;
	[sflag:s10] =	ssyncadd.s32 $0xFFFFC000  }
0x31: {  	[tilespmem:s16], [sflag:$0x1] =	stream.indirect.gather [spmem:s3], $0x80, s29, s15, $0xb8;
	[tilespmem:$0x1F800] =	vst v63  }
0x32: {  	_ =	swait.ge [sflag:s20], $0x4000  }
0x33: {  	[sflag:s20] =	ssyncset.done $0x0  }
0x34: {  	s29 =	simm.s32 $0x1880;
	[sflag:s20] =	ssyncadd.s32 $0xFFFFC000  }
0x35: {  	[spmem:s2] =	stream.indirect.scatter.add.f32 [tilespmem:s17], [sflag:$0x3], $0x80, s29, s15, $0xb8;
	[tilespmem:$0x1F800] =	vst v63  }
0x36: {  	_ =	swait.ge [sflag:s10], $0x4000  }
0x37: {  	s30 =	simm.s32 $0x800;
	s29 =	simm.s32 $0x100;
	[sflag:s10] =	ssyncset.done $0x0  }
.LBB2_2:
0x38: {  	s31 =	sadd.s32 $0x80, s29  }
0x39: {  	[sflag:s10] =	ssyncadd.s32 $0xFFFFC000;
	s0 =	smov.u32 s30;
	s1 =	sadd.s32 $0x400, s30  }
0x3a: {  	[tilespmem:s17], [sflag:$0x2] =	stream.indirect.gather [spmem:s3], $0x80, s31, s15, $0xb8;
	[tilespmem:$0x1F800] =	vst v63  }
0x3b: {  	p0 =	sne.s32 s30, $0x5800;
	_ =	swait.ge [sflag:s18], $0x4000  }
0x3c: {  	[sflag:s18] =	ssyncset.done $0x0  }
0x3d: {  	s30 =	sadd.s32 $0x1800, s29;
	[sflag:s18] =	ssyncadd.s32 $0xFFFFC000  }
0x3e: {  	[spmem:s2] =	stream.indirect.scatter.add.f32 [tilespmem:s16], [sflag:$0x3], $0x80, s30, s15, $0xb8;
	[tilespmem:$0x1F800] =	vst v63  }
0x3f: {  	_ =	swait.ge [sflag:s10], $0x4000  }
0x40: {  	[sflag:s10] =	ssyncset.done $0x0  }
0x41: {  	s30 =	sadd.s32 $0x100, s29;
	[sflag:s10] =	ssyncadd.s32 $0xFFFFC000  }
0x42: {  	[tilespmem:s16], [sflag:$0x1] =	stream.indirect.gather [spmem:s3], $0x80, s30, s15, $0xb8;
	[tilespmem:$0x1F800] =	vst v63  }
0x43: {  	_ =	swait.ge [sflag:s20], $0x4000  }
.Ltmp0:
0x44: {  	[sflag:s20] =	ssyncset.done $0x0;
	(pc) =	sbr.rel @p0 .LBB2_2-.Ltmp0, $4  }
0x45: {  	s29 =	sadd.s32 $0x1880, s29;
	[sflag:s20] =	ssyncadd.s32 $0xFFFFC000  }
0x46: {  	[spmem:s2] =	stream.indirect.scatter.add.f32 [tilespmem:s17], [sflag:$0x3], $0x80, s29, s15, $0xb8;
	[tilespmem:$0x1F800] =	vst v63  }
0x47: {  	_ =	swait.ge [sflag:s10], $0x4000  }
0x48: {  	s30 =	smov.u32 s1;
	s29 =	sshra.s32 s0, $0x2;
	[sflag:s10] =	ssyncset.done $0x0  }
0x49: {  	s0 =	sadd.s32 $0x80, s29;
	[sflag:s10] =	ssyncadd.s32 $0xFFFFC000  }
0x4a: {  	[tilespmem:s17], [sflag:$0x2] =	stream.indirect.gather [spmem:s3], $0x80, s0, s15, $0xb8;
	[tilespmem:$0x1F800] =	vst v63  }
0x4b: {  	_ =	swait.ge [sflag:s18], $0x4000  }
0x4c: {  	[sflag:s18] =	ssyncset.done $0x0  }
0x4d: {  	s1 =	sadd.s32 $0x1800, s29;
	[sflag:s18] =	ssyncadd.s32 $0xFFFFC000  }
0x4e: {  	[spmem:s2] =	stream.indirect.scatter.add.f32 [tilespmem:s16], [sflag:$0x3], $0x80, s1, s15, $0xb8;
	[tilespmem:$0x1F800] =	vst v63  }
0x4f: {  	_ =	swait.ge [sflag:s10], $0x4000  }
0x50: {  	[sflag:s10] =	ssyncset.done $0x0  }
0x51: {  	s31 =	sadd.s32 $0x100, s29;
	[sflag:s10] =	ssyncadd.s32 $0xFFFFC000  }
0x52: {  	[tilespmem:s16], [sflag:$0x1] =	stream.indirect.gather [spmem:s3], $0x80, s31, s15, $0xb8;
	[tilespmem:$0x1F800] =	vst v63  }
0x53: {  	_ =	swait.ge [sflag:s20], $0x4000  }
0x54: {  	[sflag:s20] =	ssyncset.done $0x0  }
0x55: {  	s1 =	sadd.s32 $0x1880, s29;
	[sflag:s20] =	ssyncadd.s32 $0xFFFFC000  }
0x56: {  	[spmem:s2] =	stream.indirect.scatter.add.f32 [tilespmem:s17], [sflag:$0x3], $0x80, s1, s15, $0xb8;
	[tilespmem:$0x1F800] =	vst v63  }
0x57: {  	_ =	swait.ge [sflag:s10], $0x4000  }
0x58: {  	[sflag:s10] =	ssyncset.done $0x0  }
0x59: {  	[sflag:s10] =	ssyncadd.s32 $0xFFFFC000  }
0x5a: {  	[tilespmem:s17], [sflag:$0x2] =	stream.indirect.gather [spmem:s3], $0x80, s23, s15, $0xb8;
	[tilespmem:$0x1F800] =	vst v63  }
0x5b: {  	_ =	swait.ge [sflag:s18], $0x4000  }
0x5c: {  	[sflag:s18] =	ssyncset.done $0x0  }
0x5d: {  	[sflag:s18] =	ssyncadd.s32 $0xFFFFC000  }
0x5e: {  	[spmem:s2] =	stream.indirect.scatter.add.f32 [tilespmem:s16], [sflag:$0x3], $0x80, s25, s15, $0xb8;
	[tilespmem:$0x1F800] =	vst v63  }
0x5f: {  	_ =	swait.ge [sflag:s10], $0x4000  }
0x60: {  	[sflag:s10] =	ssyncset.done $0x0  }
0x61: {  	[sflag:s10] =	ssyncadd.s32 $0xFFFFC000  }
0x62: {  	_ =	swait.ge [sflag:s20], $0x4000  }
0x63: {  	[sflag:s20] =	ssyncset.done $0x0  }
0x64: {  	[sflag:s20] =	ssyncadd.s32 $0xFFFFC000  }
0x65: {  	[spmem:s2] =	stream.indirect.scatter.add.f32 [tilespmem:s17], [sflag:$0x3], $0x80, s26, s15, $0xb8;
	[tilespmem:$0x1F800] =	vst v63  }
0x66: {  	_ =	swait.ge [sflag:s10], $0x4000  }
0x67: {  	[sflag:s10] =	ssyncset.done $0x0  }
0x68: {  	[sflag:s10] =	ssyncadd.s32 $0xFFFFC000  }
0x69: {  	[bflag:$0x0] =	sbarrier.arrive $0xFFFF  }
0x6a: {  	[spmem:s11], [sflag:s6] =	dma.local [hbm:s19], $0x1400  }
0x6b: {  	_ =	swait.ge [sflag:s10], $0x1400  }
0x6c: {  	[sflag:s10] =	ssyncset.done $0x0  }
0x6d: {  	[sflag:s10] =	ssyncadd.s32 $0xFFFFEC00  }
0x6e: {  	s31 =	simm.s32 $0x0;
	[bflag:$0x0] =	sbarrier.arrive $0xFFFF  }
0x6f: {  	[tilespmem:s31], [sflag:$0x3] =	stream.linear.gather [hbm4b:s21+s31], $0x1800, $0x38;
	[tilespmem:$0x1F800] =	vst v63  }
0x70: {  	_ =	swait.ge [sflag:s10], $0x1800  }
0x71: {  	[sflag:s10] =	ssyncset.done $0x0  }
0x72: {  	[sflag:s10] =	ssyncadd.s32 $0xFFFFE800  }
0x73: {  	[tilespmem:s14], [sflag:$0x3] =	stream.linear.gather [hbm4b:s22+s31], $0x1800, $0x38;
	[tilespmem:$0x1F800] =	vst v63  }
0x74: {  	_ =	swait.ge [sflag:s10], $0x1800  }
0x75: {  	[sflag:s10] =	ssyncset.done $0x0  }
0x76: {  	[sflag:s10] =	ssyncadd.s32 $0xFFFFE800  }
0x77: {  	[tilespmem:s16], [sflag:$0x1] =	stream.indirect.gather [spmem:s3], $0x80, s31, s15, $0xb8;
	[tilespmem:$0x1F800] =	vst v63  }
0x78: {  	s1 =	simm.s32 $0x80  }
0x79: {  	[tilespmem:s17], [sflag:$0x2] =	stream.indirect.gather [spmem:s3], $0x80, s1, s15, $0xb8;
	[tilespmem:$0x1F800] =	vst v63  }
0x7a: {  	_ =	swait.ge [sflag:s18], $0x4000  }
0x7b: {  	[sflag:s18] =	ssyncset.done $0x0  }
0x7c: {  	s31 =	simm.s32 $0x1800;
	[sflag:s18] =	ssyncadd.s32 $0xFFFFC000  }
0x7d: {  	[spmem:s2] =	stream.indirect.scatter.add.f32 [tilespmem:s16], [sflag:$0x3], $0x80, s31, s15, $0xb8;
	[tilespmem:$0x1F800] =	vst v63  }
0x7e: {  	_ =	swait.ge [sflag:s10], $0x4000  }
0x7f: {  	[sflag:s10] =	ssyncset.done $0x0  }
0x80: {  	s1 =	simm.s32 $0x100;
	[sflag:s10] =	ssyncadd.s32 $0xFFFFC000  }
0x81: {  	[tilespmem:s16], [sflag:$0x1] =	stream.indirect.gather [spmem:s3], $0x80, s1, s15, $0xb8;
	[tilespmem:$0x1F800] =	vst v63  }
0x82: {  	_ =	swait.ge [sflag:s20], $0x4000  }
0x83: {  	[sflag:s20] =	ssyncset.done $0x0  }
0x84: {  	s31 =	simm.s32 $0x1880;
	[sflag:s20] =	ssyncadd.s32 $0xFFFFC000  }
0x85: {  	[spmem:s2] =	stream.indirect.scatter.add.f32 [tilespmem:s17], [sflag:$0x3], $0x80, s31, s15, $0xb8;
	[tilespmem:$0x1F800] =	vst v63  }
0x86: {  	_ =	swait.ge [sflag:s10], $0x4000  }
0x87: {  	s30 =	simm.s32 $0x800;
	s29 =	simm.s32 $0x100;
	[sflag:s10] =	ssyncset.done $0x0  }
.LBB2_4:
0x88: {  	s0 =	sadd.s32 $0x80, s29  }
0x89: {  	[sflag:s10] =	ssyncadd.s32 $0xFFFFC000;
	s1 =	smov.u32 s30;
	s31 =	sadd.s32 $0x400, s30  }
0x8a: {  	[tilespmem:s17], [sflag:$0x2] =	stream.indirect.gather [spmem:s3], $0x80, s0, s15, $0xb8;
	[tilespmem:$0x1F800] =	vst v63  }
0x8b: {  	p0 =	sne.s32 s30, $0x5800;
	_ =	swait.ge [sflag:s18], $0x4000  }
0x8c: {  	[sflag:s18] =	ssyncset.done $0x0  }
0x8d: {  	s0 =	sadd.s32 $0x1800, s29;
	[sflag:s18] =	ssyncadd.s32 $0xFFFFC000  }
0x8e: {  	[spmem:s2] =	stream.indirect.scatter.add.f32 [tilespmem:s16], [sflag:$0x3], $0x80, s0, s15, $0xb8;
	[tilespmem:$0x1F800] =	vst v63  }
0x8f: {  	_ =	swait.ge [sflag:s10], $0x4000  }
0x90: {  	[sflag:s10] =	ssyncset.done $0x0  }
0x91: {  	s0 =	sadd.s32 $0x100, s29;
	[sflag:s10] =	ssyncadd.s32 $0xFFFFC000  }
0x92: {  	[tilespmem:s16], [sflag:$0x1] =	stream.indirect.gather [spmem:s3], $0x80, s0, s15, $0xb8;
	[tilespmem:$0x1F800] =	vst v63  }
0x93: {  	_ =	swait.ge [sflag:s20], $0x4000  }
.Ltmp1:
0x94: {  	[sflag:s20] =	ssyncset.done $0x0;
	(pc) =	sbr.rel @p0 .LBB2_4-.Ltmp1, $4  }
0x95: {  	s0 =	sadd.s32 $0x1880, s29;
	[sflag:s20] =	ssyncadd.s32 $0xFFFFC000  }
0x96: {  	[spmem:s2] =	stream.indirect.scatter.add.f32 [tilespmem:s17], [sflag:$0x3], $0x80, s0, s15, $0xb8;
	[tilespmem:$0x1F800] =	vst v63  }
0x97: {  	_ =	swait.ge [sflag:s10], $0x4000  }
0x98: {  	s30 =	smov.u32 s31;
	s29 =	sshra.s32 s1, $0x2;
	[sflag:s10] =	ssyncset.done $0x0  }
0x99: {  	s0 =	sadd.s32 $0x80, s29;
	[sflag:s10] =	ssyncadd.s32 $0xFFFFC000  }
0x9a: {  	[tilespmem:s17], [sflag:$0x2] =	stream.indirect.gather [spmem:s3], $0x80, s0, s15, $0xb8;
	[tilespmem:$0x1F800] =	vst v63  }
0x9b: {  	_ =	swait.ge [sflag:s18], $0x4000  }
0x9c: {  	[sflag:s18] =	ssyncset.done $0x0  }
0x9d: {  	s1 =	sadd.s32 $0x1800, s29;
	[sflag:s18] =	ssyncadd.s32 $0xFFFFC000  }
0x9e: {  	[spmem:s2] =	stream.indirect.scatter.add.f32 [tilespmem:s16], [sflag:$0x3], $0x80, s1, s15, $0xb8;
	[tilespmem:$0x1F800] =	vst v63  }
0x9f: {  	_ =	swait.ge [sflag:s10], $0x4000  }
0xa0: {  	[sflag:s10] =	ssyncset.done $0x0  }
0xa1: {  	s30 =	sadd.s32 $0x100, s29;
	[sflag:s10] =	ssyncadd.s32 $0xFFFFC000  }
0xa2: {  	[tilespmem:s16], [sflag:$0x1] =	stream.indirect.gather [spmem:s3], $0x80, s30, s15, $0xb8;
	[tilespmem:$0x1F800] =	vst v63  }
0xa3: {  	_ =	swait.ge [sflag:s20], $0x4000  }
0xa4: {  	[sflag:s20] =	ssyncset.done $0x0  }
0xa5: {  	s31 =	sadd.s32 $0x1880, s29;
	[sflag:s20] =	ssyncadd.s32 $0xFFFFC000  }
0xa6: {  	[spmem:s2] =	stream.indirect.scatter.add.f32 [tilespmem:s17], [sflag:$0x3], $0x80, s31, s15, $0xb8;
	[tilespmem:$0x1F800] =	vst v63  }
0xa7: {  	_ =	swait.ge [sflag:s10], $0x4000  }
0xa8: {  	[sflag:s10] =	ssyncset.done $0x0  }
0xa9: {  	[sflag:s10] =	ssyncadd.s32 $0xFFFFC000  }
0xaa: {  	[tilespmem:s17], [sflag:$0x2] =	stream.indirect.gather [spmem:s3], $0x80, s23, s15, $0xb8;
	[tilespmem:$0x1F800] =	vst v63  }
0xab: {  	_ =	swait.ge [sflag:s18], $0x4000  }
0xac: {  	[sflag:s18] =	ssyncset.done $0x0  }
0xad: {  	[sflag:s18] =	ssyncadd.s32 $0xFFFFC000  }
0xae: {  	[spmem:s2] =	stream.indirect.scatter.add.f32 [tilespmem:s16], [sflag:$0x3], $0x80, s25, s15, $0xb8;
	[tilespmem:$0x1F800] =	vst v63  }
0xaf: {  	_ =	swait.ge [sflag:s10], $0x4000  }
0xb0: {  	[sflag:s10] =	ssyncset.done $0x0  }
0xb1: {  	[sflag:s10] =	ssyncadd.s32 $0xFFFFC000  }
0xb2: {  	_ =	swait.ge [sflag:s20], $0x4000  }
0xb3: {  	[sflag:s20] =	ssyncset.done $0x0  }
0xb4: {  	[sflag:s20] =	ssyncadd.s32 $0xFFFFC000  }
0xb5: {  	[spmem:s2] =	stream.indirect.scatter.add.f32 [tilespmem:s17], [sflag:$0x3], $0x80, s26, s15, $0xb8;
	[tilespmem:$0x1F800] =	vst v63  }
0xb6: {  	_ =	swait.ge [sflag:s10], $0x4000  }
0xb7: {  	s28 =	sadd.s32 $0x1, s28;
	[sflag:s10] =	ssyncset.done $0x0  }
0xb8: {  	p0 =	sne.s32 s28, s8;
	[sflag:s10] =	ssyncadd.s32 $0xFFFFC000  }
.Ltmp2:
0xb9: {  	[bflag:$0x0] =	sbarrier.arrive $0xFFFF;
	(pc) =	sbr.rel @p0 .LBB2_1-.Ltmp2, $4  }
0xba: {  	[hbm:s24], [sflag:s6] =	dma.local [spmem:s9], $0x1500  }
0xbb: {  	_ =	swait.ge [sflag:s10], $0x1500  }
0xbc: {  	[sflag:s10] =	ssyncset.done $0x0  }
0xbd: {  	[sflag:s10] =	ssyncadd.s32 $0xFFFFEB00  }
0xbe: {  	_ =	sfence.sel $0x180000  }
0xbf: {  	[bflag:$0x0] =	sbarrier.arrive $0xFFFF  }
0xc0: {  	_ =	strace $0x9000004D  }
0xc1: {  	s0 =	stileid.u32;
	[bflag:$0x2] =	sbarrier.arrive $0xFFFF  }
0xc2: {  	p0 =	sne.s32 s0, $0x0;
	s0 =	rddreg [dreg:$0x3]  }
0xc3: {  	s0 =	sadd.s32 @!p0 $0x100000, s0  }
0xc4: {  	[sflag:s0] =	ssyncadd.tile.s32 @!p0 $0x1;
	_ =	shalt  }
.Lfunc_end2:
_tile_overlayer_lowered:
.L_overlay_start_2:
0xc5: {  	(tag) =	ssettag $0x2  }
0xc6: {  	s0 =	rddreg [dreg:$0x0];
	s2 =	stileid.u32  }
0xc7: {  	s1 =	rddreg [dreg:$0x1];
	p0 =	sne.s32 s2, $0x0  }
0xc8: {  	s3 =	rddreg [dreg:$0x2];
	[bflag:$0x3] =	sbarrier.arrive $0xFFFF;
	s2 =	simm.s32 @!p0 $0x1C03  }
0xc9: {  	[timem:s3], [sflag:s2] =	dma.local @!p0 [hbm:s0], s1  }
0xca: {  	s0 =	simm.s32 @!p0 $0x3  }
0xcb: {  	_ =	swait.ge @!p0 [sflag:s0], s1  }
0xcc: {  	s1 =	ssub.s32 @!p0 $0x0, s1;
	[sflag:s0] =	ssyncset.done @!p0 $0x0  }
0xcd: {  	[sflag:s0] =	ssyncadd.s32 @!p0 s1  }
0xce: {  	[bflag:$0x3] =	sbarrier.arrive $0xFFFF  }
0xcf: {  	_ =	shalt  }

// kernel: kernel.29.cloned.1.call-start
scs
__scs_entry_jumppad:
0x0: {  	(pc) =	sbr.rel $0x88, $3  }
0x1: {  	(tag) =	ssettag $0x0;
	lr =	simm.s32 $0x1  }
0x2: {  	[smem:$0x3F94] =	sst lr;
	_ =	strace $0xD0000000  }
0x3: {  	_ = 	snop  }
0x4: {  	_ = 	snop  }
0x5: {  	_ = 	snop  }
0x6: {  	_ = 	snop  }
0x7: {  	_ = 	snop  }
__scs_overlays_trampoline_lowered:
0x8: {  	[smem:$0x3FA3] =	sst s0  }
0x9: {  	[smem:$0x3FA4] =	sst s1  }
0xa: {  	[smem:$0x3FA5] =	sst s2  }
0xb: {  	[smem:$0x3FA6] =	sst s3  }
0xc: {  	[smem:$0x3FA7] =	sst s4  }
0xd: {  	[smem:$0x3FA8] =	sst s5  }
0xe: {  	[smem:$0x3FA9] =	sst s6  }
0xf: {  	[smem:$0x3FAA] =	sst s7  }
0x10: {  	[smem:$0x3FAB] =	sst s8  }
0x11: {  	[smem:$0x3FAC] =	sst s9;
	s0 =	simm.s32 @!p0 $0x0  }
0x12: {  	s1 =	sld [smem:$0x3F92];
	s0 =	simm.s32 @p0 $0x1  }
0x13: {  	[smem:$0x3FAD] =	sst s0;
	s0 =	simm.s32 @!p1 $0x0  }
0x14: {  	s2 =	sld [smem:$0x3F91];
	s0 =	simm.s32 @p1 $0x1  }
0x15: {  	[smem:$0x3FAE] =	sst s0;
	s0 =	simm.s32 @!p2 $0x0  }
0x16: {  	s3 =	sld [smem:$0x3FDB];
	s0 =	simm.s32 @p2 $0x1  }
0x17: {  	s4 =	simm.s32 $0x1BF5;
	[smem:$0x3FB0] =	sst s0  }
0x18: {  	s0 =	sld [smem:$0x3F93];
	_ =	swait.ge [sflag:s4], $0x0  }
0x19: {  	s7 =	sld [smem:$0x3F94]  }
0x1a: {  	s8 =	sadd.s32 $0xFFFFE003, lr  }
0x1b: {  	s9 =	sadd.s32 $0xFFFFFEF7, lr;
	s5 =	simm.s32 $0xFFFFFFFF;
	p2 =	slt.u32 s8, $0xFFFFF086  }
0x1c: {  	p1 =	slt.u32 s9, $0xF7A;
	s5 =	simm.s32 @!p2 $0x0  }
0x1d: {  	s5 =	simm.s32 @p1 $0x1;
	p0 =	seq.s32 s7, s2  }
0x1e: {  	s7 =	smul.u32 @!p0 $0xF7A, s2;
	p2 =	seq.s32 @!p0 s5, $0x0  }
0x1f: {  	s9 =	smul.u32 $0xF7A, s1;
	s8 =	simm.s32 @!p0 $0x1BF5;
	p2 =	por !p2, p0  }
0x20: {  	[sflag:s8] =	ssyncset.s32 @!p0 $0xFFFFF086;
	s6 =	sadd.s32 @!p0 s3, s7;
	s7 =	simm.s32 @!p0 $0x108  }
0x21: {  	s3 =	sadd.s32 s3, s9;
	s6 =	sadd.s32 @!p0 $0x88, s6;
	s7 =	simm.s32 @p2 $0x1082  }
0x22: {  	[simem:s7], [sflag:s8] =	dma.local @!p0 [hbm:s6], $0xF7A  }
0x23: {  	s9 =	sor.u32 $0xD0000000, s2;
	s6 =	simm.s32 $0x108;
	_ =	swait.ge @!p0 [sflag:s8], $0x0  }
0x24: {  	s3 =	sadd.s32 $0x88, s3;
	s6 =	simm.s32 @!p1 $0x1082;
	[sflag:s4] =	ssyncset.s32 $0xFFFFF086  }
0x25: {  	[simem:s6], [sflag:s4] =	dma.local [hbm:s3], $0xF7A  }
0x26: {  	[smem:$0x3F94] =	sst s1;
	(tag) =	ssettag s2;
	_ =	strace s9  }
0x27: {  	s1 =	sld [smem:$0x3FA4]  }
0x28: {  	s2 =	sld [smem:$0x3FA5]  }
0x29: {  	s4 =	sld [smem:$0x3FA7]  }
0x2a: {  	p0 =	seq.s32 s5, $0x0;
	s5 =	sld [smem:$0x3FA8]  }
0x2b: {  	s6 =	sld [smem:$0x3FA9]  }
0x2c: {  	s7 =	sld [smem:$0x3FAA]  }
0x2d: {  	s3 =	simm.s32 $0x108;
	s8 =	sld [smem:$0x3FAB]  }
0x2e: {  	s3 =	simm.s32 @!p0 $0x1082;
	s9 =	sld [smem:$0x3FAC]  }
0x2f: {  	lr =	sadd.s32 s0, s3;
	s0 =	sld [smem:$0x3FA3]  }
0x30: {  	s3 =	sld [smem:$0x3FA6]  }
0x31: {  	[smem:$0x3FAF] =	sst s10  }
0x32: {  	s10 =	sld [smem:$0x3FAD];
	_ =	sdelay $0x3  }
0x33: {  	p0 =	seq.s32 s10, $0x1;
	s10 =	sld [smem:$0x3FAF];
	_ =	sdelay $0x3  }
0x34: {  	[smem:$0x3FAF] =	sst s10  }
0x35: {  	s10 =	sld [smem:$0x3FAE];
	_ =	sdelay $0x3  }
0x36: {  	p1 =	seq.s32 s10, $0x1;
	s10 =	sld [smem:$0x3FAF];
	_ =	sdelay $0x3  }
0x37: {  	[smem:$0x3FAF] =	sst s10  }
0x38: {  	s10 =	sld [smem:$0x3FB0]  }
0x39: {  	_ = 	snop;
	(pc) =	sbr.ind lr, $3  }
0x3a: {  	_ = 	snop  }
0x3b: {  	_ = 	snop  }
0x3c: {  	p2 =	seq.s32 s10, $0x1;
	s10 =	sld [smem:$0x3FAF]  }
0x3d: {  	_ =	shalt  }
0x3e: {  	_ =	shalt  }
0x3f: {  	_ =	shalt  }
0x40: {  	_ =	shalt  }
0x41: {  	_ =	shalt  }
0x42: {  	_ =	shalt  }
0x43: {  	_ =	shalt  }
0x44: {  	_ =	shalt  }
0x45: {  	_ =	shalt  }
0x46: {  	_ =	shalt  }
0x47: {  	_ =	shalt  }
0x48: {  	_ =	shalt  }
0x49: {  	_ =	shalt  }
0x4a: {  	_ =	shalt  }
0x4b: {  	_ =	shalt  }
0x4c: {  	_ =	shalt  }
0x4d: {  	_ =	shalt  }
0x4e: {  	_ =	shalt  }
0x4f: {  	_ =	shalt  }
0x50: {  	_ =	shalt  }
0x51: {  	_ =	shalt  }
0x52: {  	_ =	shalt  }
0x53: {  	_ =	shalt  }
0x54: {  	_ =	shalt  }
0x55: {  	_ =	shalt  }
0x56: {  	_ =	shalt  }
0x57: {  	_ =	shalt  }
0x58: {  	_ =	shalt  }
0x59: {  	_ =	shalt  }
0x5a: {  	_ =	shalt  }
0x5b: {  	_ =	shalt  }
0x5c: {  	_ =	shalt  }
0x5d: {  	_ =	shalt  }
0x5e: {  	_ =	shalt  }
0x5f: {  	_ =	shalt  }
0x60: {  	_ =	shalt  }
0x61: {  	_ =	shalt  }
0x62: {  	_ =	shalt  }
0x63: {  	_ =	shalt  }
0x64: {  	_ =	shalt  }
0x65: {  	_ =	shalt  }
0x66: {  	_ =	shalt  }
0x67: {  	_ =	shalt  }
0x68: {  	_ =	shalt  }
0x69: {  	_ =	shalt  }
0x6a: {  	_ =	shalt  }
0x6b: {  	_ =	shalt  }
0x6c: {  	_ =	shalt  }
0x6d: {  	_ =	shalt  }
0x6e: {  	_ =	shalt  }
0x6f: {  	_ =	shalt  }
0x70: {  	_ =	shalt  }
0x71: {  	_ =	shalt  }
0x72: {  	_ =	shalt  }
0x73: {  	_ =	shalt  }
0x74: {  	_ =	shalt  }
0x75: {  	_ =	shalt  }
0x76: {  	_ =	shalt  }
0x77: {  	_ =	shalt  }
0x78: {  	_ =	shalt  }
0x79: {  	_ =	shalt  }
0x7a: {  	_ =	shalt  }
0x7b: {  	_ =	shalt  }
0x7c: {  	_ =	shalt  }
0x7d: {  	_ =	shalt  }
0x7e: {  	_ =	shalt  }
0x7f: {  	_ =	shalt  }
0x80: {  	_ =	shalt  }
0x81: {  	_ =	shalt  }
0x82: {  	_ =	shalt  }
0x83: {  	_ =	shalt  }
0x84: {  	_ =	shalt  }
0x85: {  	_ =	shalt  }
0x86: {  	_ =	shalt  }
0x87: {  	_ =	shalt  }
.Lfunc_end0:
.L_simem_size_0:
called_computation.3_lowered:
.L_overlay_start_0:
0x88: {  	s2 =	sld [smem:$0x3FD9]  }
0x89: {  	s3 =	sld [smem:$0x3FFE];
	_ =	sdelay $0x1  }
0x8a: {  	s1 =	srdreg.scid  }
0x8b: {  	s0 =	sand.u32 $0x1, s1  }
0x8c: {  	s16 =	sshll.u32 s0, $0xA;
	s2 =	sadd.s32 s3, s2  }
0x8d: {  	s2 =	sadd.s32 s2, s16  }
0x8e: {  	[smem:$0x3FBB] =	sst s2  }
0x8f: {  	_ = 	snop  }
0x90: {  	(tm) =	ssettm $0x1  }
0x91: {  	s17 =	sld [smem:$0x3FFB];
	_ =	sdelay $0x3  }
0x92: {  	_ =	strace s17  }
0x93: {  	s2 =	sld [smem:$0x3FFC];
	_ =	sdelay $0x3  }
0x94: {  	_ =	strace s2  }
0x95: {  	s2 =	sld [smem:$0x3FFD];
	_ =	sdelay $0x3  }
0x96: {  	_ =	strace s2  }
0x97: {  	_ =	strace $0x8FFFFFFF  }
0x98: {  	s18 =	sld [smem:$0x3FDB];
	_ =	sdelay $0x1  }
0x99: {  	s19 =	simm.s32 $_scs_section_size  }
0x9a: {  	s4 =	simm.s32 $_size__tile_overlayer_lowered;
	s5 =	simm.s32 $_tile_overlayer_lowered  }
0x9b: {  	s22 =	simm.s32 $0x1BFF;
	s21 =	sshll.u32 s5, $0x1;
	s2 =	sadd.s32 s19, s18  }
0x9c: {  	s6 =	simm.s32 $0x0;
	s20 =	sshll.u32 s4, $0x1;
	s4 =	sadd.s32 s21, s2  }
0x9d: {  	[timem:s6], [sflag:s22] =	dma.local [hbm:s4], s20  }
0x9e: {  	_ =	swait.ge [sflag:s22], s20  }
0x9f: {  	s3 =	ssub.s32 $0x0, s20;
	[sflag:s22] =	ssyncset.done $0x0  }
0xa0: {  	[sflag:s22] =	ssyncadd.s32 s3;
	_ =	sdelay $0x1  }
0xa1: {  	s23 =	simm.s32 $0x1B8B  }
0xa2: {  	_ =	swait.ge [sflag:s23], $0x1  }
0xa3: {  	[sflag:s23] =	ssyncset.done $0x0  }
0xa4: {  	s25 =	simm.s32 $0x1B8E;
	s24 =	sld [smem:$0x3FFE];
	[sflag:s23] =	ssyncadd.s32 $0xFFFFFFFF  }
0xa5: {  	s26 =	simm.s32 $execute0_lowered;
	[smem:$0x3FD2] =	sst s25  }
0xa6: {  	s4 =	sshll.u32 s26, $0x1;
	_ =	strace $0x8000004F;
	[dreg:$0x1] =	wrdreg $0xFFFFFFFF  }
0xa7: {  	s28 =	simm.s32 $_size_execute0_lowered;
	s2 =	sadd.s32 s2, s4;
	[dreg:$0x0] =	wrdreg $0x0  }
0xa8: {  	s4 =	sshll.u32 s28, $0x1;
	[dreg:$0x2] =	wrdreg s2  }
0xa9: {  	[dreg:$0x3] =	wrdreg s4  }
0xaa: {  	[dreg:$0x4] =	wrdreg $0xC0  }
0xab: {  	_ =	task [dreg:s6], $0x5FFFF  }
0xac: {  	[dreg:$0x1] =	wrdreg $0xFFFFFFFF  }
0xad: {  	[dreg:$0x0] =	wrdreg $0x60  }
0xae: {  	[dreg:$0x2] =	wrdreg s24  }
0xaf: {  	[dreg:$0x3] =	wrdreg $0xB0000  }
0xb0: {  	[dreg:$0x4] =	wrdreg $0x158000  }
0xb1: {  	[dreg:$0x5] =	wrdreg $0x9  }
0xb2: {  	_ =	task.clear_ibuf [dreg:s6], $0x6FFFF;
	_ =	strace $0x9000004F  }
0xb3: {  	s29 =	simm.s32 $0x9;
	_ =	strace $0x80000051  }
0xb4: {  	_ =	swait.ge [sflag:s29], $0x1  }
0xb5: {  	[sflag:s29] =	ssyncadd.s32 $0xFFFFFFFF  }
0xb6: {  	_ =	strace $0x90000051  }
0xb7: {  	_ =	sfence  }
0xb8: {  	s30 =	sld [smem:$0x0];
	_ =	sdelay $0x2  }
0xb9: {  	s31 =	sshll.u32 s1, $0xD;
	s1 =	sshrl.u32 s1, $0x2  }
0xba: {  	s3 =	sand.u32 $0x4000, s31;
	s1 =	sadd.s32 s1, s30  }
0xbb: {  	s0 =	sor.u32 s3, s0;
	s1 =	sshll.u32 s1, $0x11  }
0xbc: {  	s0 =	sor.u32 s1, s0  }
0xbd: {  	s0 =	sadd.s32 $0x8F2B, s0  }
0xbe: {  	[sflag:s0] =	ssyncadd.remote.s32 $0x1  }
0xbf: {  	_ =	sfence.sel $0xFFFF  }
0xc0: {  	[dreg:$0x0] =	wrdreg $0xFFFFFFFF;
	(pc) =	sbr.abs _section_cstart, $3  }
0xc1: {  	[dreg:$0x1] =	wrdreg $0xFFFFFFFF  }
0xc2: {  	_ =	task.clear_ibuf [dreg:s6], $0x2FFFF;
	_ =	strace $0x9FFFFFFF  }
0xc3: {  	(tm) =	ssettm $0x7FFFFFFF  }
tec
execute0_lowered:
.L_overlay_start_1:
0x0: {  	(tag) =	ssettag $0x1  }
0x1: {  	s8 =	rddreg [dreg:$0x0]  }
0x2: {  	s2 =	rddreg [dreg:$0x1];
	s0 =	stileid.u32  }
0x3: {  	s3 =	rddreg [dreg:$0x2];
	s4 =	simm.s32 $0x0;
	s19 =	smul.u32 $0x1400, s0  }
0x4: {  	s5 =	srdreg.scid;
	s18 =	simm.s32 $0x1;
	s12 =	smul.u32 $0x2A000, s0  }
0x5: {  	s26 =	simm.s32 $0x2F80;
	s28 =	simm.s32 $0x0;
	s15 =	smul.u32 $0x28000, s0  }
0x6: {  	[smem:$0x7FF] =	sst s4;
	s6 =	sand.u32 $0x1, s5;
	s22 =	smul.u32 $0x300, s0  }
0x7: {  	s10 =	sadd.s32 $0x64000, s8;
	s11 =	sadd.s32 $0x5600, s8;
	s25 =	smul.u32 $0x1500, s0  }
0x8: {  	s5 =	sadd.s32 $0x11600, s8;
	s16 =	sshll.u32 s0, $0x6;
	s9 =	smul.u32 $0x15000, s6  }
0x9: {  	s20 =	sadd.s32 $0x38000, s8;
	_ =	strace $0x80000050;
	s29 =	smul.u32 $0x3000, s6  }
0xa: {  	s13 =	ssub.s32 $0x2, s6;
	s17 =	smul.u32 $0x18000, s6;
	s6 =	sor.u32 $0x1C03, s16  }
0xb: {  	s16 =	simm.s32 $0x3000;
	s7 =	sadd.s32 s19, s8;
	s14 =	sshrl.u32 s13, $0x1  }
0xc: {  	s12 =	sshrl.u32 s12, $0x2;
	s15 =	sshrl.u32 s15, $0x2;
	s19 =	sadd.s32 s19, s20  }
0xd: {  	s20 =	simm.s32 $0x2;
	s9 =	sadd.s32 s9, s8;
	s13 =	ssub.s32 s13, s14  }
0xe: {  	s12 =	sadd.s32 s12, s2;
	s15 =	sadd.s32 s15, s3;
	s7 =	sadd.s32 $0x24000, s7  }
0xf: {  	s30 =	sadd.s32 s10, s29;
	s17 =	sshrl.u32 s17, $0x3;
	s14 =	sadd.s32 s11, s29  }
0x10: {  	s31 =	sadd.s32 $0x6000, s17;
	s24 =	sadd.s32 $0x70000, s9;
	s8 =	smax.u32 s13, $0x1  }
0x11: {  	s9 =	sshrl.u32 s12, $0x3;
	s12 =	sadd.s32 s22, s30;
	s13 =	sadd.s32 s22, s14  }
0x12: {  	s14 =	simm.s32 $0x1800;
	s17 =	simm.s32 $0x7000;
	s21 =	sadd.s32 s10, s31  }
0x13: {  	s23 =	sadd.s32 s11, s31;
	s10 =	simm.s32 $0x3;
	s11 =	sshrl.u32 s15, $0x3  }
0x14: {  	s15 =	simm.s32 $0x80;
	s24 =	sadd.s32 s25, s24;
	s25 =	simm.s32 $0x2F00  }
0x15: {  	s21 =	sadd.s32 s22, s21;
	s22 =	sadd.s32 s22, s23;
	s23 =	simm.s32 $0x1780  }
.LBB2_1:
0x16: {  	[spmem:s9], [sflag:s6] =	dma.local [hbm:s5], $0x1500  }
0x17: {  	_ =	swait.ge [sflag:s10], $0x1500  }
0x18: {  	[sflag:s10] =	ssyncset.done $0x0  }
0x19: {  	[sflag:s10] =	ssyncadd.s32 $0xFFFFEB00  }
0x1a: {  	[spmem:s11], [sflag:s6] =	dma.local [hbm:s7], $0x1400  }
0x1b: {  	_ =	swait.ge [sflag:s10], $0x1400  }
0x1c: {  	[sflag:s10] =	ssyncset.done $0x0  }
0x1d: {  	[sflag:s10] =	ssyncadd.s32 $0xFFFFEC00  }
0x1e: {  	[bflag:$0x0] =	sbarrier.arrive $0xFFFF  }
0x1f: {  	[tilespmem:s4], [sflag:$0x3] =	stream.linear.gather [hbm4b:s12+s4], $0x1800, $0x38;
	[tilespmem:$0x1F800] =	vst v63  }
0x20: {  	_ =	swait.ge [sflag:s10], $0x1800  }
0x21: {  	[sflag:s10] =	ssyncset.done $0x0  }
0x22: {  	[sflag:s10] =	ssyncadd.s32 $0xFFFFE800  }
0x23: {  	[tilespmem:s14], [sflag:$0x3] =	stream.linear.gather [hbm4b:s13+s4], $0x1800, $0x38;
	[tilespmem:$0x1F800] =	vst v63  }
0x24: {  	_ =	swait.ge [sflag:s10], $0x1800  }
0x25: {  	[sflag:s10] =	ssyncset.done $0x0  }
0x26: {  	[sflag:s10] =	ssyncadd.s32 $0xFFFFE800  }
0x27: {  	[tilespmem:s16], [sflag:$0x1] =	stream.indirect.gather [spmem:s3], $0x80, s4, s15, $0xb8;
	[tilespmem:$0x1F800] =	vst v63  }
0x28: {  	s29 =	simm.s32 $0x80  }
0x29: {  	[tilespmem:s17], [sflag:$0x2] =	stream.indirect.gather [spmem:s3], $0x80, s29, s15, $0xb8;
	[tilespmem:$0x1F800] =	vst v63  }
0x2a: {  	_ =	swait.ge [sflag:s18], $0x4000  }
0x2b: {  	[sflag:s18] =	ssyncset.done $0x0  }
0x2c: {  	s29 =	simm.s32 $0x1800;
	[sflag:s18] =	ssyncadd.s32 $0xFFFFC000  }
0x2d: {  	[spmem:s2] =	stream.indirect.scatter.add.f32 [tilespmem:s16], [sflag:$0x3], $0x80, s29, s15, $0xb8;
	[tilespmem:$0x1F800] =	vst v63  }
0x2e: {  	_ =	swait.ge [sflag:s10], $0x4000  }
0x2f: {  	[sflag:s10] =	ssyncset.done $0x0  }
0x30: {  	s29 =	simm.s32 $0x100;
	[sflag:s10] =	ssyncadd.s32 $0xFFFFC000  }
0x31: {  	[tilespmem:s16], [sflag:$0x1] =	stream.indirect.gather [spmem:s3], $0x80, s29, s15, $0xb8;
	[tilespmem:$0x1F800] =	vst v63  }
0x32: {  	_ =	swait.ge [sflag:s20], $0x4000  }
0x33: {  	[sflag:s20] =	ssyncset.done $0x0  }
0x34: {  	s29 =	simm.s32 $0x1880;
	[sflag:s20] =	ssyncadd.s32 $0xFFFFC000  }
0x35: {  	[spmem:s2] =	stream.indirect.scatter.add.f32 [tilespmem:s17], [sflag:$0x3], $0x80, s29, s15, $0xb8;
	[tilespmem:$0x1F800] =	vst v63  }
0x36: {  	_ =	swait.ge [sflag:s10], $0x4000  }
0x37: {  	s30 =	simm.s32 $0x800;
	s29 =	simm.s32 $0x100;
	[sflag:s10] =	ssyncset.done $0x0  }
.LBB2_2:
0x38: {  	s31 =	sadd.s32 $0x80, s29  }
0x39: {  	[sflag:s10] =	ssyncadd.s32 $0xFFFFC000;
	s0 =	smov.u32 s30;
	s1 =	sadd.s32 $0x400, s30  }
0x3a: {  	[tilespmem:s17], [sflag:$0x2] =	stream.indirect.gather [spmem:s3], $0x80, s31, s15, $0xb8;
	[tilespmem:$0x1F800] =	vst v63  }
0x3b: {  	p0 =	sne.s32 s30, $0x5800;
	_ =	swait.ge [sflag:s18], $0x4000  }
0x3c: {  	[sflag:s18] =	ssyncset.done $0x0  }
0x3d: {  	s30 =	sadd.s32 $0x1800, s29;
	[sflag:s18] =	ssyncadd.s32 $0xFFFFC000  }
0x3e: {  	[spmem:s2] =	stream.indirect.scatter.add.f32 [tilespmem:s16], [sflag:$0x3], $0x80, s30, s15, $0xb8;
	[tilespmem:$0x1F800] =	vst v63  }
0x3f: {  	_ =	swait.ge [sflag:s10], $0x4000  }
0x40: {  	[sflag:s10] =	ssyncset.done $0x0  }
0x41: {  	s30 =	sadd.s32 $0x100, s29;
	[sflag:s10] =	ssyncadd.s32 $0xFFFFC000  }
0x42: {  	[tilespmem:s16], [sflag:$0x1] =	stream.indirect.gather [spmem:s3], $0x80, s30, s15, $0xb8;
	[tilespmem:$0x1F800] =	vst v63  }
0x43: {  	_ =	swait.ge [sflag:s20], $0x4000  }
.Ltmp0:
0x44: {  	[sflag:s20] =	ssyncset.done $0x0;
	(pc) =	sbr.rel @p0 .LBB2_2-.Ltmp0, $4  }
0x45: {  	s29 =	sadd.s32 $0x1880, s29;
	[sflag:s20] =	ssyncadd.s32 $0xFFFFC000  }
0x46: {  	[spmem:s2] =	stream.indirect.scatter.add.f32 [tilespmem:s17], [sflag:$0x3], $0x80, s29, s15, $0xb8;
	[tilespmem:$0x1F800] =	vst v63  }
0x47: {  	_ =	swait.ge [sflag:s10], $0x4000  }
0x48: {  	s30 =	smov.u32 s1;
	s29 =	sshra.s32 s0, $0x2;
	[sflag:s10] =	ssyncset.done $0x0  }
0x49: {  	s0 =	sadd.s32 $0x80, s29;
	[sflag:s10] =	ssyncadd.s32 $0xFFFFC000  }
0x4a: {  	[tilespmem:s17], [sflag:$0x2] =	stream.indirect.gather [spmem:s3], $0x80, s0, s15, $0xb8;
	[tilespmem:$0x1F800] =	vst v63  }
0x4b: {  	_ =	swait.ge [sflag:s18], $0x4000  }
0x4c: {  	[sflag:s18] =	ssyncset.done $0x0  }
0x4d: {  	s1 =	sadd.s32 $0x1800, s29;
	[sflag:s18] =	ssyncadd.s32 $0xFFFFC000  }
0x4e: {  	[spmem:s2] =	stream.indirect.scatter.add.f32 [tilespmem:s16], [sflag:$0x3], $0x80, s1, s15, $0xb8;
	[tilespmem:$0x1F800] =	vst v63  }
0x4f: {  	_ =	swait.ge [sflag:s10], $0x4000  }
0x50: {  	[sflag:s10] =	ssyncset.done $0x0  }
0x51: {  	s31 =	sadd.s32 $0x100, s29;
	[sflag:s10] =	ssyncadd.s32 $0xFFFFC000  }
0x52: {  	[tilespmem:s16], [sflag:$0x1] =	stream.indirect.gather [spmem:s3], $0x80, s31, s15, $0xb8;
	[tilespmem:$0x1F800] =	vst v63  }
0x53: {  	_ =	swait.ge [sflag:s20], $0x4000  }
0x54: {  	[sflag:s20] =	ssyncset.done $0x0  }
0x55: {  	s1 =	sadd.s32 $0x1880, s29;
	[sflag:s20] =	ssyncadd.s32 $0xFFFFC000  }
0x56: {  	[spmem:s2] =	stream.indirect.scatter.add.f32 [tilespmem:s17], [sflag:$0x3], $0x80, s1, s15, $0xb8;
	[tilespmem:$0x1F800] =	vst v63  }
0x57: {  	_ =	swait.ge [sflag:s10], $0x4000  }
0x58: {  	[sflag:s10] =	ssyncset.done $0x0  }
0x59: {  	[sflag:s10] =	ssyncadd.s32 $0xFFFFC000  }
0x5a: {  	[tilespmem:s17], [sflag:$0x2] =	stream.indirect.gather [spmem:s3], $0x80, s23, s15, $0xb8;
	[tilespmem:$0x1F800] =	vst v63  }
0x5b: {  	_ =	swait.ge [sflag:s18], $0x4000  }
0x5c: {  	[sflag:s18] =	ssyncset.done $0x0  }
0x5d: {  	[sflag:s18] =	ssyncadd.s32 $0xFFFFC000  }
0x5e: {  	[spmem:s2] =	stream.indirect.scatter.add.f32 [tilespmem:s16], [sflag:$0x3], $0x80, s25, s15, $0xb8;
	[tilespmem:$0x1F800] =	vst v63  }
0x5f: {  	_ =	swait.ge [sflag:s10], $0x4000  }
0x60: {  	[sflag:s10] =	ssyncset.done $0x0  }
0x61: {  	[sflag:s10] =	ssyncadd.s32 $0xFFFFC000  }
0x62: {  	_ =	swait.ge [sflag:s20], $0x4000  }
0x63: {  	[sflag:s20] =	ssyncset.done $0x0  }
0x64: {  	[sflag:s20] =	ssyncadd.s32 $0xFFFFC000  }
0x65: {  	[spmem:s2] =	stream.indirect.scatter.add.f32 [tilespmem:s17], [sflag:$0x3], $0x80, s26, s15, $0xb8;
	[tilespmem:$0x1F800] =	vst v63  }
0x66: {  	_ =	swait.ge [sflag:s10], $0x4000  }
0x67: {  	[sflag:s10] =	ssyncset.done $0x0  }
0x68: {  	[sflag:s10] =	ssyncadd.s32 $0xFFFFC000  }
0x69: {  	[bflag:$0x0] =	sbarrier.arrive $0xFFFF  }
0x6a: {  	[spmem:s11], [sflag:s6] =	dma.local [hbm:s19], $0x1400  }
0x6b: {  	_ =	swait.ge [sflag:s10], $0x1400  }
0x6c: {  	[sflag:s10] =	ssyncset.done $0x0  }
0x6d: {  	[sflag:s10] =	ssyncadd.s32 $0xFFFFEC00  }
0x6e: {  	s31 =	simm.s32 $0x0;
	[bflag:$0x0] =	sbarrier.arrive $0xFFFF  }
0x6f: {  	[tilespmem:s31], [sflag:$0x3] =	stream.linear.gather [hbm4b:s21+s31], $0x1800, $0x38;
	[tilespmem:$0x1F800] =	vst v63  }
0x70: {  	_ =	swait.ge [sflag:s10], $0x1800  }
0x71: {  	[sflag:s10] =	ssyncset.done $0x0  }
0x72: {  	[sflag:s10] =	ssyncadd.s32 $0xFFFFE800  }
0x73: {  	[tilespmem:s14], [sflag:$0x3] =	stream.linear.gather [hbm4b:s22+s31], $0x1800, $0x38;
	[tilespmem:$0x1F800] =	vst v63  }
0x74: {  	_ =	swait.ge [sflag:s10], $0x1800  }
0x75: {  	[sflag:s10] =	ssyncset.done $0x0  }
0x76: {  	[sflag:s10] =	ssyncadd.s32 $0xFFFFE800  }
0x77: {  	[tilespmem:s16], [sflag:$0x1] =	stream.indirect.gather [spmem:s3], $0x80, s31, s15, $0xb8;
	[tilespmem:$0x1F800] =	vst v63  }
0x78: {  	s1 =	simm.s32 $0x80  }
0x79: {  	[tilespmem:s17], [sflag:$0x2] =	stream.indirect.gather [spmem:s3], $0x80, s1, s15, $0xb8;
	[tilespmem:$0x1F800] =	vst v63  }
0x7a: {  	_ =	swait.ge [sflag:s18], $0x4000  }
0x7b: {  	[sflag:s18] =	ssyncset.done $0x0  }
0x7c: {  	s31 =	simm.s32 $0x1800;
	[sflag:s18] =	ssyncadd.s32 $0xFFFFC000  }
0x7d: {  	[spmem:s2] =	stream.indirect.scatter.add.f32 [tilespmem:s16], [sflag:$0x3], $0x80, s31, s15, $0xb8;
	[tilespmem:$0x1F800] =	vst v63  }
0x7e: {  	_ =	swait.ge [sflag:s10], $0x4000  }
0x7f: {  	[sflag:s10] =	ssyncset.done $0x0  }
0x80: {  	s1 =	simm.s32 $0x100;
	[sflag:s10] =	ssyncadd.s32 $0xFFFFC000  }
0x81: {  	[tilespmem:s16], [sflag:$0x1] =	stream.indirect.gather [spmem:s3], $0x80, s1, s15, $0xb8;
	[tilespmem:$0x1F800] =	vst v63  }
0x82: {  	_ =	swait.ge [sflag:s20], $0x4000  }
0x83: {  	[sflag:s20] =	ssyncset.done $0x0  }
0x84: {  	s31 =	simm.s32 $0x1880;
	[sflag:s20] =	ssyncadd.s32 $0xFFFFC000  }
0x85: {  	[spmem:s2] =	stream.indirect.scatter.add.f32 [tilespmem:s17], [sflag:$0x3], $0x80, s31, s15, $0xb8;
	[tilespmem:$0x1F800] =	vst v63  }
0x86: {  	_ =	swait.ge [sflag:s10], $0x4000  }
0x87: {  	s30 =	simm.s32 $0x800;
	s29 =	simm.s32 $0x100;
	[sflag:s10] =	ssyncset.done $0x0  }
.LBB2_4:
0x88: {  	s0 =	sadd.s32 $0x80, s29  }
0x89: {  	[sflag:s10] =	ssyncadd.s32 $0xFFFFC000;
	s1 =	smov.u32 s30;
	s31 =	sadd.s32 $0x400, s30  }
0x8a: {  	[tilespmem:s17], [sflag:$0x2] =	stream.indirect.gather [spmem:s3], $0x80, s0, s15, $0xb8;
	[tilespmem:$0x1F800] =	vst v63  }
0x8b: {  	p0 =	sne.s32 s30, $0x5800;
	_ =	swait.ge [sflag:s18], $0x4000  }
0x8c: {  	[sflag:s18] =	ssyncset.done $0x0  }
0x8d: {  	s0 =	sadd.s32 $0x1800, s29;
	[sflag:s18] =	ssyncadd.s32 $0xFFFFC000  }
0x8e: {  	[spmem:s2] =	stream.indirect.scatter.add.f32 [tilespmem:s16], [sflag:$0x3], $0x80, s0, s15, $0xb8;
	[tilespmem:$0x1F800] =	vst v63  }
0x8f: {  	_ =	swait.ge [sflag:s10], $0x4000  }
0x90: {  	[sflag:s10] =	ssyncset.done $0x0  }
0x91: {  	s0 =	sadd.s32 $0x100, s29;
	[sflag:s10] =	ssyncadd.s32 $0xFFFFC000  }
0x92: {  	[tilespmem:s16], [sflag:$0x1] =	stream.indirect.gather [spmem:s3], $0x80, s0, s15, $0xb8;
	[tilespmem:$0x1F800] =	vst v63  }
0x93: {  	_ =	swait.ge [sflag:s20], $0x4000  }
.Ltmp1:
0x94: {  	[sflag:s20] =	ssyncset.done $0x0;
	(pc) =	sbr.rel @p0 .LBB2_4-.Ltmp1, $4  }
0x95: {  	s0 =	sadd.s32 $0x1880, s29;
	[sflag:s20] =	ssyncadd.s32 $0xFFFFC000  }
0x96: {  	[spmem:s2] =	stream.indirect.scatter.add.f32 [tilespmem:s17], [sflag:$0x3], $0x80, s0, s15, $0xb8;
	[tilespmem:$0x1F800] =	vst v63  }
0x97: {  	_ =	swait.ge [sflag:s10], $0x4000  }
0x98: {  	s30 =	smov.u32 s31;
	s29 =	sshra.s32 s1, $0x2;
	[sflag:s10] =	ssyncset.done $0x0  }
0x99: {  	s0 =	sadd.s32 $0x80, s29;
	[sflag:s10] =	ssyncadd.s32 $0xFFFFC000  }
0x9a: {  	[tilespmem:s17], [sflag:$0x2] =	stream.indirect.gather [spmem:s3], $0x80, s0, s15, $0xb8;
	[tilespmem:$0x1F800] =	vst v63  }
0x9b: {  	_ =	swait.ge [sflag:s18], $0x4000  }
0x9c: {  	[sflag:s18] =	ssyncset.done $0x0  }
0x9d: {  	s1 =	sadd.s32 $0x1800, s29;
	[sflag:s18] =	ssyncadd.s32 $0xFFFFC000  }
0x9e: {  	[spmem:s2] =	stream.indirect.scatter.add.f32 [tilespmem:s16], [sflag:$0x3], $0x80, s1, s15, $0xb8;
	[tilespmem:$0x1F800] =	vst v63  }
0x9f: {  	_ =	swait.ge [sflag:s10], $0x4000  }
0xa0: {  	[sflag:s10] =	ssyncset.done $0x0  }
0xa1: {  	s30 =	sadd.s32 $0x100, s29;
	[sflag:s10] =	ssyncadd.s32 $0xFFFFC000  }
0xa2: {  	[tilespmem:s16], [sflag:$0x1] =	stream.indirect.gather [spmem:s3], $0x80, s30, s15, $0xb8;
	[tilespmem:$0x1F800] =	vst v63  }
0xa3: {  	_ =	swait.ge [sflag:s20], $0x4000  }
0xa4: {  	[sflag:s20] =	ssyncset.done $0x0  }
0xa5: {  	s31 =	sadd.s32 $0x1880, s29;
	[sflag:s20] =	ssyncadd.s32 $0xFFFFC000  }
0xa6: {  	[spmem:s2] =	stream.indirect.scatter.add.f32 [tilespmem:s17], [sflag:$0x3], $0x80, s31, s15, $0xb8;
	[tilespmem:$0x1F800] =	vst v63  }
0xa7: {  	_ =	swait.ge [sflag:s10], $0x4000  }
0xa8: {  	[sflag:s10] =	ssyncset.done $0x0  }
0xa9: {  	[sflag:s10] =	ssyncadd.s32 $0xFFFFC000  }
0xaa: {  	[tilespmem:s17], [sflag:$0x2] =	stream.indirect.gather [spmem:s3], $0x80, s23, s15, $0xb8;
	[tilespmem:$0x1F800] =	vst v63  }
0xab: {  	_ =	swait.ge [sflag:s18], $0x4000  }
0xac: {  	[sflag:s18] =	ssyncset.done $0x0  }
0xad: {  	[sflag:s18] =	ssyncadd.s32 $0xFFFFC000  }
0xae: {  	[spmem:s2] =	stream.indirect.scatter.add.f32 [tilespmem:s16], [sflag:$0x3], $0x80, s25, s15, $0xb8;
	[tilespmem:$0x1F800] =	vst v63  }
0xaf: {  	_ =	swait.ge [sflag:s10], $0x4000  }
0xb0: {  	[sflag:s10] =	ssyncset.done $0x0  }
0xb1: {  	[sflag:s10] =	ssyncadd.s32 $0xFFFFC000  }
0xb2: {  	_ =	swait.ge [sflag:s20], $0x4000  }
0xb3: {  	[sflag:s20] =	ssyncset.done $0x0  }
0xb4: {  	[sflag:s20] =	ssyncadd.s32 $0xFFFFC000  }
0xb5: {  	[spmem:s2] =	stream.indirect.scatter.add.f32 [tilespmem:s17], [sflag:$0x3], $0x80, s26, s15, $0xb8;
	[tilespmem:$0x1F800] =	vst v63  }
0xb6: {  	_ =	swait.ge [sflag:s10], $0x4000  }
0xb7: {  	s28 =	sadd.s32 $0x1, s28;
	[sflag:s10] =	ssyncset.done $0x0  }
0xb8: {  	p0 =	sne.s32 s28, s8;
	[sflag:s10] =	ssyncadd.s32 $0xFFFFC000  }
.Ltmp2:
0xb9: {  	[bflag:$0x0] =	sbarrier.arrive $0xFFFF;
	(pc) =	sbr.rel @p0 .LBB2_1-.Ltmp2, $4  }
0xba: {  	[hbm:s24], [sflag:s6] =	dma.local [spmem:s9], $0x1500  }
0xbb: {  	_ =	swait.ge [sflag:s10], $0x1500  }
0xbc: {  	[sflag:s10] =	ssyncset.done $0x0  }
0xbd: {  	[sflag:s10] =	ssyncadd.s32 $0xFFFFEB00  }
0xbe: {  	_ =	sfence.sel $0x180000  }
0xbf: {  	[bflag:$0x0] =	sbarrier.arrive $0xFFFF  }
0xc0: {  	_ =	strace $0x90000050  }
0xc1: {  	s0 =	stileid.u32;
	[bflag:$0x2] =	sbarrier.arrive $0xFFFF  }
0xc2: {  	p0 =	sne.s32 s0, $0x0;
	s0 =	rddreg [dreg:$0x3]  }
0xc3: {  	s0 =	sadd.s32 @!p0 $0x100000, s0  }
0xc4: {  	[sflag:s0] =	ssyncadd.tile.s32 @!p0 $0x1;
	_ =	shalt  }
.Lfunc_end2:
_tile_overlayer_lowered:
.L_overlay_start_2:
0xc5: {  	(tag) =	ssettag $0x2  }
0xc6: {  	s0 =	rddreg [dreg:$0x0];
	s2 =	stileid.u32  }
0xc7: {  	s1 =	rddreg [dreg:$0x1];
	p0 =	sne.s32 s2, $0x0  }
0xc8: {  	s3 =	rddreg [dreg:$0x2];
	[bflag:$0x3] =	sbarrier.arrive $0xFFFF;
	s2 =	simm.s32 @!p0 $0x1C03  }
0xc9: {  	[timem:s3], [sflag:s2] =	dma.local @!p0 [hbm:s0], s1  }
0xca: {  	s0 =	simm.s32 @!p0 $0x3  }
0xcb: {  	_ =	swait.ge @!p0 [sflag:s0], s1  }
0xcc: {  	s1 =	ssub.s32 @!p0 $0x0, s1;
	[sflag:s0] =	ssyncset.done @!p0 $0x0  }
0xcd: {  	[sflag:s0] =	ssyncadd.s32 @!p0 s1  }
0xce: {  	[bflag:$0x3] =	sbarrier.arrive $0xFFFF  }
0xcf: {  	_ =	shalt  }

// kernel: kernel.32.cloned.1.call-start
scs
__scs_entry_jumppad:
0x0: {  	(pc) =	sbr.rel $0x88, $3  }
0x1: {  	(tag) =	ssettag $0x0;
	lr =	simm.s32 $0x1  }
0x2: {  	[smem:$0x3F94] =	sst lr;
	_ =	strace $0xD0000000  }
0x3: {  	_ = 	snop  }
0x4: {  	_ = 	snop  }
0x5: {  	_ = 	snop  }
0x6: {  	_ = 	snop  }
0x7: {  	_ = 	snop  }
__scs_overlays_trampoline_lowered:
0x8: {  	[smem:$0x3FA3] =	sst s0  }
0x9: {  	[smem:$0x3FA4] =	sst s1  }
0xa: {  	[smem:$0x3FA5] =	sst s2  }
0xb: {  	[smem:$0x3FA6] =	sst s3  }
0xc: {  	[smem:$0x3FA7] =	sst s4  }
0xd: {  	[smem:$0x3FA8] =	sst s5  }
0xe: {  	[smem:$0x3FA9] =	sst s6  }
0xf: {  	[smem:$0x3FAA] =	sst s7  }
0x10: {  	[smem:$0x3FAB] =	sst s8  }
0x11: {  	[smem:$0x3FAC] =	sst s9;
	s0 =	simm.s32 @!p0 $0x0  }
0x12: {  	s1 =	sld [smem:$0x3F92];
	s0 =	simm.s32 @p0 $0x1  }
0x13: {  	[smem:$0x3FAD] =	sst s0;
	s0 =	simm.s32 @!p1 $0x0  }
0x14: {  	s2 =	sld [smem:$0x3F91];
	s0 =	simm.s32 @p1 $0x1  }
0x15: {  	[smem:$0x3FAE] =	sst s0;
	s0 =	simm.s32 @!p2 $0x0  }
0x16: {  	s3 =	sld [smem:$0x3FDB];
	s0 =	simm.s32 @p2 $0x1  }
0x17: {  	s4 =	simm.s32 $0x1BF5;
	[smem:$0x3FB0] =	sst s0  }
0x18: {  	s0 =	sld [smem:$0x3F93];
	_ =	swait.ge [sflag:s4], $0x0  }
0x19: {  	s7 =	sld [smem:$0x3F94]  }
0x1a: {  	s8 =	sadd.s32 $0xFFFFE003, lr  }
0x1b: {  	s9 =	sadd.s32 $0xFFFFFEF7, lr;
	s5 =	simm.s32 $0xFFFFFFFF;
	p2 =	slt.u32 s8, $0xFFFFF086  }
0x1c: {  	p1 =	slt.u32 s9, $0xF7A;
	s5 =	simm.s32 @!p2 $0x0  }
0x1d: {  	s5 =	simm.s32 @p1 $0x1;
	p0 =	seq.s32 s7, s2  }
0x1e: {  	s7 =	smul.u32 @!p0 $0xF7A, s2;
	p2 =	seq.s32 @!p0 s5, $0x0  }
0x1f: {  	s9 =	smul.u32 $0xF7A, s1;
	s8 =	simm.s32 @!p0 $0x1BF5;
	p2 =	por !p2, p0  }
0x20: {  	[sflag:s8] =	ssyncset.s32 @!p0 $0xFFFFF086;
	s6 =	sadd.s32 @!p0 s3, s7;
	s7 =	simm.s32 @!p0 $0x108  }
0x21: {  	s3 =	sadd.s32 s3, s9;
	s6 =	sadd.s32 @!p0 $0x88, s6;
	s7 =	simm.s32 @p2 $0x1082  }
0x22: {  	[simem:s7], [sflag:s8] =	dma.local @!p0 [hbm:s6], $0xF7A  }
0x23: {  	s9 =	sor.u32 $0xD0000000, s2;
	s6 =	simm.s32 $0x108;
	_ =	swait.ge @!p0 [sflag:s8], $0x0  }
0x24: {  	s3 =	sadd.s32 $0x88, s3;
	s6 =	simm.s32 @!p1 $0x1082;
	[sflag:s4] =	ssyncset.s32 $0xFFFFF086  }
0x25: {  	[simem:s6], [sflag:s4] =	dma.local [hbm:s3], $0xF7A  }
0x26: {  	[smem:$0x3F94] =	sst s1;
	(tag) =	ssettag s2;
	_ =	strace s9  }
0x27: {  	s1 =	sld [smem:$0x3FA4]  }
0x28: {  	s2 =	sld [smem:$0x3FA5]  }
0x29: {  	s4 =	sld [smem:$0x3FA7]  }
0x2a: {  	p0 =	seq.s32 s5, $0x0;
	s5 =	sld [smem:$0x3FA8]  }
0x2b: {  	s6 =	sld [smem:$0x3FA9]  }
0x2c: {  	s7 =	sld [smem:$0x3FAA]  }
0x2d: {  	s3 =	simm.s32 $0x108;
	s8 =	sld [smem:$0x3FAB]  }
0x2e: {  	s3 =	simm.s32 @!p0 $0x1082;
	s9 =	sld [smem:$0x3FAC]  }
0x2f: {  	lr =	sadd.s32 s0, s3;
	s0 =	sld [smem:$0x3FA3]  }
0x30: {  	s3 =	sld [smem:$0x3FA6]  }
0x31: {  	[smem:$0x3FAF] =	sst s10  }
0x32: {  	s10 =	sld [smem:$0x3FAD];
	_ =	sdelay $0x3  }
0x33: {  	p0 =	seq.s32 s10, $0x1;
	s10 =	sld [smem:$0x3FAF];
	_ =	sdelay $0x3  }
0x34: {  	[smem:$0x3FAF] =	sst s10  }
0x35: {  	s10 =	sld [smem:$0x3FAE];
	_ =	sdelay $0x3  }
0x36: {  	p1 =	seq.s32 s10, $0x1;
	s10 =	sld [smem:$0x3FAF];
	_ =	sdelay $0x3  }
0x37: {  	[smem:$0x3FAF] =	sst s10  }
0x38: {  	s10 =	sld [smem:$0x3FB0]  }
0x39: {  	_ = 	snop;
	(pc) =	sbr.ind lr, $3  }
0x3a: {  	_ = 	snop  }
0x3b: {  	_ = 	snop  }
0x3c: {  	p2 =	seq.s32 s10, $0x1;
	s10 =	sld [smem:$0x3FAF]  }
0x3d: {  	_ =	shalt  }
0x3e: {  	_ =	shalt  }
0x3f: {  	_ =	shalt  }
0x40: {  	_ =	shalt  }
0x41: {  	_ =	shalt  }
0x42: {  	_ =	shalt  }
0x43: {  	_ =	shalt  }
0x44: {  	_ =	shalt  }
0x45: {  	_ =	shalt  }
0x46: {  	_ =	shalt  }
0x47: {  	_ =	shalt  }
0x48: {  	_ =	shalt  }
0x49: {  	_ =	shalt  }
0x4a: {  	_ =	shalt  }
0x4b: {  	_ =	shalt  }
0x4c: {  	_ =	shalt  }
0x4d: {  	_ =	shalt  }
0x4e: {  	_ =	shalt  }
0x4f: {  	_ =	shalt  }
0x50: {  	_ =	shalt  }
0x51: {  	_ =	shalt  }
0x52: {  	_ =	shalt  }
0x53: {  	_ =	shalt  }
0x54: {  	_ =	shalt  }
0x55: {  	_ =	shalt  }
0x56: {  	_ =	shalt  }
0x57: {  	_ =	shalt  }
0x58: {  	_ =	shalt  }
0x59: {  	_ =	shalt  }
0x5a: {  	_ =	shalt  }
0x5b: {  	_ =	shalt  }
0x5c: {  	_ =	shalt  }
0x5d: {  	_ =	shalt  }
0x5e: {  	_ =	shalt  }
0x5f: {  	_ =	shalt  }
0x60: {  	_ =	shalt  }
0x61: {  	_ =	shalt  }
0x62: {  	_ =	shalt  }
0x63: {  	_ =	shalt  }
0x64: {  	_ =	shalt  }
0x65: {  	_ =	shalt  }
0x66: {  	_ =	shalt  }
0x67: {  	_ =	shalt  }
0x68: {  	_ =	shalt  }
0x69: {  	_ =	shalt  }
0x6a: {  	_ =	shalt  }
0x6b: {  	_ =	shalt  }
0x6c: {  	_ =	shalt  }
0x6d: {  	_ =	shalt  }
0x6e: {  	_ =	shalt  }
0x6f: {  	_ =	shalt  }
0x70: {  	_ =	shalt  }
0x71: {  	_ =	shalt  }
0x72: {  	_ =	shalt  }
0x73: {  	_ =	shalt  }
0x74: {  	_ =	shalt  }
0x75: {  	_ =	shalt  }
0x76: {  	_ =	shalt  }
0x77: {  	_ =	shalt  }
0x78: {  	_ =	shalt  }
0x79: {  	_ =	shalt  }
0x7a: {  	_ =	shalt  }
0x7b: {  	_ =	shalt  }
0x7c: {  	_ =	shalt  }
0x7d: {  	_ =	shalt  }
0x7e: {  	_ =	shalt  }
0x7f: {  	_ =	shalt  }
0x80: {  	_ =	shalt  }
0x81: {  	_ =	shalt  }
0x82: {  	_ =	shalt  }
0x83: {  	_ =	shalt  }
0x84: {  	_ =	shalt  }
0x85: {  	_ =	shalt  }
0x86: {  	_ =	shalt  }
0x87: {  	_ =	shalt  }
.Lfunc_end0:
.L_simem_size_0:
called_computation.4_lowered:
.L_overlay_start_0:
0x88: {  	s2 =	sld [smem:$0x3FD9]  }
0x89: {  	s3 =	sld [smem:$0x3FFE];
	_ =	sdelay $0x1  }
0x8a: {  	s1 =	srdreg.scid  }
0x8b: {  	s0 =	sand.u32 $0x1, s1  }
0x8c: {  	s16 =	sshll.u32 s0, $0xA;
	s2 =	sadd.s32 s3, s2  }
0x8d: {  	s2 =	sadd.s32 s2, s16  }
0x8e: {  	[smem:$0x3FBB] =	sst s2  }
0x8f: {  	_ = 	snop  }
0x90: {  	(tm) =	ssettm $0x1  }
0x91: {  	s17 =	sld [smem:$0x3FFB];
	_ =	sdelay $0x3  }
0x92: {  	_ =	strace s17  }
0x93: {  	s2 =	sld [smem:$0x3FFC];
	_ =	sdelay $0x3  }
0x94: {  	_ =	strace s2  }
0x95: {  	s2 =	sld [smem:$0x3FFD];
	_ =	sdelay $0x3  }
0x96: {  	_ =	strace s2  }
0x97: {  	_ =	strace $0x8FFFFFFF  }
0x98: {  	s18 =	sld [smem:$0x3FDB];
	_ =	sdelay $0x1  }
0x99: {  	s19 =	simm.s32 $_scs_section_size  }
0x9a: {  	s4 =	simm.s32 $_size__tile_overlayer_lowered;
	s5 =	simm.s32 $_tile_overlayer_lowered  }
0x9b: {  	s22 =	simm.s32 $0x1BFF;
	s21 =	sshll.u32 s5, $0x1;
	s2 =	sadd.s32 s19, s18  }
0x9c: {  	s6 =	simm.s32 $0x0;
	s20 =	sshll.u32 s4, $0x1;
	s4 =	sadd.s32 s21, s2  }
0x9d: {  	[timem:s6], [sflag:s22] =	dma.local [hbm:s4], s20  }
0x9e: {  	_ =	swait.ge [sflag:s22], s20  }
0x9f: {  	s3 =	ssub.s32 $0x0, s20;
	[sflag:s22] =	ssyncset.done $0x0  }
0xa0: {  	[sflag:s22] =	ssyncadd.s32 s3;
	_ =	sdelay $0x1  }
0xa1: {  	s23 =	simm.s32 $0x1B8B  }
0xa2: {  	_ =	swait.ge [sflag:s23], $0x1  }
0xa3: {  	[sflag:s23] =	ssyncset.done $0x0  }
0xa4: {  	s25 =	simm.s32 $0x1B8E;
	s24 =	sld [smem:$0x3FFE];
	[sflag:s23] =	ssyncadd.s32 $0xFFFFFFFF  }
0xa5: {  	s26 =	simm.s32 $execute0_lowered;
	[smem:$0x3FD2] =	sst s25  }
0xa6: {  	s4 =	sshll.u32 s26, $0x1;
	_ =	strace $0x80000052;
	[dreg:$0x1] =	wrdreg $0xFFFFFFFF  }
0xa7: {  	s28 =	simm.s32 $_size_execute0_lowered;
	s2 =	sadd.s32 s2, s4;
	[dreg:$0x0] =	wrdreg $0x0  }
0xa8: {  	s4 =	sshll.u32 s28, $0x1;
	[dreg:$0x2] =	wrdreg s2  }
0xa9: {  	[dreg:$0x3] =	wrdreg s4  }
0xaa: {  	[dreg:$0x4] =	wrdreg $0xC0  }
0xab: {  	_ =	task [dreg:s6], $0x5FFFF  }
0xac: {  	[dreg:$0x1] =	wrdreg $0xFFFFFFFF  }
0xad: {  	[dreg:$0x0] =	wrdreg $0x60  }
0xae: {  	[dreg:$0x2] =	wrdreg s24  }
0xaf: {  	[dreg:$0x3] =	wrdreg $0xB0000  }
0xb0: {  	[dreg:$0x4] =	wrdreg $0x158000  }
0xb1: {  	[dreg:$0x5] =	wrdreg $0x9  }
0xb2: {  	_ =	task.clear_ibuf [dreg:s6], $0x6FFFF;
	_ =	strace $0x90000052  }
0xb3: {  	s29 =	simm.s32 $0x9;
	_ =	strace $0x80000054  }
0xb4: {  	_ =	swait.ge [sflag:s29], $0x1  }
0xb5: {  	[sflag:s29] =	ssyncadd.s32 $0xFFFFFFFF  }
0xb6: {  	_ =	strace $0x90000054  }
0xb7: {  	_ =	sfence  }
0xb8: {  	s30 =	sld [smem:$0x0];
	_ =	sdelay $0x2  }
0xb9: {  	s31 =	sshll.u32 s1, $0xD;
	s1 =	sshrl.u32 s1, $0x2  }
0xba: {  	s3 =	sand.u32 $0x4000, s31;
	s1 =	sadd.s32 s1, s30  }
0xbb: {  	s0 =	sor.u32 s3, s0;
	s1 =	sshll.u32 s1, $0x11  }
0xbc: {  	s0 =	sor.u32 s1, s0  }
0xbd: {  	s0 =	sadd.s32 $0x8F2B, s0  }
0xbe: {  	[sflag:s0] =	ssyncadd.remote.s32 $0x1  }
0xbf: {  	_ =	sfence.sel $0xFFFF  }
0xc0: {  	[dreg:$0x0] =	wrdreg $0xFFFFFFFF;
	(pc) =	sbr.abs _section_cstart, $3  }
0xc1: {  	[dreg:$0x1] =	wrdreg $0xFFFFFFFF  }
0xc2: {  	_ =	task.clear_ibuf [dreg:s6], $0x2FFFF;
	_ =	strace $0x9FFFFFFF  }
0xc3: {  	(tm) =	ssettm $0x7FFFFFFF  }
tec
execute0_lowered:
.L_overlay_start_1:
0x0: {  	(tag) =	ssettag $0x1  }
0x1: {  	s8 =	rddreg [dreg:$0x0]  }
0x2: {  	s2 =	rddreg [dreg:$0x1];
	s0 =	stileid.u32  }
0x3: {  	s3 =	rddreg [dreg:$0x2];
	s4 =	simm.s32 $0x0;
	s19 =	smul.u32 $0x1400, s0  }
0x4: {  	s5 =	srdreg.scid;
	s18 =	simm.s32 $0x1;
	s12 =	smul.u32 $0x2A000, s0  }
0x5: {  	s26 =	simm.s32 $0x2F80;
	s28 =	simm.s32 $0x0;
	s15 =	smul.u32 $0x28000, s0  }
0x6: {  	[smem:$0x7FF] =	sst s4;
	s6 =	sand.u32 $0x1, s5;
	s22 =	smul.u32 $0x300, s0  }
0x7: {  	s10 =	sadd.s32 $0x64000, s8;
	s11 =	sadd.s32 $0x5600, s8;
	s25 =	smul.u32 $0x1500, s0  }
0x8: {  	s5 =	sadd.s32 $0x11600, s8;
	s16 =	sshll.u32 s0, $0x6;
	s9 =	smul.u32 $0x15000, s6  }
0x9: {  	s20 =	sadd.s32 $0x38000, s8;
	_ =	strace $0x80000053;
	s29 =	smul.u32 $0x3000, s6  }
0xa: {  	s13 =	ssub.s32 $0x2, s6;
	s17 =	smul.u32 $0x18000, s6;
	s6 =	sor.u32 $0x1C03, s16  }
0xb: {  	s16 =	simm.s32 $0x3000;
	s7 =	sadd.s32 s19, s8;
	s14 =	sshrl.u32 s13, $0x1  }
0xc: {  	s12 =	sshrl.u32 s12, $0x2;
	s15 =	sshrl.u32 s15, $0x2;
	s19 =	sadd.s32 s19, s20  }
0xd: {  	s20 =	simm.s32 $0x2;
	s9 =	sadd.s32 s9, s8;
	s13 =	ssub.s32 s13, s14  }
0xe: {  	s12 =	sadd.s32 s12, s2;
	s15 =	sadd.s32 s15, s3;
	s7 =	sadd.s32 $0x24000, s7  }
0xf: {  	s30 =	sadd.s32 s10, s29;
	s17 =	sshrl.u32 s17, $0x3;
	s14 =	sadd.s32 s11, s29  }
0x10: {  	s31 =	sadd.s32 $0x6000, s17;
	s24 =	sadd.s32 $0x70000, s9;
	s8 =	smax.u32 s13, $0x1  }
0x11: {  	s9 =	sshrl.u32 s12, $0x3;
	s12 =	sadd.s32 s22, s30;
	s13 =	sadd.s32 s22, s14  }
0x12: {  	s14 =	simm.s32 $0x1800;
	s17 =	simm.s32 $0x7000;
	s21 =	sadd.s32 s10, s31  }
0x13: {  	s23 =	sadd.s32 s11, s31;
	s10 =	simm.s32 $0x3;
	s11 =	sshrl.u32 s15, $0x3  }
0x14: {  	s15 =	simm.s32 $0x80;
	s24 =	sadd.s32 s25, s24;
	s25 =	simm.s32 $0x2F00  }
0x15: {  	s21 =	sadd.s32 s22, s21;
	s22 =	sadd.s32 s22, s23;
	s23 =	simm.s32 $0x1780  }
.LBB2_1:
0x16: {  	[spmem:s9], [sflag:s6] =	dma.local [hbm:s5], $0x1500  }
0x17: {  	_ =	swait.ge [sflag:s10], $0x1500  }
0x18: {  	[sflag:s10] =	ssyncset.done $0x0  }
0x19: {  	[sflag:s10] =	ssyncadd.s32 $0xFFFFEB00  }
0x1a: {  	[spmem:s11], [sflag:s6] =	dma.local [hbm:s7], $0x1400  }
0x1b: {  	_ =	swait.ge [sflag:s10], $0x1400  }
0x1c: {  	[sflag:s10] =	ssyncset.done $0x0  }
0x1d: {  	[sflag:s10] =	ssyncadd.s32 $0xFFFFEC00  }
0x1e: {  	[bflag:$0x0] =	sbarrier.arrive $0xFFFF  }
0x1f: {  	[tilespmem:s4], [sflag:$0x3] =	stream.linear.gather [hbm4b:s12+s4], $0x1800, $0x38;
	[tilespmem:$0x1F800] =	vst v63  }
0x20: {  	_ =	swait.ge [sflag:s10], $0x1800  }
0x21: {  	[sflag:s10] =	ssyncset.done $0x0  }
0x22: {  	[sflag:s10] =	ssyncadd.s32 $0xFFFFE800  }
0x23: {  	[tilespmem:s14], [sflag:$0x3] =	stream.linear.gather [hbm4b:s13+s4], $0x1800, $0x38;
	[tilespmem:$0x1F800] =	vst v63  }
0x24: {  	_ =	swait.ge [sflag:s10], $0x1800  }
0x25: {  	[sflag:s10] =	ssyncset.done $0x0  }
0x26: {  	[sflag:s10] =	ssyncadd.s32 $0xFFFFE800  }
0x27: {  	[tilespmem:s16], [sflag:$0x1] =	stream.indirect.gather [spmem:s3], $0x80, s4, s15, $0xb8;
	[tilespmem:$0x1F800] =	vst v63  }
0x28: {  	s29 =	simm.s32 $0x80  }
0x29: {  	[tilespmem:s17], [sflag:$0x2] =	stream.indirect.gather [spmem:s3], $0x80, s29, s15, $0xb8;
	[tilespmem:$0x1F800] =	vst v63  }
0x2a: {  	_ =	swait.ge [sflag:s18], $0x4000  }
0x2b: {  	[sflag:s18] =	ssyncset.done $0x0  }
0x2c: {  	s29 =	simm.s32 $0x1800;
	[sflag:s18] =	ssyncadd.s32 $0xFFFFC000  }
0x2d: {  	[spmem:s2] =	stream.indirect.scatter.add.f32 [tilespmem:s16], [sflag:$0x3], $0x80, s29, s15, $0xb8;
	[tilespmem:$0x1F800] =	vst v63  }
0x2e: {  	_ =	swait.ge [sflag:s10], $0x4000  }
0x2f: {  	[sflag:s10] =	ssyncset.done $0x0  }
0x30: {  	s29 =	simm.s32 $0x100;
	[sflag:s10] =	ssyncadd.s32 $0xFFFFC000  }
0x31: {  	[tilespmem:s16], [sflag:$0x1] =	stream.indirect.gather [spmem:s3], $0x80, s29, s15, $0xb8;
	[tilespmem:$0x1F800] =	vst v63  }
0x32: {  	_ =	swait.ge [sflag:s20], $0x4000  }
0x33: {  	[sflag:s20] =	ssyncset.done $0x0  }
0x34: {  	s29 =	simm.s32 $0x1880;
	[sflag:s20] =	ssyncadd.s32 $0xFFFFC000  }
0x35: {  	[spmem:s2] =	stream.indirect.scatter.add.f32 [tilespmem:s17], [sflag:$0x3], $0x80, s29, s15, $0xb8;
	[tilespmem:$0x1F800] =	vst v63  }
0x36: {  	_ =	swait.ge [sflag:s10], $0x4000  }
0x37: {  	s30 =	simm.s32 $0x800;
	s29 =	simm.s32 $0x100;
	[sflag:s10] =	ssyncset.done $0x0  }
.LBB2_2:
0x38: {  	s31 =	sadd.s32 $0x80, s29  }
0x39: {  	[sflag:s10] =	ssyncadd.s32 $0xFFFFC000;
	s0 =	smov.u32 s30;
	s1 =	sadd.s32 $0x400, s30  }
0x3a: {  	[tilespmem:s17], [sflag:$0x2] =	stream.indirect.gather [spmem:s3], $0x80, s31, s15, $0xb8;
	[tilespmem:$0x1F800] =	vst v63  }
0x3b: {  	p0 =	sne.s32 s30, $0x5800;
	_ =	swait.ge [sflag:s18], $0x4000  }
0x3c: {  	[sflag:s18] =	ssyncset.done $0x0  }
0x3d: {  	s30 =	sadd.s32 $0x1800, s29;
	[sflag:s18] =	ssyncadd.s32 $0xFFFFC000  }
0x3e: {  	[spmem:s2] =	stream.indirect.scatter.add.f32 [tilespmem:s16], [sflag:$0x3], $0x80, s30, s15, $0xb8;
	[tilespmem:$0x1F800] =	vst v63  }
0x3f: {  	_ =	swait.ge [sflag:s10], $0x4000  }
0x40: {  	[sflag:s10] =	ssyncset.done $0x0  }
0x41: {  	s30 =	sadd.s32 $0x100, s29;
	[sflag:s10] =	ssyncadd.s32 $0xFFFFC000  }
0x42: {  	[tilespmem:s16], [sflag:$0x1] =	stream.indirect.gather [spmem:s3], $0x80, s30, s15, $0xb8;
	[tilespmem:$0x1F800] =	vst v63  }
0x43: {  	_ =	swait.ge [sflag:s20], $0x4000  }
.Ltmp0:
0x44: {  	[sflag:s20] =	ssyncset.done $0x0;
	(pc) =	sbr.rel @p0 .LBB2_2-.Ltmp0, $4  }
0x45: {  	s29 =	sadd.s32 $0x1880, s29;
	[sflag:s20] =	ssyncadd.s32 $0xFFFFC000  }
0x46: {  	[spmem:s2] =	stream.indirect.scatter.add.f32 [tilespmem:s17], [sflag:$0x3], $0x80, s29, s15, $0xb8;
	[tilespmem:$0x1F800] =	vst v63  }
0x47: {  	_ =	swait.ge [sflag:s10], $0x4000  }
0x48: {  	s30 =	smov.u32 s1;
	s29 =	sshra.s32 s0, $0x2;
	[sflag:s10] =	ssyncset.done $0x0  }
0x49: {  	s0 =	sadd.s32 $0x80, s29;
	[sflag:s10] =	ssyncadd.s32 $0xFFFFC000  }
0x4a: {  	[tilespmem:s17], [sflag:$0x2] =	stream.indirect.gather [spmem:s3], $0x80, s0, s15, $0xb8;
	[tilespmem:$0x1F800] =	vst v63  }
0x4b: {  	_ =	swait.ge [sflag:s18], $0x4000  }
0x4c: {  	[sflag:s18] =	ssyncset.done $0x0  }
0x4d: {  	s1 =	sadd.s32 $0x1800, s29;
	[sflag:s18] =	ssyncadd.s32 $0xFFFFC000  }
0x4e: {  	[spmem:s2] =	stream.indirect.scatter.add.f32 [tilespmem:s16], [sflag:$0x3], $0x80, s1, s15, $0xb8;
	[tilespmem:$0x1F800] =	vst v63  }
0x4f: {  	_ =	swait.ge [sflag:s10], $0x4000  }
0x50: {  	[sflag:s10] =	ssyncset.done $0x0  }
0x51: {  	s31 =	sadd.s32 $0x100, s29;
	[sflag:s10] =	ssyncadd.s32 $0xFFFFC000  }
0x52: {  	[tilespmem:s16], [sflag:$0x1] =	stream.indirect.gather [spmem:s3], $0x80, s31, s15, $0xb8;
	[tilespmem:$0x1F800] =	vst v63  }
0x53: {  	_ =	swait.ge [sflag:s20], $0x4000  }
0x54: {  	[sflag:s20] =	ssyncset.done $0x0  }
0x55: {  	s1 =	sadd.s32 $0x1880, s29;
	[sflag:s20] =	ssyncadd.s32 $0xFFFFC000  }
0x56: {  	[spmem:s2] =	stream.indirect.scatter.add.f32 [tilespmem:s17], [sflag:$0x3], $0x80, s1, s15, $0xb8;
	[tilespmem:$0x1F800] =	vst v63  }
0x57: {  	_ =	swait.ge [sflag:s10], $0x4000  }
0x58: {  	[sflag:s10] =	ssyncset.done $0x0  }
0x59: {  	[sflag:s10] =	ssyncadd.s32 $0xFFFFC000  }
0x5a: {  	[tilespmem:s17], [sflag:$0x2] =	stream.indirect.gather [spmem:s3], $0x80, s23, s15, $0xb8;
	[tilespmem:$0x1F800] =	vst v63  }
0x5b: {  	_ =	swait.ge [sflag:s18], $0x4000  }
0x5c: {  	[sflag:s18] =	ssyncset.done $0x0  }
0x5d: {  	[sflag:s18] =	ssyncadd.s32 $0xFFFFC000  }
0x5e: {  	[spmem:s2] =	stream.indirect.scatter.add.f32 [tilespmem:s16], [sflag:$0x3], $0x80, s25, s15, $0xb8;
	[tilespmem:$0x1F800] =	vst v63  }
0x5f: {  	_ =	swait.ge [sflag:s10], $0x4000  }
0x60: {  	[sflag:s10] =	ssyncset.done $0x0  }
0x61: {  	[sflag:s10] =	ssyncadd.s32 $0xFFFFC000  }
0x62: {  	_ =	swait.ge [sflag:s20], $0x4000  }
0x63: {  	[sflag:s20] =	ssyncset.done $0x0  }
0x64: {  	[sflag:s20] =	ssyncadd.s32 $0xFFFFC000  }
0x65: {  	[spmem:s2] =	stream.indirect.scatter.add.f32 [tilespmem:s17], [sflag:$0x3], $0x80, s26, s15, $0xb8;
	[tilespmem:$0x1F800] =	vst v63  }
0x66: {  	_ =	swait.ge [sflag:s10], $0x4000  }
0x67: {  	[sflag:s10] =	ssyncset.done $0x0  }
0x68: {  	[sflag:s10] =	ssyncadd.s32 $0xFFFFC000  }
0x69: {  	[bflag:$0x0] =	sbarrier.arrive $0xFFFF  }
0x6a: {  	[spmem:s11], [sflag:s6] =	dma.local [hbm:s19], $0x1400  }
0x6b: {  	_ =	swait.ge [sflag:s10], $0x1400  }
0x6c: {  	[sflag:s10] =	ssyncset.done $0x0  }
0x6d: {  	[sflag:s10] =	ssyncadd.s32 $0xFFFFEC00  }
0x6e: {  	s31 =	simm.s32 $0x0;
	[bflag:$0x0] =	sbarrier.arrive $0xFFFF  }
0x6f: {  	[tilespmem:s31], [sflag:$0x3] =	stream.linear.gather [hbm4b:s21+s31], $0x1800, $0x38;
	[tilespmem:$0x1F800] =	vst v63  }
0x70: {  	_ =	swait.ge [sflag:s10], $0x1800  }
0x71: {  	[sflag:s10] =	ssyncset.done $0x0  }
0x72: {  	[sflag:s10] =	ssyncadd.s32 $0xFFFFE800  }
0x73: {  	[tilespmem:s14], [sflag:$0x3] =	stream.linear.gather [hbm4b:s22+s31], $0x1800, $0x38;
	[tilespmem:$0x1F800] =	vst v63  }
0x74: {  	_ =	swait.ge [sflag:s10], $0x1800  }
0x75: {  	[sflag:s10] =	ssyncset.done $0x0  }
0x76: {  	[sflag:s10] =	ssyncadd.s32 $0xFFFFE800  }
0x77: {  	[tilespmem:s16], [sflag:$0x1] =	stream.indirect.gather [spmem:s3], $0x80, s31, s15, $0xb8;
	[tilespmem:$0x1F800] =	vst v63  }
0x78: {  	s1 =	simm.s32 $0x80  }
0x79: {  	[tilespmem:s17], [sflag:$0x2] =	stream.indirect.gather [spmem:s3], $0x80, s1, s15, $0xb8;
	[tilespmem:$0x1F800] =	vst v63  }
0x7a: {  	_ =	swait.ge [sflag:s18], $0x4000  }
0x7b: {  	[sflag:s18] =	ssyncset.done $0x0  }
0x7c: {  	s31 =	simm.s32 $0x1800;
	[sflag:s18] =	ssyncadd.s32 $0xFFFFC000  }
0x7d: {  	[spmem:s2] =	stream.indirect.scatter.add.f32 [tilespmem:s16], [sflag:$0x3], $0x80, s31, s15, $0xb8;
	[tilespmem:$0x1F800] =	vst v63  }
0x7e: {  	_ =	swait.ge [sflag:s10], $0x4000  }
0x7f: {  	[sflag:s10] =	ssyncset.done $0x0  }
0x80: {  	s1 =	simm.s32 $0x100;
	[sflag:s10] =	ssyncadd.s32 $0xFFFFC000  }
0x81: {  	[tilespmem:s16], [sflag:$0x1] =	stream.indirect.gather [spmem:s3], $0x80, s1, s15, $0xb8;
	[tilespmem:$0x1F800] =	vst v63  }
0x82: {  	_ =	swait.ge [sflag:s20], $0x4000  }
0x83: {  	[sflag:s20] =	ssyncset.done $0x0  }
0x84: {  	s31 =	simm.s32 $0x1880;
	[sflag:s20] =	ssyncadd.s32 $0xFFFFC000  }
0x85: {  	[spmem:s2] =	stream.indirect.scatter.add.f32 [tilespmem:s17], [sflag:$0x3], $0x80, s31, s15, $0xb8;
	[tilespmem:$0x1F800] =	vst v63  }
0x86: {  	_ =	swait.ge [sflag:s10], $0x4000  }
0x87: {  	s30 =	simm.s32 $0x800;
	s29 =	simm.s32 $0x100;
	[sflag:s10] =	ssyncset.done $0x0  }
.LBB2_4:
0x88: {  	s0 =	sadd.s32 $0x80, s29  }
0x89: {  	[sflag:s10] =	ssyncadd.s32 $0xFFFFC000;
	s1 =	smov.u32 s30;
	s31 =	sadd.s32 $0x400, s30  }
0x8a: {  	[tilespmem:s17], [sflag:$0x2] =	stream.indirect.gather [spmem:s3], $0x80, s0, s15, $0xb8;
	[tilespmem:$0x1F800] =	vst v63  }
0x8b: {  	p0 =	sne.s32 s30, $0x5800;
	_ =	swait.ge [sflag:s18], $0x4000  }
0x8c: {  	[sflag:s18] =	ssyncset.done $0x0  }
0x8d: {  	s0 =	sadd.s32 $0x1800, s29;
	[sflag:s18] =	ssyncadd.s32 $0xFFFFC000  }
0x8e: {  	[spmem:s2] =	stream.indirect.scatter.add.f32 [tilespmem:s16], [sflag:$0x3], $0x80, s0, s15, $0xb8;
	[tilespmem:$0x1F800] =	vst v63  }
0x8f: {  	_ =	swait.ge [sflag:s10], $0x4000  }
0x90: {  	[sflag:s10] =	ssyncset.done $0x0  }
0x91: {  	s0 =	sadd.s32 $0x100, s29;
	[sflag:s10] =	ssyncadd.s32 $0xFFFFC000  }
0x92: {  	[tilespmem:s16], [sflag:$0x1] =	stream.indirect.gather [spmem:s3], $0x80, s0, s15, $0xb8;
	[tilespmem:$0x1F800] =	vst v63  }
0x93: {  	_ =	swait.ge [sflag:s20], $0x4000  }
.Ltmp1:
0x94: {  	[sflag:s20] =	ssyncset.done $0x0;
	(pc) =	sbr.rel @p0 .LBB2_4-.Ltmp1, $4  }
0x95: {  	s0 =	sadd.s32 $0x1880, s29;
	[sflag:s20] =	ssyncadd.s32 $0xFFFFC000  }
0x96: {  	[spmem:s2] =	stream.indirect.scatter.add.f32 [tilespmem:s17], [sflag:$0x3], $0x80, s0, s15, $0xb8;
	[tilespmem:$0x1F800] =	vst v63  }
0x97: {  	_ =	swait.ge [sflag:s10], $0x4000  }
0x98: {  	s30 =	smov.u32 s31;
	s29 =	sshra.s32 s1, $0x2;
	[sflag:s10] =	ssyncset.done $0x0  }
0x99: {  	s0 =	sadd.s32 $0x80, s29;
	[sflag:s10] =	ssyncadd.s32 $0xFFFFC000  }
0x9a: {  	[tilespmem:s17], [sflag:$0x2] =	stream.indirect.gather [spmem:s3], $0x80, s0, s15, $0xb8;
	[tilespmem:$0x1F800] =	vst v63  }
0x9b: {  	_ =	swait.ge [sflag:s18], $0x4000  }
0x9c: {  	[sflag:s18] =	ssyncset.done $0x0  }
0x9d: {  	s1 =	sadd.s32 $0x1800, s29;
	[sflag:s18] =	ssyncadd.s32 $0xFFFFC000  }
0x9e: {  	[spmem:s2] =	stream.indirect.scatter.add.f32 [tilespmem:s16], [sflag:$0x3], $0x80, s1, s15, $0xb8;
	[tilespmem:$0x1F800] =	vst v63  }
0x9f: {  	_ =	swait.ge [sflag:s10], $0x4000  }
0xa0: {  	[sflag:s10] =	ssyncset.done $0x0  }
0xa1: {  	s30 =	sadd.s32 $0x100, s29;
	[sflag:s10] =	ssyncadd.s32 $0xFFFFC000  }
0xa2: {  	[tilespmem:s16], [sflag:$0x1] =	stream.indirect.gather [spmem:s3], $0x80, s30, s15, $0xb8;
	[tilespmem:$0x1F800] =	vst v63  }
0xa3: {  	_ =	swait.ge [sflag:s20], $0x4000  }
0xa4: {  	[sflag:s20] =	ssyncset.done $0x0  }
0xa5: {  	s31 =	sadd.s32 $0x1880, s29;
	[sflag:s20] =	ssyncadd.s32 $0xFFFFC000  }
0xa6: {  	[spmem:s2] =	stream.indirect.scatter.add.f32 [tilespmem:s17], [sflag:$0x3], $0x80, s31, s15, $0xb8;
	[tilespmem:$0x1F800] =	vst v63  }
0xa7: {  	_ =	swait.ge [sflag:s10], $0x4000  }
0xa8: {  	[sflag:s10] =	ssyncset.done $0x0  }
0xa9: {  	[sflag:s10] =	ssyncadd.s32 $0xFFFFC000  }
0xaa: {  	[tilespmem:s17], [sflag:$0x2] =	stream.indirect.gather [spmem:s3], $0x80, s23, s15, $0xb8;
	[tilespmem:$0x1F800] =	vst v63  }
0xab: {  	_ =	swait.ge [sflag:s18], $0x4000  }
0xac: {  	[sflag:s18] =	ssyncset.done $0x0  }
0xad: {  	[sflag:s18] =	ssyncadd.s32 $0xFFFFC000  }
0xae: {  	[spmem:s2] =	stream.indirect.scatter.add.f32 [tilespmem:s16], [sflag:$0x3], $0x80, s25, s15, $0xb8;
	[tilespmem:$0x1F800] =	vst v63  }
0xaf: {  	_ =	swait.ge [sflag:s10], $0x4000  }
0xb0: {  	[sflag:s10] =	ssyncset.done $0x0  }
0xb1: {  	[sflag:s10] =	ssyncadd.s32 $0xFFFFC000  }
0xb2: {  	_ =	swait.ge [sflag:s20], $0x4000  }
0xb3: {  	[sflag:s20] =	ssyncset.done $0x0  }
0xb4: {  	[sflag:s20] =	ssyncadd.s32 $0xFFFFC000  }
0xb5: {  	[spmem:s2] =	stream.indirect.scatter.add.f32 [tilespmem:s17], [sflag:$0x3], $0x80, s26, s15, $0xb8;
	[tilespmem:$0x1F800] =	vst v63  }
0xb6: {  	_ =	swait.ge [sflag:s10], $0x4000  }
0xb7: {  	s28 =	sadd.s32 $0x1, s28;
	[sflag:s10] =	ssyncset.done $0x0  }
0xb8: {  	p0 =	sne.s32 s28, s8;
	[sflag:s10] =	ssyncadd.s32 $0xFFFFC000  }
.Ltmp2:
0xb9: {  	[bflag:$0x0] =	sbarrier.arrive $0xFFFF;
	(pc) =	sbr.rel @p0 .LBB2_1-.Ltmp2, $4  }
0xba: {  	[hbm:s24], [sflag:s6] =	dma.local [spmem:s9], $0x1500  }
0xbb: {  	_ =	swait.ge [sflag:s10], $0x1500  }
0xbc: {  	[sflag:s10] =	ssyncset.done $0x0  }
0xbd: {  	[sflag:s10] =	ssyncadd.s32 $0xFFFFEB00  }
0xbe: {  	_ =	sfence.sel $0x180000  }
0xbf: {  	[bflag:$0x0] =	sbarrier.arrive $0xFFFF  }
0xc0: {  	_ =	strace $0x90000053  }
0xc1: {  	s0 =	stileid.u32;
	[bflag:$0x2] =	sbarrier.arrive $0xFFFF  }
0xc2: {  	p0 =	sne.s32 s0, $0x0;
	s0 =	rddreg [dreg:$0x3]  }
0xc3: {  	s0 =	sadd.s32 @!p0 $0x100000, s0  }
0xc4: {  	[sflag:s0] =	ssyncadd.tile.s32 @!p0 $0x1;
	_ =	shalt  }
.Lfunc_end2:
_tile_overlayer_lowered:
.L_overlay_start_2:
0xc5: {  	(tag) =	ssettag $0x2  }
0xc6: {  	s0 =	rddreg [dreg:$0x0];
	s2 =	stileid.u32  }
0xc7: {  	s1 =	rddreg [dreg:$0x1];
	p0 =	sne.s32 s2, $0x0  }
0xc8: {  	s3 =	rddreg [dreg:$0x2];
	[bflag:$0x3] =	sbarrier.arrive $0xFFFF;
	s2 =	simm.s32 @!p0 $0x1C03  }
0xc9: {  	[timem:s3], [sflag:s2] =	dma.local @!p0 [hbm:s0], s1  }
0xca: {  	s0 =	simm.s32 @!p0 $0x3  }
0xcb: {  	_ =	swait.ge @!p0 [sflag:s0], s1  }
0xcc: {  	s1 =	ssub.s32 @!p0 $0x0, s1;
	[sflag:s0] =	ssyncset.done @!p0 $0x0  }
0xcd: {  	[sflag:s0] =	ssyncadd.s32 @!p0 s1  }
0xce: {  	[bflag:$0x3] =	sbarrier.arrive $0xFFFF  }
0xcf: {  	_ =	shalt  }

// kernel: kernel.35.cloned.1.call-start
scs
__scs_entry_jumppad:
0x0: {  	(pc) =	sbr.rel $0x88, $3  }
0x1: {  	(tag) =	ssettag $0x0;
	lr =	simm.s32 $0x1  }
0x2: {  	[smem:$0x3F94] =	sst lr;
	_ =	strace $0xD0000000  }
0x3: {  	_ = 	snop  }
0x4: {  	_ = 	snop  }
0x5: {  	_ = 	snop  }
0x6: {  	_ = 	snop  }
0x7: {  	_ = 	snop  }
__scs_overlays_trampoline_lowered:
0x8: {  	[smem:$0x3FA3] =	sst s0  }
0x9: {  	[smem:$0x3FA4] =	sst s1  }
0xa: {  	[smem:$0x3FA5] =	sst s2  }
0xb: {  	[smem:$0x3FA6] =	sst s3  }
0xc: {  	[smem:$0x3FA7] =	sst s4  }
0xd: {  	[smem:$0x3FA8] =	sst s5  }
0xe: {  	[smem:$0x3FA9] =	sst s6  }
0xf: {  	[smem:$0x3FAA] =	sst s7  }
0x10: {  	[smem:$0x3FAB] =	sst s8  }
0x11: {  	[smem:$0x3FAC] =	sst s9;
	s0 =	simm.s32 @!p0 $0x0  }
0x12: {  	s1 =	sld [smem:$0x3F92];
	s0 =	simm.s32 @p0 $0x1  }
0x13: {  	[smem:$0x3FAD] =	sst s0;
	s0 =	simm.s32 @!p1 $0x0  }
0x14: {  	s2 =	sld [smem:$0x3F91];
	s0 =	simm.s32 @p1 $0x1  }
0x15: {  	[smem:$0x3FAE] =	sst s0;
	s0 =	simm.s32 @!p2 $0x0  }
0x16: {  	s3 =	sld [smem:$0x3FDB];
	s0 =	simm.s32 @p2 $0x1  }
0x17: {  	s4 =	simm.s32 $0x1BF5;
	[smem:$0x3FB0] =	sst s0  }
0x18: {  	s0 =	sld [smem:$0x3F93];
	_ =	swait.ge [sflag:s4], $0x0  }
0x19: {  	s7 =	sld [smem:$0x3F94]  }
0x1a: {  	s8 =	sadd.s32 $0xFFFFE003, lr  }
0x1b: {  	s9 =	sadd.s32 $0xFFFFFEF7, lr;
	s5 =	simm.s32 $0xFFFFFFFF;
	p2 =	slt.u32 s8, $0xFFFFF086  }
0x1c: {  	p1 =	slt.u32 s9, $0xF7A;
	s5 =	simm.s32 @!p2 $0x0  }
0x1d: {  	s5 =	simm.s32 @p1 $0x1;
	p0 =	seq.s32 s7, s2  }
0x1e: {  	s7 =	smul.u32 @!p0 $0xF7A, s2;
	p2 =	seq.s32 @!p0 s5, $0x0  }
0x1f: {  	s9 =	smul.u32 $0xF7A, s1;
	s8 =	simm.s32 @!p0 $0x1BF5;
	p2 =	por !p2, p0  }
0x20: {  	[sflag:s8] =	ssyncset.s32 @!p0 $0xFFFFF086;
	s6 =	sadd.s32 @!p0 s3, s7;
	s7 =	simm.s32 @!p0 $0x108  }
0x21: {  	s3 =	sadd.s32 s3, s9;
	s6 =	sadd.s32 @!p0 $0x88, s6;
	s7 =	simm.s32 @p2 $0x1082  }
0x22: {  	[simem:s7], [sflag:s8] =	dma.local @!p0 [hbm:s6], $0xF7A  }
0x23: {  	s9 =	sor.u32 $0xD0000000, s2;
	s6 =	simm.s32 $0x108;
	_ =	swait.ge @!p0 [sflag:s8], $0x0  }
0x24: {  	s3 =	sadd.s32 $0x88, s3;
	s6 =	simm.s32 @!p1 $0x1082;
	[sflag:s4] =	ssyncset.s32 $0xFFFFF086  }
0x25: {  	[simem:s6], [sflag:s4] =	dma.local [hbm:s3], $0xF7A  }
0x26: {  	[smem:$0x3F94] =	sst s1;
	(tag) =	ssettag s2;
	_ =	strace s9  }
0x27: {  	s1 =	sld [smem:$0x3FA4]  }
0x28: {  	s2 =	sld [smem:$0x3FA5]  }
0x29: {  	s4 =	sld [smem:$0x3FA7]  }
0x2a: {  	p0 =	seq.s32 s5, $0x0;
	s5 =	sld [smem:$0x3FA8]  }
0x2b: {  	s6 =	sld [smem:$0x3FA9]  }
0x2c: {  	s7 =	sld [smem:$0x3FAA]  }
0x2d: {  	s3 =	simm.s32 $0x108;
	s8 =	sld [smem:$0x3FAB]  }
0x2e: {  	s3 =	simm.s32 @!p0 $0x1082;
	s9 =	sld [smem:$0x3FAC]  }
0x2f: {  	lr =	sadd.s32 s0, s3;
	s0 =	sld [smem:$0x3FA3]  }
0x30: {  	s3 =	sld [smem:$0x3FA6]  }
0x31: {  	[smem:$0x3FAF] =	sst s10  }
0x32: {  	s10 =	sld [smem:$0x3FAD];
	_ =	sdelay $0x3  }
0x33: {  	p0 =	seq.s32 s10, $0x1;
	s10 =	sld [smem:$0x3FAF];
	_ =	sdelay $0x3  }
0x34: {  	[smem:$0x3FAF] =	sst s10  }
0x35: {  	s10 =	sld [smem:$0x3FAE];
	_ =	sdelay $0x3  }
0x36: {  	p1 =	seq.s32 s10, $0x1;
	s10 =	sld [smem:$0x3FAF];
	_ =	sdelay $0x3  }
0x37: {  	[smem:$0x3FAF] =	sst s10  }
0x38: {  	s10 =	sld [smem:$0x3FB0]  }
0x39: {  	_ = 	snop;
	(pc) =	sbr.ind lr, $3  }
0x3a: {  	_ = 	snop  }
0x3b: {  	_ = 	snop  }
0x3c: {  	p2 =	seq.s32 s10, $0x1;
	s10 =	sld [smem:$0x3FAF]  }
0x3d: {  	_ =	shalt  }
0x3e: {  	_ =	shalt  }
0x3f: {  	_ =	shalt  }
0x40: {  	_ =	shalt  }
0x41: {  	_ =	shalt  }
0x42: {  	_ =	shalt  }
0x43: {  	_ =	shalt  }
0x44: {  	_ =	shalt  }
0x45: {  	_ =	shalt  }
0x46: {  	_ =	shalt  }
0x47: {  	_ =	shalt  }
0x48: {  	_ =	shalt  }
0x49: {  	_ =	shalt  }
0x4a: {  	_ =	shalt  }
0x4b: {  	_ =	shalt  }
0x4c: {  	_ =	shalt  }
0x4d: {  	_ =	shalt  }
0x4e: {  	_ =	shalt  }
0x4f: {  	_ =	shalt  }
0x50: {  	_ =	shalt  }
0x51: {  	_ =	shalt  }
0x52: {  	_ =	shalt  }
0x53: {  	_ =	shalt  }
0x54: {  	_ =	shalt  }
0x55: {  	_ =	shalt  }
0x56: {  	_ =	shalt  }
0x57: {  	_ =	shalt  }
0x58: {  	_ =	shalt  }
0x59: {  	_ =	shalt  }
0x5a: {  	_ =	shalt  }
0x5b: {  	_ =	shalt  }
0x5c: {  	_ =	shalt  }
0x5d: {  	_ =	shalt  }
0x5e: {  	_ =	shalt  }
0x5f: {  	_ =	shalt  }
0x60: {  	_ =	shalt  }
0x61: {  	_ =	shalt  }
0x62: {  	_ =	shalt  }
0x63: {  	_ =	shalt  }
0x64: {  	_ =	shalt  }
0x65: {  	_ =	shalt  }
0x66: {  	_ =	shalt  }
0x67: {  	_ =	shalt  }
0x68: {  	_ =	shalt  }
0x69: {  	_ =	shalt  }
0x6a: {  	_ =	shalt  }
0x6b: {  	_ =	shalt  }
0x6c: {  	_ =	shalt  }
0x6d: {  	_ =	shalt  }
0x6e: {  	_ =	shalt  }
0x6f: {  	_ =	shalt  }
0x70: {  	_ =	shalt  }
0x71: {  	_ =	shalt  }
0x72: {  	_ =	shalt  }
0x73: {  	_ =	shalt  }
0x74: {  	_ =	shalt  }
0x75: {  	_ =	shalt  }
0x76: {  	_ =	shalt  }
0x77: {  	_ =	shalt  }
0x78: {  	_ =	shalt  }
0x79: {  	_ =	shalt  }
0x7a: {  	_ =	shalt  }
0x7b: {  	_ =	shalt  }
0x7c: {  	_ =	shalt  }
0x7d: {  	_ =	shalt  }
0x7e: {  	_ =	shalt  }
0x7f: {  	_ =	shalt  }
0x80: {  	_ =	shalt  }
0x81: {  	_ =	shalt  }
0x82: {  	_ =	shalt  }
0x83: {  	_ =	shalt  }
0x84: {  	_ =	shalt  }
0x85: {  	_ =	shalt  }
0x86: {  	_ =	shalt  }
0x87: {  	_ =	shalt  }
.Lfunc_end0:
.L_simem_size_0:
called_computation.5_lowered:
.L_overlay_start_0:
0x88: {  	s2 =	sld [smem:$0x3FD9]  }
0x89: {  	s3 =	sld [smem:$0x3FFE];
	_ =	sdelay $0x1  }
0x8a: {  	s1 =	srdreg.scid  }
0x8b: {  	s0 =	sand.u32 $0x1, s1  }
0x8c: {  	s16 =	sshll.u32 s0, $0xA;
	s2 =	sadd.s32 s3, s2  }
0x8d: {  	s2 =	sadd.s32 s2, s16  }
0x8e: {  	[smem:$0x3FBB] =	sst s2  }
0x8f: {  	_ = 	snop  }
0x90: {  	(tm) =	ssettm $0x1  }
0x91: {  	s17 =	sld [smem:$0x3FFB];
	_ =	sdelay $0x3  }
0x92: {  	_ =	strace s17  }
0x93: {  	s2 =	sld [smem:$0x3FFC];
	_ =	sdelay $0x3  }
0x94: {  	_ =	strace s2  }
0x95: {  	s2 =	sld [smem:$0x3FFD];
	_ =	sdelay $0x3  }
0x96: {  	_ =	strace s2  }
0x97: {  	_ =	strace $0x8FFFFFFF  }
0x98: {  	s18 =	sld [smem:$0x3FDB];
	_ =	sdelay $0x1  }
0x99: {  	s19 =	simm.s32 $_scs_section_size  }
0x9a: {  	s4 =	simm.s32 $_size__tile_overlayer_lowered;
	s5 =	simm.s32 $_tile_overlayer_lowered  }
0x9b: {  	s22 =	simm.s32 $0x1BFF;
	s21 =	sshll.u32 s5, $0x1;
	s2 =	sadd.s32 s19, s18  }
0x9c: {  	s6 =	simm.s32 $0x0;
	s20 =	sshll.u32 s4, $0x1;
	s4 =	sadd.s32 s21, s2  }
0x9d: {  	[timem:s6], [sflag:s22] =	dma.local [hbm:s4], s20  }
0x9e: {  	_ =	swait.ge [sflag:s22], s20  }
0x9f: {  	s3 =	ssub.s32 $0x0, s20;
	[sflag:s22] =	ssyncset.done $0x0  }
0xa0: {  	[sflag:s22] =	ssyncadd.s32 s3;
	_ =	sdelay $0x1  }
0xa1: {  	s23 =	simm.s32 $0x1B8B  }
0xa2: {  	_ =	swait.ge [sflag:s23], $0x1  }
0xa3: {  	[sflag:s23] =	ssyncset.done $0x0  }
0xa4: {  	s25 =	simm.s32 $0x1B8E;
	s24 =	sld [smem:$0x3FFE];
	[sflag:s23] =	ssyncadd.s32 $0xFFFFFFFF  }
0xa5: {  	s26 =	simm.s32 $execute0_lowered;
	[smem:$0x3FD2] =	sst s25  }
0xa6: {  	s4 =	sshll.u32 s26, $0x1;
	_ =	strace $0x80000055;
	[dreg:$0x1] =	wrdreg $0xFFFFFFFF  }
0xa7: {  	s28 =	simm.s32 $_size_execute0_lowered;
	s2 =	sadd.s32 s2, s4;
	[dreg:$0x0] =	wrdreg $0x0  }
0xa8: {  	s4 =	sshll.u32 s28, $0x1;
	[dreg:$0x2] =	wrdreg s2  }
0xa9: {  	[dreg:$0x3] =	wrdreg s4  }
0xaa: {  	[dreg:$0x4] =	wrdreg $0xC0  }
0xab: {  	_ =	task [dreg:s6], $0x5FFFF  }
0xac: {  	[dreg:$0x1] =	wrdreg $0xFFFFFFFF  }
0xad: {  	[dreg:$0x0] =	wrdreg $0x60  }
0xae: {  	[dreg:$0x2] =	wrdreg s24  }
0xaf: {  	[dreg:$0x3] =	wrdreg $0xB0000  }
0xb0: {  	[dreg:$0x4] =	wrdreg $0x158000  }
0xb1: {  	[dreg:$0x5] =	wrdreg $0x9  }
0xb2: {  	_ =	task.clear_ibuf [dreg:s6], $0x6FFFF;
	_ =	strace $0x90000055  }
0xb3: {  	s29 =	simm.s32 $0x9;
	_ =	strace $0x80000057  }
0xb4: {  	_ =	swait.ge [sflag:s29], $0x1  }
0xb5: {  	[sflag:s29] =	ssyncadd.s32 $0xFFFFFFFF  }
0xb6: {  	_ =	strace $0x90000057  }
0xb7: {  	_ =	sfence  }
0xb8: {  	s30 =	sld [smem:$0x0];
	_ =	sdelay $0x2  }
0xb9: {  	s31 =	sshll.u32 s1, $0xD;
	s1 =	sshrl.u32 s1, $0x2  }
0xba: {  	s3 =	sand.u32 $0x4000, s31;
	s1 =	sadd.s32 s1, s30  }
0xbb: {  	s0 =	sor.u32 s3, s0;
	s1 =	sshll.u32 s1, $0x11  }
0xbc: {  	s0 =	sor.u32 s1, s0  }
0xbd: {  	s0 =	sadd.s32 $0x8F2B, s0  }
0xbe: {  	[sflag:s0] =	ssyncadd.remote.s32 $0x1  }
0xbf: {  	_ =	sfence.sel $0xFFFF  }
0xc0: {  	[dreg:$0x0] =	wrdreg $0xFFFFFFFF;
	(pc) =	sbr.abs _section_cstart, $3  }
0xc1: {  	[dreg:$0x1] =	wrdreg $0xFFFFFFFF  }
0xc2: {  	_ =	task.clear_ibuf [dreg:s6], $0x2FFFF;
	_ =	strace $0x9FFFFFFF  }
0xc3: {  	(tm) =	ssettm $0x7FFFFFFF  }
tec
execute0_lowered:
.L_overlay_start_1:
0x0: {  	(tag) =	ssettag $0x1  }
0x1: {  	s8 =	rddreg [dreg:$0x0]  }
0x2: {  	s2 =	rddreg [dreg:$0x1];
	s0 =	stileid.u32  }
0x3: {  	s3 =	rddreg [dreg:$0x2];
	s4 =	simm.s32 $0x0;
	s19 =	smul.u32 $0x1400, s0  }
0x4: {  	s5 =	srdreg.scid;
	s18 =	simm.s32 $0x1;
	s12 =	smul.u32 $0x2A000, s0  }
0x5: {  	s26 =	simm.s32 $0x2F80;
	s28 =	simm.s32 $0x0;
	s15 =	smul.u32 $0x28000, s0  }
0x6: {  	[smem:$0x7FF] =	sst s4;
	s6 =	sand.u32 $0x1, s5;
	s22 =	smul.u32 $0x300, s0  }
0x7: {  	s10 =	sadd.s32 $0x64000, s8;
	s11 =	sadd.s32 $0x5600, s8;
	s25 =	smul.u32 $0x1500, s0  }
0x8: {  	s5 =	sadd.s32 $0x11600, s8;
	s16 =	sshll.u32 s0, $0x6;
	s9 =	smul.u32 $0x15000, s6  }
0x9: {  	s20 =	sadd.s32 $0x38000, s8;
	_ =	strace $0x80000056;
	s29 =	smul.u32 $0x3000, s6  }
0xa: {  	s13 =	ssub.s32 $0x2, s6;
	s17 =	smul.u32 $0x18000, s6;
	s6 =	sor.u32 $0x1C03, s16  }
0xb: {  	s16 =	simm.s32 $0x3000;
	s7 =	sadd.s32 s19, s8;
	s14 =	sshrl.u32 s13, $0x1  }
0xc: {  	s12 =	sshrl.u32 s12, $0x2;
	s15 =	sshrl.u32 s15, $0x2;
	s19 =	sadd.s32 s19, s20  }
0xd: {  	s20 =	simm.s32 $0x2;
	s9 =	sadd.s32 s9, s8;
	s13 =	ssub.s32 s13, s14  }
0xe: {  	s12 =	sadd.s32 s12, s2;
	s15 =	sadd.s32 s15, s3;
	s7 =	sadd.s32 $0x24000, s7  }
0xf: {  	s30 =	sadd.s32 s10, s29;
	s17 =	sshrl.u32 s17, $0x3;
	s14 =	sadd.s32 s11, s29  }
0x10: {  	s31 =	sadd.s32 $0x6000, s17;
	s24 =	sadd.s32 $0x70000, s9;
	s8 =	smax.u32 s13, $0x1  }
0x11: {  	s9 =	sshrl.u32 s12, $0x3;
	s12 =	sadd.s32 s22, s30;
	s13 =	sadd.s32 s22, s14  }
0x12: {  	s14 =	simm.s32 $0x1800;
	s17 =	simm.s32 $0x7000;
	s21 =	sadd.s32 s10, s31  }
0x13: {  	s23 =	sadd.s32 s11, s31;
	s10 =	simm.s32 $0x3;
	s11 =	sshrl.u32 s15, $0x3  }
0x14: {  	s15 =	simm.s32 $0x80;
	s24 =	sadd.s32 s25, s24;
	s25 =	simm.s32 $0x2F00  }
0x15: {  	s21 =	sadd.s32 s22, s21;
	s22 =	sadd.s32 s22, s23;
	s23 =	simm.s32 $0x1780  }
.LBB2_1:
0x16: {  	[spmem:s9], [sflag:s6] =	dma.local [hbm:s5], $0x1500  }
0x17: {  	_ =	swait.ge [sflag:s10], $0x1500  }
0x18: {  	[sflag:s10] =	ssyncset.done $0x0  }
0x19: {  	[sflag:s10] =	ssyncadd.s32 $0xFFFFEB00  }
0x1a: {  	[spmem:s11], [sflag:s6] =	dma.local [hbm:s7], $0x1400  }
0x1b: {  	_ =	swait.ge [sflag:s10], $0x1400  }
0x1c: {  	[sflag:s10] =	ssyncset.done $0x0  }
0x1d: {  	[sflag:s10] =	ssyncadd.s32 $0xFFFFEC00  }
0x1e: {  	[bflag:$0x0] =	sbarrier.arrive $0xFFFF  }
0x1f: {  	[tilespmem:s4], [sflag:$0x3] =	stream.linear.gather [hbm4b:s12+s4], $0x1800, $0x38;
	[tilespmem:$0x1F800] =	vst v63  }
0x20: {  	_ =	swait.ge [sflag:s10], $0x1800  }
0x21: {  	[sflag:s10] =	ssyncset.done $0x0  }
0x22: {  	[sflag:s10] =	ssyncadd.s32 $0xFFFFE800  }
0x23: {  	[tilespmem:s14], [sflag:$0x3] =	stream.linear.gather [hbm4b:s13+s4], $0x1800, $0x38;
	[tilespmem:$0x1F800] =	vst v63  }
0x24: {  	_ =	swait.ge [sflag:s10], $0x1800  }
0x25: {  	[sflag:s10] =	ssyncset.done $0x0  }
0x26: {  	[sflag:s10] =	ssyncadd.s32 $0xFFFFE800  }
0x27: {  	[tilespmem:s16], [sflag:$0x1] =	stream.indirect.gather [spmem:s3], $0x80, s4, s15, $0xb8;
	[tilespmem:$0x1F800] =	vst v63  }
0x28: {  	s29 =	simm.s32 $0x80  }
0x29: {  	[tilespmem:s17], [sflag:$0x2] =	stream.indirect.gather [spmem:s3], $0x80, s29, s15, $0xb8;
	[tilespmem:$0x1F800] =	vst v63  }
0x2a: {  	_ =	swait.ge [sflag:s18], $0x4000  }
0x2b: {  	[sflag:s18] =	ssyncset.done $0x0  }
0x2c: {  	s29 =	simm.s32 $0x1800;
	[sflag:s18] =	ssyncadd.s32 $0xFFFFC000  }
0x2d: {  	[spmem:s2] =	stream.indirect.scatter.add.f32 [tilespmem:s16], [sflag:$0x3], $0x80, s29, s15, $0xb8;
	[tilespmem:$0x1F800] =	vst v63  }
0x2e: {  	_ =	swait.ge [sflag:s10], $0x4000  }
0x2f: {  	[sflag:s10] =	ssyncset.done $0x0  }
0x30: {  	s29 =	simm.s32 $0x100;
	[sflag:s10] =	ssyncadd.s32 $0xFFFFC000  }
0x31: {  	[tilespmem:s16], [sflag:$0x1] =	stream.indirect.gather [spmem:s3], $0x80, s29, s15, $0xb8;
	[tilespmem:$0x1F800] =	vst v63  }
0x32: {  	_ =	swait.ge [sflag:s20], $0x4000  }
0x33: {  	[sflag:s20] =	ssyncset.done $0x0  }
0x34: {  	s29 =	simm.s32 $0x1880;
	[sflag:s20] =	ssyncadd.s32 $0xFFFFC000  }
0x35: {  	[spmem:s2] =	stream.indirect.scatter.add.f32 [tilespmem:s17], [sflag:$0x3], $0x80, s29, s15, $0xb8;
	[tilespmem:$0x1F800] =	vst v63  }
0x36: {  	_ =	swait.ge [sflag:s10], $0x4000  }
0x37: {  	s30 =	simm.s32 $0x800;
	s29 =	simm.s32 $0x100;
	[sflag:s10] =	ssyncset.done $0x0  }
.LBB2_2:
0x38: {  	s31 =	sadd.s32 $0x80, s29  }
0x39: {  	[sflag:s10] =	ssyncadd.s32 $0xFFFFC000;
	s0 =	smov.u32 s30;
	s1 =	sadd.s32 $0x400, s30  }
0x3a: {  	[tilespmem:s17], [sflag:$0x2] =	stream.indirect.gather [spmem:s3], $0x80, s31, s15, $0xb8;
	[tilespmem:$0x1F800] =	vst v63  }
0x3b: {  	p0 =	sne.s32 s30, $0x5800;
	_ =	swait.ge [sflag:s18], $0x4000  }
0x3c: {  	[sflag:s18] =	ssyncset.done $0x0  }
0x3d: {  	s30 =	sadd.s32 $0x1800, s29;
	[sflag:s18] =	ssyncadd.s32 $0xFFFFC000  }
0x3e: {  	[spmem:s2] =	stream.indirect.scatter.add.f32 [tilespmem:s16], [sflag:$0x3], $0x80, s30, s15, $0xb8;
	[tilespmem:$0x1F800] =	vst v63  }
0x3f: {  	_ =	swait.ge [sflag:s10], $0x4000  }
0x40: {  	[sflag:s10] =	ssyncset.done $0x0  }
0x41: {  	s30 =	sadd.s32 $0x100, s29;
	[sflag:s10] =	ssyncadd.s32 $0xFFFFC000  }
0x42: {  	[tilespmem:s16], [sflag:$0x1] =	stream.indirect.gather [spmem:s3], $0x80, s30, s15, $0xb8;
	[tilespmem:$0x1F800] =	vst v63  }
0x43: {  	_ =	swait.ge [sflag:s20], $0x4000  }
.Ltmp0:
0x44: {  	[sflag:s20] =	ssyncset.done $0x0;
	(pc) =	sbr.rel @p0 .LBB2_2-.Ltmp0, $4  }
0x45: {  	s29 =	sadd.s32 $0x1880, s29;
	[sflag:s20] =	ssyncadd.s32 $0xFFFFC000  }
0x46: {  	[spmem:s2] =	stream.indirect.scatter.add.f32 [tilespmem:s17], [sflag:$0x3], $0x80, s29, s15, $0xb8;
	[tilespmem:$0x1F800] =	vst v63  }
0x47: {  	_ =	swait.ge [sflag:s10], $0x4000  }
0x48: {  	s30 =	smov.u32 s1;
	s29 =	sshra.s32 s0, $0x2;
	[sflag:s10] =	ssyncset.done $0x0  }
0x49: {  	s0 =	sadd.s32 $0x80, s29;
	[sflag:s10] =	ssyncadd.s32 $0xFFFFC000  }
0x4a: {  	[tilespmem:s17], [sflag:$0x2] =	stream.indirect.gather [spmem:s3], $0x80, s0, s15, $0xb8;
	[tilespmem:$0x1F800] =	vst v63  }
0x4b: {  	_ =	swait.ge [sflag:s18], $0x4000  }
0x4c: {  	[sflag:s18] =	ssyncset.done $0x0  }
0x4d: {  	s1 =	sadd.s32 $0x1800, s29;
	[sflag:s18] =	ssyncadd.s32 $0xFFFFC000  }
0x4e: {  	[spmem:s2] =	stream.indirect.scatter.add.f32 [tilespmem:s16], [sflag:$0x3], $0x80, s1, s15, $0xb8;
	[tilespmem:$0x1F800] =	vst v63  }
0x4f: {  	_ =	swait.ge [sflag:s10], $0x4000  }
0x50: {  	[sflag:s10] =	ssyncset.done $0x0  }
0x51: {  	s31 =	sadd.s32 $0x100, s29;
	[sflag:s10] =	ssyncadd.s32 $0xFFFFC000  }
0x52: {  	[tilespmem:s16], [sflag:$0x1] =	stream.indirect.gather [spmem:s3], $0x80, s31, s15, $0xb8;
	[tilespmem:$0x1F800] =	vst v63  }
0x53: {  	_ =	swait.ge [sflag:s20], $0x4000  }
0x54: {  	[sflag:s20] =	ssyncset.done $0x0  }
0x55: {  	s1 =	sadd.s32 $0x1880, s29;
	[sflag:s20] =	ssyncadd.s32 $0xFFFFC000  }
0x56: {  	[spmem:s2] =	stream.indirect.scatter.add.f32 [tilespmem:s17], [sflag:$0x3], $0x80, s1, s15, $0xb8;
	[tilespmem:$0x1F800] =	vst v63  }
0x57: {  	_ =	swait.ge [sflag:s10], $0x4000  }
0x58: {  	[sflag:s10] =	ssyncset.done $0x0  }
0x59: {  	[sflag:s10] =	ssyncadd.s32 $0xFFFFC000  }
0x5a: {  	[tilespmem:s17], [sflag:$0x2] =	stream.indirect.gather [spmem:s3], $0x80, s23, s15, $0xb8;
	[tilespmem:$0x1F800] =	vst v63  }
0x5b: {  	_ =	swait.ge [sflag:s18], $0x4000  }
0x5c: {  	[sflag:s18] =	ssyncset.done $0x0  }
0x5d: {  	[sflag:s18] =	ssyncadd.s32 $0xFFFFC000  }
0x5e: {  	[spmem:s2] =	stream.indirect.scatter.add.f32 [tilespmem:s16], [sflag:$0x3], $0x80, s25, s15, $0xb8;
	[tilespmem:$0x1F800] =	vst v63  }
0x5f: {  	_ =	swait.ge [sflag:s10], $0x4000  }
0x60: {  	[sflag:s10] =	ssyncset.done $0x0  }
0x61: {  	[sflag:s10] =	ssyncadd.s32 $0xFFFFC000  }
0x62: {  	_ =	swait.ge [sflag:s20], $0x4000  }
0x63: {  	[sflag:s20] =	ssyncset.done $0x0  }
0x64: {  	[sflag:s20] =	ssyncadd.s32 $0xFFFFC000  }
0x65: {  	[spmem:s2] =	stream.indirect.scatter.add.f32 [tilespmem:s17], [sflag:$0x3], $0x80, s26, s15, $0xb8;
	[tilespmem:$0x1F800] =	vst v63  }
0x66: {  	_ =	swait.ge [sflag:s10], $0x4000  }
0x67: {  	[sflag:s10] =	ssyncset.done $0x0  }
0x68: {  	[sflag:s10] =	ssyncadd.s32 $0xFFFFC000  }
0x69: {  	[bflag:$0x0] =	sbarrier.arrive $0xFFFF  }
0x6a: {  	[spmem:s11], [sflag:s6] =	dma.local [hbm:s19], $0x1400  }
0x6b: {  	_ =	swait.ge [sflag:s10], $0x1400  }
0x6c: {  	[sflag:s10] =	ssyncset.done $0x0  }
0x6d: {  	[sflag:s10] =	ssyncadd.s32 $0xFFFFEC00  }
0x6e: {  	s31 =	simm.s32 $0x0;
	[bflag:$0x0] =	sbarrier.arrive $0xFFFF  }
0x6f: {  	[tilespmem:s31], [sflag:$0x3] =	stream.linear.gather [hbm4b:s21+s31], $0x1800, $0x38;
	[tilespmem:$0x1F800] =	vst v63  }
0x70: {  	_ =	swait.ge [sflag:s10], $0x1800  }
0x71: {  	[sflag:s10] =	ssyncset.done $0x0  }
0x72: {  	[sflag:s10] =	ssyncadd.s32 $0xFFFFE800  }
0x73: {  	[tilespmem:s14], [sflag:$0x3] =	stream.linear.gather [hbm4b:s22+s31], $0x1800, $0x38;
	[tilespmem:$0x1F800] =	vst v63  }
0x74: {  	_ =	swait.ge [sflag:s10], $0x1800  }
0x75: {  	[sflag:s10] =	ssyncset.done $0x0  }
0x76: {  	[sflag:s10] =	ssyncadd.s32 $0xFFFFE800  }
0x77: {  	[tilespmem:s16], [sflag:$0x1] =	stream.indirect.gather [spmem:s3], $0x80, s31, s15, $0xb8;
	[tilespmem:$0x1F800] =	vst v63  }
0x78: {  	s1 =	simm.s32 $0x80  }
0x79: {  	[tilespmem:s17], [sflag:$0x2] =	stream.indirect.gather [spmem:s3], $0x80, s1, s15, $0xb8;
	[tilespmem:$0x1F800] =	vst v63  }
0x7a: {  	_ =	swait.ge [sflag:s18], $0x4000  }
0x7b: {  	[sflag:s18] =	ssyncset.done $0x0  }
0x7c: {  	s31 =	simm.s32 $0x1800;
	[sflag:s18] =	ssyncadd.s32 $0xFFFFC000  }
0x7d: {  	[spmem:s2] =	stream.indirect.scatter.add.f32 [tilespmem:s16], [sflag:$0x3], $0x80, s31, s15, $0xb8;
	[tilespmem:$0x1F800] =	vst v63  }
0x7e: {  	_ =	swait.ge [sflag:s10], $0x4000  }
0x7f: {  	[sflag:s10] =	ssyncset.done $0x0  }
0x80: {  	s1 =	simm.s32 $0x100;
	[sflag:s10] =	ssyncadd.s32 $0xFFFFC000  }
0x81: {  	[tilespmem:s16], [sflag:$0x1] =	stream.indirect.gather [spmem:s3], $0x80, s1, s15, $0xb8;
	[tilespmem:$0x1F800] =	vst v63  }
0x82: {  	_ =	swait.ge [sflag:s20], $0x4000  }
0x83: {  	[sflag:s20] =	ssyncset.done $0x0  }
0x84: {  	s31 =	simm.s32 $0x1880;
	[sflag:s20] =	ssyncadd.s32 $0xFFFFC000  }
0x85: {  	[spmem:s2] =	stream.indirect.scatter.add.f32 [tilespmem:s17], [sflag:$0x3], $0x80, s31, s15, $0xb8;
	[tilespmem:$0x1F800] =	vst v63  }
0x86: {  	_ =	swait.ge [sflag:s10], $0x4000  }
0x87: {  	s30 =	simm.s32 $0x800;
	s29 =	simm.s32 $0x100;
	[sflag:s10] =	ssyncset.done $0x0  }
.LBB2_4:
0x88: {  	s0 =	sadd.s32 $0x80, s29  }
0x89: {  	[sflag:s10] =	ssyncadd.s32 $0xFFFFC000;
	s1 =	smov.u32 s30;
	s31 =	sadd.s32 $0x400, s30  }
0x8a: {  	[tilespmem:s17], [sflag:$0x2] =	stream.indirect.gather [spmem:s3], $0x80, s0, s15, $0xb8;
	[tilespmem:$0x1F800] =	vst v63  }
0x8b: {  	p0 =	sne.s32 s30, $0x5800;
	_ =	swait.ge [sflag:s18], $0x4000  }
0x8c: {  	[sflag:s18] =	ssyncset.done $0x0  }
0x8d: {  	s0 =	sadd.s32 $0x1800, s29;
	[sflag:s18] =	ssyncadd.s32 $0xFFFFC000  }
0x8e: {  	[spmem:s2] =	stream.indirect.scatter.add.f32 [tilespmem:s16], [sflag:$0x3], $0x80, s0, s15, $0xb8;
	[tilespmem:$0x1F800] =	vst v63  }
0x8f: {  	_ =	swait.ge [sflag:s10], $0x4000  }
0x90: {  	[sflag:s10] =	ssyncset.done $0x0  }
0x91: {  	s0 =	sadd.s32 $0x100, s29;
	[sflag:s10] =	ssyncadd.s32 $0xFFFFC000  }
0x92: {  	[tilespmem:s16], [sflag:$0x1] =	stream.indirect.gather [spmem:s3], $0x80, s0, s15, $0xb8;
	[tilespmem:$0x1F800] =	vst v63  }
0x93: {  	_ =	swait.ge [sflag:s20], $0x4000  }
.Ltmp1:
0x94: {  	[sflag:s20] =	ssyncset.done $0x0;
	(pc) =	sbr.rel @p0 .LBB2_4-.Ltmp1, $4  }
0x95: {  	s0 =	sadd.s32 $0x1880, s29;
	[sflag:s20] =	ssyncadd.s32 $0xFFFFC000  }
0x96: {  	[spmem:s2] =	stream.indirect.scatter.add.f32 [tilespmem:s17], [sflag:$0x3], $0x80, s0, s15, $0xb8;
	[tilespmem:$0x1F800] =	vst v63  }
0x97: {  	_ =	swait.ge [sflag:s10], $0x4000  }
0x98: {  	s30 =	smov.u32 s31;
	s29 =	sshra.s32 s1, $0x2;
	[sflag:s10] =	ssyncset.done $0x0  }
0x99: {  	s0 =	sadd.s32 $0x80, s29;
	[sflag:s10] =	ssyncadd.s32 $0xFFFFC000  }
0x9a: {  	[tilespmem:s17], [sflag:$0x2] =	stream.indirect.gather [spmem:s3], $0x80, s0, s15, $0xb8;
	[tilespmem:$0x1F800] =	vst v63  }
0x9b: {  	_ =	swait.ge [sflag:s18], $0x4000  }
0x9c: {  	[sflag:s18] =	ssyncset.done $0x0  }
0x9d: {  	s1 =	sadd.s32 $0x1800, s29;
	[sflag:s18] =	ssyncadd.s32 $0xFFFFC000  }
0x9e: {  	[spmem:s2] =	stream.indirect.scatter.add.f32 [tilespmem:s16], [sflag:$0x3], $0x80, s1, s15, $0xb8;
	[tilespmem:$0x1F800] =	vst v63  }
0x9f: {  	_ =	swait.ge [sflag:s10], $0x4000  }
0xa0: {  	[sflag:s10] =	ssyncset.done $0x0  }
0xa1: {  	s30 =	sadd.s32 $0x100, s29;
	[sflag:s10] =	ssyncadd.s32 $0xFFFFC000  }
0xa2: {  	[tilespmem:s16], [sflag:$0x1] =	stream.indirect.gather [spmem:s3], $0x80, s30, s15, $0xb8;
	[tilespmem:$0x1F800] =	vst v63  }
0xa3: {  	_ =	swait.ge [sflag:s20], $0x4000  }
0xa4: {  	[sflag:s20] =	ssyncset.done $0x0  }
0xa5: {  	s31 =	sadd.s32 $0x1880, s29;
	[sflag:s20] =	ssyncadd.s32 $0xFFFFC000  }
0xa6: {  	[spmem:s2] =	stream.indirect.scatter.add.f32 [tilespmem:s17], [sflag:$0x3], $0x80, s31, s15, $0xb8;
	[tilespmem:$0x1F800] =	vst v63  }
0xa7: {  	_ =	swait.ge [sflag:s10], $0x4000  }
0xa8: {  	[sflag:s10] =	ssyncset.done $0x0  }
0xa9: {  	[sflag:s10] =	ssyncadd.s32 $0xFFFFC000  }
0xaa: {  	[tilespmem:s17], [sflag:$0x2] =	stream.indirect.gather [spmem:s3], $0x80, s23, s15, $0xb8;
	[tilespmem:$0x1F800] =	vst v63  }
0xab: {  	_ =	swait.ge [sflag:s18], $0x4000  }
0xac: {  	[sflag:s18] =	ssyncset.done $0x0  }
0xad: {  	[sflag:s18] =	ssyncadd.s32 $0xFFFFC000  }
0xae: {  	[spmem:s2] =	stream.indirect.scatter.add.f32 [tilespmem:s16], [sflag:$0x3], $0x80, s25, s15, $0xb8;
	[tilespmem:$0x1F800] =	vst v63  }
0xaf: {  	_ =	swait.ge [sflag:s10], $0x4000  }
0xb0: {  	[sflag:s10] =	ssyncset.done $0x0  }
0xb1: {  	[sflag:s10] =	ssyncadd.s32 $0xFFFFC000  }
0xb2: {  	_ =	swait.ge [sflag:s20], $0x4000  }
0xb3: {  	[sflag:s20] =	ssyncset.done $0x0  }
0xb4: {  	[sflag:s20] =	ssyncadd.s32 $0xFFFFC000  }
0xb5: {  	[spmem:s2] =	stream.indirect.scatter.add.f32 [tilespmem:s17], [sflag:$0x3], $0x80, s26, s15, $0xb8;
	[tilespmem:$0x1F800] =	vst v63  }
0xb6: {  	_ =	swait.ge [sflag:s10], $0x4000  }
0xb7: {  	s28 =	sadd.s32 $0x1, s28;
	[sflag:s10] =	ssyncset.done $0x0  }
0xb8: {  	p0 =	sne.s32 s28, s8;
	[sflag:s10] =	ssyncadd.s32 $0xFFFFC000  }
.Ltmp2:
0xb9: {  	[bflag:$0x0] =	sbarrier.arrive $0xFFFF;
	(pc) =	sbr.rel @p0 .LBB2_1-.Ltmp2, $4  }
0xba: {  	[hbm:s24], [sflag:s6] =	dma.local [spmem:s9], $0x1500  }
0xbb: {  	_ =	swait.ge [sflag:s10], $0x1500  }
0xbc: {  	[sflag:s10] =	ssyncset.done $0x0  }
0xbd: {  	[sflag:s10] =	ssyncadd.s32 $0xFFFFEB00  }
0xbe: {  	_ =	sfence.sel $0x180000  }
0xbf: {  	[bflag:$0x0] =	sbarrier.arrive $0xFFFF  }
0xc0: {  	_ =	strace $0x90000056  }
0xc1: {  	s0 =	stileid.u32;
	[bflag:$0x2] =	sbarrier.arrive $0xFFFF  }
0xc2: {  	p0 =	sne.s32 s0, $0x0;
	s0 =	rddreg [dreg:$0x3]  }
0xc3: {  	s0 =	sadd.s32 @!p0 $0x100000, s0  }
0xc4: {  	[sflag:s0] =	ssyncadd.tile.s32 @!p0 $0x1;
	_ =	shalt  }
.Lfunc_end2:
_tile_overlayer_lowered:
.L_overlay_start_2:
0xc5: {  	(tag) =	ssettag $0x2  }
0xc6: {  	s0 =	rddreg [dreg:$0x0];
	s2 =	stileid.u32  }
0xc7: {  	s1 =	rddreg [dreg:$0x1];
	p0 =	sne.s32 s2, $0x0  }
0xc8: {  	s3 =	rddreg [dreg:$0x2];
	[bflag:$0x3] =	sbarrier.arrive $0xFFFF;
	s2 =	simm.s32 @!p0 $0x1C03  }
0xc9: {  	[timem:s3], [sflag:s2] =	dma.local @!p0 [hbm:s0], s1  }
0xca: {  	s0 =	simm.s32 @!p0 $0x3  }
0xcb: {  	_ =	swait.ge @!p0 [sflag:s0], s1  }
0xcc: {  	s1 =	ssub.s32 @!p0 $0x0, s1;
	[sflag:s0] =	ssyncset.done @!p0 $0x0  }
0xcd: {  	[sflag:s0] =	ssyncadd.s32 @!p0 s1  }
0xce: {  	[bflag:$0x3] =	sbarrier.arrive $0xFFFF  }
0xcf: {  	_ =	shalt  }

// kernel: kernel.38.cloned.1.call-start
scs
__scs_entry_jumppad:
0x0: {  	(pc) =	sbr.rel $0x88, $3  }
0x1: {  	(tag) =	ssettag $0x0;
	lr =	simm.s32 $0x1  }
0x2: {  	[smem:$0x3F94] =	sst lr;
	_ =	strace $0xD0000000  }
0x3: {  	_ = 	snop  }
0x4: {  	_ = 	snop  }
0x5: {  	_ = 	snop  }
0x6: {  	_ = 	snop  }
0x7: {  	_ = 	snop  }
__scs_overlays_trampoline_lowered:
0x8: {  	[smem:$0x3FA3] =	sst s0  }
0x9: {  	[smem:$0x3FA4] =	sst s1  }
0xa: {  	[smem:$0x3FA5] =	sst s2  }
0xb: {  	[smem:$0x3FA6] =	sst s3  }
0xc: {  	[smem:$0x3FA7] =	sst s4  }
0xd: {  	[smem:$0x3FA8] =	sst s5  }
0xe: {  	[smem:$0x3FA9] =	sst s6  }
0xf: {  	[smem:$0x3FAA] =	sst s7  }
0x10: {  	[smem:$0x3FAB] =	sst s8  }
0x11: {  	[smem:$0x3FAC] =	sst s9;
	s0 =	simm.s32 @!p0 $0x0  }
0x12: {  	s1 =	sld [smem:$0x3F92];
	s0 =	simm.s32 @p0 $0x1  }
0x13: {  	[smem:$0x3FAD] =	sst s0;
	s0 =	simm.s32 @!p1 $0x0  }
0x14: {  	s2 =	sld [smem:$0x3F91];
	s0 =	simm.s32 @p1 $0x1  }
0x15: {  	[smem:$0x3FAE] =	sst s0;
	s0 =	simm.s32 @!p2 $0x0  }
0x16: {  	s3 =	sld [smem:$0x3FDB];
	s0 =	simm.s32 @p2 $0x1  }
0x17: {  	s4 =	simm.s32 $0x1BF5;
	[smem:$0x3FB0] =	sst s0  }
0x18: {  	s0 =	sld [smem:$0x3F93];
	_ =	swait.ge [sflag:s4], $0x0  }
0x19: {  	s7 =	sld [smem:$0x3F94]  }
0x1a: {  	s8 =	sadd.s32 $0xFFFFE003, lr  }
0x1b: {  	s9 =	sadd.s32 $0xFFFFFEF7, lr;
	s5 =	simm.s32 $0xFFFFFFFF;
	p2 =	slt.u32 s8, $0xFFFFF086  }
0x1c: {  	p1 =	slt.u32 s9, $0xF7A;
	s5 =	simm.s32 @!p2 $0x0  }
0x1d: {  	s5 =	simm.s32 @p1 $0x1;
	p0 =	seq.s32 s7, s2  }
0x1e: {  	s7 =	smul.u32 @!p0 $0xF7A, s2;
	p2 =	seq.s32 @!p0 s5, $0x0  }
0x1f: {  	s9 =	smul.u32 $0xF7A, s1;
	s8 =	simm.s32 @!p0 $0x1BF5;
	p2 =	por !p2, p0  }
0x20: {  	[sflag:s8] =	ssyncset.s32 @!p0 $0xFFFFF086;
	s6 =	sadd.s32 @!p0 s3, s7;
	s7 =	simm.s32 @!p0 $0x108  }
0x21: {  	s3 =	sadd.s32 s3, s9;
	s6 =	sadd.s32 @!p0 $0x88, s6;
	s7 =	simm.s32 @p2 $0x1082  }
0x22: {  	[simem:s7], [sflag:s8] =	dma.local @!p0 [hbm:s6], $0xF7A  }
0x23: {  	s9 =	sor.u32 $0xD0000000, s2;
	s6 =	simm.s32 $0x108;
	_ =	swait.ge @!p0 [sflag:s8], $0x0  }
0x24: {  	s3 =	sadd.s32 $0x88, s3;
	s6 =	simm.s32 @!p1 $0x1082;
	[sflag:s4] =	ssyncset.s32 $0xFFFFF086  }
0x25: {  	[simem:s6], [sflag:s4] =	dma.local [hbm:s3], $0xF7A  }
0x26: {  	[smem:$0x3F94] =	sst s1;
	(tag) =	ssettag s2;
	_ =	strace s9  }
0x27: {  	s1 =	sld [smem:$0x3FA4]  }
0x28: {  	s2 =	sld [smem:$0x3FA5]  }
0x29: {  	s4 =	sld [smem:$0x3FA7]  }
0x2a: {  	p0 =	seq.s32 s5, $0x0;
	s5 =	sld [smem:$0x3FA8]  }
0x2b: {  	s6 =	sld [smem:$0x3FA9]  }
0x2c: {  	s7 =	sld [smem:$0x3FAA]  }
0x2d: {  	s3 =	simm.s32 $0x108;
	s8 =	sld [smem:$0x3FAB]  }
0x2e: {  	s3 =	simm.s32 @!p0 $0x1082;
	s9 =	sld [smem:$0x3FAC]  }
0x2f: {  	lr =	sadd.s32 s0, s3;
	s0 =	sld [smem:$0x3FA3]  }
0x30: {  	s3 =	sld [smem:$0x3FA6]  }
0x31: {  	[smem:$0x3FAF] =	sst s10  }
0x32: {  	s10 =	sld [smem:$0x3FAD];
	_ =	sdelay $0x3  }
0x33: {  	p0 =	seq.s32 s10, $0x1;
	s10 =	sld [smem:$0x3FAF];
	_ =	sdelay $0x3  }
0x34: {  	[smem:$0x3FAF] =	sst s10  }
0x35: {  	s10 =	sld [smem:$0x3FAE];
	_ =	sdelay $0x3  }
0x36: {  	p1 =	seq.s32 s10, $0x1;
	s10 =	sld [smem:$0x3FAF];
	_ =	sdelay $0x3  }
0x37: {  	[smem:$0x3FAF] =	sst s10  }
0x38: {  	s10 =	sld [smem:$0x3FB0]  }
0x39: {  	_ = 	snop;
	(pc) =	sbr.ind lr, $3  }
0x3a: {  	_ = 	snop  }
0x3b: {  	_ = 	snop  }
0x3c: {  	p2 =	seq.s32 s10, $0x1;
	s10 =	sld [smem:$0x3FAF]  }
0x3d: {  	_ =	shalt  }
0x3e: {  	_ =	shalt  }
0x3f: {  	_ =	shalt  }
0x40: {  	_ =	shalt  }
0x41: {  	_ =	shalt  }
0x42: {  	_ =	shalt  }
0x43: {  	_ =	shalt  }
0x44: {  	_ =	shalt  }
0x45: {  	_ =	shalt  }
0x46: {  	_ =	shalt  }
0x47: {  	_ =	shalt  }
0x48: {  	_ =	shalt  }
0x49: {  	_ =	shalt  }
0x4a: {  	_ =	shalt  }
0x4b: {  	_ =	shalt  }
0x4c: {  	_ =	shalt  }
0x4d: {  	_ =	shalt  }
0x4e: {  	_ =	shalt  }
0x4f: {  	_ =	shalt  }
0x50: {  	_ =	shalt  }
0x51: {  	_ =	shalt  }
0x52: {  	_ =	shalt  }
0x53: {  	_ =	shalt  }
0x54: {  	_ =	shalt  }
0x55: {  	_ =	shalt  }
0x56: {  	_ =	shalt  }
0x57: {  	_ =	shalt  }
0x58: {  	_ =	shalt  }
0x59: {  	_ =	shalt  }
0x5a: {  	_ =	shalt  }
0x5b: {  	_ =	shalt  }
0x5c: {  	_ =	shalt  }
0x5d: {  	_ =	shalt  }
0x5e: {  	_ =	shalt  }
0x5f: {  	_ =	shalt  }
0x60: {  	_ =	shalt  }
0x61: {  	_ =	shalt  }
0x62: {  	_ =	shalt  }
0x63: {  	_ =	shalt  }
0x64: {  	_ =	shalt  }
0x65: {  	_ =	shalt  }
0x66: {  	_ =	shalt  }
0x67: {  	_ =	shalt  }
0x68: {  	_ =	shalt  }
0x69: {  	_ =	shalt  }
0x6a: {  	_ =	shalt  }
0x6b: {  	_ =	shalt  }
0x6c: {  	_ =	shalt  }
0x6d: {  	_ =	shalt  }
0x6e: {  	_ =	shalt  }
0x6f: {  	_ =	shalt  }
0x70: {  	_ =	shalt  }
0x71: {  	_ =	shalt  }
0x72: {  	_ =	shalt  }
0x73: {  	_ =	shalt  }
0x74: {  	_ =	shalt  }
0x75: {  	_ =	shalt  }
0x76: {  	_ =	shalt  }
0x77: {  	_ =	shalt  }
0x78: {  	_ =	shalt  }
0x79: {  	_ =	shalt  }
0x7a: {  	_ =	shalt  }
0x7b: {  	_ =	shalt  }
0x7c: {  	_ =	shalt  }
0x7d: {  	_ =	shalt  }
0x7e: {  	_ =	shalt  }
0x7f: {  	_ =	shalt  }
0x80: {  	_ =	shalt  }
0x81: {  	_ =	shalt  }
0x82: {  	_ =	shalt  }
0x83: {  	_ =	shalt  }
0x84: {  	_ =	shalt  }
0x85: {  	_ =	shalt  }
0x86: {  	_ =	shalt  }
0x87: {  	_ =	shalt  }
.Lfunc_end0:
.L_simem_size_0:
called_computation.6_lowered:
.L_overlay_start_0:
0x88: {  	s2 =	sld [smem:$0x3FD9]  }
0x89: {  	s3 =	sld [smem:$0x3FFE];
	_ =	sdelay $0x1  }
0x8a: {  	s1 =	srdreg.scid  }
0x8b: {  	s0 =	sand.u32 $0x1, s1  }
0x8c: {  	s16 =	sshll.u32 s0, $0xA;
	s2 =	sadd.s32 s3, s2  }
0x8d: {  	s2 =	sadd.s32 s2, s16  }
0x8e: {  	[smem:$0x3FBB] =	sst s2  }
0x8f: {  	_ = 	snop  }
0x90: {  	(tm) =	ssettm $0x1  }
0x91: {  	s17 =	sld [smem:$0x3FFB];
	_ =	sdelay $0x3  }
0x92: {  	_ =	strace s17  }
0x93: {  	s2 =	sld [smem:$0x3FFC];
	_ =	sdelay $0x3  }
0x94: {  	_ =	strace s2  }
0x95: {  	s2 =	sld [smem:$0x3FFD];
	_ =	sdelay $0x3  }
0x96: {  	_ =	strace s2  }
0x97: {  	_ =	strace $0x8FFFFFFF  }
0x98: {  	s18 =	sld [smem:$0x3FDB];
	_ =	sdelay $0x1  }
0x99: {  	s19 =	simm.s32 $_scs_section_size  }
0x9a: {  	s4 =	simm.s32 $_size__tile_overlayer_lowered;
	s5 =	simm.s32 $_tile_overlayer_lowered  }
0x9b: {  	s22 =	simm.s32 $0x1BFF;
	s21 =	sshll.u32 s5, $0x1;
	s2 =	sadd.s32 s19, s18  }
0x9c: {  	s6 =	simm.s32 $0x0;
	s20 =	sshll.u32 s4, $0x1;
	s4 =	sadd.s32 s21, s2  }
0x9d: {  	[timem:s6], [sflag:s22] =	dma.local [hbm:s4], s20  }
0x9e: {  	_ =	swait.ge [sflag:s22], s20  }
0x9f: {  	s3 =	ssub.s32 $0x0, s20;
	[sflag:s22] =	ssyncset.done $0x0  }
0xa0: {  	[sflag:s22] =	ssyncadd.s32 s3;
	_ =	sdelay $0x1  }
0xa1: {  	s23 =	simm.s32 $0x1B8B  }
0xa2: {  	_ =	swait.ge [sflag:s23], $0x1  }
0xa3: {  	[sflag:s23] =	ssyncset.done $0x0  }
0xa4: {  	s25 =	simm.s32 $0x1B8E;
	s24 =	sld [smem:$0x3FFE];
	[sflag:s23] =	ssyncadd.s32 $0xFFFFFFFF  }
0xa5: {  	s26 =	simm.s32 $execute0_lowered;
	[smem:$0x3FD2] =	sst s25  }
0xa6: {  	s4 =	sshll.u32 s26, $0x1;
	_ =	strace $0x80000058;
	[dreg:$0x1] =	wrdreg $0xFFFFFFFF  }
0xa7: {  	s28 =	simm.s32 $_size_execute0_lowered;
	s2 =	sadd.s32 s2, s4;
	[dreg:$0x0] =	wrdreg $0x0  }
0xa8: {  	s4 =	sshll.u32 s28, $0x1;
	[dreg:$0x2] =	wrdreg s2  }
0xa9: {  	[dreg:$0x3] =	wrdreg s4  }
0xaa: {  	[dreg:$0x4] =	wrdreg $0xC0  }
0xab: {  	_ =	task [dreg:s6], $0x5FFFF  }
0xac: {  	[dreg:$0x1] =	wrdreg $0xFFFFFFFF  }
0xad: {  	[dreg:$0x0] =	wrdreg $0x60  }
0xae: {  	[dreg:$0x2] =	wrdreg s24  }
0xaf: {  	[dreg:$0x3] =	wrdreg $0x1C000  }
0xb0: {  	[dreg:$0x4] =	wrdreg $0x9  }
0xb1: {  	_ =	task.clear_ibuf [dreg:s6], $0x5FFFF;
	_ =	strace $0x90000058  }
0xb2: {  	s29 =	simm.s32 $0x9;
	_ =	strace $0x8000005A  }
0xb3: {  	_ =	swait.ge [sflag:s29], $0x1  }
0xb4: {  	[sflag:s29] =	ssyncadd.s32 $0xFFFFFFFF  }
0xb5: {  	_ =	strace $0x9000005A  }
0xb6: {  	_ =	sfence  }
0xb7: {  	s30 =	sld [smem:$0x0];
	_ =	sdelay $0x2  }
0xb8: {  	s31 =	sshll.u32 s1, $0xD;
	s1 =	sshrl.u32 s1, $0x2  }
0xb9: {  	s3 =	sand.u32 $0x4000, s31;
	s1 =	sadd.s32 s1, s30  }
0xba: {  	s0 =	sor.u32 s3, s0;
	s1 =	sshll.u32 s1, $0x11  }
0xbb: {  	s0 =	sor.u32 s1, s0  }
0xbc: {  	s0 =	sadd.s32 $0x8F2B, s0  }
0xbd: {  	[sflag:s0] =	ssyncadd.remote.s32 $0x1  }
0xbe: {  	_ =	sfence.sel $0xFFFF  }
0xbf: {  	[dreg:$0x0] =	wrdreg $0xFFFFFFFF;
	(pc) =	sbr.abs _section_cstart, $3  }
0xc0: {  	[dreg:$0x1] =	wrdreg $0xFFFFFFFF  }
0xc1: {  	_ =	task.clear_ibuf [dreg:s6], $0x2FFFF;
	_ =	strace $0x9FFFFFFF  }
0xc2: {  	(tm) =	ssettm $0x7FFFFFFF  }
0xc3: {  	_ =	shalt  }
tec
execute0_lowered:
.L_overlay_start_1:
0x0: {  	(tag) =	ssettag $0x1  }
0x1: {  	s30 =	rddreg [dreg:$0x0]  }
0x2: {  	s1 =	rddreg [dreg:$0x1]  }
0x3: {  	s3 =	simm.s32 $0x0;
	s4 =	srdreg.scid;
	s0 =	stileid.u32  }
0x4: {  	[smem:$0x7FF] =	sst s3;
	s31 =	sand.u32 $0x1, s4;
	s9 =	sshll.u32 s0, $0x7  }
0x5: {  	s5 =	sshll.u32 s0, $0xC;
	s4 =	sadd.s32 $0x11600, s30;
	s26 =	sshll.u32 s0, $0x6  }
0x6: {  	_ =	strace $0x80000059;
	s8 =	sshll.u32 s31, $0xB;
	s6 =	sadd.s32 s5, s1  }
0x7: {  	s5 =	sor.u32 $0x1C02, s26;
	s7 =	sshrl.u32 s6, $0x3;
	s6 =	simm.s32 $0x2  }
0x8: {  	[spmem:s7], [sflag:s5] =	dma.local [hbm:s4], $0x200  }
0x9: {  	s8 =	sor.u32 s9, s8;
	_ =	swait.ge [sflag:s6], $0x200  }
0xa: {  	s9 =	sadd.s32 s8, s30;
	[sflag:s6] =	ssyncset.done $0x0  }
0xb: {  	s8 =	sadd.s32 $0x5600, s9;
	[sflag:s6] =	ssyncadd.s32 $0xFFFFFE00  }
0xc: {  	[tilespmem:s3], [sflag:$0x2] =	stream.linear.gather [hbm4b:s8+s3], $0x400, $0x38;
	[tilespmem:$0x2C00] =	vst v63  }
0xd: {  	_ =	swait.ge [sflag:s6], $0x400  }
0xe: {  	[sflag:s6] =	ssyncset.done $0x0  }
0xf: {  	s10 =	simm.s32 $0x400;
	s9 =	sadd.s32 $0x13E00, s9;
	[sflag:s6] =	ssyncadd.s32 $0xFFFFFC00  }
0x10: {  	[tilespmem:s10], [sflag:$0x2] =	stream.linear.gather [hbm4b:s9+s3], $0x400, $0x38;
	[tilespmem:$0x2C00] =	vst v63  }
0x11: {  	_ =	swait.ge [sflag:s6], $0x400  }
0x12: {  	s12 =	simm.s32 $0x28;
	s13 =	simm.s32 $0x800;
	[sflag:s6] =	ssyncset.done $0x0  }
0x13: {  	s14 =	simm.s32 $0x1;
	s11 =	sadd.s32 $0x24000, s30;
	[sflag:s6] =	ssyncadd.s32 $0xFFFFFC00  }
0x14: {  	[tilespmem:s13], [sflag:$0x1] =	stream.indirect.gather [hbm4b:s11+s12], $0x80, s3, s12, $0xb8;
	[tilespmem:$0x2C00] =	vst v63  }
0x15: {  	_ =	swait.ge [sflag:s14], $0x1400  }
0x16: {  	[sflag:s14] =	ssyncset.done $0x0  }
0x17: {  	[sflag:s14] =	ssyncadd.s32 $0xFFFFEC00  }
0x18: {  	[spmem:s1] =	stream.indirect.scatter.add.f32 [tilespmem:s13], [sflag:$0x2], $0x80, s10, s12, $0xb8;
	[tilespmem:$0x2C00] =	vst v63  }
0x19: {  	_ =	swait.ge [sflag:s6], $0x1400  }
0x1a: {  	[sflag:s6] =	ssyncset.done $0x0  }
0x1b: {  	s15 =	simm.s32 $0x80;
	[sflag:s6] =	ssyncadd.s32 $0xFFFFEC00  }
0x1c: {  	[tilespmem:s13], [sflag:$0x1] =	stream.indirect.gather [hbm4b:s11+s12], $0x80, s15, s12, $0xb8;
	[tilespmem:$0x2C00] =	vst v63  }
0x1d: {  	_ =	swait.ge [sflag:s14], $0x1400  }
0x1e: {  	[sflag:s14] =	ssyncset.done $0x0  }
0x1f: {  	s16 =	simm.s32 $0x480;
	[sflag:s14] =	ssyncadd.s32 $0xFFFFEC00  }
0x20: {  	[spmem:s1] =	stream.indirect.scatter.add.f32 [tilespmem:s13], [sflag:$0x2], $0x80, s16, s12, $0xb8;
	[tilespmem:$0x2C00] =	vst v63  }
0x21: {  	_ =	swait.ge [sflag:s6], $0x1400  }
0x22: {  	[sflag:s6] =	ssyncset.done $0x0  }
0x23: {  	s17 =	simm.s32 $0x100;
	[sflag:s6] =	ssyncadd.s32 $0xFFFFEC00  }
0x24: {  	[tilespmem:s13], [sflag:$0x1] =	stream.indirect.gather [hbm4b:s11+s12], $0x80, s17, s12, $0xb8;
	[tilespmem:$0x2C00] =	vst v63  }
0x25: {  	_ =	swait.ge [sflag:s14], $0x1400  }
0x26: {  	[sflag:s14] =	ssyncset.done $0x0  }
0x27: {  	s18 =	simm.s32 $0x500;
	[sflag:s14] =	ssyncadd.s32 $0xFFFFEC00  }
0x28: {  	[spmem:s1] =	stream.indirect.scatter.add.f32 [tilespmem:s13], [sflag:$0x2], $0x80, s18, s12, $0xb8;
	[tilespmem:$0x2C00] =	vst v63  }
0x29: {  	_ =	swait.ge [sflag:s6], $0x1400  }
0x2a: {  	[sflag:s6] =	ssyncset.done $0x0  }
0x2b: {  	s19 =	simm.s32 $0x180;
	[sflag:s6] =	ssyncadd.s32 $0xFFFFEC00  }
0x2c: {  	[tilespmem:s13], [sflag:$0x1] =	stream.indirect.gather [hbm4b:s11+s12], $0x80, s19, s12, $0xb8;
	[tilespmem:$0x2C00] =	vst v63  }
0x2d: {  	_ =	swait.ge [sflag:s14], $0x1400  }
0x2e: {  	[sflag:s14] =	ssyncset.done $0x0  }
0x2f: {  	s20 =	simm.s32 $0x580;
	[sflag:s14] =	ssyncadd.s32 $0xFFFFEC00  }
0x30: {  	[spmem:s1] =	stream.indirect.scatter.add.f32 [tilespmem:s13], [sflag:$0x2], $0x80, s20, s12, $0xb8;
	[tilespmem:$0x2C00] =	vst v63  }
0x31: {  	_ =	swait.ge [sflag:s6], $0x1400  }
0x32: {  	[sflag:s6] =	ssyncset.done $0x0  }
0x33: {  	s21 =	simm.s32 $0x200;
	[sflag:s6] =	ssyncadd.s32 $0xFFFFEC00  }
0x34: {  	[tilespmem:s13], [sflag:$0x1] =	stream.indirect.gather [hbm4b:s11+s12], $0x80, s21, s12, $0xb8;
	[tilespmem:$0x2C00] =	vst v63  }
0x35: {  	_ =	swait.ge [sflag:s14], $0x1400  }
0x36: {  	[sflag:s14] =	ssyncset.done $0x0  }
0x37: {  	s22 =	simm.s32 $0x600;
	[sflag:s14] =	ssyncadd.s32 $0xFFFFEC00  }
0x38: {  	[spmem:s1] =	stream.indirect.scatter.add.f32 [tilespmem:s13], [sflag:$0x2], $0x80, s22, s12, $0xb8;
	[tilespmem:$0x2C00] =	vst v63  }
0x39: {  	_ =	swait.ge [sflag:s6], $0x1400  }
0x3a: {  	[sflag:s6] =	ssyncset.done $0x0  }
0x3b: {  	s23 =	simm.s32 $0x280;
	[sflag:s6] =	ssyncadd.s32 $0xFFFFEC00  }
0x3c: {  	[tilespmem:s13], [sflag:$0x1] =	stream.indirect.gather [hbm4b:s11+s12], $0x80, s23, s12, $0xb8;
	[tilespmem:$0x2C00] =	vst v63  }
0x3d: {  	_ =	swait.ge [sflag:s14], $0x1400  }
0x3e: {  	[sflag:s14] =	ssyncset.done $0x0  }
0x3f: {  	s24 =	simm.s32 $0x680;
	[sflag:s14] =	ssyncadd.s32 $0xFFFFEC00  }
0x40: {  	[spmem:s1] =	stream.indirect.scatter.add.f32 [tilespmem:s13], [sflag:$0x2], $0x80, s24, s12, $0xb8;
	[tilespmem:$0x2C00] =	vst v63  }
0x41: {  	_ =	swait.ge [sflag:s6], $0x1400  }
0x42: {  	[sflag:s6] =	ssyncset.done $0x0  }
0x43: {  	s25 =	simm.s32 $0x300;
	[sflag:s6] =	ssyncadd.s32 $0xFFFFEC00  }
0x44: {  	[tilespmem:s13], [sflag:$0x1] =	stream.indirect.gather [hbm4b:s11+s12], $0x80, s25, s12, $0xb8;
	[tilespmem:$0x2C00] =	vst v63  }
0x45: {  	_ =	swait.ge [sflag:s14], $0x1400  }
0x46: {  	[sflag:s14] =	ssyncset.done $0x0  }
0x47: {  	s26 =	simm.s32 $0x700;
	[sflag:s14] =	ssyncadd.s32 $0xFFFFEC00  }
0x48: {  	[spmem:s1] =	stream.indirect.scatter.add.f32 [tilespmem:s13], [sflag:$0x2], $0x80, s26, s12, $0xb8;
	[tilespmem:$0x2C00] =	vst v63  }
0x49: {  	_ =	swait.ge [sflag:s6], $0x1400  }
0x4a: {  	[sflag:s6] =	ssyncset.done $0x0  }
0x4b: {  	s28 =	simm.s32 $0x380;
	[sflag:s6] =	ssyncadd.s32 $0xFFFFEC00  }
0x4c: {  	[tilespmem:s13], [sflag:$0x1] =	stream.indirect.gather [hbm4b:s11+s12], $0x80, s28, s12, $0xb8;
	[tilespmem:$0x2C00] =	vst v63  }
0x4d: {  	s29 =	simm.s32 $0x780;
	s0 =	ssub.s32 $0x2, s31;
	_ =	swait.ge [sflag:s14], $0x1400  }
0x4e: {  	s31 =	sshll.u32 s31, $0xD;
	s2 =	sshrl.u32 s0, $0x1;
	[sflag:s14] =	ssyncset.done $0x0  }
0x4f: {  	s30 =	sadd.s32 s31, s30;
	s0 =	ssub.s32 s0, s2;
	[sflag:s14] =	ssyncadd.s32 $0xFFFFEC00  }
0x50: {  	[spmem:s1] =	stream.indirect.scatter.add.f32 [tilespmem:s13], [sflag:$0x2], $0x80, s29, s12, $0xb8;
	[tilespmem:$0x2C00] =	vst v63  }
0x51: {  	s2 =	sadd.s32 $0x6600, s30;
	s0 =	smax.u32 s0, $0x1;
	_ =	swait.ge [sflag:s6], $0x1400  }
0x52: {  	s30 =	stileid.u32;
	p0 =	sne.s32 s0, $0x1;
	[sflag:s6] =	ssyncset.done $0x0  }
.Ltmp0:
0x53: {  	s30 =	sshll.u32 s30, $0x9;
	[sflag:s6] =	ssyncadd.s32 $0xFFFFEC00;
	(pc) =	sbr.rel @!p0 .LBB2_2-.Ltmp0, $4  }
0x54: {  	s30 =	sadd.s32 s30, s2;
	[bflag:$0x0] =	sbarrier.arrive $0xFFFF  }
0x55: {  	[hbm:s30], [sflag:s5] =	dma.local [spmem:s7], $0x200  }
0x56: {  	_ =	swait.ge [sflag:s6], $0x200  }
0x57: {  	s31 =	sadd.s32 $0xFFFFFFFF, s0;
	[sflag:s6] =	ssyncset.done $0x0  }
.LBB2_1:
0x58: {  	p0 =	sne.s32 s31, $0x1;
	s31 =	sadd.s32 $0xFFFFFFFF, s31;
	[sflag:s6] =	ssyncadd.s32 $0xFFFFFE00  }
0x59: {  	[spmem:s7], [sflag:s5] =	dma.local [hbm:s4], $0x200  }
0x5a: {  	_ =	swait.ge [sflag:s6], $0x200  }
0x5b: {  	[sflag:s6] =	ssyncset.done $0x0  }
0x5c: {  	[sflag:s6] =	ssyncadd.s32 $0xFFFFFE00  }
0x5d: {  	[tilespmem:s3], [sflag:$0x2] =	stream.linear.gather [hbm4b:s8+s3], $0x400, $0x38;
	[tilespmem:$0x2C00] =	vst v63  }
0x5e: {  	_ =	swait.ge [sflag:s6], $0x400  }
0x5f: {  	[sflag:s6] =	ssyncset.done $0x0  }
0x60: {  	[sflag:s6] =	ssyncadd.s32 $0xFFFFFC00  }
0x61: {  	[tilespmem:s10], [sflag:$0x2] =	stream.linear.gather [hbm4b:s9+s3], $0x400, $0x38;
	[tilespmem:$0x2C00] =	vst v63  }
0x62: {  	_ =	swait.ge [sflag:s6], $0x400  }
0x63: {  	[sflag:s6] =	ssyncset.done $0x0  }
0x64: {  	[sflag:s6] =	ssyncadd.s32 $0xFFFFFC00  }
0x65: {  	[tilespmem:s13], [sflag:$0x1] =	stream.indirect.gather [hbm4b:s11+s12], $0x80, s3, s12, $0xb8;
	[tilespmem:$0x2C00] =	vst v63  }
0x66: {  	_ =	swait.ge [sflag:s14], $0x1400  }
0x67: {  	[sflag:s14] =	ssyncset.done $0x0  }
0x68: {  	[sflag:s14] =	ssyncadd.s32 $0xFFFFEC00  }
0x69: {  	[spmem:s1] =	stream.indirect.scatter.add.f32 [tilespmem:s13], [sflag:$0x2], $0x80, s10, s12, $0xb8;
	[tilespmem:$0x2C00] =	vst v63  }
0x6a: {  	_ =	swait.ge [sflag:s6], $0x1400  }
0x6b: {  	[sflag:s6] =	ssyncset.done $0x0  }
0x6c: {  	[sflag:s6] =	ssyncadd.s32 $0xFFFFEC00  }
0x6d: {  	[tilespmem:s13], [sflag:$0x1] =	stream.indirect.gather [hbm4b:s11+s12], $0x80, s15, s12, $0xb8;
	[tilespmem:$0x2C00] =	vst v63  }
0x6e: {  	_ =	swait.ge [sflag:s14], $0x1400  }
0x6f: {  	[sflag:s14] =	ssyncset.done $0x0  }
0x70: {  	[sflag:s14] =	ssyncadd.s32 $0xFFFFEC00  }
0x71: {  	[spmem:s1] =	stream.indirect.scatter.add.f32 [tilespmem:s13], [sflag:$0x2], $0x80, s16, s12, $0xb8;
	[tilespmem:$0x2C00] =	vst v63  }
0x72: {  	_ =	swait.ge [sflag:s6], $0x1400  }
0x73: {  	[sflag:s6] =	ssyncset.done $0x0  }
0x74: {  	[sflag:s6] =	ssyncadd.s32 $0xFFFFEC00  }
0x75: {  	[tilespmem:s13], [sflag:$0x1] =	stream.indirect.gather [hbm4b:s11+s12], $0x80, s17, s12, $0xb8;
	[tilespmem:$0x2C00] =	vst v63  }
0x76: {  	_ =	swait.ge [sflag:s14], $0x1400  }
0x77: {  	[sflag:s14] =	ssyncset.done $0x0  }
0x78: {  	[sflag:s14] =	ssyncadd.s32 $0xFFFFEC00  }
0x79: {  	[spmem:s1] =	stream.indirect.scatter.add.f32 [tilespmem:s13], [sflag:$0x2], $0x80, s18, s12, $0xb8;
	[tilespmem:$0x2C00] =	vst v63  }
0x7a: {  	_ =	swait.ge [sflag:s6], $0x1400  }
0x7b: {  	[sflag:s6] =	ssyncset.done $0x0  }
0x7c: {  	[sflag:s6] =	ssyncadd.s32 $0xFFFFEC00  }
0x7d: {  	[tilespmem:s13], [sflag:$0x1] =	stream.indirect.gather [hbm4b:s11+s12], $0x80, s19, s12, $0xb8;
	[tilespmem:$0x2C00] =	vst v63  }
0x7e: {  	_ =	swait.ge [sflag:s14], $0x1400  }
0x7f: {  	[sflag:s14] =	ssyncset.done $0x0  }
0x80: {  	[sflag:s14] =	ssyncadd.s32 $0xFFFFEC00  }
0x81: {  	[spmem:s1] =	stream.indirect.scatter.add.f32 [tilespmem:s13], [sflag:$0x2], $0x80, s20, s12, $0xb8;
	[tilespmem:$0x2C00] =	vst v63  }
0x82: {  	_ =	swait.ge [sflag:s6], $0x1400  }
0x83: {  	[sflag:s6] =	ssyncset.done $0x0  }
0x84: {  	[sflag:s6] =	ssyncadd.s32 $0xFFFFEC00  }
0x85: {  	[tilespmem:s13], [sflag:$0x1] =	stream.indirect.gather [hbm4b:s11+s12], $0x80, s21, s12, $0xb8;
	[tilespmem:$0x2C00] =	vst v63  }
0x86: {  	_ =	swait.ge [sflag:s14], $0x1400  }
0x87: {  	[sflag:s14] =	ssyncset.done $0x0  }
0x88: {  	[sflag:s14] =	ssyncadd.s32 $0xFFFFEC00  }
0x89: {  	[spmem:s1] =	stream.indirect.scatter.add.f32 [tilespmem:s13], [sflag:$0x2], $0x80, s22, s12, $0xb8;
	[tilespmem:$0x2C00] =	vst v63  }
0x8a: {  	_ =	swait.ge [sflag:s6], $0x1400  }
0x8b: {  	[sflag:s6] =	ssyncset.done $0x0  }
0x8c: {  	[sflag:s6] =	ssyncadd.s32 $0xFFFFEC00  }
0x8d: {  	[tilespmem:s13], [sflag:$0x1] =	stream.indirect.gather [hbm4b:s11+s12], $0x80, s23, s12, $0xb8;
	[tilespmem:$0x2C00] =	vst v63  }
0x8e: {  	_ =	swait.ge [sflag:s14], $0x1400  }
0x8f: {  	[sflag:s14] =	ssyncset.done $0x0  }
0x90: {  	[sflag:s14] =	ssyncadd.s32 $0xFFFFEC00  }
0x91: {  	[spmem:s1] =	stream.indirect.scatter.add.f32 [tilespmem:s13], [sflag:$0x2], $0x80, s24, s12, $0xb8;
	[tilespmem:$0x2C00] =	vst v63  }
0x92: {  	_ =	swait.ge [sflag:s6], $0x1400  }
0x93: {  	[sflag:s6] =	ssyncset.done $0x0  }
0x94: {  	[sflag:s6] =	ssyncadd.s32 $0xFFFFEC00  }
0x95: {  	[tilespmem:s13], [sflag:$0x1] =	stream.indirect.gather [hbm4b:s11+s12], $0x80, s25, s12, $0xb8;
	[tilespmem:$0x2C00] =	vst v63  }
0x96: {  	_ =	swait.ge [sflag:s14], $0x1400  }
0x97: {  	[sflag:s14] =	ssyncset.done $0x0  }
0x98: {  	[sflag:s14] =	ssyncadd.s32 $0xFFFFEC00  }
0x99: {  	[spmem:s1] =	stream.indirect.scatter.add.f32 [tilespmem:s13], [sflag:$0x2], $0x80, s26, s12, $0xb8;
	[tilespmem:$0x2C00] =	vst v63  }
0x9a: {  	_ =	swait.ge [sflag:s6], $0x1400  }
0x9b: {  	[sflag:s6] =	ssyncset.done $0x0  }
0x9c: {  	[sflag:s6] =	ssyncadd.s32 $0xFFFFEC00  }
0x9d: {  	[tilespmem:s13], [sflag:$0x1] =	stream.indirect.gather [hbm4b:s11+s12], $0x80, s28, s12, $0xb8;
	[tilespmem:$0x2C00] =	vst v63  }
0x9e: {  	_ =	swait.ge [sflag:s14], $0x1400  }
0x9f: {  	[sflag:s14] =	ssyncset.done $0x0  }
0xa0: {  	[sflag:s14] =	ssyncadd.s32 $0xFFFFEC00  }
0xa1: {  	[spmem:s1] =	stream.indirect.scatter.add.f32 [tilespmem:s13], [sflag:$0x2], $0x80, s29, s12, $0xb8;
	[tilespmem:$0x2C00] =	vst v63  }
0xa2: {  	_ =	swait.ge [sflag:s6], $0x1400  }
0xa3: {  	[sflag:s6] =	ssyncset.done $0x0  }
.Ltmp1:
0xa4: {  	[sflag:s6] =	ssyncadd.s32 $0xFFFFEC00;
	(pc) =	sbr.rel @p0 .LBB2_1-.Ltmp1, $4  }
0xa5: {  	[bflag:$0x0] =	sbarrier.arrive $0xFFFF  }
0xa6: {  	[hbm:s30], [sflag:s5] =	dma.local [spmem:s7], $0x200  }
0xa7: {  	_ =	swait.ge [sflag:s6], $0x200  }
0xa8: {  	[sflag:s6] =	ssyncset.done $0x0  }
.LBB2_2:
0xa9: {  	[sflag:s6] =	ssyncadd.s32 $0xFFFFFE00  }
0xaa: {  	_ =	sfence.sel $0x180000  }
0xab: {  	[bflag:$0x0] =	sbarrier.arrive $0xFFFF  }
0xac: {  	_ =	strace $0x90000059  }
0xad: {  	s0 =	stileid.u32;
	[bflag:$0x2] =	sbarrier.arrive $0xFFFF  }
0xae: {  	p0 =	sne.s32 s0, $0x0;
	s0 =	rddreg [dreg:$0x2]  }
0xaf: {  	s0 =	sadd.s32 @!p0 $0x100000, s0  }
0xb0: {  	[sflag:s0] =	ssyncadd.tile.s32 @!p0 $0x1;
	_ =	shalt  }
.Lfunc_end2:
_tile_overlayer_lowered:
.L_overlay_start_2:
0xb1: {  	(tag) =	ssettag $0x2  }
0xb2: {  	s0 =	rddreg [dreg:$0x0];
	s2 =	stileid.u32  }
0xb3: {  	s1 =	rddreg [dreg:$0x1];
	p0 =	sne.s32 s2, $0x0  }
0xb4: {  	s3 =	rddreg [dreg:$0x2];
	[bflag:$0x3] =	sbarrier.arrive $0xFFFF;
	s2 =	simm.s32 @!p0 $0x1C02  }
0xb5: {  	[timem:s3], [sflag:s2] =	dma.local @!p0 [hbm:s0], s1  }
0xb6: {  	s0 =	simm.s32 @!p0 $0x2  }
0xb7: {  	_ =	swait.ge @!p0 [sflag:s0], s1  }
0xb8: {  	s1 =	ssub.s32 @!p0 $0x0, s1;
	[sflag:s0] =	ssyncset.done @!p0 $0x0  }
0xb9: {  	[sflag:s0] =	ssyncadd.s32 @!p0 s1  }
0xba: {  	[bflag:$0x3] =	sbarrier.arrive $0xFFFF  }
0xbb: {  	_ =	shalt  }

</sc_bundles>
